<compile_context>
chip_gen: v7x
topology: tpu7x:2x2x1
jax: 0.10.2.dev20260603
libtpu: 0.0.44.dev20260713+nightly
codegen_flags: <defaults>
</compile_context>

<pallas_src>
import functools
import math

import jax
import jax.numpy as jnp
from jax import lax
from jax.experimental import pallas as pl
from jax.experimental.pallas import tpu as pltpu
from jax.experimental.pallas import tpu_sc as plsc

_WINDOW = 64
_CAP = 4096
_KS = 13
_NEG = jnp.finfo(jnp.float32).min


def _score_rank_body(qw_ref, k_ref, ranks_ref):
    S = k_ref.shape[1]
    SP = S - _WINDOW
    qw = qw_ref[0]
    kk = k_ref[0]
    scores = lax.dot_general(qw, kk, (((1,), (1,)), ((), ())),
                             preferred_element_type=jnp.float32)
    scores = scores / math.sqrt(qw.shape[1])
    iq = lax.broadcasted_iota(jnp.int32, (_WINDOW, _WINDOW), 0)
    jw = lax.broadcasted_iota(jnp.int32, (_WINDOW, _WINDOW), 1)
    causal = jnp.where(iq >= jw, 0.0, _NEG)
    scores = jnp.concatenate([scores[:, :SP], scores[:, SP:] + causal], axis=1)
    m = jnp.max(scores, axis=1, keepdims=True)
    e = jnp.exp(scores - m)
    s = jnp.sum(e, axis=1, keepdims=True)
    p = e / s
    asum = jnp.sum(p[:, :SP], axis=0, keepdims=True)
    z = jnp.zeros((1, _KS // 2), jnp.float32)
    padded = jnp.concatenate([z, asum, z], axis=1)
    acc = padded[:, 0:SP]
    for u in range(1, _KS):
        acc = acc + padded[:, u:u + SP]
    pooled = acc / float(_KS)
    vrow = jnp.concatenate(
        [pooled, jnp.full((1, _WINDOW), -1.0, jnp.float32)], axis=1)
    vcol = jnp.reshape(vrow, (S, 1))
    jd = lax.broadcasted_iota(jnp.int32, (128, 128), 0)
    ld = lax.broadcasted_iota(jnp.int32, (128, 128), 1)
    jlt_d = jd < ld

    def count(mf):
        ones = jnp.ones((1, mf.shape[0]), jnp.float32)
        return lax.dot_general(ones, mf, (((1,), (0,)), ((), ())),
                               preferred_element_type=jnp.float32,
                               precision=lax.Precision.DEFAULT)

    for ic in range(S // 128):
        lo, hi = ic * 128, (ic + 1) * 128
        vi = vrow[0:1, lo:hi]
        vd = vcol[lo:hi]
        gt = vd > vi
        eq = vd == vi
        cnt = count(jnp.where(gt | (eq & jlt_d), 1.0, 0.0))
        if lo > 0:
            cnt = cnt + count(jnp.where(vcol[:lo] >= vi, 1.0, 0.0))
        if hi < S:
            cnt = cnt + count(jnp.where(vcol[hi:] > vi, 1.0, 0.0))
        ranks_ref[0, 0:1, lo:hi] = cnt.astype(jnp.int32)


def _ranks_call(q, k):
    B, H, S, D = q.shape
    BH = B * H
    qw = q[:, :, -_WINDOW:, :].reshape(BH, _WINDOW, D)
    k3 = k.reshape(BH, S, D)
    out = pl.pallas_call(
        _score_rank_body,
        grid=(BH,),
        in_specs=[pl.BlockSpec((1, _WINDOW, D), lambda h: (h, 0, 0)),
                  pl.BlockSpec((1, S, D), lambda h: (h, 0, 0))],
        out_specs=pl.BlockSpec((1, 1, S), lambda h: (h, 0, 0)),
        out_shape=jax.ShapeDtypeStruct((BH, 1, S), jnp.int32),
    )(qw, k3)
    return out.reshape(BH, S)


def _sc_gather(k2, v2, ranks, BH, S, D, topk):
    cap = topk + _WINDOW
    nchunk = cap // 128
    mesh = plsc.VectorSubcoreMesh(core_axis_name="c", subcore_axis_name="s")
    num_cores = mesh.num_cores

    @functools.partial(
        pl.kernel,
        out_type=[jax.ShapeDtypeStruct((BH * cap, D), jnp.float32),
                  jax.ShapeDtypeStruct((BH * cap, D), jnp.float32)],
        mesh=mesh,
        scratch_types=[
            pltpu.VMEM((S,), jnp.int32),
            pltpu.VMEM((cap,), jnp.int32),
            pltpu.VMEM((128, D), jnp.float32),
            pltpu.VMEM((128, D), jnp.float32),
            pltpu.VMEM((128, D), jnp.float32),
            pltpu.VMEM((128, D), jnp.float32),
            [pltpu.SemaphoreType.DMA] * 8,
        ],
        compiler_params=pltpu.CompilerParams(needs_layout_passes=False),
    )
    def sc_k(k2_hbm, v2_hbm, ranks_hbm, ko_hbm, vo_hbm,
             rank_v, idx1, bufka, bufva, bufkb, bufvb, sems):
        w = lax.axis_index("s") * num_cores + lax.axis_index("c")
        pltpu.sync_copy(ranks_hbm.at[w], rank_v)

        def build(c, _):
            r = rank_v[pl.ds(c * 16, 16)]
            src = w * S + c * 16 + lax.iota(jnp.int32, 16)
            plsc.store_scatter(idx1, [r], src, mask=r < topk)
            return 0

        lax.fori_loop(0, (S - _WINDOW) // 16, build, 0)

        for t in range(_WINDOW // 16):
            idx1[pl.ds(topk + t * 16, 16)] = (
                w * S + (S - _WINDOW) + t * 16 + lax.iota(jnp.int32, 16))

        def chunk2(c2, _):
            a, b = c2 * 2, c2 * 2 + 1
            ixa = idx1.at[pl.ds(a * 128, 128)]
            ixb = idx1.at[pl.ds(b * 128, 128)]
            oa = pl.ds(w * cap + a * 128, 128)
            ob = pl.ds(w * cap + b * 128, 128)
            gka = pltpu.async_copy(k2_hbm.at[ixa], bufka, sems[0])
            gva = pltpu.async_copy(v2_hbm.at[ixa], bufva, sems[1])
            gkb = pltpu.async_copy(k2_hbm.at[ixb], bufkb, sems[2])
            gvb = pltpu.async_copy(v2_hbm.at[ixb], bufvb, sems[3])
            gka.wait()
            wka = pltpu.async_copy(bufka, ko_hbm.at[oa], sems[4])
            gva.wait()
            wva = pltpu.async_copy(bufva, vo_hbm.at[oa], sems[5])
            gkb.wait()
            wkb = pltpu.async_copy(bufkb, ko_hbm.at[ob], sems[6])
            gvb.wait()
            wvb = pltpu.async_copy(bufvb, vo_hbm.at[ob], sems[7])
            wka.wait()
            wva.wait()
            wkb.wait()
            wvb.wait()
            return 0

        lax.fori_loop(0, nchunk // 2, chunk2, 0)

    return sc_k(k2, v2, ranks)


def kernel(q, k, v):
    B, H, S, D = q.shape
    BH = B * H
    topk = _CAP - _WINDOW
    ranks = _ranks_call(q, k)
    k2 = k.reshape(BH * S, D)
    v2 = v.reshape(BH * S, D)
    ko, vo = _sc_gather(k2, v2, ranks, BH, S, D, topk)
    key_states = ko.reshape(B, H, _CAP, D)
    value_states = vo.reshape(B, H, _CAP, D)
    return (key_states, value_states)

# --- scband reference (transcript-rebuilt; emitter-appended) ---
"""Pipeline reference for scband-snap-kvattention-82265803587994 (READ-ONLY COPY).

The authoritative reference and input builder live on the scoring server;
editing this copy changes nothing except your own understanding.
"""

import jax, jax.numpy as jnp
import numpy as np
import math

WINDOW = 64
CAP = 4096
KS = 13

def setup_inputs(seed: int = 0) -> dict:
    key = jax.random.key(seed)
    k1, k2, k3 = jax.random.split(key, 3)
    shape = (2, 16, 8192, 128)
    return {
        'q': jax.random.normal(k1, shape, dtype=jnp.float32),
        'k': jax.random.normal(k2, shape, dtype=jnp.float32),
        'v': jax.random.normal(k3, shape, dtype=jnp.float32),
    }

def reference(q, k, v):
    # SnapKVCluster.update_kv: prompt-phase KV compression via top-k masking
    B, H, S, D = q.shape
    q_win = q[:, :, -WINDOW:, :]
    attn = jnp.einsum('bhqd,bhkd->bhqk', q_win, k) / math.sqrt(D)
    idx = jnp.arange(WINDOW)
    causal = jnp.where(idx[:, None] >= idx[None, :], 0.0, jnp.finfo(jnp.float32).min)
    attn = attn.at[:, :, :, -WINDOW:].add(causal[None, None, :, :])
    attn = jax.nn.softmax(attn.astype(jnp.float32), axis=-1).astype(q.dtype)
    # sum attention mass over the observation window onto past tokens
    attn_sum = attn[:, :, :, : S - WINDOW].sum(axis=-2)  # [B, H, S-W]
    # avg_pool1d(kernel=KS, stride=1, padding=KS//2, count_include_pad=True)
    pad = KS // 2
    pooled = jax.lax.reduce_window(
        attn_sum, 0.0, jax.lax.add,
        window_dimensions=(1, 1, KS),
        window_strides=(1, 1, 1),
        padding=((0, 0), (0, 0), (pad, pad)),
    ) / float(KS)
    topk = CAP - WINDOW
    _, top_idx = jax.lax.top_k(pooled, topk)  # [B, H, topk]
    top_idx_e = jnp.broadcast_to(top_idx[..., None], (B, H, topk, D))
    k_past = jnp.take_along_axis(k[:, :, : S - WINDOW, :], top_idx_e, axis=2)
    v_past = jnp.take_along_axis(v[:, :, : S - WINDOW, :], top_idx_e, axis=2)
    key_states = jnp.concatenate([k_past, k[:, :, -WINDOW:, :]], axis=2)
    value_states = jnp.concatenate([v_past, v[:, :, -WINDOW:, :]], axis=2)
    return (key_states, value_states)

if __name__ == "__main__":
    import jax
    _d = setup_inputs()
    print(jax.jit(kernel)(*tuple(_d.values())))

</pallas_src>

<mosaic_0001>
#map = affine_map<(d0, d1) -> (0, 0)>
module attributes {stable_mosaic.version = 14 : i64} {
  func.func @sc_k(%arg0: i32, %arg1: i32, %arg2: memref<262144x128xf32, #tpu.memory_space<hbm>>, %arg3: memref<262144x128xf32, #tpu.memory_space<hbm>>, %arg4: memref<32x8192xi32, #tpu.memory_space<hbm>>, %arg5: memref<131072x128xf32, #tpu.memory_space<hbm>>, %arg6: memref<131072x128xf32, #tpu.memory_space<hbm>>, %arg7: memref<8192xi32, #tpu.memory_space<vmem>>, %arg8: memref<4096xi32, #tpu.memory_space<vmem>>, %arg9: memref<128x128xf32, #tpu.memory_space<vmem>>, %arg10: memref<128x128xf32, #tpu.memory_space<vmem>>, %arg11: memref<128x128xf32, #tpu.memory_space<vmem>>, %arg12: memref<128x128xf32, #tpu.memory_space<vmem>>, %arg13: memref<!tpu.dma_semaphore, #tpu.memory_space<semaphore_mem>>, %arg14: memref<!tpu.dma_semaphore, #tpu.memory_space<semaphore_mem>>, %arg15: memref<!tpu.dma_semaphore, #tpu.memory_space<semaphore_mem>>, %arg16: memref<!tpu.dma_semaphore, #tpu.memory_space<semaphore_mem>>, %arg17: memref<!tpu.dma_semaphore, #tpu.memory_space<semaphore_mem>>, %arg18: memref<!tpu.dma_semaphore, #tpu.memory_space<semaphore_mem>>, %arg19: memref<!tpu.dma_semaphore, #tpu.memory_space<semaphore_mem>>, %arg20: memref<!tpu.dma_semaphore, #tpu.memory_space<semaphore_mem>>) attributes {dimension_semantics = [#tpu.dimension_semantics<core_parallel>, #tpu.dimension_semantics<subcore_parallel>], iteration_bounds = array<i64: 2, 16>, scalar_prefetch = 0 : i64, scratch_operands = 14 : i64, tpu.core_type = #tpu.core_type<sc_vector_subcore>, window_params = [{transform_indices = #map}, {transform_indices = #map}, {transform_indices = #map}, {transform_indices = #map}, {transform_indices = #map}]} {
    %mul3A = arith.constant 2 : i32
    %mul3A_0 = arith.muli %arg1, %mul3A : i32
    %add3A = arith.addi %mul3A_0, %arg0 : i32
    "tpu.region"() ({
      %run_scoped3A = tpu.sem_alloc : memref<!tpu.dma_semaphore, #tpu.memory_space<semaphore_mem>>
      %dma_start3A = arith.constant 0 : i32
      %dma_start3A_56 = tpu.memref_slice %arg4[%add3A, %dma_start3A] : memref<32x8192xi32, #tpu.memory_space<hbm>> -> memref<1x8192xi32, #tpu.memory_space<hbm>>
      %dma_start3A_57 = tpu.memref_squeeze %dma_start3A_56 : memref<1x8192xi32, #tpu.memory_space<hbm>> -> memref<8192xi32, #tpu.memory_space<hbm>>
      %dma_start3A_58 = arith.constant 0 : i32
      %dma_start3A_59 = tpu.memref_slice %arg4[%add3A, %dma_start3A_58] : memref<32x8192xi32, #tpu.memory_space<hbm>> -> memref<1x8192xi32, #tpu.memory_space<hbm>>
      %dma_start3A_60 = tpu.memref_squeeze %dma_start3A_59 : memref<1x8192xi32, #tpu.memory_space<hbm>> -> memref<8192xi32, #tpu.memory_space<hbm>>
      tpu.enqueue_dma source(%dma_start3A_60 : memref<8192xi32, #tpu.memory_space<hbm>>) target(%arg7 : memref<8192xi32, #tpu.memory_space<vmem>>) target_semaphore(%run_scoped3A : memref<!tpu.dma_semaphore, #tpu.memory_space<semaphore_mem>>)
      %dma_wait3A = arith.constant 0 : i32
      %dma_wait3A_61 = tpu.memref_slice %arg4[%add3A, %dma_wait3A] : memref<32x8192xi32, #tpu.memory_space<hbm>> -> memref<1x8192xi32, #tpu.memory_space<hbm>>
      %dma_wait3A_62 = tpu.memref_squeeze %dma_wait3A_61 : memref<1x8192xi32, #tpu.memory_space<hbm>> -> memref<8192xi32, #tpu.memory_space<hbm>>
      %dma_wait3A_63 = arith.constant 0 : i32
      %dma_wait3A_64 = tpu.memref_slice %arg4[%add3A, %dma_wait3A_63] : memref<32x8192xi32, #tpu.memory_space<hbm>> -> memref<1x8192xi32, #tpu.memory_space<hbm>>
      %dma_wait3A_65 = tpu.memref_squeeze %dma_wait3A_64 : memref<1x8192xi32, #tpu.memory_space<hbm>> -> memref<8192xi32, #tpu.memory_space<hbm>>
      tpu.wait_dma2 semaphore(%run_scoped3A : memref<!tpu.dma_semaphore, #tpu.memory_space<semaphore_mem>>) src(%dma_wait3A_65 : memref<8192xi32, #tpu.memory_space<hbm>>) dst(%arg7 : memref<8192xi32, #tpu.memory_space<vmem>>)
      tpu.yield
    }) : () -> ()
    %scan3A = arith.constant 0 : i32
    %scan3A_1 = arith.constant 0 : i32
    %scan3A_2 = arith.constant 508 : i32
    %scan3A_3 = arith.addi %scan3A_1, %scan3A_2 : i32
    %scan3A_4 = arith.constant 1 : i32
    %scan3A_5 = scf.for %scan3A_56 = %scan3A_1 to %scan3A_3 step %scan3A_4 iter_args(%scan3A_57 = %scan3A) -> (i32)  : i32 {
      %mul3A_58 = arith.constant 16 : i32
      %mul3A_59 = arith.muli %scan3A_56, %mul3A_58 : i32
      %get3A = arith.index_cast %mul3A_59 : i32 to index
      %get3A_60 = tpu.vector_load %arg7[%get3A] {strides = array<i32>} : memref<8192xi32, #tpu.memory_space<vmem>>, vector<16xi32>,
      %mul3A_61 = arith.constant 8192 : i32
      %mul3A_62 = arith.muli %add3A, %mul3A_61 : i32
      %mul3A_63 = arith.constant 16 : i32
      %mul3A_64 = arith.muli %scan3A_56, %mul3A_63 : i32
      %add3A_65 = arith.addi %mul3A_62, %mul3A_64 : i32
      %iota3A_66 = tpu.iota {dimensions = array<i32: 0>} : vector<16xi32>
      %add3A_67 = vector.broadcast %add3A_65 : i32 to vector<16xi32>
      %add3A_68 = arith.addi %add3A_67, %iota3A_66 : vector<16xi32>
      %lt3A = arith.constant 4032 : i32
      %lt3A_69 = vector.broadcast %lt3A : i32 to vector<16xi32>
      %lt3A_70 = arith.cmpi slt, %get3A_60, %lt3A_69 : vector<16xi32>
      tpu.vector_store_idx %arg8[%get3A_60], %add3A_68 masked %lt3A_70 : memref<4096xi32, #tpu.memory_space<vmem>>[vector<16xi32>], vector<16xi32>, vector<16xi1>
      %scan3A_71 = arith.constant 0 : i32
      scf.yield %scan3A_71 : i32
    }
    %scan3A_6 = arith.constant 508 : i32
    %mul3A_7 = arith.constant 8192 : i32
    %mul3A_8 = arith.muli %add3A, %mul3A_7 : i32
    %add3A_9 = arith.constant 8128 : i32
    %add3A_10 = arith.addi %mul3A_8, %add3A_9 : i32
    %add3A_11 = arith.constant 0 : i32
    %add3A_12 = arith.addi %add3A_10, %add3A_11 : i32
    %iota3A = tpu.iota {dimensions = array<i32: 0>} : vector<16xi32>
    %add3A_13 = vector.broadcast %add3A_12 : i32 to vector<16xi32>
    %add3A_14 = arith.addi %add3A_13, %iota3A : vector<16xi32>
    %swap3A = arith.constant 4032 : index
    %swap3A_15 = tpu.vector_load %arg8[%swap3A] {strides = array<i32>} : memref<4096xi32, #tpu.memory_space<vmem>>, vector<16xi32>,
    tpu.vector_store %arg8[%swap3A], %add3A_14 {strides = array<i32>} : memref<4096xi32, #tpu.memory_space<vmem>>, vector<16xi32>,
    %mul3A_16 = arith.constant 8192 : i32
    %mul3A_17 = arith.muli %add3A, %mul3A_16 : i32
    %add3A_18 = arith.constant 8128 : i32
    %add3A_19 = arith.addi %mul3A_17, %add3A_18 : i32
    %add3A_20 = arith.constant 16 : i32
    %add3A_21 = arith.addi %add3A_19, %add3A_20 : i32
    %iota3A_22 = tpu.iota {dimensions = array<i32: 0>} : vector<16xi32>
    %add3A_23 = vector.broadcast %add3A_21 : i32 to vector<16xi32>
    %add3A_24 = arith.addi %add3A_23, %iota3A_22 : vector<16xi32>
    %swap3A_25 = arith.constant 4048 : index
    %swap3A_26 = tpu.vector_load %arg8[%swap3A_25] {strides = array<i32>} : memref<4096xi32, #tpu.memory_space<vmem>>, vector<16xi32>,
    tpu.vector_store %arg8[%swap3A_25], %add3A_24 {strides = array<i32>} : memref<4096xi32, #tpu.memory_space<vmem>>, vector<16xi32>,
    %mul3A_27 = arith.constant 8192 : i32
    %mul3A_28 = arith.muli %add3A, %mul3A_27 : i32
    %add3A_29 = arith.constant 8128 : i32
    %add3A_30 = arith.addi %mul3A_28, %add3A_29 : i32
    %add3A_31 = arith.constant 32 : i32
    %add3A_32 = arith.addi %add3A_30, %add3A_31 : i32
    %iota3A_33 = tpu.iota {dimensions = array<i32: 0>} : vector<16xi32>
    %add3A_34 = vector.broadcast %add3A_32 : i32 to vector<16xi32>
    %add3A_35 = arith.addi %add3A_34, %iota3A_33 : vector<16xi32>
    %swap3A_36 = arith.constant 4064 : index
    %swap3A_37 = tpu.vector_load %arg8[%swap3A_36] {strides = array<i32>} : memref<4096xi32, #tpu.memory_space<vmem>>, vector<16xi32>,
    tpu.vector_store %arg8[%swap3A_36], %add3A_35 {strides = array<i32>} : memref<4096xi32, #tpu.memory_space<vmem>>, vector<16xi32>,
    %mul3A_38 = arith.constant 8192 : i32
    %mul3A_39 = arith.muli %add3A, %mul3A_38 : i32
    %add3A_40 = arith.constant 8128 : i32
    %add3A_41 = arith.addi %mul3A_39, %add3A_40 : i32
    %add3A_42 = arith.constant 48 : i32
    %add3A_43 = arith.addi %add3A_41, %add3A_42 : i32
    %iota3A_44 = tpu.iota {dimensions = array<i32: 0>} : vector<16xi32>
    %add3A_45 = vector.broadcast %add3A_43 : i32 to vector<16xi32>
    %add3A_46 = arith.addi %add3A_45, %iota3A_44 : vector<16xi32>
    %swap3A_47 = arith.constant 4080 : index
    %swap3A_48 = tpu.vector_load %arg8[%swap3A_47] {strides = array<i32>} : memref<4096xi32, #tpu.memory_space<vmem>>, vector<16xi32>,
    tpu.vector_store %arg8[%swap3A_47], %add3A_46 {strides = array<i32>} : memref<4096xi32, #tpu.memory_space<vmem>>, vector<16xi32>,
    %scan3A_49 = arith.constant 0 : i32
    %scan3A_50 = arith.constant 0 : i32
    %scan3A_51 = arith.constant 16 : i32
    %scan3A_52 = arith.addi %scan3A_50, %scan3A_51 : i32
    %scan3A_53 = arith.constant 1 : i32
    %scan3A_54 = scf.for %scan3A_56 = %scan3A_50 to %scan3A_52 step %scan3A_53 iter_args(%scan3A_57 = %scan3A_49) -> (i32)  : i32 {
      %mul3A_58 = arith.constant 2 : i32
      %mul3A_59 = arith.muli %scan3A_56, %mul3A_58 : i32
      %mul3A_60 = arith.constant 2 : i32
      %mul3A_61 = arith.muli %scan3A_56, %mul3A_60 : i32
      %add3A_62 = arith.constant 1 : i32
      %add3A_63 = arith.addi %mul3A_61, %add3A_62 : i32
      %mul3A_64 = arith.constant 128 : i32
      %mul3A_65 = arith.muli %mul3A_59, %mul3A_64 : i32
      %mul3A_66 = arith.constant 128 : i32
      %mul3A_67 = arith.muli %add3A_63, %mul3A_66 : i32
      %mul3A_68 = arith.constant 4096 : i32
      %mul3A_69 = arith.muli %add3A, %mul3A_68 : i32
      %mul3A_70 = arith.constant 128 : i32
      %mul3A_71 = arith.muli %mul3A_59, %mul3A_70 : i32
      %add3A_72 = arith.addi %mul3A_69, %mul3A_71 : i32
      %mul3A_73 = arith.constant 4096 : i32
      %mul3A_74 = arith.muli %add3A, %mul3A_73 : i32
      %mul3A_75 = arith.constant 128 : i32
      %mul3A_76 = arith.muli %add3A_63, %mul3A_75 : i32
      %add3A_77 = arith.addi %mul3A_74, %mul3A_76 : i32
      %dma_start3A = tpu.memref_slice %arg8[%mul3A_65] : memref<4096xi32, #tpu.memory_space<vmem>> -> memref<128xi32, #tpu.memory_space<vmem>>
      %dma_start3A_78 = arith.constant 0 : i32
      %dma_start3A_79 = arith.constant 0 : i32
      %dma_start3A_80 = tpu.memref_slice %arg2[%dma_start3A_78, %dma_start3A_79] : memref<262144x128xf32, #tpu.memory_space<hbm>> -> memref<262144x128xf32, #tpu.memory_space<hbm>>
      tpu.enqueue_indirect_dma source(%dma_start3A_80 : memref<262144x128xf32, #tpu.memory_space<hbm>>) target(%arg9 : memref<128x128xf32, #tpu.memory_space<vmem>>) offsets(%dma_start3A : memref<128xi32, #tpu.memory_space<vmem>>) semaphore(%arg13 : memref<!tpu.dma_semaphore, #tpu.memory_space<semaphore_mem>>)
      %dma_start3A_81 = tpu.memref_slice %arg8[%mul3A_65] : memref<4096xi32, #tpu.memory_space<vmem>> -> memref<128xi32, #tpu.memory_space<vmem>>
      %dma_start3A_82 = arith.constant 0 : i32
      %dma_start3A_83 = arith.constant 0 : i32
      %dma_start3A_84 = tpu.memref_slice %arg3[%dma_start3A_82, %dma_start3A_83] : memref<262144x128xf32, #tpu.memory_space<hbm>> -> memref<262144x128xf32, #tpu.memory_space<hbm>>
      tpu.enqueue_indirect_dma source(%dma_start3A_84 : memref<262144x128xf32, #tpu.memory_space<hbm>>) target(%arg10 : memref<128x128xf32, #tpu.memory_space<vmem>>) offsets(%dma_start3A_81 : memref<128xi32, #tpu.memory_space<vmem>>) semaphore(%arg14 : memref<!tpu.dma_semaphore, #tpu.memory_space<semaphore_mem>>)
      %dma_start3A_85 = tpu.memref_slice %arg8[%mul3A_67] : memref<4096xi32, #tpu.memory_space<vmem>> -> memref<128xi32, #tpu.memory_space<vmem>>
      %dma_start3A_86 = arith.constant 0 : i32
      %dma_start3A_87 = arith.constant 0 : i32
      %dma_start3A_88 = tpu.memref_slice %arg2[%dma_start3A_86, %dma_start3A_87] : memref<262144x128xf32, #tpu.memory_space<hbm>> -> memref<262144x128xf32, #tpu.memory_space<hbm>>
      tpu.enqueue_indirect_dma source(%dma_start3A_88 : memref<262144x128xf32, #tpu.memory_space<hbm>>) target(%arg11 : memref<128x128xf32, #tpu.memory_space<vmem>>) offsets(%dma_start3A_85 : memref<128xi32, #tpu.memory_space<vmem>>) semaphore(%arg15 : memref<!tpu.dma_semaphore, #tpu.memory_space<semaphore_mem>>)
      %dma_start3A_89 = tpu.memref_slice %arg8[%mul3A_67] : memref<4096xi32, #tpu.memory_space<vmem>> -> memref<128xi32, #tpu.memory_space<vmem>>
      %dma_start3A_90 = arith.constant 0 : i32
      %dma_start3A_91 = arith.constant 0 : i32
      %dma_start3A_92 = tpu.memref_slice %arg3[%dma_start3A_90, %dma_start3A_91] : memref<262144x128xf32, #tpu.memory_space<hbm>> -> memref<262144x128xf32, #tpu.memory_space<hbm>>
      tpu.enqueue_indirect_dma source(%dma_start3A_92 : memref<262144x128xf32, #tpu.memory_space<hbm>>) target(%arg12 : memref<128x128xf32, #tpu.memory_space<vmem>>) offsets(%dma_start3A_89 : memref<128xi32, #tpu.memory_space<vmem>>) semaphore(%arg16 : memref<!tpu.dma_semaphore, #tpu.memory_space<semaphore_mem>>)
      %dma_wait3A = tpu.memref_slice %arg8[%mul3A_65] : memref<4096xi32, #tpu.memory_space<vmem>> -> memref<128xi32, #tpu.memory_space<vmem>>
      %dma_wait3A_93 = arith.constant 0 : i32
      %dma_wait3A_94 = arith.constant 0 : i32
      %dma_wait3A_95 = tpu.memref_slice %arg2[%dma_wait3A_93, %dma_wait3A_94] : memref<262144x128xf32, #tpu.memory_space<hbm>> -> memref<262144x128xf32, #tpu.memory_space<hbm>>
      tpu.wait_indirect_dma semaphore(%arg13 : memref<!tpu.dma_semaphore, #tpu.memory_space<semaphore_mem>>) src(%dma_wait3A_95 : memref<262144x128xf32, #tpu.memory_space<hbm>>) dst(%arg9 : memref<128x128xf32, #tpu.memory_space<vmem>>)
      %dma_start3A_96 = arith.constant 0 : i32
      %dma_start3A_97 = tpu.memref_slice %arg5[%add3A_72, %dma_start3A_96] : memref<131072x128xf32, #tpu.memory_space<hbm>> -> memref<128x128xf32, #tpu.memory_space<hbm>>
      %dma_start3A_98 = arith.constant 0 : i32
      %dma_start3A_99 = tpu.memref_slice %arg5[%add3A_72, %dma_start3A_98] : memref<131072x128xf32, #tpu.memory_space<hbm>> -> memref<128x128xf32, #tpu.memory_space<hbm>>
      tpu.enqueue_dma source(%arg9 : memref<128x128xf32, #tpu.memory_space<vmem>>) target(%dma_start3A_99 : memref<128x128xf32, #tpu.memory_space<hbm>>) target_semaphore(%arg17 : memref<!tpu.dma_semaphore, #tpu.memory_space<semaphore_mem>>)
      %dma_wait3A_100 = tpu.memref_slice %arg8[%mul3A_65] : memref<4096xi32, #tpu.memory_space<vmem>> -> memref<128xi32, #tpu.memory_space<vmem>>
      %dma_wait3A_101 = arith.constant 0 : i32
      %dma_wait3A_102 = arith.constant 0 : i32
      %dma_wait3A_103 = tpu.memref_slice %arg3[%dma_wait3A_101, %dma_wait3A_102] : memref<262144x128xf32, #tpu.memory_space<hbm>> -> memref<262144x128xf32, #tpu.memory_space<hbm>>
      tpu.wait_indirect_dma semaphore(%arg14 : memref<!tpu.dma_semaphore, #tpu.memory_space<semaphore_mem>>) src(%dma_wait3A_103 : memref<262144x128xf32, #tpu.memory_space<hbm>>) dst(%arg10 : memref<128x128xf32, #tpu.memory_space<vmem>>)
      %dma_start3A_104 = arith.constant 0 : i32
      %dma_start3A_105 = tpu.memref_slice %arg6[%add3A_72, %dma_start3A_104] : memref<131072x128xf32, #tpu.memory_space<hbm>> -> memref<128x128xf32, #tpu.memory_space<hbm>>
      %dma_start3A_106 = arith.constant 0 : i32
      %dma_start3A_107 = tpu.memref_slice %arg6[%add3A_72, %dma_start3A_106] : memref<131072x128xf32, #tpu.memory_space<hbm>> -> memref<128x128xf32, #tpu.memory_space<hbm>>
      tpu.enqueue_dma source(%arg10 : memref<128x128xf32, #tpu.memory_space<vmem>>) target(%dma_start3A_107 : memref<128x128xf32, #tpu.memory_space<hbm>>) target_semaphore(%arg18 : memref<!tpu.dma_semaphore, #tpu.memory_space<semaphore_mem>>)
      %dma_wait3A_108 = tpu.memref_slice %arg8[%mul3A_67] : memref<4096xi32, #tpu.memory_space<vmem>> -> memref<128xi32, #tpu.memory_space<vmem>>
      %dma_wait3A_109 = arith.constant 0 : i32
      %dma_wait3A_110 = arith.constant 0 : i32
      %dma_wait3A_111 = tpu.memref_slice %arg2[%dma_wait3A_109, %dma_wait3A_110] : memref<262144x128xf32, #tpu.memory_space<hbm>> -> memref<262144x128xf32, #tpu.memory_space<hbm>>
      tpu.wait_indirect_dma semaphore(%arg15 : memref<!tpu.dma_semaphore, #tpu.memory_space<semaphore_mem>>) src(%dma_wait3A_111 : memref<262144x128xf32, #tpu.memory_space<hbm>>) dst(%arg11 : memref<128x128xf32, #tpu.memory_space<vmem>>)
      %dma_start3A_112 = arith.constant 0 : i32
      %dma_start3A_113 = tpu.memref_slice %arg5[%add3A_77, %dma_start3A_112] : memref<131072x128xf32, #tpu.memory_space<hbm>> -> memref<128x128xf32, #tpu.memory_space<hbm>>
      %dma_start3A_114 = arith.constant 0 : i32
      %dma_start3A_115 = tpu.memref_slice %arg5[%add3A_77, %dma_start3A_114] : memref<131072x128xf32, #tpu.memory_space<hbm>> -> memref<128x128xf32, #tpu.memory_space<hbm>>
      tpu.enqueue_dma source(%arg11 : memref<128x128xf32, #tpu.memory_space<vmem>>) target(%dma_start3A_115 : memref<128x128xf32, #tpu.memory_space<hbm>>) target_semaphore(%arg19 : memref<!tpu.dma_semaphore, #tpu.memory_space<semaphore_mem>>)
      %dma_wait3A_116 = tpu.memref_slice %arg8[%mul3A_67] : memref<4096xi32, #tpu.memory_space<vmem>> -> memref<128xi32, #tpu.memory_space<vmem>>
      %dma_wait3A_117 = arith.constant 0 : i32
      %dma_wait3A_118 = arith.constant 0 : i32
      %dma_wait3A_119 = tpu.memref_slice %arg3[%dma_wait3A_117, %dma_wait3A_118] : memref<262144x128xf32, #tpu.memory_space<hbm>> -> memref<262144x128xf32, #tpu.memory_space<hbm>>
      tpu.wait_indirect_dma semaphore(%arg16 : memref<!tpu.dma_semaphore, #tpu.memory_space<semaphore_mem>>) src(%dma_wait3A_119 : memref<262144x128xf32, #tpu.memory_space<hbm>>) dst(%arg12 : memref<128x128xf32, #tpu.memory_space<vmem>>)
      %dma_start3A_120 = arith.constant 0 : i32
      %dma_start3A_121 = tpu.memref_slice %arg6[%add3A_77, %dma_start3A_120] : memref<131072x128xf32, #tpu.memory_space<hbm>> -> memref<128x128xf32, #tpu.memory_space<hbm>>
      %dma_start3A_122 = arith.constant 0 : i32
      %dma_start3A_123 = tpu.memref_slice %arg6[%add3A_77, %dma_start3A_122] : memref<131072x128xf32, #tpu.memory_space<hbm>> -> memref<128x128xf32, #tpu.memory_space<hbm>>
      tpu.enqueue_dma source(%arg12 : memref<128x128xf32, #tpu.memory_space<vmem>>) target(%dma_start3A_123 : memref<128x128xf32, #tpu.memory_space<hbm>>) target_semaphore(%arg20 : memref<!tpu.dma_semaphore, #tpu.memory_space<semaphore_mem>>)
      %dma_wait3A_124 = arith.constant 0 : i32
      %dma_wait3A_125 = tpu.memref_slice %arg5[%add3A_72, %dma_wait3A_124] : memref<131072x128xf32, #tpu.memory_space<hbm>> -> memref<128x128xf32, #tpu.memory_space<hbm>>
      %dma_wait3A_126 = arith.constant 0 : i32
      %dma_wait3A_127 = tpu.memref_slice %arg5[%add3A_72, %dma_wait3A_126] : memref<131072x128xf32, #tpu.memory_space<hbm>> -> memref<128x128xf32, #tpu.memory_space<hbm>>
      tpu.wait_dma2 semaphore(%arg17 : memref<!tpu.dma_semaphore, #tpu.memory_space<semaphore_mem>>) src(%arg9 : memref<128x128xf32, #tpu.memory_space<vmem>>) dst(%dma_wait3A_127 : memref<128x128xf32, #tpu.memory_space<hbm>>)
      %dma_wait3A_128 = arith.constant 0 : i32
      %dma_wait3A_129 = tpu.memref_slice %arg6[%add3A_72, %dma_wait3A_128] : memref<131072x128xf32, #tpu.memory_space<hbm>> -> memref<128x128xf32, #tpu.memory_space<hbm>>
      %dma_wait3A_130 = arith.constant 0 : i32
      %dma_wait3A_131 = tpu.memref_slice %arg6[%add3A_72, %dma_wait3A_130] : memref<131072x128xf32, #tpu.memory_space<hbm>> -> memref<128x128xf32, #tpu.memory_space<hbm>>
      tpu.wait_dma2 semaphore(%arg18 : memref<!tpu.dma_semaphore, #tpu.memory_space<semaphore_mem>>) src(%arg10 : memref<128x128xf32, #tpu.memory_space<vmem>>) dst(%dma_wait3A_131 : memref<128x128xf32, #tpu.memory_space<hbm>>)
      %dma_wait3A_132 = arith.constant 0 : i32
      %dma_wait3A_133 = tpu.memref_slice %arg5[%add3A_77, %dma_wait3A_132] : memref<131072x128xf32, #tpu.memory_space<hbm>> -> memref<128x128xf32, #tpu.memory_space<hbm>>
      %dma_wait3A_134 = arith.constant 0 : i32
      %dma_wait3A_135 = tpu.memref_slice %arg5[%add3A_77, %dma_wait3A_134] : memref<131072x128xf32, #tpu.memory_space<hbm>> -> memref<128x128xf32, #tpu.memory_space<hbm>>
      tpu.wait_dma2 semaphore(%arg19 : memref<!tpu.dma_semaphore, #tpu.memory_space<semaphore_mem>>) src(%arg11 : memref<128x128xf32, #tpu.memory_space<vmem>>) dst(%dma_wait3A_135 : memref<128x128xf32, #tpu.memory_space<hbm>>)
      %dma_wait3A_136 = arith.constant 0 : i32
      %dma_wait3A_137 = tpu.memref_slice %arg6[%add3A_77, %dma_wait3A_136] : memref<131072x128xf32, #tpu.memory_space<hbm>> -> memref<128x128xf32, #tpu.memory_space<hbm>>
      %dma_wait3A_138 = arith.constant 0 : i32
      %dma_wait3A_139 = tpu.memref_slice %arg6[%add3A_77, %dma_wait3A_138] : memref<131072x128xf32, #tpu.memory_space<hbm>> -> memref<128x128xf32, #tpu.memory_space<hbm>>
      tpu.wait_dma2 semaphore(%arg20 : memref<!tpu.dma_semaphore, #tpu.memory_space<semaphore_mem>>) src(%arg12 : memref<128x128xf32, #tpu.memory_space<vmem>>) dst(%dma_wait3A_139 : memref<128x128xf32, #tpu.memory_space<hbm>>)
      %scan3A_140 = arith.constant 0 : i32
      scf.yield %scan3A_140 : i32
    }
    %scan3A_55 = arith.constant 16 : i32
    return
  }
}

module attributes {stable_mosaic.version = 14 : i64} {
  func.func @_score_rank_body(%arg0: i32, %arg1: memref<1x64x128xf32, #tpu.memory_space<vmem>>, %arg2: memref<1x8192x128xf32, #tpu.memory_space<vmem>>, %arg3: memref<1x1x8192xi32, #tpu.memory_space<vmem>>) attributes {dimension_semantics = [#tpu.dimension_semantics<arbitrary>], iteration_bounds = array<i64: 32>, scalar_prefetch = 0 : i64, scratch_operands = 0 : i64, tpu.core_type = #tpu.core_type<tc>, window_params = [{transform_indices = @transform_0, window_bounds = array<i64: 1, 64, 128>}, {transform_indices = @transform_1, window_bounds = array<i64: 1, 8192, 128>}, {transform_indices = @transform_2, window_bounds = array<i64: 1, 1, 8192>}]} {
    %get3A = arith.constant 0 : index
    %get3A_0 = arith.constant 0 : index
    %get3A_1 = arith.constant 0 : index
    %get3A_2 = vector.load %arg1[%get3A, %get3A_0, %get3A_1] : memref<1x64x128xf32, #tpu.memory_space<vmem>>, vector<1x64x128xf32>
    %get3A_3 = vector.shape_cast %get3A_2 : vector<1x64x128xf32> to vector<64x128xf32>
    %get3A_4 = arith.constant 0 : index
    %get3A_5 = arith.constant 0 : index
    %get3A_6 = arith.constant 0 : index
    %get3A_7 = vector.load %arg2[%get3A_4, %get3A_5, %get3A_6] : memref<1x8192x128xf32, #tpu.memory_space<vmem>>, vector<1x8192x128xf32>
    %get3A_8 = vector.shape_cast %get3A_7 : vector<1x8192x128xf32> to vector<8192x128xf32>
    %dot_general3A = arith.constant dense<0.000000e+00> : vector<64x8192xf32>
    %dot_general3A_9 = tpu.matmul %get3A_3, %get3A_8, %dot_general3A {dimension_numbers = #tpu.dot_dimension_numbers<[1], [1], [0], [0], [0, 0, 1, 0], [], []>, transpose_lhs_hint = false} : vector<64x128xf32>, vector<8192x128xf32>, vector<64x8192xf32> -> vector<64x8192xf32>
    %div3A = arith.constant 11.3137083 : f32
    %div3A_10 = vector.broadcast %div3A : f32 to vector<64x8192xf32>
    %div3A_11 = arith.divf %dot_general3A_9, %div3A_10 : vector<64x8192xf32>
    %iota3A = tpu.iota {dimensions = array<i32: 0>} : vector<64x64xi32>
    %iota3A_12 = tpu.iota {dimensions = array<i32: 1>} : vector<64x64xi32>
    %ge3A = arith.cmpi sge, %iota3A, %iota3A_12 : vector<64x64xi32>
    %jit3A = arith.constant 0.000000e+00 : f32
    %jit3A_13 = arith.constant -3.40282347E+38 : f32
    %broadcast_in_dim3A = vector.broadcast %jit3A : f32 to vector<64x64xf32>
    %broadcast_in_dim3A_14 = vector.broadcast %jit3A_13 : f32 to vector<64x64xf32>
    %select_n3A = arith.select %ge3A, %broadcast_in_dim3A, %broadcast_in_dim3A_14 : vector<64x64xi1>, vector<64x64xf32>
    %slice3A = vector.extract_strided_slice %div3A_11 {offsets = [0, 0], sizes = [64, 8128], strides = [1, 1]} : vector<64x8192xf32> to vector<64x8128xf32>
    %slice3A_15 = vector.extract_strided_slice %div3A_11 {offsets = [0, 8128], sizes = [64, 64], strides = [1, 1]} : vector<64x8192xf32> to vector<64x64xf32>
    %add3A = arith.addf %slice3A_15, %select_n3A : vector<64x64xf32>
    %concatenate3A = tpu.concatenate %slice3A, %add3A in 1 : vector<64x8128xf32>, vector<64x64xf32> -> vector<64x8192xf32>
    %reduce_max3A = arith.constant dense<0xFF800000> : vector<64xf32>
    %reduce_max3A_16 = vector.multi_reduction <maximumf>, %concatenate3A, %reduce_max3A [1] : vector<64x8192xf32> to vector<64xf32>
    %broadcast_in_dim3A_17 = vector.shape_cast %reduce_max3A_16 : vector<64xf32> to vector<64x1xf32>
    %sub3A = vector.broadcast %broadcast_in_dim3A_17 : vector<64x1xf32> to vector<64x8192xf32>
    %sub3A_18 = arith.subf %concatenate3A, %sub3A : vector<64x8192xf32>
    %exp3A = math.exp %sub3A_18 : vector<64x8192xf32>
    %reduce_sum3A = arith.constant dense<0.000000e+00> : vector<64xf32>
    %reduce_sum3A_19 = vector.multi_reduction <add>, %exp3A, %reduce_sum3A [1] : vector<64x8192xf32> to vector<64xf32>
    %broadcast_in_dim3A_20 = vector.shape_cast %reduce_sum3A_19 : vector<64xf32> to vector<64x1xf32>
    %div3A_21 = vector.broadcast %broadcast_in_dim3A_20 : vector<64x1xf32> to vector<64x8192xf32>
    %div3A_22 = arith.divf %exp3A, %div3A_21 : vector<64x8192xf32>
    %slice3A_23 = vector.extract_strided_slice %div3A_22 {offsets = [0, 0], sizes = [64, 8128], strides = [1, 1]} : vector<64x8192xf32> to vector<64x8128xf32>
    %reduce_sum3A_24 = arith.constant dense<0.000000e+00> : vector<8128xf32>
    %reduce_sum3A_25 = vector.multi_reduction <add>, %slice3A_23, %reduce_sum3A_24 [0] : vector<64x8128xf32> to vector<8128xf32>
    %broadcast_in_dim3A_26 = vector.shape_cast %reduce_sum3A_25 : vector<8128xf32> to vector<1x8128xf32>
    %broadcast_in_dim3A_27 = arith.constant 0.000000e+00 : f32
    %broadcast_in_dim3A_28 = vector.broadcast %broadcast_in_dim3A_27 : f32 to vector<1x6xf32>
    %concatenate3A_29 = tpu.concatenate %broadcast_in_dim3A_28, %broadcast_in_dim3A_26, %broadcast_in_dim3A_28 in 1 : vector<1x6xf32>, vector<1x8128xf32>, vector<1x6xf32> -> vector<1x8140xf32>
    %slice3A_30 = vector.extract_strided_slice %concatenate3A_29 {offsets = [0, 0], sizes = [1, 8128], strides = [1, 1]} : vector<1x8140xf32> to vector<1x8128xf32>
    %slice3A_31 = vector.extract_strided_slice %concatenate3A_29 {offsets = [0, 1], sizes = [1, 8128], strides = [1, 1]} : vector<1x8140xf32> to vector<1x8128xf32>
    %add3A_32 = arith.addf %slice3A_30, %slice3A_31 : vector<1x8128xf32>
    %slice3A_33 = vector.extract_strided_slice %concatenate3A_29 {offsets = [0, 2], sizes = [1, 8128], strides = [1, 1]} : vector<1x8140xf32> to vector<1x8128xf32>
    %add3A_34 = arith.addf %add3A_32, %slice3A_33 : vector<1x8128xf32>
    %slice3A_35 = vector.extract_strided_slice %concatenate3A_29 {offsets = [0, 3], sizes = [1, 8128], strides = [1, 1]} : vector<1x8140xf32> to vector<1x8128xf32>
    %add3A_36 = arith.addf %add3A_34, %slice3A_35 : vector<1x8128xf32>
    %slice3A_37 = vector.extract_strided_slice %concatenate3A_29 {offsets = [0, 4], sizes = [1, 8128], strides = [1, 1]} : vector<1x8140xf32> to vector<1x8128xf32>
    %add3A_38 = arith.addf %add3A_36, %slice3A_37 : vector<1x8128xf32>
    %slice3A_39 = vector.extract_strided_slice %concatenate3A_29 {offsets = [0, 5], sizes = [1, 8128], strides = [1, 1]} : vector<1x8140xf32> to vector<1x8128xf32>
    %add3A_40 = arith.addf %add3A_38, %slice3A_39 : vector<1x8128xf32>
    %slice3A_41 = vector.extract_strided_slice %concatenate3A_29 {offsets = [0, 6], sizes = [1, 8128], strides = [1, 1]} : vector<1x8140xf32> to vector<1x8128xf32>
    %add3A_42 = arith.addf %add3A_40, %slice3A_41 : vector<1x8128xf32>
    %slice3A_43 = vector.extract_strided_slice %concatenate3A_29 {offsets = [0, 7], sizes = [1, 8128], strides = [1, 1]} : vector<1x8140xf32> to vector<1x8128xf32>
    %add3A_44 = arith.addf %add3A_42, %slice3A_43 : vector<1x8128xf32>
    %slice3A_45 = vector.extract_strided_slice %concatenate3A_29 {offsets = [0, 8], sizes = [1, 8128], strides = [1, 1]} : vector<1x8140xf32> to vector<1x8128xf32>
    %add3A_46 = arith.addf %add3A_44, %slice3A_45 : vector<1x8128xf32>
    %slice3A_47 = vector.extract_strided_slice %concatenate3A_29 {offsets = [0, 9], sizes = [1, 8128], strides = [1, 1]} : vector<1x8140xf32> to vector<1x8128xf32>
    %add3A_48 = arith.addf %add3A_46, %slice3A_47 : vector<1x8128xf32>
    %slice3A_49 = vector.extract_strided_slice %concatenate3A_29 {offsets = [0, 10], sizes = [1, 8128], strides = [1, 1]} : vector<1x8140xf32> to vector<1x8128xf32>
    %add3A_50 = arith.addf %add3A_48, %slice3A_49 : vector<1x8128xf32>
    %slice3A_51 = vector.extract_strided_slice %concatenate3A_29 {offsets = [0, 11], sizes = [1, 8128], strides = [1, 1]} : vector<1x8140xf32> to vector<1x8128xf32>
    %add3A_52 = arith.addf %add3A_50, %slice3A_51 : vector<1x8128xf32>
    %slice3A_53 = vector.extract_strided_slice %concatenate3A_29 {offsets = [0, 12], sizes = [1, 8128], strides = [1, 1]} : vector<1x8140xf32> to vector<1x8128xf32>
    %add3A_54 = arith.addf %add3A_52, %slice3A_53 : vector<1x8128xf32>
    %div3A_55 = arith.constant 1.300000e+01 : f32
    %div3A_56 = vector.broadcast %div3A_55 : f32 to vector<1x8128xf32>
    %div3A_57 = arith.divf %add3A_54, %div3A_56 : vector<1x8128xf32>
    %broadcast_in_dim3A_58 = arith.constant -1.000000e+00 : f32
    %broadcast_in_dim3A_59 = vector.broadcast %broadcast_in_dim3A_58 : f32 to vector<1x64xf32>
    %concatenate3A_60 = tpu.concatenate %div3A_57, %broadcast_in_dim3A_59 in 1 : vector<1x8128xf32>, vector<1x64xf32> -> vector<1x8192xf32>
    %reshape3A = vector.shape_cast %concatenate3A_60 : vector<1x8192xf32> to vector<8192x1xf32>
    %iota3A_61 = tpu.iota {dimensions = array<i32: 0>} : vector<128x128xi32>
    %iota3A_62 = tpu.iota {dimensions = array<i32: 1>} : vector<128x128xi32>
    %lt3A = arith.cmpi slt, %iota3A_61, %iota3A_62 : vector<128x128xi32>
    %slice3A_63 = vector.extract_strided_slice %concatenate3A_60 {offsets = [0, 0], sizes = [1, 128], strides = [1, 1]} : vector<1x8192xf32> to vector<1x128xf32>
    %slice3A_64 = vector.extract_strided_slice %reshape3A {offsets = [0, 0], sizes = [128, 1], strides = [1, 1]} : vector<8192x1xf32> to vector<128x1xf32>
    %gt3A = vector.broadcast %slice3A_64 : vector<128x1xf32> to vector<128x128xf32>
    %gt3A_65 = vector.broadcast %slice3A_63 : vector<1x128xf32> to vector<128x128xf32>
    %gt3A_66 = arith.cmpf ogt, %gt3A, %gt3A_65 : vector<128x128xf32>
    %eq3A = vector.broadcast %slice3A_64 : vector<128x1xf32> to vector<128x128xf32>
    %eq3A_67 = vector.broadcast %slice3A_63 : vector<1x128xf32> to vector<128x128xf32>
    %eq3A_68 = arith.cmpf oeq, %eq3A, %eq3A_67 : vector<128x128xf32>
    %and3A = arith.andi %eq3A_68, %lt3A : vector<128x128xi1>
    %or3A = arith.ori %gt3A_66, %and3A : vector<128x128xi1>
    %jit3A_69 = arith.constant 1.000000e+00 : f32
    %jit3A_70 = arith.constant 0.000000e+00 : f32
    %broadcast_in_dim3A_71 = vector.broadcast %jit3A_69 : f32 to vector<128x128xf32>
    %broadcast_in_dim3A_72 = vector.broadcast %jit3A_70 : f32 to vector<128x128xf32>
    %select_n3A_73 = arith.select %or3A, %broadcast_in_dim3A_71, %broadcast_in_dim3A_72 : vector<128x128xi1>, vector<128x128xf32>
    %broadcast_in_dim3A_74 = arith.constant 1.000000e+00 : f32
    %broadcast_in_dim3A_75 = vector.broadcast %broadcast_in_dim3A_74 : f32 to vector<1x128xf32>
    %dot_general3A_76 = arith.constant dense<0.000000e+00> : vector<1x128xf32>
    %dot_general3A_77 = tpu.matmul %broadcast_in_dim3A_75, %select_n3A_73, %dot_general3A_76 {dimension_numbers = #tpu.dot_dimension_numbers<[1], [0], [0], [1], [0, 0, 1, 1], [], []>, transpose_lhs_hint = false} : vector<1x128xf32>, vector<128x128xf32>, vector<1x128xf32> -> vector<1x128xf32>
    %slice3A_78 = vector.extract_strided_slice %reshape3A {offsets = [128, 0], sizes = [8064, 1], strides = [1, 1]} : vector<8192x1xf32> to vector<8064x1xf32>
    %gt3A_79 = vector.broadcast %slice3A_78 : vector<8064x1xf32> to vector<8064x128xf32>
    %gt3A_80 = vector.broadcast %slice3A_63 : vector<1x128xf32> to vector<8064x128xf32>
    %gt3A_81 = arith.cmpf ogt, %gt3A_79, %gt3A_80 : vector<8064x128xf32>
    %jit3A_82 = arith.constant 1.000000e+00 : f32
    %jit3A_83 = arith.constant 0.000000e+00 : f32
    %broadcast_in_dim3A_84 = vector.broadcast %jit3A_82 : f32 to vector<8064x128xf32>
    %broadcast_in_dim3A_85 = vector.broadcast %jit3A_83 : f32 to vector<8064x128xf32>
    %select_n3A_86 = arith.select %gt3A_81, %broadcast_in_dim3A_84, %broadcast_in_dim3A_85 : vector<8064x128xi1>, vector<8064x128xf32>
    %broadcast_in_dim3A_87 = arith.constant 1.000000e+00 : f32
    %broadcast_in_dim3A_88 = vector.broadcast %broadcast_in_dim3A_87 : f32 to vector<1x8064xf32>
    %dot_general3A_89 = arith.constant dense<0.000000e+00> : vector<1x128xf32>
    %dot_general3A_90 = tpu.matmul %broadcast_in_dim3A_88, %select_n3A_86, %dot_general3A_89 {dimension_numbers = #tpu.dot_dimension_numbers<[1], [0], [0], [1], [0, 0, 1, 1], [], []>, transpose_lhs_hint = false} : vector<1x8064xf32>, vector<8064x128xf32>, vector<1x128xf32> -> vector<1x128xf32>
    %add3A_91 = arith.addf %dot_general3A_77, %dot_general3A_90 : vector<1x128xf32>
    %convert_element_type3A = arith.fptosi %add3A_91 : vector<1x128xf32> to vector<1x128xi32>
    %swap3A = arith.constant 0 : index
    %swap3A_92 = arith.constant 0 : index
    %swap3A_93 = arith.constant 0 : index
    %swap3A_94 = vector.load %arg3[%swap3A, %swap3A_92, %swap3A_93] : memref<1x1x8192xi32, #tpu.memory_space<vmem>>, vector<1x1x128xi32>
    %swap3A_95 = vector.shape_cast %swap3A_94 : vector<1x1x128xi32> to vector<1x128xi32>
    %swap3A_96 = vector.shape_cast %convert_element_type3A : vector<1x128xi32> to vector<1x1x128xi32>
    tpu.vector_store %arg3[%swap3A, %swap3A_92, %swap3A_93], %swap3A_96 {strides = array<i32>} : memref<1x1x8192xi32, #tpu.memory_space<vmem>>, vector<1x1x128xi32>,
    %slice3A_97 = vector.extract_strided_slice %concatenate3A_60 {offsets = [0, 128], sizes = [1, 128], strides = [1, 1]} : vector<1x8192xf32> to vector<1x128xf32>
    %slice3A_98 = vector.extract_strided_slice %reshape3A {offsets = [128, 0], sizes = [128, 1], strides = [1, 1]} : vector<8192x1xf32> to vector<128x1xf32>
    %gt3A_99 = vector.broadcast %slice3A_98 : vector<128x1xf32> to vector<128x128xf32>
    %gt3A_100 = vector.broadcast %slice3A_97 : vector<1x128xf32> to vector<128x128xf32>
    %gt3A_101 = arith.cmpf ogt, %gt3A_99, %gt3A_100 : vector<128x128xf32>
    %eq3A_102 = vector.broadcast %slice3A_98 : vector<128x1xf32> to vector<128x128xf32>
    %eq3A_103 = vector.broadcast %slice3A_97 : vector<1x128xf32> to vector<128x128xf32>
    %eq3A_104 = arith.cmpf oeq, %eq3A_102, %eq3A_103 : vector<128x128xf32>
    %and3A_105 = arith.andi %eq3A_104, %lt3A : vector<128x128xi1>
    %or3A_106 = arith.ori %gt3A_101, %and3A_105 : vector<128x128xi1>
    %jit3A_107 = arith.constant 1.000000e+00 : f32
    %jit3A_108 = arith.constant 0.000000e+00 : f32
    %broadcast_in_dim3A_109 = vector.broadcast %jit3A_107 : f32 to vector<128x128xf32>
    %broadcast_in_dim3A_110 = vector.broadcast %jit3A_108 : f32 to vector<128x128xf32>
    %select_n3A_111 = arith.select %or3A_106, %broadcast_in_dim3A_109, %broadcast_in_dim3A_110 : vector<128x128xi1>, vector<128x128xf32>
    %broadcast_in_dim3A_112 = arith.constant 1.000000e+00 : f32
    %broadcast_in_dim3A_113 = vector.broadcast %broadcast_in_dim3A_112 : f32 to vector<1x128xf32>
    %dot_general3A_114 = arith.constant dense<0.000000e+00> : vector<1x128xf32>
    %dot_general3A_115 = tpu.matmul %broadcast_in_dim3A_113, %select_n3A_111, %dot_general3A_114 {dimension_numbers = #tpu.dot_dimension_numbers<[1], [0], [0], [1], [0, 0, 1, 1], [], []>, transpose_lhs_hint = false} : vector<1x128xf32>, vector<128x128xf32>, vector<1x128xf32> -> vector<1x128xf32>
    %slice3A_116 = vector.extract_strided_slice %reshape3A {offsets = [0, 0], sizes = [128, 1], strides = [1, 1]} : vector<8192x1xf32> to vector<128x1xf32>
    %ge3A_117 = vector.broadcast %slice3A_116 : vector<128x1xf32> to vector<128x128xf32>
    %ge3A_118 = vector.broadcast %slice3A_97 : vector<1x128xf32> to vector<128x128xf32>
    %ge3A_119 = arith.cmpf oge, %ge3A_117, %ge3A_118 : vector<128x128xf32>
    %jit3A_120 = arith.constant 1.000000e+00 : f32
    %jit3A_121 = arith.constant 0.000000e+00 : f32
    %broadcast_in_dim3A_122 = vector.broadcast %jit3A_120 : f32 to vector<128x128xf32>
    %broadcast_in_dim3A_123 = vector.broadcast %jit3A_121 : f32 to vector<128x128xf32>
    %select_n3A_124 = arith.select %ge3A_119, %broadcast_in_dim3A_122, %broadcast_in_dim3A_123 : vector<128x128xi1>, vector<128x128xf32>
    %broadcast_in_dim3A_125 = arith.constant 1.000000e+00 : f32
    %broadcast_in_dim3A_126 = vector.broadcast %broadcast_in_dim3A_125 : f32 to vector<1x128xf32>
    %dot_general3A_127 = arith.constant dense<0.000000e+00> : vector<1x128xf32>
    %dot_general3A_128 = tpu.matmul %broadcast_in_dim3A_126, %select_n3A_124, %dot_general3A_127 {dimension_numbers = #tpu.dot_dimension_numbers<[1], [0], [0], [1], [0, 0, 1, 1], [], []>, transpose_lhs_hint = false} : vector<1x128xf32>, vector<128x128xf32>, vector<1x128xf32> -> vector<1x128xf32>
    %add3A_129 = arith.addf %dot_general3A_115, %dot_general3A_128 : vector<1x128xf32>
    %slice3A_130 = vector.extract_strided_slice %reshape3A {offsets = [256, 0], sizes = [7936, 1], strides = [1, 1]} : vector<8192x1xf32> to vector<7936x1xf32>
    %gt3A_131 = vector.broadcast %slice3A_130 : vector<7936x1xf32> to vector<7936x128xf32>
    %gt3A_132 = vector.broadcast %slice3A_97 : vector<1x128xf32> to vector<7936x128xf32>
    %gt3A_133 = arith.cmpf ogt, %gt3A_131, %gt3A_132 : vector<7936x128xf32>
    %jit3A_134 = arith.constant 1.000000e+00 : f32
    %jit3A_135 = arith.constant 0.000000e+00 : f32
    %broadcast_in_dim3A_136 = vector.broadcast %jit3A_134 : f32 to vector<7936x128xf32>
    %broadcast_in_dim3A_137 = vector.broadcast %jit3A_135 : f32 to vector<7936x128xf32>
    %select_n3A_138 = arith.select %gt3A_133, %broadcast_in_dim3A_136, %broadcast_in_dim3A_137 : vector<7936x128xi1>, vector<7936x128xf32>
    %broadcast_in_dim3A_139 = arith.constant 1.000000e+00 : f32
    %broadcast_in_dim3A_140 = vector.broadcast %broadcast_in_dim3A_139 : f32 to vector<1x7936xf32>
    %dot_general3A_141 = arith.constant dense<0.000000e+00> : vector<1x128xf32>
    %dot_general3A_142 = tpu.matmul %broadcast_in_dim3A_140, %select_n3A_138, %dot_general3A_141 {dimension_numbers = #tpu.dot_dimension_numbers<[1], [0], [0], [1], [0, 0, 1, 1], [], []>, transpose_lhs_hint = false} : vector<1x7936xf32>, vector<7936x128xf32>, vector<1x128xf32> -> vector<1x128xf32>
    %add3A_143 = arith.addf %add3A_129, %dot_general3A_142 : vector<1x128xf32>
    %convert_element_type3A_144 = arith.fptosi %add3A_143 : vector<1x128xf32> to vector<1x128xi32>
    %swap3A_145 = arith.constant 0 : index
    %swap3A_146 = arith.constant 0 : index
    %swap3A_147 = arith.constant 128 : index
    %swap3A_148 = vector.load %arg3[%swap3A_145, %swap3A_146, %swap3A_147] : memref<1x1x8192xi32, #tpu.memory_space<vmem>>, vector<1x1x128xi32>
    %swap3A_149 = vector.shape_cast %swap3A_148 : vector<1x1x128xi32> to vector<1x128xi32>
    %swap3A_150 = vector.shape_cast %convert_element_type3A_144 : vector<1x128xi32> to vector<1x1x128xi32>
    tpu.vector_store %arg3[%swap3A_145, %swap3A_146, %swap3A_147], %swap3A_150 {strides = array<i32>} : memref<1x1x8192xi32, #tpu.memory_space<vmem>>, vector<1x1x128xi32>,
    %slice3A_151 = vector.extract_strided_slice %concatenate3A_60 {offsets = [0, 256], sizes = [1, 128], strides = [1, 1]} : vector<1x8192xf32> to vector<1x128xf32>
    %slice3A_152 = vector.extract_strided_slice %reshape3A {offsets = [256, 0], sizes = [128, 1], strides = [1, 1]} : vector<8192x1xf32> to vector<128x1xf32>
    %gt3A_153 = vector.broadcast %slice3A_152 : vector<128x1xf32> to vector<128x128xf32>
    %gt3A_154 = vector.broadcast %slice3A_151 : vector<1x128xf32> to vector<128x128xf32>
    %gt3A_155 = arith.cmpf ogt, %gt3A_153, %gt3A_154 : vector<128x128xf32>
    %eq3A_156 = vector.broadcast %slice3A_152 : vector<128x1xf32> to vector<128x128xf32>
    %eq3A_157 = vector.broadcast %slice3A_151 : vector<1x128xf32> to vector<128x128xf32>
    %eq3A_158 = arith.cmpf oeq, %eq3A_156, %eq3A_157 : vector<128x128xf32>
    %and3A_159 = arith.andi %eq3A_158, %lt3A : vector<128x128xi1>
    %or3A_160 = arith.ori %gt3A_155, %and3A_159 : vector<128x128xi1>
    %jit3A_161 = arith.constant 1.000000e+00 : f32
    %jit3A_162 = arith.constant 0.000000e+00 : f32
    %broadcast_in_dim3A_163 = vector.broadcast %jit3A_161 : f32 to vector<128x128xf32>
    %broadcast_in_dim3A_164 = vector.broadcast %jit3A_162 : f32 to vector<128x128xf32>
    %select_n3A_165 = arith.select %or3A_160, %broadcast_in_dim3A_163, %broadcast_in_dim3A_164 : vector<128x128xi1>, vector<128x128xf32>
    %broadcast_in_dim3A_166 = arith.constant 1.000000e+00 : f32
    %broadcast_in_dim3A_167 = vector.broadcast %broadcast_in_dim3A_166 : f32 to vector<1x128xf32>
    %dot_general3A_168 = arith.constant dense<0.000000e+00> : vector<1x128xf32>
    %dot_general3A_169 = tpu.matmul %broadcast_in_dim3A_167, %select_n3A_165, %dot_general3A_168 {dimension_numbers = #tpu.dot_dimension_numbers<[1], [0], [0], [1], [0, 0, 1, 1], [], []>, transpose_lhs_hint = false} : vector<1x128xf32>, vector<128x128xf32>, vector<1x128xf32> -> vector<1x128xf32>
    %slice3A_170 = vector.extract_strided_slice %reshape3A {offsets = [0, 0], sizes = [256, 1], strides = [1, 1]} : vector<8192x1xf32> to vector<256x1xf32>
    %ge3A_171 = vector.broadcast %slice3A_170 : vector<256x1xf32> to vector<256x128xf32>
    %ge3A_172 = vector.broadcast %slice3A_151 : vector<1x128xf32> to vector<256x128xf32>
    %ge3A_173 = arith.cmpf oge, %ge3A_171, %ge3A_172 : vector<256x128xf32>
    %jit3A_174 = arith.constant 1.000000e+00 : f32
    %jit3A_175 = arith.constant 0.000000e+00 : f32
    %broadcast_in_dim3A_176 = vector.broadcast %jit3A_174 : f32 to vector<256x128xf32>
    %broadcast_in_dim3A_177 = vector.broadcast %jit3A_175 : f32 to vector<256x128xf32>
    %select_n3A_178 = arith.select %ge3A_173, %broadcast_in_dim3A_176, %broadcast_in_dim3A_177 : vector<256x128xi1>, vector<256x128xf32>
    %broadcast_in_dim3A_179 = arith.constant 1.000000e+00 : f32
    %broadcast_in_dim3A_180 = vector.broadcast %broadcast_in_dim3A_179 : f32 to vector<1x256xf32>
    %dot_general3A_181 = arith.constant dense<0.000000e+00> : vector<1x128xf32>
    %dot_general3A_182 = tpu.matmul %broadcast_in_dim3A_180, %select_n3A_178, %dot_general3A_181 {dimension_numbers = #tpu.dot_dimension_numbers<[1], [0], [0], [1], [0, 0, 1, 1], [], []>, transpose_lhs_hint = false} : vector<1x256xf32>, vector<256x128xf32>, vector<1x128xf32> -> vector<1x128xf32>
    %add3A_183 = arith.addf %dot_general3A_169, %dot_general3A_182 : vector<1x128xf32>
    %slice3A_184 = vector.extract_strided_slice %reshape3A {offsets = [384, 0], sizes = [7808, 1], strides = [1, 1]} : vector<8192x1xf32> to vector<7808x1xf32>
    %gt3A_185 = vector.broadcast %slice3A_184 : vector<7808x1xf32> to vector<7808x128xf32>
    %gt3A_186 = vector.broadcast %slice3A_151 : vector<1x128xf32> to vector<7808x128xf32>
    %gt3A_187 = arith.cmpf ogt, %gt3A_185, %gt3A_186 : vector<7808x128xf32>
    %jit3A_188 = arith.constant 1.000000e+00 : f32
    %jit3A_189 = arith.constant 0.000000e+00 : f32
    %broadcast_in_dim3A_190 = vector.broadcast %jit3A_188 : f32 to vector<7808x128xf32>
    %broadcast_in_dim3A_191 = vector.broadcast %jit3A_189 : f32 to vector<7808x128xf32>
    %select_n3A_192 = arith.select %gt3A_187, %broadcast_in_dim3A_190, %broadcast_in_dim3A_191 : vector<7808x128xi1>, vector<7808x128xf32>
    %broadcast_in_dim3A_193 = arith.constant 1.000000e+00 : f32
    %broadcast_in_dim3A_194 = vector.broadcast %broadcast_in_dim3A_193 : f32 to vector<1x7808xf32>
    %dot_general3A_195 = arith.constant dense<0.000000e+00> : vector<1x128xf32>
    %dot_general3A_196 = tpu.matmul %broadcast_in_dim3A_194, %select_n3A_192, %dot_general3A_195 {dimension_numbers = #tpu.dot_dimension_numbers<[1], [0], [0], [1], [0, 0, 1, 1], [], []>, transpose_lhs_hint = false} : vector<1x7808xf32>, vector<7808x128xf32>, vector<1x128xf32> -> vector<1x128xf32>
    %add3A_197 = arith.addf %add3A_183, %dot_general3A_196 : vector<1x128xf32>
    %convert_element_type3A_198 = arith.fptosi %add3A_197 : vector<1x128xf32> to vector<1x128xi32>
    %swap3A_199 = arith.constant 0 : index
    %swap3A_200 = arith.constant 0 : index
    %swap3A_201 = arith.constant 256 : index
    %swap3A_202 = vector.load %arg3[%swap3A_199, %swap3A_200, %swap3A_201] : memref<1x1x8192xi32, #tpu.memory_space<vmem>>, vector<1x1x128xi32>
    %swap3A_203 = vector.shape_cast %swap3A_202 : vector<1x1x128xi32> to vector<1x128xi32>
    %swap3A_204 = vector.shape_cast %convert_element_type3A_198 : vector<1x128xi32> to vector<1x1x128xi32>
    tpu.vector_store %arg3[%swap3A_199, %swap3A_200, %swap3A_201], %swap3A_204 {strides = array<i32>} : memref<1x1x8192xi32, #tpu.memory_space<vmem>>, vector<1x1x128xi32>,
    %slice3A_205 = vector.extract_strided_slice %concatenate3A_60 {offsets = [0, 384], sizes = [1, 128], strides = [1, 1]} : vector<1x8192xf32> to vector<1x128xf32>
    %slice3A_206 = vector.extract_strided_slice %reshape3A {offsets = [384, 0], sizes = [128, 1], strides = [1, 1]} : vector<8192x1xf32> to vector<128x1xf32>
    %gt3A_207 = vector.broadcast %slice3A_206 : vector<128x1xf32> to vector<128x128xf32>
    %gt3A_208 = vector.broadcast %slice3A_205 : vector<1x128xf32> to vector<128x128xf32>
    %gt3A_209 = arith.cmpf ogt, %gt3A_207, %gt3A_208 : vector<128x128xf32>
    %eq3A_210 = vector.broadcast %slice3A_206 : vector<128x1xf32> to vector<128x128xf32>
    %eq3A_211 = vector.broadcast %slice3A_205 : vector<1x128xf32> to vector<128x128xf32>
    %eq3A_212 = arith.cmpf oeq, %eq3A_210, %eq3A_211 : vector<128x128xf32>
    %and3A_213 = arith.andi %eq3A_212, %lt3A : vector<128x128xi1>
    %or3A_214 = arith.ori %gt3A_209, %and3A_213 : vector<128x128xi1>
    %jit3A_215 = arith.constant 1.000000e+00 : f32
    %jit3A_216 = arith.constant 0.000000e+00 : f32
    %broadcast_in_dim3A_217 = vector.broadcast %jit3A_215 : f32 to vector<128x128xf32>
    %broadcast_in_dim3A_218 = vector.broadcast %jit3A_216 : f32 to vector<128x128xf32>
    %select_n3A_219 = arith.select %or3A_214, %broadcast_in_dim3A_217, %broadcast_in_dim3A_218 : vector<128x128xi1>, vector<128x128xf32>
    %broadcast_in_dim3A_220 = arith.constant 1.000000e+00 : f32
    %broadcast_in_dim3A_221 = vector.broadcast %broadcast_in_dim3A_220 : f32 to vector<1x128xf32>
    %dot_general3A_222 = arith.constant dense<0.000000e+00> : vector<1x128xf32>
    %dot_general3A_223 = tpu.matmul %broadcast_in_dim3A_221, %select_n3A_219, %dot_general3A_222 {dimension_numbers = #tpu.dot_dimension_numbers<[1], [0], [0], [1], [0, 0, 1, 1], [], []>, transpose_lhs_hint = false} : vector<1x128xf32>, vector<128x128xf32>, vector<1x128xf32> -> vector<1x128xf32>
    %slice3A_224 = vector.extract_strided_slice %reshape3A {offsets = [0, 0], sizes = [384, 1], strides = [1, 1]} : vector<8192x1xf32> to vector<384x1xf32>
    %ge3A_225 = vector.broadcast %slice3A_224 : vector<384x1xf32> to vector<384x128xf32>
    %ge3A_226 = vector.broadcast %slice3A_205 : vector<1x128xf32> to vector<384x128xf32>
    %ge3A_227 = arith.cmpf oge, %ge3A_225, %ge3A_226 : vector<384x128xf32>
    %jit3A_228 = arith.constant 1.000000e+00 : f32
    %jit3A_229 = arith.constant 0.000000e+00 : f32
    %broadcast_in_dim3A_230 = vector.broadcast %jit3A_228 : f32 to vector<384x128xf32>
    %broadcast_in_dim3A_231 = vector.broadcast %jit3A_229 : f32 to vector<384x128xf32>
    %select_n3A_232 = arith.select %ge3A_227, %broadcast_in_dim3A_230, %broadcast_in_dim3A_231 : vector<384x128xi1>, vector<384x128xf32>
    %broadcast_in_dim3A_233 = arith.constant 1.000000e+00 : f32
    %broadcast_in_dim3A_234 = vector.broadcast %broadcast_in_dim3A_233 : f32 to vector<1x384xf32>
    %dot_general3A_235 = arith.constant dense<0.000000e+00> : vector<1x128xf32>
    %dot_general3A_236 = tpu.matmul %broadcast_in_dim3A_234, %select_n3A_232, %dot_general3A_235 {dimension_numbers = #tpu.dot_dimension_numbers<[1], [0], [0], [1], [0, 0, 1, 1], [], []>, transpose_lhs_hint = false} : vector<1x384xf32>, vector<384x128xf32>, vector<1x128xf32> -> vector<1x128xf32>
    %add3A_237 = arith.addf %dot_general3A_223, %dot_general3A_236 : vector<1x128xf32>
    %slice3A_238 = vector.extract_strided_slice %reshape3A {offsets = [512, 0], sizes = [7680, 1], strides = [1, 1]} : vector<8192x1xf32> to vector<7680x1xf32>
    %gt3A_239 = vector.broadcast %slice3A_238 : vector<7680x1xf32> to vector<7680x128xf32>
    %gt3A_240 = vector.broadcast %slice3A_205 : vector<1x128xf32> to vector<7680x128xf32>
    %gt3A_241 = arith.cmpf ogt, %gt3A_239, %gt3A_240 : vector<7680x128xf32>
    %jit3A_242 = arith.constant 1.000000e+00 : f32
    %jit3A_243 = arith.constant 0.000000e+00 : f32
    %broadcast_in_dim3A_244 = vector.broadcast %jit3A_242 : f32 to vector<7680x128xf32>
    %broadcast_in_dim3A_245 = vector.broadcast %jit3A_243 : f32 to vector<7680x128xf32>
    %select_n3A_246 = arith.select %gt3A_241, %broadcast_in_dim3A_244, %broadcast_in_dim3A_245 : vector<7680x128xi1>, vector<7680x128xf32>
    %broadcast_in_dim3A_247 = arith.constant 1.000000e+00 : f32
    %broadcast_in_dim3A_248 = vector.broadcast %broadcast_in_dim3A_247 : f32 to vector<1x7680xf32>
    %dot_general3A_249 = arith.constant dense<0.000000e+00> : vector<1x128xf32>
    %dot_general3A_250 = tpu.matmul %broadcast_in_dim3A_248, %select_n3A_246, %dot_general3A_249 {dimension_numbers = #tpu.dot_dimension_numbers<[1], [0], [0], [1], [0, 0, 1, 1], [], []>, transpose_lhs_hint = false} : vector<1x7680xf32>, vector<7680x128xf32>, vector<1x128xf32> -> vector<1x128xf32>
    %add3A_251 = arith.addf %add3A_237, %dot_general3A_250 : vector<1x128xf32>
    %convert_element_type3A_252 = arith.fptosi %add3A_251 : vector<1x128xf32> to vector<1x128xi32>
    %swap3A_253 = arith.constant 0 : index
    %swap3A_254 = arith.constant 0 : index
    %swap3A_255 = arith.constant 384 : index
    %swap3A_256 = vector.load %arg3[%swap3A_253, %swap3A_254, %swap3A_255] : memref<1x1x8192xi32, #tpu.memory_space<vmem>>, vector<1x1x128xi32>
    %swap3A_257 = vector.shape_cast %swap3A_256 : vector<1x1x128xi32> to vector<1x128xi32>
    %swap3A_258 = vector.shape_cast %convert_element_type3A_252 : vector<1x128xi32> to vector<1x1x128xi32>
    tpu.vector_store %arg3[%swap3A_253, %swap3A_254, %swap3A_255], %swap3A_258 {strides = array<i32>} : memref<1x1x8192xi32, #tpu.memory_space<vmem>>, vector<1x1x128xi32>,
    %slice3A_259 = vector.extract_strided_slice %concatenate3A_60 {offsets = [0, 512], sizes = [1, 128], strides = [1, 1]} : vector<1x8192xf32> to vector<1x128xf32>
    %slice3A_260 = vector.extract_strided_slice %reshape3A {offsets = [512, 0], sizes = [128, 1], strides = [1, 1]} : vector<8192x1xf32> to vector<128x1xf32>
    %gt3A_261 = vector.broadcast %slice3A_260 : vector<128x1xf32> to vector<128x128xf32>
    %gt3A_262 = vector.broadcast %slice3A_259 : vector<1x128xf32> to vector<128x128xf32>
    %gt3A_263 = arith.cmpf ogt, %gt3A_261, %gt3A_262 : vector<128x128xf32>
    %eq3A_264 = vector.broadcast %slice3A_260 : vector<128x1xf32> to vector<128x128xf32>
    %eq3A_265 = vector.broadcast %slice3A_259 : vector<1x128xf32> to vector<128x128xf32>
    %eq3A_266 = arith.cmpf oeq, %eq3A_264, %eq3A_265 : vector<128x128xf32>
    %and3A_267 = arith.andi %eq3A_266, %lt3A : vector<128x128xi1>
    %or3A_268 = arith.ori %gt3A_263, %and3A_267 : vector<128x128xi1>
    %jit3A_269 = arith.constant 1.000000e+00 : f32
    %jit3A_270 = arith.constant 0.000000e+00 : f32
    %broadcast_in_dim3A_271 = vector.broadcast %jit3A_269 : f32 to vector<128x128xf32>
    %broadcast_in_dim3A_272 = vector.broadcast %jit3A_270 : f32 to vector<128x128xf32>
    %select_n3A_273 = arith.select %or3A_268, %broadcast_in_dim3A_271, %broadcast_in_dim3A_272 : vector<128x128xi1>, vector<128x128xf32>
    %broadcast_in_dim3A_274 = arith.constant 1.000000e+00 : f32
    %broadcast_in_dim3A_275 = vector.broadcast %broadcast_in_dim3A_274 : f32 to vector<1x128xf32>
    %dot_general3A_276 = arith.constant dense<0.000000e+00> : vector<1x128xf32>
    %dot_general3A_277 = tpu.matmul %broadcast_in_dim3A_275, %select_n3A_273, %dot_general3A_276 {dimension_numbers = #tpu.dot_dimension_numbers<[1], [0], [0], [1], [0, 0, 1, 1], [], []>, transpose_lhs_hint = false} : vector<1x128xf32>, vector<128x128xf32>, vector<1x128xf32> -> vector<1x128xf32>
    %slice3A_278 = vector.extract_strided_slice %reshape3A {offsets = [0, 0], sizes = [512, 1], strides = [1, 1]} : vector<8192x1xf32> to vector<512x1xf32>
    %ge3A_279 = vector.broadcast %slice3A_278 : vector<512x1xf32> to vector<512x128xf32>
    %ge3A_280 = vector.broadcast %slice3A_259 : vector<1x128xf32> to vector<512x128xf32>
    %ge3A_281 = arith.cmpf oge, %ge3A_279, %ge3A_280 : vector<512x128xf32>
    %jit3A_282 = arith.constant 1.000000e+00 : f32
    %jit3A_283 = arith.constant 0.000000e+00 : f32
    %broadcast_in_dim3A_284 = vector.broadcast %jit3A_282 : f32 to vector<512x128xf32>
    %broadcast_in_dim3A_285 = vector.broadcast %jit3A_283 : f32 to vector<512x128xf32>
    %select_n3A_286 = arith.select %ge3A_281, %broadcast_in_dim3A_284, %broadcast_in_dim3A_285 : vector<512x128xi1>, vector<512x128xf32>
    %broadcast_in_dim3A_287 = arith.constant 1.000000e+00 : f32
    %broadcast_in_dim3A_288 = vector.broadcast %broadcast_in_dim3A_287 : f32 to vector<1x512xf32>
    %dot_general3A_289 = arith.constant dense<0.000000e+00> : vector<1x128xf32>
    %dot_general3A_290 = tpu.matmul %broadcast_in_dim3A_288, %select_n3A_286, %dot_general3A_289 {dimension_numbers = #tpu.dot_dimension_numbers<[1], [0], [0], [1], [0, 0, 1, 1], [], []>, transpose_lhs_hint = false} : vector<1x512xf32>, vector<512x128xf32>, vector<1x128xf32> -> vector<1x128xf32>
    %add3A_291 = arith.addf %dot_general3A_277, %dot_general3A_290 : vector<1x128xf32>
    %slice3A_292 = vector.extract_strided_slice %reshape3A {offsets = [640, 0], sizes = [7552, 1], strides = [1, 1]} : vector<8192x1xf32> to vector<7552x1xf32>
    %gt3A_293 = vector.broadcast %slice3A_292 : vector<7552x1xf32> to vector<7552x128xf32>
    %gt3A_294 = vector.broadcast %slice3A_259 : vector<1x128xf32> to vector<7552x128xf32>
    %gt3A_295 = arith.cmpf ogt, %gt3A_293, %gt3A_294 : vector<7552x128xf32>
    %jit3A_296 = arith.constant 1.000000e+00 : f32
    %jit3A_297 = arith.constant 0.000000e+00 : f32
    %broadcast_in_dim3A_298 = vector.broadcast %jit3A_296 : f32 to vector<7552x128xf32>
    %broadcast_in_dim3A_299 = vector.broadcast %jit3A_297 : f32 to vector<7552x128xf32>
    %select_n3A_300 = arith.select %gt3A_295, %broadcast_in_dim3A_298, %broadcast_in_dim3A_299 : vector<7552x128xi1>, vector<7552x128xf32>
    %broadcast_in_dim3A_301 = arith.constant 1.000000e+00 : f32
    %broadcast_in_dim3A_302 = vector.broadcast %broadcast_in_dim3A_301 : f32 to vector<1x7552xf32>
    %dot_general3A_303 = arith.constant dense<0.000000e+00> : vector<1x128xf32>
    %dot_general3A_304 = tpu.matmul %broadcast_in_dim3A_302, %select_n3A_300, %dot_general3A_303 {dimension_numbers = #tpu.dot_dimension_numbers<[1], [0], [0], [1], [0, 0, 1, 1], [], []>, transpose_lhs_hint = false} : vector<1x7552xf32>, vector<7552x128xf32>, vector<1x128xf32> -> vector<1x128xf32>
    %add3A_305 = arith.addf %add3A_291, %dot_general3A_304 : vector<1x128xf32>
    %convert_element_type3A_306 = arith.fptosi %add3A_305 : vector<1x128xf32> to vector<1x128xi32>
    %swap3A_307 = arith.constant 0 : index
    %swap3A_308 = arith.constant 0 : index
    %swap3A_309 = arith.constant 512 : index
    %swap3A_310 = vector.load %arg3[%swap3A_307, %swap3A_308, %swap3A_309] : memref<1x1x8192xi32, #tpu.memory_space<vmem>>, vector<1x1x128xi32>
    %swap3A_311 = vector.shape_cast %swap3A_310 : vector<1x1x128xi32> to vector<1x128xi32>
    %swap3A_312 = vector.shape_cast %convert_element_type3A_306 : vector<1x128xi32> to vector<1x1x128xi32>
    tpu.vector_store %arg3[%swap3A_307, %swap3A_308, %swap3A_309], %swap3A_312 {strides = array<i32>} : memref<1x1x8192xi32, #tpu.memory_space<vmem>>, vector<1x1x128xi32>,
    %slice3A_313 = vector.extract_strided_slice %concatenate3A_60 {offsets = [0, 640], sizes = [1, 128], strides = [1, 1]} : vector<1x8192xf32> to vector<1x128xf32>
    %slice3A_314 = vector.extract_strided_slice %reshape3A {offsets = [640, 0], sizes = [128, 1], strides = [1, 1]} : vector<8192x1xf32> to vector<128x1xf32>
    %gt3A_315 = vector.broadcast %slice3A_314 : vector<128x1xf32> to vector<128x128xf32>
    %gt3A_316 = vector.broadcast %slice3A_313 : vector<1x128xf32> to vector<128x128xf32>
    %gt3A_317 = arith.cmpf ogt, %gt3A_315, %gt3A_316 : vector<128x128xf32>
    %eq3A_318 = vector.broadcast %slice3A_314 : vector<128x1xf32> to vector<128x128xf32>
    %eq3A_319 = vector.broadcast %slice3A_313 : vector<1x128xf32> to vector<128x128xf32>
    %eq3A_320 = arith.cmpf oeq, %eq3A_318, %eq3A_319 : vector<128x128xf32>
    %and3A_321 = arith.andi %eq3A_320, %lt3A : vector<128x128xi1>
    %or3A_322 = arith.ori %gt3A_317, %and3A_321 : vector<128x128xi1>
    %jit3A_323 = arith.constant 1.000000e+00 : f32
    %jit3A_324 = arith.constant 0.000000e+00 : f32
    %broadcast_in_dim3A_325 = vector.broadcast %jit3A_323 : f32 to vector<128x128xf32>
    %broadcast_in_dim3A_326 = vector.broadcast %jit3A_324 : f32 to vector<128x128xf32>
    %select_n3A_327 = arith.select %or3A_322, %broadcast_in_dim3A_325, %broadcast_in_dim3A_326 : vector<128x128xi1>, vector<128x128xf32>
    %broadcast_in_dim3A_328 = arith.constant 1.000000e+00 : f32
    %broadcast_in_dim3A_329 = vector.broadcast %broadcast_in_dim3A_328 : f32 to vector<1x128xf32>
    %dot_general3A_330 = arith.constant dense<0.000000e+00> : vector<1x128xf32>
    %dot_general3A_331 = tpu.matmul %broadcast_in_dim3A_329, %select_n3A_327, %dot_general3A_330 {dimension_numbers = #tpu.dot_dimension_numbers<[1], [0], [0], [1], [0, 0, 1, 1], [], []>, transpose_lhs_hint = false} : vector<1x128xf32>, vector<128x128xf32>, vector<1x128xf32> -> vector<1x128xf32>
    %slice3A_332 = vector.extract_strided_slice %reshape3A {offsets = [0, 0], sizes = [640, 1], strides = [1, 1]} : vector<8192x1xf32> to vector<640x1xf32>
    %ge3A_333 = vector.broadcast %slice3A_332 : vector<640x1xf32> to vector<640x128xf32>
    %ge3A_334 = vector.broadcast %slice3A_313 : vector<1x128xf32> to vector<640x128xf32>
    %ge3A_335 = arith.cmpf oge, %ge3A_333, %ge3A_334 : vector<640x128xf32>
    %jit3A_336 = arith.constant 1.000000e+00 : f32
    %jit3A_337 = arith.constant 0.000000e+00 : f32
    %broadcast_in_dim3A_338 = vector.broadcast %jit3A_336 : f32 to vector<640x128xf32>
    %broadcast_in_dim3A_339 = vector.broadcast %jit3A_337 : f32 to vector<640x128xf32>
    %select_n3A_340 = arith.select %ge3A_335, %broadcast_in_dim3A_338, %broadcast_in_dim3A_339 : vector<640x128xi1>, vector<640x128xf32>
    %broadcast_in_dim3A_341 = arith.constant 1.000000e+00 : f32
    %broadcast_in_dim3A_342 = vector.broadcast %broadcast_in_dim3A_341 : f32 to vector<1x640xf32>
    %dot_general3A_343 = arith.constant dense<0.000000e+00> : vector<1x128xf32>
    %dot_general3A_344 = tpu.matmul %broadcast_in_dim3A_342, %select_n3A_340, %dot_general3A_343 {dimension_numbers = #tpu.dot_dimension_numbers<[1], [0], [0], [1], [0, 0, 1, 1], [], []>, transpose_lhs_hint = false} : vector<1x640xf32>, vector<640x128xf32>, vector<1x128xf32> -> vector<1x128xf32>
    %add3A_345 = arith.addf %dot_general3A_331, %dot_general3A_344 : vector<1x128xf32>
    %slice3A_346 = vector.extract_strided_slice %reshape3A {offsets = [768, 0], sizes = [7424, 1], strides = [1, 1]} : vector<8192x1xf32> to vector<7424x1xf32>
    %gt3A_347 = vector.broadcast %slice3A_346 : vector<7424x1xf32> to vector<7424x128xf32>
    %gt3A_348 = vector.broadcast %slice3A_313 : vector<1x128xf32> to vector<7424x128xf32>
    %gt3A_349 = arith.cmpf ogt, %gt3A_347, %gt3A_348 : vector<7424x128xf32>
    %jit3A_350 = arith.constant 1.000000e+00 : f32
    %jit3A_351 = arith.constant 0.000000e+00 : f32
    %broadcast_in_dim3A_352 = vector.broadcast %jit3A_350 : f32 to vector<7424x128xf32>
    %broadcast_in_dim3A_353 = vector.broadcast %jit3A_351 : f32 to vector<7424x128xf32>
    %select_n3A_354 = arith.select %gt3A_349, %broadcast_in_dim3A_352, %broadcast_in_dim3A_353 : vector<7424x128xi1>, vector<7424x128xf32>
    %broadcast_in_dim3A_355 = arith.constant 1.000000e+00 : f32
    %broadcast_in_dim3A_356 = vector.broadcast %broadcast_in_dim3A_355 : f32 to vector<1x7424xf32>
    %dot_general3A_357 = arith.constant dense<0.000000e+00> : vector<1x128xf32>
    %dot_general3A_358 = tpu.matmul %broadcast_in_dim3A_356, %select_n3A_354, %dot_general3A_357 {dimension_numbers = #tpu.dot_dimension_numbers<[1], [0], [0], [1], [0, 0, 1, 1], [], []>, transpose_lhs_hint = false} : vector<1x7424xf32>, vector<7424x128xf32>, vector<1x128xf32> -> vector<1x128xf32>
    %add3A_359 = arith.addf %add3A_345, %dot_general3A_358 : vector<1x128xf32>
    %convert_element_type3A_360 = arith.fptosi %add3A_359 : vector<1x128xf32> to vector<1x128xi32>
    %swap3A_361 = arith.constant 0 : index
    %swap3A_362 = arith.constant 0 : index
    %swap3A_363 = arith.constant 640 : index
    %swap3A_364 = vector.load %arg3[%swap3A_361, %swap3A_362, %swap3A_363] : memref<1x1x8192xi32, #tpu.memory_space<vmem>>, vector<1x1x128xi32>
    %swap3A_365 = vector.shape_cast %swap3A_364 : vector<1x1x128xi32> to vector<1x128xi32>
    %swap3A_366 = vector.shape_cast %convert_element_type3A_360 : vector<1x128xi32> to vector<1x1x128xi32>
    tpu.vector_store %arg3[%swap3A_361, %swap3A_362, %swap3A_363], %swap3A_366 {strides = array<i32>} : memref<1x1x8192xi32, #tpu.memory_space<vmem>>, vector<1x1x128xi32>,
    %slice3A_367 = vector.extract_strided_slice %concatenate3A_60 {offsets = [0, 768], sizes = [1, 128], strides = [1, 1]} : vector<1x8192xf32> to vector<1x128xf32>
    %slice3A_368 = vector.extract_strided_slice %reshape3A {offsets = [768, 0], sizes = [128, 1], strides = [1, 1]} : vector<8192x1xf32> to vector<128x1xf32>
    %gt3A_369 = vector.broadcast %slice3A_368 : vector<128x1xf32> to vector<128x128xf32>
    %gt3A_370 = vector.broadcast %slice3A_367 : vector<1x128xf32> to vector<128x128xf32>
    %gt3A_371 = arith.cmpf ogt, %gt3A_369, %gt3A_370 : vector<128x128xf32>
    %eq3A_372 = vector.broadcast %slice3A_368 : vector<128x1xf32> to vector<128x128xf32>
    %eq3A_373 = vector.broadcast %slice3A_367 : vector<1x128xf32> to vector<128x128xf32>
    %eq3A_374 = arith.cmpf oeq, %eq3A_372, %eq3A_373 : vector<128x128xf32>
    %and3A_375 = arith.andi %eq3A_374, %lt3A : vector<128x128xi1>
    %or3A_376 = arith.ori %gt3A_371, %and3A_375 : vector<128x128xi1>
    %jit3A_377 = arith.constant 1.000000e+00 : f32
    %jit3A_378 = arith.constant 0.000000e+00 : f32
    %broadcast_in_dim3A_379 = vector.broadcast %jit3A_377 : f32 to vector<128x128xf32>
    %broadcast_in_dim3A_380 = vector.broadcast %jit3A_378 : f32 to vector<128x128xf32>
    %select_n3A_381 = arith.select %or3A_376, %broadcast_in_dim3A_379, %broadcast_in_dim3A_380 : vector<128x128xi1>, vector<128x128xf32>
    %broadcast_in_dim3A_382 = arith.constant 1.000000e+00 : f32
    %broadcast_in_dim3A_383 = vector.broadcast %broadcast_in_dim3A_382 : f32 to vector<1x128xf32>
    %dot_general3A_384 = arith.constant dense<0.000000e+00> : vector<1x128xf32>
    %dot_general3A_385 = tpu.matmul %broadcast_in_dim3A_383, %select_n3A_381, %dot_general3A_384 {dimension_numbers = #tpu.dot_dimension_numbers<[1], [0], [0], [1], [0, 0, 1, 1], [], []>, transpose_lhs_hint = false} : vector<1x128xf32>, vector<128x128xf32>, vector<1x128xf32> -> vector<1x128xf32>
    %slice3A_386 = vector.extract_strided_slice %reshape3A {offsets = [0, 0], sizes = [768, 1], strides = [1, 1]} : vector<8192x1xf32> to vector<768x1xf32>
    %ge3A_387 = vector.broadcast %slice3A_386 : vector<768x1xf32> to vector<768x128xf32>
    %ge3A_388 = vector.broadcast %slice3A_367 : vector<1x128xf32> to vector<768x128xf32>
    %ge3A_389 = arith.cmpf oge, %ge3A_387, %ge3A_388 : vector<768x128xf32>
    %jit3A_390 = arith.constant 1.000000e+00 : f32
    %jit3A_391 = arith.constant 0.000000e+00 : f32
    %broadcast_in_dim3A_392 = vector.broadcast %jit3A_390 : f32 to vector<768x128xf32>
    %broadcast_in_dim3A_393 = vector.broadcast %jit3A_391 : f32 to vector<768x128xf32>
    %select_n3A_394 = arith.select %ge3A_389, %broadcast_in_dim3A_392, %broadcast_in_dim3A_393 : vector<768x128xi1>, vector<768x128xf32>
    %broadcast_in_dim3A_395 = arith.constant 1.000000e+00 : f32
    %broadcast_in_dim3A_396 = vector.broadcast %broadcast_in_dim3A_395 : f32 to vector<1x768xf32>
    %dot_general3A_397 = arith.constant dense<0.000000e+00> : vector<1x128xf32>
    %dot_general3A_398 = tpu.matmul %broadcast_in_dim3A_396, %select_n3A_394, %dot_general3A_397 {dimension_numbers = #tpu.dot_dimension_numbers<[1], [0], [0], [1], [0, 0, 1, 1], [], []>, transpose_lhs_hint = false} : vector<1x768xf32>, vector<768x128xf32>, vector<1x128xf32> -> vector<1x128xf32>
    %add3A_399 = arith.addf %dot_general3A_385, %dot_general3A_398 : vector<1x128xf32>
    %slice3A_400 = vector.extract_strided_slice %reshape3A {offsets = [896, 0], sizes = [7296, 1], strides = [1, 1]} : vector<8192x1xf32> to vector<7296x1xf32>
    %gt3A_401 = vector.broadcast %slice3A_400 : vector<7296x1xf32> to vector<7296x128xf32>
    %gt3A_402 = vector.broadcast %slice3A_367 : vector<1x128xf32> to vector<7296x128xf32>
    %gt3A_403 = arith.cmpf ogt, %gt3A_401, %gt3A_402 : vector<7296x128xf32>
    %jit3A_404 = arith.constant 1.000000e+00 : f32
    %jit3A_405 = arith.constant 0.000000e+00 : f32
    %broadcast_in_dim3A_406 = vector.broadcast %jit3A_404 : f32 to vector<7296x128xf32>
    %broadcast_in_dim3A_407 = vector.broadcast %jit3A_405 : f32 to vector<7296x128xf32>
    %select_n3A_408 = arith.select %gt3A_403, %broadcast_in_dim3A_406, %broadcast_in_dim3A_407 : vector<7296x128xi1>, vector<7296x128xf32>
    %broadcast_in_dim3A_409 = arith.constant 1.000000e+00 : f32
    %broadcast_in_dim3A_410 = vector.broadcast %broadcast_in_dim3A_409 : f32 to vector<1x7296xf32>
    %dot_general3A_411 = arith.constant dense<0.000000e+00> : vector<1x128xf32>
    %dot_general3A_412 = tpu.matmul %broadcast_in_dim3A_410, %select_n3A_408, %dot_general3A_411 {dimension_numbers = #tpu.dot_dimension_numbers<[1], [0], [0], [1], [0, 0, 1, 1], [], []>, transpose_lhs_hint = false} : vector<1x7296xf32>, vector<7296x128xf32>, vector<1x128xf32> -> vector<1x128xf32>
    %add3A_413 = arith.addf %add3A_399, %dot_general3A_412 : vector<1x128xf32>
    %convert_element_type3A_414 = arith.fptosi %add3A_413 : vector<1x128xf32> to vector<1x128xi32>
    %swap3A_415 = arith.constant 0 : index
    %swap3A_416 = arith.constant 0 : index
    %swap3A_417 = arith.constant 768 : index
    %swap3A_418 = vector.load %arg3[%swap3A_415, %swap3A_416, %swap3A_417] : memref<1x1x8192xi32, #tpu.memory_space<vmem>>, vector<1x1x128xi32>
    %swap3A_419 = vector.shape_cast %swap3A_418 : vector<1x1x128xi32> to vector<1x128xi32>
    %swap3A_420 = vector.shape_cast %convert_element_type3A_414 : vector<1x128xi32> to vector<1x1x128xi32>
    tpu.vector_store %arg3[%swap3A_415, %swap3A_416, %swap3A_417], %swap3A_420 {strides = array<i32>} : memref<1x1x8192xi32, #tpu.memory_space<vmem>>, vector<1x1x128xi32>,
    %slice3A_421 = vector.extract_strided_slice %concatenate3A_60 {offsets = [0, 896], sizes = [1, 128], strides = [1, 1]} : vector<1x8192xf32> to vector<1x128xf32>
    %slice3A_422 = vector.extract_strided_slice %reshape3A {offsets = [896, 0], sizes = [128, 1], strides = [1, 1]} : vector<8192x1xf32> to vector<128x1xf32>
    %gt3A_423 = vector.broadcast %slice3A_422 : vector<128x1xf32> to vector<128x128xf32>
    %gt3A_424 = vector.broadcast %slice3A_421 : vector<1x128xf32> to vector<128x128xf32>
    %gt3A_425 = arith.cmpf ogt, %gt3A_423, %gt3A_424 : vector<128x128xf32>
    %eq3A_426 = vector.broadcast %slice3A_422 : vector<128x1xf32> to vector<128x128xf32>
    %eq3A_427 = vector.broadcast %slice3A_421 : vector<1x128xf32> to vector<128x128xf32>
    %eq3A_428 = arith.cmpf oeq, %eq3A_426, %eq3A_427 : vector<128x128xf32>
    %and3A_429 = arith.andi %eq3A_428, %lt3A : vector<128x128xi1>
    %or3A_430 = arith.ori %gt3A_425, %and3A_429 : vector<128x128xi1>
    %jit3A_431 = arith.constant 1.000000e+00 : f32
    %jit3A_432 = arith.constant 0.000000e+00 : f32
    %broadcast_in_dim3A_433 = vector.broadcast %jit3A_431 : f32 to vector<128x128xf32>
    %broadcast_in_dim3A_434 = vector.broadcast %jit3A_432 : f32 to vector<128x128xf32>
    %select_n3A_435 = arith.select %or3A_430, %broadcast_in_dim3A_433, %broadcast_in_dim3A_434 : vector<128x128xi1>, vector<128x128xf32>
    %broadcast_in_dim3A_436 = arith.constant 1.000000e+00 : f32
    %broadcast_in_dim3A_437 = vector.broadcast %broadcast_in_dim3A_436 : f32 to vector<1x128xf32>
    %dot_general3A_438 = arith.constant dense<0.000000e+00> : vector<1x128xf32>
    %dot_general3A_439 = tpu.matmul %broadcast_in_dim3A_437, %select_n3A_435, %dot_general3A_438 {dimension_numbers = #tpu.dot_dimension_numbers<[1], [0], [0], [1], [0, 0, 1, 1], [], []>, transpose_lhs_hint = false} : vector<1x128xf32>, vector<128x128xf32>, vector<1x128xf32> -> vector<1x128xf32>
    %slice3A_440 = vector.extract_strided_slice %reshape3A {offsets = [0, 0], sizes = [896, 1], strides = [1, 1]} : vector<8192x1xf32> to vector<896x1xf32>
    %ge3A_441 = vector.broadcast %slice3A_440 : vector<896x1xf32> to vector<896x128xf32>
    %ge3A_442 = vector.broadcast %slice3A_421 : vector<1x128xf32> to vector<896x128xf32>
    %ge3A_443 = arith.cmpf oge, %ge3A_441, %ge3A_442 : vector<896x128xf32>
    %jit3A_444 = arith.constant 1.000000e+00 : f32
    %jit3A_445 = arith.constant 0.000000e+00 : f32
    %broadcast_in_dim3A_446 = vector.broadcast %jit3A_444 : f32 to vector<896x128xf32>
    %broadcast_in_dim3A_447 = vector.broadcast %jit3A_445 : f32 to vector<896x128xf32>
    %select_n3A_448 = arith.select %ge3A_443, %broadcast_in_dim3A_446, %broadcast_in_dim3A_447 : vector<896x128xi1>, vector<896x128xf32>
    %broadcast_in_dim3A_449 = arith.constant 1.000000e+00 : f32
    %broadcast_in_dim3A_450 = vector.broadcast %broadcast_in_dim3A_449 : f32 to vector<1x896xf32>
    %dot_general3A_451 = arith.constant dense<0.000000e+00> : vector<1x128xf32>
    %dot_general3A_452 = tpu.matmul %broadcast_in_dim3A_450, %select_n3A_448, %dot_general3A_451 {dimension_numbers = #tpu.dot_dimension_numbers<[1], [0], [0], [1], [0, 0, 1, 1], [], []>, transpose_lhs_hint = false} : vector<1x896xf32>, vector<896x128xf32>, vector<1x128xf32> -> vector<1x128xf32>
    %add3A_453 = arith.addf %dot_general3A_439, %dot_general3A_452 : vector<1x128xf32>
    %slice3A_454 = vector.extract_strided_slice %reshape3A {offsets = [1024, 0], sizes = [7168, 1], strides = [1, 1]} : vector<8192x1xf32> to vector<7168x1xf32>
    %gt3A_455 = vector.broadcast %slice3A_454 : vector<7168x1xf32> to vector<7168x128xf32>
    %gt3A_456 = vector.broadcast %slice3A_421 : vector<1x128xf32> to vector<7168x128xf32>
    %gt3A_457 = arith.cmpf ogt, %gt3A_455, %gt3A_456 : vector<7168x128xf32>
    %jit3A_458 = arith.constant 1.000000e+00 : f32
    %jit3A_459 = arith.constant 0.000000e+00 : f32
    %broadcast_in_dim3A_460 = vector.broadcast %jit3A_458 : f32 to vector<7168x128xf32>
    %broadcast_in_dim3A_461 = vector.broadcast %jit3A_459 : f32 to vector<7168x128xf32>
    %select_n3A_462 = arith.select %gt3A_457, %broadcast_in_dim3A_460, %broadcast_in_dim3A_461 : vector<7168x128xi1>, vector<7168x128xf32>
    %broadcast_in_dim3A_463 = arith.constant 1.000000e+00 : f32
    %broadcast_in_dim3A_464 = vector.broadcast %broadcast_in_dim3A_463 : f32 to vector<1x7168xf32>
    %dot_general3A_465 = arith.constant dense<0.000000e+00> : vector<1x128xf32>
    %dot_general3A_466 = tpu.matmul %broadcast_in_dim3A_464, %select_n3A_462, %dot_general3A_465 {dimension_numbers = #tpu.dot_dimension_numbers<[1], [0], [0], [1], [0, 0, 1, 1], [], []>, transpose_lhs_hint = false} : vector<1x7168xf32>, vector<7168x128xf32>, vector<1x128xf32> -> vector<1x128xf32>
    %add3A_467 = arith.addf %add3A_453, %dot_general3A_466 : vector<1x128xf32>
    %convert_element_type3A_468 = arith.fptosi %add3A_467 : vector<1x128xf32> to vector<1x128xi32>
    %swap3A_469 = arith.constant 0 : index
    %swap3A_470 = arith.constant 0 : index
    %swap3A_471 = arith.constant 896 : index
    %swap3A_472 = vector.load %arg3[%swap3A_469, %swap3A_470, %swap3A_471] : memref<1x1x8192xi32, #tpu.memory_space<vmem>>, vector<1x1x128xi32>
    %swap3A_473 = vector.shape_cast %swap3A_472 : vector<1x1x128xi32> to vector<1x128xi32>
    %swap3A_474 = vector.shape_cast %convert_element_type3A_468 : vector<1x128xi32> to vector<1x1x128xi32>
    tpu.vector_store %arg3[%swap3A_469, %swap3A_470, %swap3A_471], %swap3A_474 {strides = array<i32>} : memref<1x1x8192xi32, #tpu.memory_space<vmem>>, vector<1x1x128xi32>,
    %slice3A_475 = vector.extract_strided_slice %concatenate3A_60 {offsets = [0, 1024], sizes = [1, 128], strides = [1, 1]} : vector<1x8192xf32> to vector<1x128xf32>
    %slice3A_476 = vector.extract_strided_slice %reshape3A {offsets = [1024, 0], sizes = [128, 1], strides = [1, 1]} : vector<8192x1xf32> to vector<128x1xf32>
    %gt3A_477 = vector.broadcast %slice3A_476 : vector<128x1xf32> to vector<128x128xf32>
    %gt3A_478 = vector.broadcast %slice3A_475 : vector<1x128xf32> to vector<128x128xf32>
    %gt3A_479 = arith.cmpf ogt, %gt3A_477, %gt3A_478 : vector<128x128xf32>
    %eq3A_480 = vector.broadcast %slice3A_476 : vector<128x1xf32> to vector<128x128xf32>
    %eq3A_481 = vector.broadcast %slice3A_475 : vector<1x128xf32> to vector<128x128xf32>
    %eq3A_482 = arith.cmpf oeq, %eq3A_480, %eq3A_481 : vector<128x128xf32>
    %and3A_483 = arith.andi %eq3A_482, %lt3A : vector<128x128xi1>
    %or3A_484 = arith.ori %gt3A_479, %and3A_483 : vector<128x128xi1>
    %jit3A_485 = arith.constant 1.000000e+00 : f32
    %jit3A_486 = arith.constant 0.000000e+00 : f32
    %broadcast_in_dim3A_487 = vector.broadcast %jit3A_485 : f32 to vector<128x128xf32>
    %broadcast_in_dim3A_488 = vector.broadcast %jit3A_486 : f32 to vector<128x128xf32>
    %select_n3A_489 = arith.select %or3A_484, %broadcast_in_dim3A_487, %broadcast_in_dim3A_488 : vector<128x128xi1>, vector<128x128xf32>
    %broadcast_in_dim3A_490 = arith.constant 1.000000e+00 : f32
    %broadcast_in_dim3A_491 = vector.broadcast %broadcast_in_dim3A_490 : f32 to vector<1x128xf32>
    %dot_general3A_492 = arith.constant dense<0.000000e+00> : vector<1x128xf32>
    %dot_general3A_493 = tpu.matmul %broadcast_in_dim3A_491, %select_n3A_489, %dot_general3A_492 {dimension_numbers = #tpu.dot_dimension_numbers<[1], [0], [0], [1], [0, 0, 1, 1], [], []>, transpose_lhs_hint = false} : vector<1x128xf32>, vector<128x128xf32>, vector<1x128xf32> -> vector<1x128xf32>
    %slice3A_494 = vector.extract_strided_slice %reshape3A {offsets = [0, 0], sizes = [1024, 1], strides = [1, 1]} : vector<8192x1xf32> to vector<1024x1xf32>
    %ge3A_495 = vector.broadcast %slice3A_494 : vector<1024x1xf32> to vector<1024x128xf32>
    %ge3A_496 = vector.broadcast %slice3A_475 : vector<1x128xf32> to vector<1024x128xf32>
    %ge3A_497 = arith.cmpf oge, %ge3A_495, %ge3A_496 : vector<1024x128xf32>
    %jit3A_498 = arith.constant 1.000000e+00 : f32
    %jit3A_499 = arith.constant 0.000000e+00 : f32
    %broadcast_in_dim3A_500 = vector.broadcast %jit3A_498 : f32 to vector<1024x128xf32>
    %broadcast_in_dim3A_501 = vector.broadcast %jit3A_499 : f32 to vector<1024x128xf32>
    %select_n3A_502 = arith.select %ge3A_497, %broadcast_in_dim3A_500, %broadcast_in_dim3A_501 : vector<1024x128xi1>, vector<1024x128xf32>
    %broadcast_in_dim3A_503 = arith.constant 1.000000e+00 : f32
    %broadcast_in_dim3A_504 = vector.broadcast %broadcast_in_dim3A_503 : f32 to vector<1x1024xf32>
    %dot_general3A_505 = arith.constant dense<0.000000e+00> : vector<1x128xf32>
    %dot_general3A_506 = tpu.matmul %broadcast_in_dim3A_504, %select_n3A_502, %dot_general3A_505 {dimension_numbers = #tpu.dot_dimension_numbers<[1], [0], [0], [1], [0, 0, 1, 1], [], []>, transpose_lhs_hint = false} : vector<1x1024xf32>, vector<1024x128xf32>, vector<1x128xf32> -> vector<1x128xf32>
    %add3A_507 = arith.addf %dot_general3A_493, %dot_general3A_506 : vector<1x128xf32>
    %slice3A_508 = vector.extract_strided_slice %reshape3A {offsets = [1152, 0], sizes = [7040, 1], strides = [1, 1]} : vector<8192x1xf32> to vector<7040x1xf32>
    %gt3A_509 = vector.broadcast %slice3A_508 : vector<7040x1xf32> to vector<7040x128xf32>
    %gt3A_510 = vector.broadcast %slice3A_475 : vector<1x128xf32> to vector<7040x128xf32>
    %gt3A_511 = arith.cmpf ogt, %gt3A_509, %gt3A_510 : vector<7040x128xf32>
    %jit3A_512 = arith.constant 1.000000e+00 : f32
    %jit3A_513 = arith.constant 0.000000e+00 : f32
    %broadcast_in_dim3A_514 = vector.broadcast %jit3A_512 : f32 to vector<7040x128xf32>
    %broadcast_in_dim3A_515 = vector.broadcast %jit3A_513 : f32 to vector<7040x128xf32>
    %select_n3A_516 = arith.select %gt3A_511, %broadcast_in_dim3A_514, %broadcast_in_dim3A_515 : vector<7040x128xi1>, vector<7040x128xf32>
    %broadcast_in_dim3A_517 = arith.constant 1.000000e+00 : f32
    %broadcast_in_dim3A_518 = vector.broadcast %broadcast_in_dim3A_517 : f32 to vector<1x7040xf32>
    %dot_general3A_519 = arith.constant dense<0.000000e+00> : vector<1x128xf32>
    %dot_general3A_520 = tpu.matmul %broadcast_in_dim3A_518, %select_n3A_516, %dot_general3A_519 {dimension_numbers = #tpu.dot_dimension_numbers<[1], [0], [0], [1], [0, 0, 1, 1], [], []>, transpose_lhs_hint = false} : vector<1x7040xf32>, vector<7040x128xf32>, vector<1x128xf32> -> vector<1x128xf32>
    %add3A_521 = arith.addf %add3A_507, %dot_general3A_520 : vector<1x128xf32>
    %convert_element_type3A_522 = arith.fptosi %add3A_521 : vector<1x128xf32> to vector<1x128xi32>
    %swap3A_523 = arith.constant 0 : index
    %swap3A_524 = arith.constant 0 : index
    %swap3A_525 = arith.constant 1024 : index
    %swap3A_526 = vector.load %arg3[%swap3A_523, %swap3A_524, %swap3A_525] : memref<1x1x8192xi32, #tpu.memory_space<vmem>>, vector<1x1x128xi32>
    %swap3A_527 = vector.shape_cast %swap3A_526 : vector<1x1x128xi32> to vector<1x128xi32>
    %swap3A_528 = vector.shape_cast %convert_element_type3A_522 : vector<1x128xi32> to vector<1x1x128xi32>
    tpu.vector_store %arg3[%swap3A_523, %swap3A_524, %swap3A_525], %swap3A_528 {strides = array<i32>} : memref<1x1x8192xi32, #tpu.memory_space<vmem>>, vector<1x1x128xi32>,
    %slice3A_529 = vector.extract_strided_slice %concatenate3A_60 {offsets = [0, 1152], sizes = [1, 128], strides = [1, 1]} : vector<1x8192xf32> to vector<1x128xf32>
    %slice3A_530 = vector.extract_strided_slice %reshape3A {offsets = [1152, 0], sizes = [128, 1], strides = [1, 1]} : vector<8192x1xf32> to vector<128x1xf32>
    %gt3A_531 = vector.broadcast %slice3A_530 : vector<128x1xf32> to vector<128x128xf32>
    %gt3A_532 = vector.broadcast %slice3A_529 : vector<1x128xf32> to vector<128x128xf32>
    %gt3A_533 = arith.cmpf ogt, %gt3A_531, %gt3A_532 : vector<128x128xf32>
    %eq3A_534 = vector.broadcast %slice3A_530 : vector<128x1xf32> to vector<128x128xf32>
    %eq3A_535 = vector.broadcast %slice3A_529 : vector<1x128xf32> to vector<128x128xf32>
    %eq3A_536 = arith.cmpf oeq, %eq3A_534, %eq3A_535 : vector<128x128xf32>
    %and3A_537 = arith.andi %eq3A_536, %lt3A : vector<128x128xi1>
    %or3A_538 = arith.ori %gt3A_533, %and3A_537 : vector<128x128xi1>
    %jit3A_539 = arith.constant 1.000000e+00 : f32
    %jit3A_540 = arith.constant 0.000000e+00 : f32
    %broadcast_in_dim3A_541 = vector.broadcast %jit3A_539 : f32 to vector<128x128xf32>
    %broadcast_in_dim3A_542 = vector.broadcast %jit3A_540 : f32 to vector<128x128xf32>
    %select_n3A_543 = arith.select %or3A_538, %broadcast_in_dim3A_541, %broadcast_in_dim3A_542 : vector<128x128xi1>, vector<128x128xf32>
    %broadcast_in_dim3A_544 = arith.constant 1.000000e+00 : f32
    %broadcast_in_dim3A_545 = vector.broadcast %broadcast_in_dim3A_544 : f32 to vector<1x128xf32>
    %dot_general3A_546 = arith.constant dense<0.000000e+00> : vector<1x128xf32>
    %dot_general3A_547 = tpu.matmul %broadcast_in_dim3A_545, %select_n3A_543, %dot_general3A_546 {dimension_numbers = #tpu.dot_dimension_numbers<[1], [0], [0], [1], [0, 0, 1, 1], [], []>, transpose_lhs_hint = false} : vector<1x128xf32>, vector<128x128xf32>, vector<1x128xf32> -> vector<1x128xf32>
    %slice3A_548 = vector.extract_strided_slice %reshape3A {offsets = [0, 0], sizes = [1152, 1], strides = [1, 1]} : vector<8192x1xf32> to vector<1152x1xf32>
    %ge3A_549 = vector.broadcast %slice3A_548 : vector<1152x1xf32> to vector<1152x128xf32>
    %ge3A_550 = vector.broadcast %slice3A_529 : vector<1x128xf32> to vector<1152x128xf32>
    %ge3A_551 = arith.cmpf oge, %ge3A_549, %ge3A_550 : vector<1152x128xf32>
    %jit3A_552 = arith.constant 1.000000e+00 : f32
    %jit3A_553 = arith.constant 0.000000e+00 : f32
    %broadcast_in_dim3A_554 = vector.broadcast %jit3A_552 : f32 to vector<1152x128xf32>
    %broadcast_in_dim3A_555 = vector.broadcast %jit3A_553 : f32 to vector<1152x128xf32>
    %select_n3A_556 = arith.select %ge3A_551, %broadcast_in_dim3A_554, %broadcast_in_dim3A_555 : vector<1152x128xi1>, vector<1152x128xf32>
    %broadcast_in_dim3A_557 = arith.constant 1.000000e+00 : f32
    %broadcast_in_dim3A_558 = vector.broadcast %broadcast_in_dim3A_557 : f32 to vector<1x1152xf32>
    %dot_general3A_559 = arith.constant dense<0.000000e+00> : vector<1x128xf32>
    %dot_general3A_560 = tpu.matmul %broadcast_in_dim3A_558, %select_n3A_556, %dot_general3A_559 {dimension_numbers = #tpu.dot_dimension_numbers<[1], [0], [0], [1], [0, 0, 1, 1], [], []>, transpose_lhs_hint = false} : vector<1x1152xf32>, vector<1152x128xf32>, vector<1x128xf32> -> vector<1x128xf32>
    %add3A_561 = arith.addf %dot_general3A_547, %dot_general3A_560 : vector<1x128xf32>
    %slice3A_562 = vector.extract_strided_slice %reshape3A {offsets = [1280, 0], sizes = [6912, 1], strides = [1, 1]} : vector<8192x1xf32> to vector<6912x1xf32>
    %gt3A_563 = vector.broadcast %slice3A_562 : vector<6912x1xf32> to vector<6912x128xf32>
    %gt3A_564 = vector.broadcast %slice3A_529 : vector<1x128xf32> to vector<6912x128xf32>
    %gt3A_565 = arith.cmpf ogt, %gt3A_563, %gt3A_564 : vector<6912x128xf32>
    %jit3A_566 = arith.constant 1.000000e+00 : f32
    %jit3A_567 = arith.constant 0.000000e+00 : f32
    %broadcast_in_dim3A_568 = vector.broadcast %jit3A_566 : f32 to vector<6912x128xf32>
    %broadcast_in_dim3A_569 = vector.broadcast %jit3A_567 : f32 to vector<6912x128xf32>
    %select_n3A_570 = arith.select %gt3A_565, %broadcast_in_dim3A_568, %broadcast_in_dim3A_569 : vector<6912x128xi1>, vector<6912x128xf32>
    %broadcast_in_dim3A_571 = arith.constant 1.000000e+00 : f32
    %broadcast_in_dim3A_572 = vector.broadcast %broadcast_in_dim3A_571 : f32 to vector<1x6912xf32>
    %dot_general3A_573 = arith.constant dense<0.000000e+00> : vector<1x128xf32>
    %dot_general3A_574 = tpu.matmul %broadcast_in_dim3A_572, %select_n3A_570, %dot_general3A_573 {dimension_numbers = #tpu.dot_dimension_numbers<[1], [0], [0], [1], [0, 0, 1, 1], [], []>, transpose_lhs_hint = false} : vector<1x6912xf32>, vector<6912x128xf32>, vector<1x128xf32> -> vector<1x128xf32>
    %add3A_575 = arith.addf %add3A_561, %dot_general3A_574 : vector<1x128xf32>
    %convert_element_type3A_576 = arith.fptosi %add3A_575 : vector<1x128xf32> to vector<1x128xi32>
    %swap3A_577 = arith.constant 0 : index
    %swap3A_578 = arith.constant 0 : index
    %swap3A_579 = arith.constant 1152 : index
    %swap3A_580 = vector.load %arg3[%swap3A_577, %swap3A_578, %swap3A_579] : memref<1x1x8192xi32, #tpu.memory_space<vmem>>, vector<1x1x128xi32>
    %swap3A_581 = vector.shape_cast %swap3A_580 : vector<1x1x128xi32> to vector<1x128xi32>
    %swap3A_582 = vector.shape_cast %convert_element_type3A_576 : vector<1x128xi32> to vector<1x1x128xi32>
    tpu.vector_store %arg3[%swap3A_577, %swap3A_578, %swap3A_579], %swap3A_582 {strides = array<i32>} : memref<1x1x8192xi32, #tpu.memory_space<vmem>>, vector<1x1x128xi32>,
    %slice3A_583 = vector.extract_strided_slice %concatenate3A_60 {offsets = [0, 1280], sizes = [1, 128], strides = [1, 1]} : vector<1x8192xf32> to vector<1x128xf32>
    %slice3A_584 = vector.extract_strided_slice %reshape3A {offsets = [1280, 0], sizes = [128, 1], strides = [1, 1]} : vector<8192x1xf32> to vector<128x1xf32>
    %gt3A_585 = vector.broadcast %slice3A_584 : vector<128x1xf32> to vector<128x128xf32>
    %gt3A_586 = vector.broadcast %slice3A_583 : vector<1x128xf32> to vector<128x128xf32>
    %gt3A_587 = arith.cmpf ogt, %gt3A_585, %gt3A_586 : vector<128x128xf32>
    %eq3A_588 = vector.broadcast %slice3A_584 : vector<128x1xf32> to vector<128x128xf32>
    %eq3A_589 = vector.broadcast %slice3A_583 : vector<1x128xf32> to vector<128x128xf32>
    %eq3A_590 = arith.cmpf oeq, %eq3A_588, %eq3A_589 : vector<128x128xf32>
    %and3A_591 = arith.andi %eq3A_590, %lt3A : vector<128x128xi1>
    %or3A_592 = arith.ori %gt3A_587, %and3A_591 : vector<128x128xi1>
    %jit3A_593 = arith.constant 1.000000e+00 : f32
    %jit3A_594 = arith.constant 0.000000e+00 : f32
    %broadcast_in_dim3A_595 = vector.broadcast %jit3A_593 : f32 to vector<128x128xf32>
    %broadcast_in_dim3A_596 = vector.broadcast %jit3A_594 : f32 to vector<128x128xf32>
    %select_n3A_597 = arith.select %or3A_592, %broadcast_in_dim3A_595, %broadcast_in_dim3A_596 : vector<128x128xi1>, vector<128x128xf32>
    %broadcast_in_dim3A_598 = arith.constant 1.000000e+00 : f32
    %broadcast_in_dim3A_599 = vector.broadcast %broadcast_in_dim3A_598 : f32 to vector<1x128xf32>
    %dot_general3A_600 = arith.constant dense<0.000000e+00> : vector<1x128xf32>
    %dot_general3A_601 = tpu.matmul %broadcast_in_dim3A_599, %select_n3A_597, %dot_general3A_600 {dimension_numbers = #tpu.dot_dimension_numbers<[1], [0], [0], [1], [0, 0, 1, 1], [], []>, transpose_lhs_hint = false} : vector<1x128xf32>, vector<128x128xf32>, vector<1x128xf32> -> vector<1x128xf32>
    %slice3A_602 = vector.extract_strided_slice %reshape3A {offsets = [0, 0], sizes = [1280, 1], strides = [1, 1]} : vector<8192x1xf32> to vector<1280x1xf32>
    %ge3A_603 = vector.broadcast %slice3A_602 : vector<1280x1xf32> to vector<1280x128xf32>
    %ge3A_604 = vector.broadcast %slice3A_583 : vector<1x128xf32> to vector<1280x128xf32>
    %ge3A_605 = arith.cmpf oge, %ge3A_603, %ge3A_604 : vector<1280x128xf32>
    %jit3A_606 = arith.constant 1.000000e+00 : f32
    %jit3A_607 = arith.constant 0.000000e+00 : f32
    %broadcast_in_dim3A_608 = vector.broadcast %jit3A_606 : f32 to vector<1280x128xf32>
    %broadcast_in_dim3A_609 = vector.broadcast %jit3A_607 : f32 to vector<1280x128xf32>
    %select_n3A_610 = arith.select %ge3A_605, %broadcast_in_dim3A_608, %broadcast_in_dim3A_609 : vector<1280x128xi1>, vector<1280x128xf32>
    %broadcast_in_dim3A_611 = arith.constant 1.000000e+00 : f32
    %broadcast_in_dim3A_612 = vector.broadcast %broadcast_in_dim3A_611 : f32 to vector<1x1280xf32>
    %dot_general3A_613 = arith.constant dense<0.000000e+00> : vector<1x128xf32>
    %dot_general3A_614 = tpu.matmul %broadcast_in_dim3A_612, %select_n3A_610, %dot_general3A_613 {dimension_numbers = #tpu.dot_dimension_numbers<[1], [0], [0], [1], [0, 0, 1, 1], [], []>, transpose_lhs_hint = false} : vector<1x1280xf32>, vector<1280x128xf32>, vector<1x128xf32> -> vector<1x128xf32>
    %add3A_615 = arith.addf %dot_general3A_601, %dot_general3A_614 : vector<1x128xf32>
    %slice3A_616 = vector.extract_strided_slice %reshape3A {offsets = [1408, 0], sizes = [6784, 1], strides = [1, 1]} : vector<8192x1xf32> to vector<6784x1xf32>
    %gt3A_617 = vector.broadcast %slice3A_616 : vector<6784x1xf32> to vector<6784x128xf32>
    %gt3A_618 = vector.broadcast %slice3A_583 : vector<1x128xf32> to vector<6784x128xf32>
    %gt3A_619 = arith.cmpf ogt, %gt3A_617, %gt3A_618 : vector<6784x128xf32>
    %jit3A_620 = arith.constant 1.000000e+00 : f32
    %jit3A_621 = arith.constant 0.000000e+00 : f32
    %broadcast_in_dim3A_622 = vector.broadcast %jit3A_620 : f32 to vector<6784x128xf32>
    %broadcast_in_dim3A_623 = vector.broadcast %jit3A_621 : f32 to vector<6784x128xf32>
    %select_n3A_624 = arith.select %gt3A_619, %broadcast_in_dim3A_622, %broadcast_in_dim3A_623 : vector<6784x128xi1>, vector<6784x128xf32>
    %broadcast_in_dim3A_625 = arith.constant 1.000000e+00 : f32
    %broadcast_in_dim3A_626 = vector.broadcast %broadcast_in_dim3A_625 : f32 to vector<1x6784xf32>
    %dot_general3A_627 = arith.constant dense<0.000000e+00> : vector<1x128xf32>
    %dot_general3A_628 = tpu.matmul %broadcast_in_dim3A_626, %select_n3A_624, %dot_general3A_627 {dimension_numbers = #tpu.dot_dimension_numbers<[1], [0], [0], [1], [0, 0, 1, 1], [], []>, transpose_lhs_hint = false} : vector<1x6784xf32>, vector<6784x128xf32>, vector<1x128xf32> -> vector<1x128xf32>
    %add3A_629 = arith.addf %add3A_615, %dot_general3A_628 : vector<1x128xf32>
    %convert_element_type3A_630 = arith.fptosi %add3A_629 : vector<1x128xf32> to vector<1x128xi32>
    %swap3A_631 = arith.constant 0 : index
    %swap3A_632 = arith.constant 0 : index
    %swap3A_633 = arith.constant 1280 : index
    %swap3A_634 = vector.load %arg3[%swap3A_631, %swap3A_632, %swap3A_633] : memref<1x1x8192xi32, #tpu.memory_space<vmem>>, vector<1x1x128xi32>
    %swap3A_635 = vector.shape_cast %swap3A_634 : vector<1x1x128xi32> to vector<1x128xi32>
    %swap3A_636 = vector.shape_cast %convert_element_type3A_630 : vector<1x128xi32> to vector<1x1x128xi32>
    tpu.vector_store %arg3[%swap3A_631, %swap3A_632, %swap3A_633], %swap3A_636 {strides = array<i32>} : memref<1x1x8192xi32, #tpu.memory_space<vmem>>, vector<1x1x128xi32>,
    %slice3A_637 = vector.extract_strided_slice %concatenate3A_60 {offsets = [0, 1408], sizes = [1, 128], strides = [1, 1]} : vector<1x8192xf32> to vector<1x128xf32>
    %slice3A_638 = vector.extract_strided_slice %reshape3A {offsets = [1408, 0], sizes = [128, 1], strides = [1, 1]} : vector<8192x1xf32> to vector<128x1xf32>
    %gt3A_639 = vector.broadcast %slice3A_638 : vector<128x1xf32> to vector<128x128xf32>
    %gt3A_640 = vector.broadcast %slice3A_637 : vector<1x128xf32> to vector<128x128xf32>
    %gt3A_641 = arith.cmpf ogt, %gt3A_639, %gt3A_640 : vector<128x128xf32>
    %eq3A_642 = vector.broadcast %slice3A_638 : vector<128x1xf32> to vector<128x128xf32>
    %eq3A_643 = vector.broadcast %slice3A_637 : vector<1x128xf32> to vector<128x128xf32>
    %eq3A_644 = arith.cmpf oeq, %eq3A_642, %eq3A_643 : vector<128x128xf32>
    %and3A_645 = arith.andi %eq3A_644, %lt3A : vector<128x128xi1>
    %or3A_646 = arith.ori %gt3A_641, %and3A_645 : vector<128x128xi1>
    %jit3A_647 = arith.constant 1.000000e+00 : f32
    %jit3A_648 = arith.constant 0.000000e+00 : f32
    %broadcast_in_dim3A_649 = vector.broadcast %jit3A_647 : f32 to vector<128x128xf32>
    %broadcast_in_dim3A_650 = vector.broadcast %jit3A_648 : f32 to vector<128x128xf32>
    %select_n3A_651 = arith.select %or3A_646, %broadcast_in_dim3A_649, %broadcast_in_dim3A_650 : vector<128x128xi1>, vector<128x128xf32>
    %broadcast_in_dim3A_652 = arith.constant 1.000000e+00 : f32
    %broadcast_in_dim3A_653 = vector.broadcast %broadcast_in_dim3A_652 : f32 to vector<1x128xf32>
    %dot_general3A_654 = arith.constant dense<0.000000e+00> : vector<1x128xf32>
    %dot_general3A_655 = tpu.matmul %broadcast_in_dim3A_653, %select_n3A_651, %dot_general3A_654 {dimension_numbers = #tpu.dot_dimension_numbers<[1], [0], [0], [1], [0, 0, 1, 1], [], []>, transpose_lhs_hint = false} : vector<1x128xf32>, vector<128x128xf32>, vector<1x128xf32> -> vector<1x128xf32>
    %slice3A_656 = vector.extract_strided_slice %reshape3A {offsets = [0, 0], sizes = [1408, 1], strides = [1, 1]} : vector<8192x1xf32> to vector<1408x1xf32>
    %ge3A_657 = vector.broadcast %slice3A_656 : vector<1408x1xf32> to vector<1408x128xf32>
    %ge3A_658 = vector.broadcast %slice3A_637 : vector<1x128xf32> to vector<1408x128xf32>
    %ge3A_659 = arith.cmpf oge, %ge3A_657, %ge3A_658 : vector<1408x128xf32>
    %jit3A_660 = arith.constant 1.000000e+00 : f32
    %jit3A_661 = arith.constant 0.000000e+00 : f32
    %broadcast_in_dim3A_662 = vector.broadcast %jit3A_660 : f32 to vector<1408x128xf32>
    %broadcast_in_dim3A_663 = vector.broadcast %jit3A_661 : f32 to vector<1408x128xf32>
    %select_n3A_664 = arith.select %ge3A_659, %broadcast_in_dim3A_662, %broadcast_in_dim3A_663 : vector<1408x128xi1>, vector<1408x128xf32>
    %broadcast_in_dim3A_665 = arith.constant 1.000000e+00 : f32
    %broadcast_in_dim3A_666 = vector.broadcast %broadcast_in_dim3A_665 : f32 to vector<1x1408xf32>
    %dot_general3A_667 = arith.constant dense<0.000000e+00> : vector<1x128xf32>
    %dot_general3A_668 = tpu.matmul %broadcast_in_dim3A_666, %select_n3A_664, %dot_general3A_667 {dimension_numbers = #tpu.dot_dimension_numbers<[1], [0], [0], [1], [0, 0, 1, 1], [], []>, transpose_lhs_hint = false} : vector<1x1408xf32>, vector<1408x128xf32>, vector<1x128xf32> -> vector<1x128xf32>
    %add3A_669 = arith.addf %dot_general3A_655, %dot_general3A_668 : vector<1x128xf32>
    %slice3A_670 = vector.extract_strided_slice %reshape3A {offsets = [1536, 0], sizes = [6656, 1], strides = [1, 1]} : vector<8192x1xf32> to vector<6656x1xf32>
    %gt3A_671 = vector.broadcast %slice3A_670 : vector<6656x1xf32> to vector<6656x128xf32>
    %gt3A_672 = vector.broadcast %slice3A_637 : vector<1x128xf32> to vector<6656x128xf32>
    %gt3A_673 = arith.cmpf ogt, %gt3A_671, %gt3A_672 : vector<6656x128xf32>
    %jit3A_674 = arith.constant 1.000000e+00 : f32
    %jit3A_675 = arith.constant 0.000000e+00 : f32
    %broadcast_in_dim3A_676 = vector.broadcast %jit3A_674 : f32 to vector<6656x128xf32>
    %broadcast_in_dim3A_677 = vector.broadcast %jit3A_675 : f32 to vector<6656x128xf32>
    %select_n3A_678 = arith.select %gt3A_673, %broadcast_in_dim3A_676, %broadcast_in_dim3A_677 : vector<6656x128xi1>, vector<6656x128xf32>
    %broadcast_in_dim3A_679 = arith.constant 1.000000e+00 : f32
    %broadcast_in_dim3A_680 = vector.broadcast %broadcast_in_dim3A_679 : f32 to vector<1x6656xf32>
    %dot_general3A_681 = arith.constant dense<0.000000e+00> : vector<1x128xf32>
    %dot_general3A_682 = tpu.matmul %broadcast_in_dim3A_680, %select_n3A_678, %dot_general3A_681 {dimension_numbers = #tpu.dot_dimension_numbers<[1], [0], [0], [1], [0, 0, 1, 1], [], []>, transpose_lhs_hint = false} : vector<1x6656xf32>, vector<6656x128xf32>, vector<1x128xf32> -> vector<1x128xf32>
    %add3A_683 = arith.addf %add3A_669, %dot_general3A_682 : vector<1x128xf32>
    %convert_element_type3A_684 = arith.fptosi %add3A_683 : vector<1x128xf32> to vector<1x128xi32>
    %swap3A_685 = arith.constant 0 : index
    %swap3A_686 = arith.constant 0 : index
    %swap3A_687 = arith.constant 1408 : index
    %swap3A_688 = vector.load %arg3[%swap3A_685, %swap3A_686, %swap3A_687] : memref<1x1x8192xi32, #tpu.memory_space<vmem>>, vector<1x1x128xi32>
    %swap3A_689 = vector.shape_cast %swap3A_688 : vector<1x1x128xi32> to vector<1x128xi32>
    %swap3A_690 = vector.shape_cast %convert_element_type3A_684 : vector<1x128xi32> to vector<1x1x128xi32>
    tpu.vector_store %arg3[%swap3A_685, %swap3A_686, %swap3A_687], %swap3A_690 {strides = array<i32>} : memref<1x1x8192xi32, #tpu.memory_space<vmem>>, vector<1x1x128xi32>,
    %slice3A_691 = vector.extract_strided_slice %concatenate3A_60 {offsets = [0, 1536], sizes = [1, 128], strides = [1, 1]} : vector<1x8192xf32> to vector<1x128xf32>
    %slice3A_692 = vector.extract_strided_slice %reshape3A {offsets = [1536, 0], sizes = [128, 1], strides = [1, 1]} : vector<8192x1xf32> to vector<128x1xf32>
    %gt3A_693 = vector.broadcast %slice3A_692 : vector<128x1xf32> to vector<128x128xf32>
    %gt3A_694 = vector.broadcast %slice3A_691 : vector<1x128xf32> to vector<128x128xf32>
    %gt3A_695 = arith.cmpf ogt, %gt3A_693, %gt3A_694 : vector<128x128xf32>
    %eq3A_696 = vector.broadcast %slice3A_692 : vector<128x1xf32> to vector<128x128xf32>
    %eq3A_697 = vector.broadcast %slice3A_691 : vector<1x128xf32> to vector<128x128xf32>
    %eq3A_698 = arith.cmpf oeq, %eq3A_696, %eq3A_697 : vector<128x128xf32>
    %and3A_699 = arith.andi %eq3A_698, %lt3A : vector<128x128xi1>
    %or3A_700 = arith.ori %gt3A_695, %and3A_699 : vector<128x128xi1>
    %jit3A_701 = arith.constant 1.000000e+00 : f32
    %jit3A_702 = arith.constant 0.000000e+00 : f32
    %broadcast_in_dim3A_703 = vector.broadcast %jit3A_701 : f32 to vector<128x128xf32>
    %broadcast_in_dim3A_704 = vector.broadcast %jit3A_702 : f32 to vector<128x128xf32>
    %select_n3A_705 = arith.select %or3A_700, %broadcast_in_dim3A_703, %broadcast_in_dim3A_704 : vector<128x128xi1>, vector<128x128xf32>
    %broadcast_in_dim3A_706 = arith.constant 1.000000e+00 : f32
    %broadcast_in_dim3A_707 = vector.broadcast %broadcast_in_dim3A_706 : f32 to vector<1x128xf32>
    %dot_general3A_708 = arith.constant dense<0.000000e+00> : vector<1x128xf32>
    %dot_general3A_709 = tpu.matmul %broadcast_in_dim3A_707, %select_n3A_705, %dot_general3A_708 {dimension_numbers = #tpu.dot_dimension_numbers<[1], [0], [0], [1], [0, 0, 1, 1], [], []>, transpose_lhs_hint = false} : vector<1x128xf32>, vector<128x128xf32>, vector<1x128xf32> -> vector<1x128xf32>
    %slice3A_710 = vector.extract_strided_slice %reshape3A {offsets = [0, 0], sizes = [1536, 1], strides = [1, 1]} : vector<8192x1xf32> to vector<1536x1xf32>
    %ge3A_711 = vector.broadcast %slice3A_710 : vector<1536x1xf32> to vector<1536x128xf32>
    %ge3A_712 = vector.broadcast %slice3A_691 : vector<1x128xf32> to vector<1536x128xf32>
    %ge3A_713 = arith.cmpf oge, %ge3A_711, %ge3A_712 : vector<1536x128xf32>
    %jit3A_714 = arith.constant 1.000000e+00 : f32
    %jit3A_715 = arith.constant 0.000000e+00 : f32
    %broadcast_in_dim3A_716 = vector.broadcast %jit3A_714 : f32 to vector<1536x128xf32>
    %broadcast_in_dim3A_717 = vector.broadcast %jit3A_715 : f32 to vector<1536x128xf32>
    %select_n3A_718 = arith.select %ge3A_713, %broadcast_in_dim3A_716, %broadcast_in_dim3A_717 : vector<1536x128xi1>, vector<1536x128xf32>
    %broadcast_in_dim3A_719 = arith.constant 1.000000e+00 : f32
    %broadcast_in_dim3A_720 = vector.broadcast %broadcast_in_dim3A_719 : f32 to vector<1x1536xf32>
    %dot_general3A_721 = arith.constant dense<0.000000e+00> : vector<1x128xf32>
    %dot_general3A_722 = tpu.matmul %broadcast_in_dim3A_720, %select_n3A_718, %dot_general3A_721 {dimension_numbers = #tpu.dot_dimension_numbers<[1], [0], [0], [1], [0, 0, 1, 1], [], []>, transpose_lhs_hint = false} : vector<1x1536xf32>, vector<1536x128xf32>, vector<1x128xf32> -> vector<1x128xf32>
    %add3A_723 = arith.addf %dot_general3A_709, %dot_general3A_722 : vector<1x128xf32>
    %slice3A_724 = vector.extract_strided_slice %reshape3A {offsets = [1664, 0], sizes = [6528, 1], strides = [1, 1]} : vector<8192x1xf32> to vector<6528x1xf32>
    %gt3A_725 = vector.broadcast %slice3A_724 : vector<6528x1xf32> to vector<6528x128xf32>
    %gt3A_726 = vector.broadcast %slice3A_691 : vector<1x128xf32> to vector<6528x128xf32>
    %gt3A_727 = arith.cmpf ogt, %gt3A_725, %gt3A_726 : vector<6528x128xf32>
    %jit3A_728 = arith.constant 1.000000e+00 : f32
    %jit3A_729 = arith.constant 0.000000e+00 : f32
    %broadcast_in_dim3A_730 = vector.broadcast %jit3A_728 : f32 to vector<6528x128xf32>
    %broadcast_in_dim3A_731 = vector.broadcast %jit3A_729 : f32 to vector<6528x128xf32>
    %select_n3A_732 = arith.select %gt3A_727, %broadcast_in_dim3A_730, %broadcast_in_dim3A_731 : vector<6528x128xi1>, vector<6528x128xf32>
    %broadcast_in_dim3A_733 = arith.constant 1.000000e+00 : f32
    %broadcast_in_dim3A_734 = vector.broadcast %broadcast_in_dim3A_733 : f32 to vector<1x6528xf32>
    %dot_general3A_735 = arith.constant dense<0.000000e+00> : vector<1x128xf32>
    %dot_general3A_736 = tpu.matmul %broadcast_in_dim3A_734, %select_n3A_732, %dot_general3A_735 {dimension_numbers = #tpu.dot_dimension_numbers<[1], [0], [0], [1], [0, 0, 1, 1], [], []>, transpose_lhs_hint = false} : vector<1x6528xf32>, vector<6528x128xf32>, vector<1x128xf32> -> vector<1x128xf32>
    %add3A_737 = arith.addf %add3A_723, %dot_general3A_736 : vector<1x128xf32>
    %convert_element_type3A_738 = arith.fptosi %add3A_737 : vector<1x128xf32> to vector<1x128xi32>
    %swap3A_739 = arith.constant 0 : index
    %swap3A_740 = arith.constant 0 : index
    %swap3A_741 = arith.constant 1536 : index
    %swap3A_742 = vector.load %arg3[%swap3A_739, %swap3A_740, %swap3A_741] : memref<1x1x8192xi32, #tpu.memory_space<vmem>>, vector<1x1x128xi32>
    %swap3A_743 = vector.shape_cast %swap3A_742 : vector<1x1x128xi32> to vector<1x128xi32>
    %swap3A_744 = vector.shape_cast %convert_element_type3A_738 : vector<1x128xi32> to vector<1x1x128xi32>
    tpu.vector_store %arg3[%swap3A_739, %swap3A_740, %swap3A_741], %swap3A_744 {strides = array<i32>} : memref<1x1x8192xi32, #tpu.memory_space<vmem>>, vector<1x1x128xi32>,
    %slice3A_745 = vector.extract_strided_slice %concatenate3A_60 {offsets = [0, 1664], sizes = [1, 128], strides = [1, 1]} : vector<1x8192xf32> to vector<1x128xf32>
    %slice3A_746 = vector.extract_strided_slice %reshape3A {offsets = [1664, 0], sizes = [128, 1], strides = [1, 1]} : vector<8192x1xf32> to vector<128x1xf32>
    %gt3A_747 = vector.broadcast %slice3A_746 : vector<128x1xf32> to vector<128x128xf32>
    %gt3A_748 = vector.broadcast %slice3A_745 : vector<1x128xf32> to vector<128x128xf32>
    %gt3A_749 = arith.cmpf ogt, %gt3A_747, %gt3A_748 : vector<128x128xf32>
    %eq3A_750 = vector.broadcast %slice3A_746 : vector<128x1xf32> to vector<128x128xf32>
    %eq3A_751 = vector.broadcast %slice3A_745 : vector<1x128xf32> to vector<128x128xf32>
    %eq3A_752 = arith.cmpf oeq, %eq3A_750, %eq3A_751 : vector<128x128xf32>
    %and3A_753 = arith.andi %eq3A_752, %lt3A : vector<128x128xi1>
    %or3A_754 = arith.ori %gt3A_749, %and3A_753 : vector<128x128xi1>
    %jit3A_755 = arith.constant 1.000000e+00 : f32
    %jit3A_756 = arith.constant 0.000000e+00 : f32
    %broadcast_in_dim3A_757 = vector.broadcast %jit3A_755 : f32 to vector<128x128xf32>
    %broadcast_in_dim3A_758 = vector.broadcast %jit3A_756 : f32 to vector<128x128xf32>
    %select_n3A_759 = arith.select %or3A_754, %broadcast_in_dim3A_757, %broadcast_in_dim3A_758 : vector<128x128xi1>, vector<128x128xf32>
    %broadcast_in_dim3A_760 = arith.constant 1.000000e+00 : f32
    %broadcast_in_dim3A_761 = vector.broadcast %broadcast_in_dim3A_760 : f32 to vector<1x128xf32>
    %dot_general3A_762 = arith.constant dense<0.000000e+00> : vector<1x128xf32>
    %dot_general3A_763 = tpu.matmul %broadcast_in_dim3A_761, %select_n3A_759, %dot_general3A_762 {dimension_numbers = #tpu.dot_dimension_numbers<[1], [0], [0], [1], [0, 0, 1, 1], [], []>, transpose_lhs_hint = false} : vector<1x128xf32>, vector<128x128xf32>, vector<1x128xf32> -> vector<1x128xf32>
    %slice3A_764 = vector.extract_strided_slice %reshape3A {offsets = [0, 0], sizes = [1664, 1], strides = [1, 1]} : vector<8192x1xf32> to vector<1664x1xf32>
    %ge3A_765 = vector.broadcast %slice3A_764 : vector<1664x1xf32> to vector<1664x128xf32>
    %ge3A_766 = vector.broadcast %slice3A_745 : vector<1x128xf32> to vector<1664x128xf32>
    %ge3A_767 = arith.cmpf oge, %ge3A_765, %ge3A_766 : vector<1664x128xf32>
    %jit3A_768 = arith.constant 1.000000e+00 : f32
    %jit3A_769 = arith.constant 0.000000e+00 : f32
    %broadcast_in_dim3A_770 = vector.broadcast %jit3A_768 : f32 to vector<1664x128xf32>
    %broadcast_in_dim3A_771 = vector.broadcast %jit3A_769 : f32 to vector<1664x128xf32>
    %select_n3A_772 = arith.select %ge3A_767, %broadcast_in_dim3A_770, %broadcast_in_dim3A_771 : vector<1664x128xi1>, vector<1664x128xf32>
    %broadcast_in_dim3A_773 = arith.constant 1.000000e+00 : f32
    %broadcast_in_dim3A_774 = vector.broadcast %broadcast_in_dim3A_773 : f32 to vector<1x1664xf32>
    %dot_general3A_775 = arith.constant dense<0.000000e+00> : vector<1x128xf32>
    %dot_general3A_776 = tpu.matmul %broadcast_in_dim3A_774, %select_n3A_772, %dot_general3A_775 {dimension_numbers = #tpu.dot_dimension_numbers<[1], [0], [0], [1], [0, 0, 1, 1], [], []>, transpose_lhs_hint = false} : vector<1x1664xf32>, vector<1664x128xf32>, vector<1x128xf32> -> vector<1x128xf32>
    %add3A_777 = arith.addf %dot_general3A_763, %dot_general3A_776 : vector<1x128xf32>
    %slice3A_778 = vector.extract_strided_slice %reshape3A {offsets = [1792, 0], sizes = [6400, 1], strides = [1, 1]} : vector<8192x1xf32> to vector<6400x1xf32>
    %gt3A_779 = vector.broadcast %slice3A_778 : vector<6400x1xf32> to vector<6400x128xf32>
    %gt3A_780 = vector.broadcast %slice3A_745 : vector<1x128xf32> to vector<6400x128xf32>
    %gt3A_781 = arith.cmpf ogt, %gt3A_779, %gt3A_780 : vector<6400x128xf32>
    %jit3A_782 = arith.constant 1.000000e+00 : f32
    %jit3A_783 = arith.constant 0.000000e+00 : f32
    %broadcast_in_dim3A_784 = vector.broadcast %jit3A_782 : f32 to vector<6400x128xf32>
    %broadcast_in_dim3A_785 = vector.broadcast %jit3A_783 : f32 to vector<6400x128xf32>
    %select_n3A_786 = arith.select %gt3A_781, %broadcast_in_dim3A_784, %broadcast_in_dim3A_785 : vector<6400x128xi1>, vector<6400x128xf32>
    %broadcast_in_dim3A_787 = arith.constant 1.000000e+00 : f32
    %broadcast_in_dim3A_788 = vector.broadcast %broadcast_in_dim3A_787 : f32 to vector<1x6400xf32>
    %dot_general3A_789 = arith.constant dense<0.000000e+00> : vector<1x128xf32>
    %dot_general3A_790 = tpu.matmul %broadcast_in_dim3A_788, %select_n3A_786, %dot_general3A_789 {dimension_numbers = #tpu.dot_dimension_numbers<[1], [0], [0], [1], [0, 0, 1, 1], [], []>, transpose_lhs_hint = false} : vector<1x6400xf32>, vector<6400x128xf32>, vector<1x128xf32> -> vector<1x128xf32>
    %add3A_791 = arith.addf %add3A_777, %dot_general3A_790 : vector<1x128xf32>
    %convert_element_type3A_792 = arith.fptosi %add3A_791 : vector<1x128xf32> to vector<1x128xi32>
    %swap3A_793 = arith.constant 0 : index
    %swap3A_794 = arith.constant 0 : index
    %swap3A_795 = arith.constant 1664 : index
    %swap3A_796 = vector.load %arg3[%swap3A_793, %swap3A_794, %swap3A_795] : memref<1x1x8192xi32, #tpu.memory_space<vmem>>, vector<1x1x128xi32>
    %swap3A_797 = vector.shape_cast %swap3A_796 : vector<1x1x128xi32> to vector<1x128xi32>
    %swap3A_798 = vector.shape_cast %convert_element_type3A_792 : vector<1x128xi32> to vector<1x1x128xi32>
    tpu.vector_store %arg3[%swap3A_793, %swap3A_794, %swap3A_795], %swap3A_798 {strides = array<i32>} : memref<1x1x8192xi32, #tpu.memory_space<vmem>>, vector<1x1x128xi32>,
    %slice3A_799 = vector.extract_strided_slice %concatenate3A_60 {offsets = [0, 1792], sizes = [1, 128], strides = [1, 1]} : vector<1x8192xf32> to vector<1x128xf32>
    %slice3A_800 = vector.extract_strided_slice %reshape3A {offsets = [1792, 0], sizes = [128, 1], strides = [1, 1]} : vector<8192x1xf32> to vector<128x1xf32>
    %gt3A_801 = vector.broadcast %slice3A_800 : vector<128x1xf32> to vector<128x128xf32>
    %gt3A_802 = vector.broadcast %slice3A_799 : vector<1x128xf32> to vector<128x128xf32>
    %gt3A_803 = arith.cmpf ogt, %gt3A_801, %gt3A_802 : vector<128x128xf32>
    %eq3A_804 = vector.broadcast %slice3A_800 : vector<128x1xf32> to vector<128x128xf32>
    %eq3A_805 = vector.broadcast %slice3A_799 : vector<1x128xf32> to vector<128x128xf32>
    %eq3A_806 = arith.cmpf oeq, %eq3A_804, %eq3A_805 : vector<128x128xf32>
    %and3A_807 = arith.andi %eq3A_806, %lt3A : vector<128x128xi1>
    %or3A_808 = arith.ori %gt3A_803, %and3A_807 : vector<128x128xi1>
    %jit3A_809 = arith.constant 1.000000e+00 : f32
    %jit3A_810 = arith.constant 0.000000e+00 : f32
    %broadcast_in_dim3A_811 = vector.broadcast %jit3A_809 : f32 to vector<128x128xf32>
    %broadcast_in_dim3A_812 = vector.broadcast %jit3A_810 : f32 to vector<128x128xf32>
    %select_n3A_813 = arith.select %or3A_808, %broadcast_in_dim3A_811, %broadcast_in_dim3A_812 : vector<128x128xi1>, vector<128x128xf32>
    %broadcast_in_dim3A_814 = arith.constant 1.000000e+00 : f32
    %broadcast_in_dim3A_815 = vector.broadcast %broadcast_in_dim3A_814 : f32 to vector<1x128xf32>
    %dot_general3A_816 = arith.constant dense<0.000000e+00> : vector<1x128xf32>
    %dot_general3A_817 = tpu.matmul %broadcast_in_dim3A_815, %select_n3A_813, %dot_general3A_816 {dimension_numbers = #tpu.dot_dimension_numbers<[1], [0], [0], [1], [0, 0, 1, 1], [], []>, transpose_lhs_hint = false} : vector<1x128xf32>, vector<128x128xf32>, vector<1x128xf32> -> vector<1x128xf32>
    %slice3A_818 = vector.extract_strided_slice %reshape3A {offsets = [0, 0], sizes = [1792, 1], strides = [1, 1]} : vector<8192x1xf32> to vector<1792x1xf32>
    %ge3A_819 = vector.broadcast %slice3A_818 : vector<1792x1xf32> to vector<1792x128xf32>
    %ge3A_820 = vector.broadcast %slice3A_799 : vector<1x128xf32> to vector<1792x128xf32>
    %ge3A_821 = arith.cmpf oge, %ge3A_819, %ge3A_820 : vector<1792x128xf32>
    %jit3A_822 = arith.constant 1.000000e+00 : f32
    %jit3A_823 = arith.constant 0.000000e+00 : f32
    %broadcast_in_dim3A_824 = vector.broadcast %jit3A_822 : f32 to vector<1792x128xf32>
    %broadcast_in_dim3A_825 = vector.broadcast %jit3A_823 : f32 to vector<1792x128xf32>
    %select_n3A_826 = arith.select %ge3A_821, %broadcast_in_dim3A_824, %broadcast_in_dim3A_825 : vector<1792x128xi1>, vector<1792x128xf32>
    %broadcast_in_dim3A_827 = arith.constant 1.000000e+00 : f32
    %broadcast_in_dim3A_828 = vector.broadcast %broadcast_in_dim3A_827 : f32 to vector<1x1792xf32>
    %dot_general3A_829 = arith.constant dense<0.000000e+00> : vector<1x128xf32>
    %dot_general3A_830 = tpu.matmul %broadcast_in_dim3A_828, %select_n3A_826, %dot_general3A_829 {dimension_numbers = #tpu.dot_dimension_numbers<[1], [0], [0], [1], [0, 0, 1, 1], [], []>, transpose_lhs_hint = false} : vector<1x1792xf32>, vector<1792x128xf32>, vector<1x128xf32> -> vector<1x128xf32>
    %add3A_831 = arith.addf %dot_general3A_817, %dot_general3A_830 : vector<1x128xf32>
    %slice3A_832 = vector.extract_strided_slice %reshape3A {offsets = [1920, 0], sizes = [6272, 1], strides = [1, 1]} : vector<8192x1xf32> to vector<6272x1xf32>
    %gt3A_833 = vector.broadcast %slice3A_832 : vector<6272x1xf32> to vector<6272x128xf32>
    %gt3A_834 = vector.broadcast %slice3A_799 : vector<1x128xf32> to vector<6272x128xf32>
    %gt3A_835 = arith.cmpf ogt, %gt3A_833, %gt3A_834 : vector<6272x128xf32>
    %jit3A_836 = arith.constant 1.000000e+00 : f32
    %jit3A_837 = arith.constant 0.000000e+00 : f32
    %broadcast_in_dim3A_838 = vector.broadcast %jit3A_836 : f32 to vector<6272x128xf32>
    %broadcast_in_dim3A_839 = vector.broadcast %jit3A_837 : f32 to vector<6272x128xf32>
    %select_n3A_840 = arith.select %gt3A_835, %broadcast_in_dim3A_838, %broadcast_in_dim3A_839 : vector<6272x128xi1>, vector<6272x128xf32>
    %broadcast_in_dim3A_841 = arith.constant 1.000000e+00 : f32
    %broadcast_in_dim3A_842 = vector.broadcast %broadcast_in_dim3A_841 : f32 to vector<1x6272xf32>
    %dot_general3A_843 = arith.constant dense<0.000000e+00> : vector<1x128xf32>
    %dot_general3A_844 = tpu.matmul %broadcast_in_dim3A_842, %select_n3A_840, %dot_general3A_843 {dimension_numbers = #tpu.dot_dimension_numbers<[1], [0], [0], [1], [0, 0, 1, 1], [], []>, transpose_lhs_hint = false} : vector<1x6272xf32>, vector<6272x128xf32>, vector<1x128xf32> -> vector<1x128xf32>
    %add3A_845 = arith.addf %add3A_831, %dot_general3A_844 : vector<1x128xf32>
    %convert_element_type3A_846 = arith.fptosi %add3A_845 : vector<1x128xf32> to vector<1x128xi32>
    %swap3A_847 = arith.constant 0 : index
    %swap3A_848 = arith.constant 0 : index
    %swap3A_849 = arith.constant 1792 : index
    %swap3A_850 = vector.load %arg3[%swap3A_847, %swap3A_848, %swap3A_849] : memref<1x1x8192xi32, #tpu.memory_space<vmem>>, vector<1x1x128xi32>
    %swap3A_851 = vector.shape_cast %swap3A_850 : vector<1x1x128xi32> to vector<1x128xi32>
    %swap3A_852 = vector.shape_cast %convert_element_type3A_846 : vector<1x128xi32> to vector<1x1x128xi32>
    tpu.vector_store %arg3[%swap3A_847, %swap3A_848, %swap3A_849], %swap3A_852 {strides = array<i32>} : memref<1x1x8192xi32, #tpu.memory_space<vmem>>, vector<1x1x128xi32>,
    %slice3A_853 = vector.extract_strided_slice %concatenate3A_60 {offsets = [0, 1920], sizes = [1, 128], strides = [1, 1]} : vector<1x8192xf32> to vector<1x128xf32>
    %slice3A_854 = vector.extract_strided_slice %reshape3A {offsets = [1920, 0], sizes = [128, 1], strides = [1, 1]} : vector<8192x1xf32> to vector<128x1xf32>
    %gt3A_855 = vector.broadcast %slice3A_854 : vector<128x1xf32> to vector<128x128xf32>
    %gt3A_856 = vector.broadcast %slice3A_853 : vector<1x128xf32> to vector<128x128xf32>
    %gt3A_857 = arith.cmpf ogt, %gt3A_855, %gt3A_856 : vector<128x128xf32>
    %eq3A_858 = vector.broadcast %slice3A_854 : vector<128x1xf32> to vector<128x128xf32>
    %eq3A_859 = vector.broadcast %slice3A_853 : vector<1x128xf32> to vector<128x128xf32>
    %eq3A_860 = arith.cmpf oeq, %eq3A_858, %eq3A_859 : vector<128x128xf32>
    %and3A_861 = arith.andi %eq3A_860, %lt3A : vector<128x128xi1>
    %or3A_862 = arith.ori %gt3A_857, %and3A_861 : vector<128x128xi1>
    %jit3A_863 = arith.constant 1.000000e+00 : f32
    %jit3A_864 = arith.constant 0.000000e+00 : f32
    %broadcast_in_dim3A_865 = vector.broadcast %jit3A_863 : f32 to vector<128x128xf32>
    %broadcast_in_dim3A_866 = vector.broadcast %jit3A_864 : f32 to vector<128x128xf32>
    %select_n3A_867 = arith.select %or3A_862, %broadcast_in_dim3A_865, %broadcast_in_dim3A_866 : vector<128x128xi1>, vector<128x128xf32>
    %broadcast_in_dim3A_868 = arith.constant 1.000000e+00 : f32
    %broadcast_in_dim3A_869 = vector.broadcast %broadcast_in_dim3A_868 : f32 to vector<1x128xf32>
    %dot_general3A_870 = arith.constant dense<0.000000e+00> : vector<1x128xf32>
    %dot_general3A_871 = tpu.matmul %broadcast_in_dim3A_869, %select_n3A_867, %dot_general3A_870 {dimension_numbers = #tpu.dot_dimension_numbers<[1], [0], [0], [1], [0, 0, 1, 1], [], []>, transpose_lhs_hint = false} : vector<1x128xf32>, vector<128x128xf32>, vector<1x128xf32> -> vector<1x128xf32>
    %slice3A_872 = vector.extract_strided_slice %reshape3A {offsets = [0, 0], sizes = [1920, 1], strides = [1, 1]} : vector<8192x1xf32> to vector<1920x1xf32>
    %ge3A_873 = vector.broadcast %slice3A_872 : vector<1920x1xf32> to vector<1920x128xf32>
    %ge3A_874 = vector.broadcast %slice3A_853 : vector<1x128xf32> to vector<1920x128xf32>
    %ge3A_875 = arith.cmpf oge, %ge3A_873, %ge3A_874 : vector<1920x128xf32>
    %jit3A_876 = arith.constant 1.000000e+00 : f32
    %jit3A_877 = arith.constant 0.000000e+00 : f32
    %broadcast_in_dim3A_878 = vector.broadcast %jit3A_876 : f32 to vector<1920x128xf32>
    %broadcast_in_dim3A_879 = vector.broadcast %jit3A_877 : f32 to vector<1920x128xf32>
    %select_n3A_880 = arith.select %ge3A_875, %broadcast_in_dim3A_878, %broadcast_in_dim3A_879 : vector<1920x128xi1>, vector<1920x128xf32>
    %broadcast_in_dim3A_881 = arith.constant 1.000000e+00 : f32
    %broadcast_in_dim3A_882 = vector.broadcast %broadcast_in_dim3A_881 : f32 to vector<1x1920xf32>
    %dot_general3A_883 = arith.constant dense<0.000000e+00> : vector<1x128xf32>
    %dot_general3A_884 = tpu.matmul %broadcast_in_dim3A_882, %select_n3A_880, %dot_general3A_883 {dimension_numbers = #tpu.dot_dimension_numbers<[1], [0], [0], [1], [0, 0, 1, 1], [], []>, transpose_lhs_hint = false} : vector<1x1920xf32>, vector<1920x128xf32>, vector<1x128xf32> -> vector<1x128xf32>
    %add3A_885 = arith.addf %dot_general3A_871, %dot_general3A_884 : vector<1x128xf32>
    %slice3A_886 = vector.extract_strided_slice %reshape3A {offsets = [2048, 0], sizes = [6144, 1], strides = [1, 1]} : vector<8192x1xf32> to vector<6144x1xf32>
    %gt3A_887 = vector.broadcast %slice3A_886 : vector<6144x1xf32> to vector<6144x128xf32>
    %gt3A_888 = vector.broadcast %slice3A_853 : vector<1x128xf32> to vector<6144x128xf32>
    %gt3A_889 = arith.cmpf ogt, %gt3A_887, %gt3A_888 : vector<6144x128xf32>
    %jit3A_890 = arith.constant 1.000000e+00 : f32
    %jit3A_891 = arith.constant 0.000000e+00 : f32
    %broadcast_in_dim3A_892 = vector.broadcast %jit3A_890 : f32 to vector<6144x128xf32>
    %broadcast_in_dim3A_893 = vector.broadcast %jit3A_891 : f32 to vector<6144x128xf32>
    %select_n3A_894 = arith.select %gt3A_889, %broadcast_in_dim3A_892, %broadcast_in_dim3A_893 : vector<6144x128xi1>, vector<6144x128xf32>
    %broadcast_in_dim3A_895 = arith.constant 1.000000e+00 : f32
    %broadcast_in_dim3A_896 = vector.broadcast %broadcast_in_dim3A_895 : f32 to vector<1x6144xf32>
    %dot_general3A_897 = arith.constant dense<0.000000e+00> : vector<1x128xf32>
    %dot_general3A_898 = tpu.matmul %broadcast_in_dim3A_896, %select_n3A_894, %dot_general3A_897 {dimension_numbers = #tpu.dot_dimension_numbers<[1], [0], [0], [1], [0, 0, 1, 1], [], []>, transpose_lhs_hint = false} : vector<1x6144xf32>, vector<6144x128xf32>, vector<1x128xf32> -> vector<1x128xf32>
    %add3A_899 = arith.addf %add3A_885, %dot_general3A_898 : vector<1x128xf32>
    %convert_element_type3A_900 = arith.fptosi %add3A_899 : vector<1x128xf32> to vector<1x128xi32>
    %swap3A_901 = arith.constant 0 : index
    %swap3A_902 = arith.constant 0 : index
    %swap3A_903 = arith.constant 1920 : index
    %swap3A_904 = vector.load %arg3[%swap3A_901, %swap3A_902, %swap3A_903] : memref<1x1x8192xi32, #tpu.memory_space<vmem>>, vector<1x1x128xi32>
    %swap3A_905 = vector.shape_cast %swap3A_904 : vector<1x1x128xi32> to vector<1x128xi32>
    %swap3A_906 = vector.shape_cast %convert_element_type3A_900 : vector<1x128xi32> to vector<1x1x128xi32>
    tpu.vector_store %arg3[%swap3A_901, %swap3A_902, %swap3A_903], %swap3A_906 {strides = array<i32>} : memref<1x1x8192xi32, #tpu.memory_space<vmem>>, vector<1x1x128xi32>,
    %slice3A_907 = vector.extract_strided_slice %concatenate3A_60 {offsets = [0, 2048], sizes = [1, 128], strides = [1, 1]} : vector<1x8192xf32> to vector<1x128xf32>
    %slice3A_908 = vector.extract_strided_slice %reshape3A {offsets = [2048, 0], sizes = [128, 1], strides = [1, 1]} : vector<8192x1xf32> to vector<128x1xf32>
    %gt3A_909 = vector.broadcast %slice3A_908 : vector<128x1xf32> to vector<128x128xf32>
    %gt3A_910 = vector.broadcast %slice3A_907 : vector<1x128xf32> to vector<128x128xf32>
    %gt3A_911 = arith.cmpf ogt, %gt3A_909, %gt3A_910 : vector<128x128xf32>
    %eq3A_912 = vector.broadcast %slice3A_908 : vector<128x1xf32> to vector<128x128xf32>
    %eq3A_913 = vector.broadcast %slice3A_907 : vector<1x128xf32> to vector<128x128xf32>
    %eq3A_914 = arith.cmpf oeq, %eq3A_912, %eq3A_913 : vector<128x128xf32>
    %and3A_915 = arith.andi %eq3A_914, %lt3A : vector<128x128xi1>
    %or3A_916 = arith.ori %gt3A_911, %and3A_915 : vector<128x128xi1>
    %jit3A_917 = arith.constant 1.000000e+00 : f32
    %jit3A_918 = arith.constant 0.000000e+00 : f32
    %broadcast_in_dim3A_919 = vector.broadcast %jit3A_917 : f32 to vector<128x128xf32>
    %broadcast_in_dim3A_920 = vector.broadcast %jit3A_918 : f32 to vector<128x128xf32>
    %select_n3A_921 = arith.select %or3A_916, %broadcast_in_dim3A_919, %broadcast_in_dim3A_920 : vector<128x128xi1>, vector<128x128xf32>
    %broadcast_in_dim3A_922 = arith.constant 1.000000e+00 : f32
    %broadcast_in_dim3A_923 = vector.broadcast %broadcast_in_dim3A_922 : f32 to vector<1x128xf32>
    %dot_general3A_924 = arith.constant dense<0.000000e+00> : vector<1x128xf32>
    %dot_general3A_925 = tpu.matmul %broadcast_in_dim3A_923, %select_n3A_921, %dot_general3A_924 {dimension_numbers = #tpu.dot_dimension_numbers<[1], [0], [0], [1], [0, 0, 1, 1], [], []>, transpose_lhs_hint = false} : vector<1x128xf32>, vector<128x128xf32>, vector<1x128xf32> -> vector<1x128xf32>
    %slice3A_926 = vector.extract_strided_slice %reshape3A {offsets = [0, 0], sizes = [2048, 1], strides = [1, 1]} : vector<8192x1xf32> to vector<2048x1xf32>
    %ge3A_927 = vector.broadcast %slice3A_926 : vector<2048x1xf32> to vector<2048x128xf32>
    %ge3A_928 = vector.broadcast %slice3A_907 : vector<1x128xf32> to vector<2048x128xf32>
    %ge3A_929 = arith.cmpf oge, %ge3A_927, %ge3A_928 : vector<2048x128xf32>
    %jit3A_930 = arith.constant 1.000000e+00 : f32
    %jit3A_931 = arith.constant 0.000000e+00 : f32
    %broadcast_in_dim3A_932 = vector.broadcast %jit3A_930 : f32 to vector<2048x128xf32>
    %broadcast_in_dim3A_933 = vector.broadcast %jit3A_931 : f32 to vector<2048x128xf32>
    %select_n3A_934 = arith.select %ge3A_929, %broadcast_in_dim3A_932, %broadcast_in_dim3A_933 : vector<2048x128xi1>, vector<2048x128xf32>
    %broadcast_in_dim3A_935 = arith.constant 1.000000e+00 : f32
    %broadcast_in_dim3A_936 = vector.broadcast %broadcast_in_dim3A_935 : f32 to vector<1x2048xf32>
    %dot_general3A_937 = arith.constant dense<0.000000e+00> : vector<1x128xf32>
    %dot_general3A_938 = tpu.matmul %broadcast_in_dim3A_936, %select_n3A_934, %dot_general3A_937 {dimension_numbers = #tpu.dot_dimension_numbers<[1], [0], [0], [1], [0, 0, 1, 1], [], []>, transpose_lhs_hint = false} : vector<1x2048xf32>, vector<2048x128xf32>, vector<1x128xf32> -> vector<1x128xf32>
    %add3A_939 = arith.addf %dot_general3A_925, %dot_general3A_938 : vector<1x128xf32>
    %slice3A_940 = vector.extract_strided_slice %reshape3A {offsets = [2176, 0], sizes = [6016, 1], strides = [1, 1]} : vector<8192x1xf32> to vector<6016x1xf32>
    %gt3A_941 = vector.broadcast %slice3A_940 : vector<6016x1xf32> to vector<6016x128xf32>
    %gt3A_942 = vector.broadcast %slice3A_907 : vector<1x128xf32> to vector<6016x128xf32>
    %gt3A_943 = arith.cmpf ogt, %gt3A_941, %gt3A_942 : vector<6016x128xf32>
    %jit3A_944 = arith.constant 1.000000e+00 : f32
    %jit3A_945 = arith.constant 0.000000e+00 : f32
    %broadcast_in_dim3A_946 = vector.broadcast %jit3A_944 : f32 to vector<6016x128xf32>
    %broadcast_in_dim3A_947 = vector.broadcast %jit3A_945 : f32 to vector<6016x128xf32>
    %select_n3A_948 = arith.select %gt3A_943, %broadcast_in_dim3A_946, %broadcast_in_dim3A_947 : vector<6016x128xi1>, vector<6016x128xf32>
    %broadcast_in_dim3A_949 = arith.constant 1.000000e+00 : f32
    %broadcast_in_dim3A_950 = vector.broadcast %broadcast_in_dim3A_949 : f32 to vector<1x6016xf32>
    %dot_general3A_951 = arith.constant dense<0.000000e+00> : vector<1x128xf32>
    %dot_general3A_952 = tpu.matmul %broadcast_in_dim3A_950, %select_n3A_948, %dot_general3A_951 {dimension_numbers = #tpu.dot_dimension_numbers<[1], [0], [0], [1], [0, 0, 1, 1], [], []>, transpose_lhs_hint = false} : vector<1x6016xf32>, vector<6016x128xf32>, vector<1x128xf32> -> vector<1x128xf32>
    %add3A_953 = arith.addf %add3A_939, %dot_general3A_952 : vector<1x128xf32>
    %convert_element_type3A_954 = arith.fptosi %add3A_953 : vector<1x128xf32> to vector<1x128xi32>
    %swap3A_955 = arith.constant 0 : index
    %swap3A_956 = arith.constant 0 : index
    %swap3A_957 = arith.constant 2048 : index
    %swap3A_958 = vector.load %arg3[%swap3A_955, %swap3A_956, %swap3A_957] : memref<1x1x8192xi32, #tpu.memory_space<vmem>>, vector<1x1x128xi32>
    %swap3A_959 = vector.shape_cast %swap3A_958 : vector<1x1x128xi32> to vector<1x128xi32>
    %swap3A_960 = vector.shape_cast %convert_element_type3A_954 : vector<1x128xi32> to vector<1x1x128xi32>
    tpu.vector_store %arg3[%swap3A_955, %swap3A_956, %swap3A_957], %swap3A_960 {strides = array<i32>} : memref<1x1x8192xi32, #tpu.memory_space<vmem>>, vector<1x1x128xi32>,
    %slice3A_961 = vector.extract_strided_slice %concatenate3A_60 {offsets = [0, 2176], sizes = [1, 128], strides = [1, 1]} : vector<1x8192xf32> to vector<1x128xf32>
    %slice3A_962 = vector.extract_strided_slice %reshape3A {offsets = [2176, 0], sizes = [128, 1], strides = [1, 1]} : vector<8192x1xf32> to vector<128x1xf32>
    %gt3A_963 = vector.broadcast %slice3A_962 : vector<128x1xf32> to vector<128x128xf32>
    %gt3A_964 = vector.broadcast %slice3A_961 : vector<1x128xf32> to vector<128x128xf32>
    %gt3A_965 = arith.cmpf ogt, %gt3A_963, %gt3A_964 : vector<128x128xf32>
    %eq3A_966 = vector.broadcast %slice3A_962 : vector<128x1xf32> to vector<128x128xf32>
    %eq3A_967 = vector.broadcast %slice3A_961 : vector<1x128xf32> to vector<128x128xf32>
    %eq3A_968 = arith.cmpf oeq, %eq3A_966, %eq3A_967 : vector<128x128xf32>
    %and3A_969 = arith.andi %eq3A_968, %lt3A : vector<128x128xi1>
    %or3A_970 = arith.ori %gt3A_965, %and3A_969 : vector<128x128xi1>
    %jit3A_971 = arith.constant 1.000000e+00 : f32
    %jit3A_972 = arith.constant 0.000000e+00 : f32
    %broadcast_in_dim3A_973 = vector.broadcast %jit3A_971 : f32 to vector<128x128xf32>
    %broadcast_in_dim3A_974 = vector.broadcast %jit3A_972 : f32 to vector<128x128xf32>
    %select_n3A_975 = arith.select %or3A_970, %broadcast_in_dim3A_973, %broadcast_in_dim3A_974 : vector<128x128xi1>, vector<128x128xf32>
    %broadcast_in_dim3A_976 = arith.constant 1.000000e+00 : f32
    %broadcast_in_dim3A_977 = vector.broadcast %broadcast_in_dim3A_976 : f32 to vector<1x128xf32>
    %dot_general3A_978 = arith.constant dense<0.000000e+00> : vector<1x128xf32>
    %dot_general3A_979 = tpu.matmul %broadcast_in_dim3A_977, %select_n3A_975, %dot_general3A_978 {dimension_numbers = #tpu.dot_dimension_numbers<[1], [0], [0], [1], [0, 0, 1, 1], [], []>, transpose_lhs_hint = false} : vector<1x128xf32>, vector<128x128xf32>, vector<1x128xf32> -> vector<1x128xf32>
    %slice3A_980 = vector.extract_strided_slice %reshape3A {offsets = [0, 0], sizes = [2176, 1], strides = [1, 1]} : vector<8192x1xf32> to vector<2176x1xf32>
    %ge3A_981 = vector.broadcast %slice3A_980 : vector<2176x1xf32> to vector<2176x128xf32>
    %ge3A_982 = vector.broadcast %slice3A_961 : vector<1x128xf32> to vector<2176x128xf32>
    %ge3A_983 = arith.cmpf oge, %ge3A_981, %ge3A_982 : vector<2176x128xf32>
    %jit3A_984 = arith.constant 1.000000e+00 : f32
    %jit3A_985 = arith.constant 0.000000e+00 : f32
    %broadcast_in_dim3A_986 = vector.broadcast %jit3A_984 : f32 to vector<2176x128xf32>
    %broadcast_in_dim3A_987 = vector.broadcast %jit3A_985 : f32 to vector<2176x128xf32>
    %select_n3A_988 = arith.select %ge3A_983, %broadcast_in_dim3A_986, %broadcast_in_dim3A_987 : vector<2176x128xi1>, vector<2176x128xf32>
    %broadcast_in_dim3A_989 = arith.constant 1.000000e+00 : f32
    %broadcast_in_dim3A_990 = vector.broadcast %broadcast_in_dim3A_989 : f32 to vector<1x2176xf32>
    %dot_general3A_991 = arith.constant dense<0.000000e+00> : vector<1x128xf32>
    %dot_general3A_992 = tpu.matmul %broadcast_in_dim3A_990, %select_n3A_988, %dot_general3A_991 {dimension_numbers = #tpu.dot_dimension_numbers<[1], [0], [0], [1], [0, 0, 1, 1], [], []>, transpose_lhs_hint = false} : vector<1x2176xf32>, vector<2176x128xf32>, vector<1x128xf32> -> vector<1x128xf32>
    %add3A_993 = arith.addf %dot_general3A_979, %dot_general3A_992 : vector<1x128xf32>
    %slice3A_994 = vector.extract_strided_slice %reshape3A {offsets = [2304, 0], sizes = [5888, 1], strides = [1, 1]} : vector<8192x1xf32> to vector<5888x1xf32>
    %gt3A_995 = vector.broadcast %slice3A_994 : vector<5888x1xf32> to vector<5888x128xf32>
    %gt3A_996 = vector.broadcast %slice3A_961 : vector<1x128xf32> to vector<5888x128xf32>
    %gt3A_997 = arith.cmpf ogt, %gt3A_995, %gt3A_996 : vector<5888x128xf32>
    %jit3A_998 = arith.constant 1.000000e+00 : f32
    %jit3A_999 = arith.constant 0.000000e+00 : f32
    %broadcast_in_dim3A_1000 = vector.broadcast %jit3A_998 : f32 to vector<5888x128xf32>
    %broadcast_in_dim3A_1001 = vector.broadcast %jit3A_999 : f32 to vector<5888x128xf32>
    %select_n3A_1002 = arith.select %gt3A_997, %broadcast_in_dim3A_1000, %broadcast_in_dim3A_1001 : vector<5888x128xi1>, vector<5888x128xf32>
    %broadcast_in_dim3A_1003 = arith.constant 1.000000e+00 : f32
    %broadcast_in_dim3A_1004 = vector.broadcast %broadcast_in_dim3A_1003 : f32 to vector<1x5888xf32>
    %dot_general3A_1005 = arith.constant dense<0.000000e+00> : vector<1x128xf32>
    %dot_general3A_1006 = tpu.matmul %broadcast_in_dim3A_1004, %select_n3A_1002, %dot_general3A_1005 {dimension_numbers = #tpu.dot_dimension_numbers<[1], [0], [0], [1], [0, 0, 1, 1], [], []>, transpose_lhs_hint = false} : vector<1x5888xf32>, vector<5888x128xf32>, vector<1x128xf32> -> vector<1x128xf32>
    %add3A_1007 = arith.addf %add3A_993, %dot_general3A_1006 : vector<1x128xf32>
    %convert_element_type3A_1008 = arith.fptosi %add3A_1007 : vector<1x128xf32> to vector<1x128xi32>
    %swap3A_1009 = arith.constant 0 : index
    %swap3A_1010 = arith.constant 0 : index
    %swap3A_1011 = arith.constant 2176 : index
    %swap3A_1012 = vector.load %arg3[%swap3A_1009, %swap3A_1010, %swap3A_1011] : memref<1x1x8192xi32, #tpu.memory_space<vmem>>, vector<1x1x128xi32>
    %swap3A_1013 = vector.shape_cast %swap3A_1012 : vector<1x1x128xi32> to vector<1x128xi32>
    %swap3A_1014 = vector.shape_cast %convert_element_type3A_1008 : vector<1x128xi32> to vector<1x1x128xi32>
    tpu.vector_store %arg3[%swap3A_1009, %swap3A_1010, %swap3A_1011], %swap3A_1014 {strides = array<i32>} : memref<1x1x8192xi32, #tpu.memory_space<vmem>>, vector<1x1x128xi32>,
    %slice3A_1015 = vector.extract_strided_slice %concatenate3A_60 {offsets = [0, 2304], sizes = [1, 128], strides = [1, 1]} : vector<1x8192xf32> to vector<1x128xf32>
    %slice3A_1016 = vector.extract_strided_slice %reshape3A {offsets = [2304, 0], sizes = [128, 1], strides = [1, 1]} : vector<8192x1xf32> to vector<128x1xf32>
    %gt3A_1017 = vector.broadcast %slice3A_1016 : vector<128x1xf32> to vector<128x128xf32>
    %gt3A_1018 = vector.broadcast %slice3A_1015 : vector<1x128xf32> to vector<128x128xf32>
    %gt3A_1019 = arith.cmpf ogt, %gt3A_1017, %gt3A_1018 : vector<128x128xf32>
    %eq3A_1020 = vector.broadcast %slice3A_1016 : vector<128x1xf32> to vector<128x128xf32>
    %eq3A_1021 = vector.broadcast %slice3A_1015 : vector<1x128xf32> to vector<128x128xf32>
    %eq3A_1022 = arith.cmpf oeq, %eq3A_1020, %eq3A_1021 : vector<128x128xf32>
    %and3A_1023 = arith.andi %eq3A_1022, %lt3A : vector<128x128xi1>
    %or3A_1024 = arith.ori %gt3A_1019, %and3A_1023 : vector<128x128xi1>
    %jit3A_1025 = arith.constant 1.000000e+00 : f32
    %jit3A_1026 = arith.constant 0.000000e+00 : f32
    %broadcast_in_dim3A_1027 = vector.broadcast %jit3A_1025 : f32 to vector<128x128xf32>
    %broadcast_in_dim3A_1028 = vector.broadcast %jit3A_1026 : f32 to vector<128x128xf32>
    %select_n3A_1029 = arith.select %or3A_1024, %broadcast_in_dim3A_1027, %broadcast_in_dim3A_1028 : vector<128x128xi1>, vector<128x128xf32>
    %broadcast_in_dim3A_1030 = arith.constant 1.000000e+00 : f32
    %broadcast_in_dim3A_1031 = vector.broadcast %broadcast_in_dim3A_1030 : f32 to vector<1x128xf32>
    %dot_general3A_1032 = arith.constant dense<0.000000e+00> : vector<1x128xf32>
    %dot_general3A_1033 = tpu.matmul %broadcast_in_dim3A_1031, %select_n3A_1029, %dot_general3A_1032 {dimension_numbers = #tpu.dot_dimension_numbers<[1], [0], [0], [1], [0, 0, 1, 1], [], []>, transpose_lhs_hint = false} : vector<1x128xf32>, vector<128x128xf32>, vector<1x128xf32> -> vector<1x128xf32>
    %slice3A_1034 = vector.extract_strided_slice %reshape3A {offsets = [0, 0], sizes = [2304, 1], strides = [1, 1]} : vector<8192x1xf32> to vector<2304x1xf32>
    %ge3A_1035 = vector.broadcast %slice3A_1034 : vector<2304x1xf32> to vector<2304x128xf32>
    %ge3A_1036 = vector.broadcast %slice3A_1015 : vector<1x128xf32> to vector<2304x128xf32>
    %ge3A_1037 = arith.cmpf oge, %ge3A_1035, %ge3A_1036 : vector<2304x128xf32>
    %jit3A_1038 = arith.constant 1.000000e+00 : f32
    %jit3A_1039 = arith.constant 0.000000e+00 : f32
    %broadcast_in_dim3A_1040 = vector.broadcast %jit3A_1038 : f32 to vector<2304x128xf32>
    %broadcast_in_dim3A_1041 = vector.broadcast %jit3A_1039 : f32 to vector<2304x128xf32>
    %select_n3A_1042 = arith.select %ge3A_1037, %broadcast_in_dim3A_1040, %broadcast_in_dim3A_1041 : vector<2304x128xi1>, vector<2304x128xf32>
    %broadcast_in_dim3A_1043 = arith.constant 1.000000e+00 : f32
    %broadcast_in_dim3A_1044 = vector.broadcast %broadcast_in_dim3A_1043 : f32 to vector<1x2304xf32>
    %dot_general3A_1045 = arith.constant dense<0.000000e+00> : vector<1x128xf32>
    %dot_general3A_1046 = tpu.matmul %broadcast_in_dim3A_1044, %select_n3A_1042, %dot_general3A_1045 {dimension_numbers = #tpu.dot_dimension_numbers<[1], [0], [0], [1], [0, 0, 1, 1], [], []>, transpose_lhs_hint = false} : vector<1x2304xf32>, vector<2304x128xf32>, vector<1x128xf32> -> vector<1x128xf32>
    %add3A_1047 = arith.addf %dot_general3A_1033, %dot_general3A_1046 : vector<1x128xf32>
    %slice3A_1048 = vector.extract_strided_slice %reshape3A {offsets = [2432, 0], sizes = [5760, 1], strides = [1, 1]} : vector<8192x1xf32> to vector<5760x1xf32>
    %gt3A_1049 = vector.broadcast %slice3A_1048 : vector<5760x1xf32> to vector<5760x128xf32>
    %gt3A_1050 = vector.broadcast %slice3A_1015 : vector<1x128xf32> to vector<5760x128xf32>
    %gt3A_1051 = arith.cmpf ogt, %gt3A_1049, %gt3A_1050 : vector<5760x128xf32>
    %jit3A_1052 = arith.constant 1.000000e+00 : f32
    %jit3A_1053 = arith.constant 0.000000e+00 : f32
    %broadcast_in_dim3A_1054 = vector.broadcast %jit3A_1052 : f32 to vector<5760x128xf32>
    %broadcast_in_dim3A_1055 = vector.broadcast %jit3A_1053 : f32 to vector<5760x128xf32>
    %select_n3A_1056 = arith.select %gt3A_1051, %broadcast_in_dim3A_1054, %broadcast_in_dim3A_1055 : vector<5760x128xi1>, vector<5760x128xf32>
    %broadcast_in_dim3A_1057 = arith.constant 1.000000e+00 : f32
    %broadcast_in_dim3A_1058 = vector.broadcast %broadcast_in_dim3A_1057 : f32 to vector<1x5760xf32>
    %dot_general3A_1059 = arith.constant dense<0.000000e+00> : vector<1x128xf32>
    %dot_general3A_1060 = tpu.matmul %broadcast_in_dim3A_1058, %select_n3A_1056, %dot_general3A_1059 {dimension_numbers = #tpu.dot_dimension_numbers<[1], [0], [0], [1], [0, 0, 1, 1], [], []>, transpose_lhs_hint = false} : vector<1x5760xf32>, vector<5760x128xf32>, vector<1x128xf32> -> vector<1x128xf32>
    %add3A_1061 = arith.addf %add3A_1047, %dot_general3A_1060 : vector<1x128xf32>
    %convert_element_type3A_1062 = arith.fptosi %add3A_1061 : vector<1x128xf32> to vector<1x128xi32>
    %swap3A_1063 = arith.constant 0 : index
    %swap3A_1064 = arith.constant 0 : index
    %swap3A_1065 = arith.constant 2304 : index
    %swap3A_1066 = vector.load %arg3[%swap3A_1063, %swap3A_1064, %swap3A_1065] : memref<1x1x8192xi32, #tpu.memory_space<vmem>>, vector<1x1x128xi32>
    %swap3A_1067 = vector.shape_cast %swap3A_1066 : vector<1x1x128xi32> to vector<1x128xi32>
    %swap3A_1068 = vector.shape_cast %convert_element_type3A_1062 : vector<1x128xi32> to vector<1x1x128xi32>
    tpu.vector_store %arg3[%swap3A_1063, %swap3A_1064, %swap3A_1065], %swap3A_1068 {strides = array<i32>} : memref<1x1x8192xi32, #tpu.memory_space<vmem>>, vector<1x1x128xi32>,
    %slice3A_1069 = vector.extract_strided_slice %concatenate3A_60 {offsets = [0, 2432], sizes = [1, 128], strides = [1, 1]} : vector<1x8192xf32> to vector<1x128xf32>
    %slice3A_1070 = vector.extract_strided_slice %reshape3A {offsets = [2432, 0], sizes = [128, 1], strides = [1, 1]} : vector<8192x1xf32> to vector<128x1xf32>
    %gt3A_1071 = vector.broadcast %slice3A_1070 : vector<128x1xf32> to vector<128x128xf32>
    %gt3A_1072 = vector.broadcast %slice3A_1069 : vector<1x128xf32> to vector<128x128xf32>
    %gt3A_1073 = arith.cmpf ogt, %gt3A_1071, %gt3A_1072 : vector<128x128xf32>
    %eq3A_1074 = vector.broadcast %slice3A_1070 : vector<128x1xf32> to vector<128x128xf32>
    %eq3A_1075 = vector.broadcast %slice3A_1069 : vector<1x128xf32> to vector<128x128xf32>
    %eq3A_1076 = arith.cmpf oeq, %eq3A_1074, %eq3A_1075 : vector<128x128xf32>
    %and3A_1077 = arith.andi %eq3A_1076, %lt3A : vector<128x128xi1>
    %or3A_1078 = arith.ori %gt3A_1073, %and3A_1077 : vector<128x128xi1>
    %jit3A_1079 = arith.constant 1.000000e+00 : f32
    %jit3A_1080 = arith.constant 0.000000e+00 : f32
    %broadcast_in_dim3A_1081 = vector.broadcast %jit3A_1079 : f32 to vector<128x128xf32>
    %broadcast_in_dim3A_1082 = vector.broadcast %jit3A_1080 : f32 to vector<128x128xf32>
    %select_n3A_1083 = arith.select %or3A_1078, %broadcast_in_dim3A_1081, %broadcast_in_dim3A_1082 : vector<128x128xi1>, vector<128x128xf32>
    %broadcast_in_dim3A_1084 = arith.constant 1.000000e+00 : f32
    %broadcast_in_dim3A_1085 = vector.broadcast %broadcast_in_dim3A_1084 : f32 to vector<1x128xf32>
    %dot_general3A_1086 = arith.constant dense<0.000000e+00> : vector<1x128xf32>
    %dot_general3A_1087 = tpu.matmul %broadcast_in_dim3A_1085, %select_n3A_1083, %dot_general3A_1086 {dimension_numbers = #tpu.dot_dimension_numbers<[1], [0], [0], [1], [0, 0, 1, 1], [], []>, transpose_lhs_hint = false} : vector<1x128xf32>, vector<128x128xf32>, vector<1x128xf32> -> vector<1x128xf32>
    %slice3A_1088 = vector.extract_strided_slice %reshape3A {offsets = [0, 0], sizes = [2432, 1], strides = [1, 1]} : vector<8192x1xf32> to vector<2432x1xf32>
    %ge3A_1089 = vector.broadcast %slice3A_1088 : vector<2432x1xf32> to vector<2432x128xf32>
    %ge3A_1090 = vector.broadcast %slice3A_1069 : vector<1x128xf32> to vector<2432x128xf32>
    %ge3A_1091 = arith.cmpf oge, %ge3A_1089, %ge3A_1090 : vector<2432x128xf32>
    %jit3A_1092 = arith.constant 1.000000e+00 : f32
    %jit3A_1093 = arith.constant 0.000000e+00 : f32
    %broadcast_in_dim3A_1094 = vector.broadcast %jit3A_1092 : f32 to vector<2432x128xf32>
    %broadcast_in_dim3A_1095 = vector.broadcast %jit3A_1093 : f32 to vector<2432x128xf32>
    %select_n3A_1096 = arith.select %ge3A_1091, %broadcast_in_dim3A_1094, %broadcast_in_dim3A_1095 : vector<2432x128xi1>, vector<2432x128xf32>
    %broadcast_in_dim3A_1097 = arith.constant 1.000000e+00 : f32
    %broadcast_in_dim3A_1098 = vector.broadcast %broadcast_in_dim3A_1097 : f32 to vector<1x2432xf32>
    %dot_general3A_1099 = arith.constant dense<0.000000e+00> : vector<1x128xf32>
    %dot_general3A_1100 = tpu.matmul %broadcast_in_dim3A_1098, %select_n3A_1096, %dot_general3A_1099 {dimension_numbers = #tpu.dot_dimension_numbers<[1], [0], [0], [1], [0, 0, 1, 1], [], []>, transpose_lhs_hint = false} : vector<1x2432xf32>, vector<2432x128xf32>, vector<1x128xf32> -> vector<1x128xf32>
    %add3A_1101 = arith.addf %dot_general3A_1087, %dot_general3A_1100 : vector<1x128xf32>
    %slice3A_1102 = vector.extract_strided_slice %reshape3A {offsets = [2560, 0], sizes = [5632, 1], strides = [1, 1]} : vector<8192x1xf32> to vector<5632x1xf32>
    %gt3A_1103 = vector.broadcast %slice3A_1102 : vector<5632x1xf32> to vector<5632x128xf32>
    %gt3A_1104 = vector.broadcast %slice3A_1069 : vector<1x128xf32> to vector<5632x128xf32>
    %gt3A_1105 = arith.cmpf ogt, %gt3A_1103, %gt3A_1104 : vector<5632x128xf32>
    %jit3A_1106 = arith.constant 1.000000e+00 : f32
    %jit3A_1107 = arith.constant 0.000000e+00 : f32
    %broadcast_in_dim3A_1108 = vector.broadcast %jit3A_1106 : f32 to vector<5632x128xf32>
    %broadcast_in_dim3A_1109 = vector.broadcast %jit3A_1107 : f32 to vector<5632x128xf32>
    %select_n3A_1110 = arith.select %gt3A_1105, %broadcast_in_dim3A_1108, %broadcast_in_dim3A_1109 : vector<5632x128xi1>, vector<5632x128xf32>
    %broadcast_in_dim3A_1111 = arith.constant 1.000000e+00 : f32
    %broadcast_in_dim3A_1112 = vector.broadcast %broadcast_in_dim3A_1111 : f32 to vector<1x5632xf32>
    %dot_general3A_1113 = arith.constant dense<0.000000e+00> : vector<1x128xf32>
    %dot_general3A_1114 = tpu.matmul %broadcast_in_dim3A_1112, %select_n3A_1110, %dot_general3A_1113 {dimension_numbers = #tpu.dot_dimension_numbers<[1], [0], [0], [1], [0, 0, 1, 1], [], []>, transpose_lhs_hint = false} : vector<1x5632xf32>, vector<5632x128xf32>, vector<1x128xf32> -> vector<1x128xf32>
    %add3A_1115 = arith.addf %add3A_1101, %dot_general3A_1114 : vector<1x128xf32>
    %convert_element_type3A_1116 = arith.fptosi %add3A_1115 : vector<1x128xf32> to vector<1x128xi32>
    %swap3A_1117 = arith.constant 0 : index
    %swap3A_1118 = arith.constant 0 : index
    %swap3A_1119 = arith.constant 2432 : index
    %swap3A_1120 = vector.load %arg3[%swap3A_1117, %swap3A_1118, %swap3A_1119] : memref<1x1x8192xi32, #tpu.memory_space<vmem>>, vector<1x1x128xi32>
    %swap3A_1121 = vector.shape_cast %swap3A_1120 : vector<1x1x128xi32> to vector<1x128xi32>
    %swap3A_1122 = vector.shape_cast %convert_element_type3A_1116 : vector<1x128xi32> to vector<1x1x128xi32>
    tpu.vector_store %arg3[%swap3A_1117, %swap3A_1118, %swap3A_1119], %swap3A_1122 {strides = array<i32>} : memref<1x1x8192xi32, #tpu.memory_space<vmem>>, vector<1x1x128xi32>,
    %slice3A_1123 = vector.extract_strided_slice %concatenate3A_60 {offsets = [0, 2560], sizes = [1, 128], strides = [1, 1]} : vector<1x8192xf32> to vector<1x128xf32>
    %slice3A_1124 = vector.extract_strided_slice %reshape3A {offsets = [2560, 0], sizes = [128, 1], strides = [1, 1]} : vector<8192x1xf32> to vector<128x1xf32>
    %gt3A_1125 = vector.broadcast %slice3A_1124 : vector<128x1xf32> to vector<128x128xf32>
    %gt3A_1126 = vector.broadcast %slice3A_1123 : vector<1x128xf32> to vector<128x128xf32>
    %gt3A_1127 = arith.cmpf ogt, %gt3A_1125, %gt3A_1126 : vector<128x128xf32>
    %eq3A_1128 = vector.broadcast %slice3A_1124 : vector<128x1xf32> to vector<128x128xf32>
    %eq3A_1129 = vector.broadcast %slice3A_1123 : vector<1x128xf32> to vector<128x128xf32>
    %eq3A_1130 = arith.cmpf oeq, %eq3A_1128, %eq3A_1129 : vector<128x128xf32>
    %and3A_1131 = arith.andi %eq3A_1130, %lt3A : vector<128x128xi1>
    %or3A_1132 = arith.ori %gt3A_1127, %and3A_1131 : vector<128x128xi1>
    %jit3A_1133 = arith.constant 1.000000e+00 : f32
    %jit3A_1134 = arith.constant 0.000000e+00 : f32
    %broadcast_in_dim3A_1135 = vector.broadcast %jit3A_1133 : f32 to vector<128x128xf32>
    %broadcast_in_dim3A_1136 = vector.broadcast %jit3A_1134 : f32 to vector<128x128xf32>
    %select_n3A_1137 = arith.select %or3A_1132, %broadcast_in_dim3A_1135, %broadcast_in_dim3A_1136 : vector<128x128xi1>, vector<128x128xf32>
    %broadcast_in_dim3A_1138 = arith.constant 1.000000e+00 : f32
    %broadcast_in_dim3A_1139 = vector.broadcast %broadcast_in_dim3A_1138 : f32 to vector<1x128xf32>
    %dot_general3A_1140 = arith.constant dense<0.000000e+00> : vector<1x128xf32>
    %dot_general3A_1141 = tpu.matmul %broadcast_in_dim3A_1139, %select_n3A_1137, %dot_general3A_1140 {dimension_numbers = #tpu.dot_dimension_numbers<[1], [0], [0], [1], [0, 0, 1, 1], [], []>, transpose_lhs_hint = false} : vector<1x128xf32>, vector<128x128xf32>, vector<1x128xf32> -> vector<1x128xf32>
    %slice3A_1142 = vector.extract_strided_slice %reshape3A {offsets = [0, 0], sizes = [2560, 1], strides = [1, 1]} : vector<8192x1xf32> to vector<2560x1xf32>
    %ge3A_1143 = vector.broadcast %slice3A_1142 : vector<2560x1xf32> to vector<2560x128xf32>
    %ge3A_1144 = vector.broadcast %slice3A_1123 : vector<1x128xf32> to vector<2560x128xf32>
    %ge3A_1145 = arith.cmpf oge, %ge3A_1143, %ge3A_1144 : vector<2560x128xf32>
    %jit3A_1146 = arith.constant 1.000000e+00 : f32
    %jit3A_1147 = arith.constant 0.000000e+00 : f32
    %broadcast_in_dim3A_1148 = vector.broadcast %jit3A_1146 : f32 to vector<2560x128xf32>
    %broadcast_in_dim3A_1149 = vector.broadcast %jit3A_1147 : f32 to vector<2560x128xf32>
    %select_n3A_1150 = arith.select %ge3A_1145, %broadcast_in_dim3A_1148, %broadcast_in_dim3A_1149 : vector<2560x128xi1>, vector<2560x128xf32>
    %broadcast_in_dim3A_1151 = arith.constant 1.000000e+00 : f32
    %broadcast_in_dim3A_1152 = vector.broadcast %broadcast_in_dim3A_1151 : f32 to vector<1x2560xf32>
    %dot_general3A_1153 = arith.constant dense<0.000000e+00> : vector<1x128xf32>
    %dot_general3A_1154 = tpu.matmul %broadcast_in_dim3A_1152, %select_n3A_1150, %dot_general3A_1153 {dimension_numbers = #tpu.dot_dimension_numbers<[1], [0], [0], [1], [0, 0, 1, 1], [], []>, transpose_lhs_hint = false} : vector<1x2560xf32>, vector<2560x128xf32>, vector<1x128xf32> -> vector<1x128xf32>
    %add3A_1155 = arith.addf %dot_general3A_1141, %dot_general3A_1154 : vector<1x128xf32>
    %slice3A_1156 = vector.extract_strided_slice %reshape3A {offsets = [2688, 0], sizes = [5504, 1], strides = [1, 1]} : vector<8192x1xf32> to vector<5504x1xf32>
    %gt3A_1157 = vector.broadcast %slice3A_1156 : vector<5504x1xf32> to vector<5504x128xf32>
    %gt3A_1158 = vector.broadcast %slice3A_1123 : vector<1x128xf32> to vector<5504x128xf32>
    %gt3A_1159 = arith.cmpf ogt, %gt3A_1157, %gt3A_1158 : vector<5504x128xf32>
    %jit3A_1160 = arith.constant 1.000000e+00 : f32
    %jit3A_1161 = arith.constant 0.000000e+00 : f32
    %broadcast_in_dim3A_1162 = vector.broadcast %jit3A_1160 : f32 to vector<5504x128xf32>
    %broadcast_in_dim3A_1163 = vector.broadcast %jit3A_1161 : f32 to vector<5504x128xf32>
    %select_n3A_1164 = arith.select %gt3A_1159, %broadcast_in_dim3A_1162, %broadcast_in_dim3A_1163 : vector<5504x128xi1>, vector<5504x128xf32>
    %broadcast_in_dim3A_1165 = arith.constant 1.000000e+00 : f32
    %broadcast_in_dim3A_1166 = vector.broadcast %broadcast_in_dim3A_1165 : f32 to vector<1x5504xf32>
    %dot_general3A_1167 = arith.constant dense<0.000000e+00> : vector<1x128xf32>
    %dot_general3A_1168 = tpu.matmul %broadcast_in_dim3A_1166, %select_n3A_1164, %dot_general3A_1167 {dimension_numbers = #tpu.dot_dimension_numbers<[1], [0], [0], [1], [0, 0, 1, 1], [], []>, transpose_lhs_hint = false} : vector<1x5504xf32>, vector<5504x128xf32>, vector<1x128xf32> -> vector<1x128xf32>
    %add3A_1169 = arith.addf %add3A_1155, %dot_general3A_1168 : vector<1x128xf32>
    %convert_element_type3A_1170 = arith.fptosi %add3A_1169 : vector<1x128xf32> to vector<1x128xi32>
    %swap3A_1171 = arith.constant 0 : index
    %swap3A_1172 = arith.constant 0 : index
    %swap3A_1173 = arith.constant 2560 : index
    %swap3A_1174 = vector.load %arg3[%swap3A_1171, %swap3A_1172, %swap3A_1173] : memref<1x1x8192xi32, #tpu.memory_space<vmem>>, vector<1x1x128xi32>
    %swap3A_1175 = vector.shape_cast %swap3A_1174 : vector<1x1x128xi32> to vector<1x128xi32>
    %swap3A_1176 = vector.shape_cast %convert_element_type3A_1170 : vector<1x128xi32> to vector<1x1x128xi32>
    tpu.vector_store %arg3[%swap3A_1171, %swap3A_1172, %swap3A_1173], %swap3A_1176 {strides = array<i32>} : memref<1x1x8192xi32, #tpu.memory_space<vmem>>, vector<1x1x128xi32>,
    %slice3A_1177 = vector.extract_strided_slice %concatenate3A_60 {offsets = [0, 2688], sizes = [1, 128], strides = [1, 1]} : vector<1x8192xf32> to vector<1x128xf32>
    %slice3A_1178 = vector.extract_strided_slice %reshape3A {offsets = [2688, 0], sizes = [128, 1], strides = [1, 1]} : vector<8192x1xf32> to vector<128x1xf32>
    %gt3A_1179 = vector.broadcast %slice3A_1178 : vector<128x1xf32> to vector<128x128xf32>
    %gt3A_1180 = vector.broadcast %slice3A_1177 : vector<1x128xf32> to vector<128x128xf32>
    %gt3A_1181 = arith.cmpf ogt, %gt3A_1179, %gt3A_1180 : vector<128x128xf32>
    %eq3A_1182 = vector.broadcast %slice3A_1178 : vector<128x1xf32> to vector<128x128xf32>
    %eq3A_1183 = vector.broadcast %slice3A_1177 : vector<1x128xf32> to vector<128x128xf32>
    %eq3A_1184 = arith.cmpf oeq, %eq3A_1182, %eq3A_1183 : vector<128x128xf32>
    %and3A_1185 = arith.andi %eq3A_1184, %lt3A : vector<128x128xi1>
    %or3A_1186 = arith.ori %gt3A_1181, %and3A_1185 : vector<128x128xi1>
    %jit3A_1187 = arith.constant 1.000000e+00 : f32
    %jit3A_1188 = arith.constant 0.000000e+00 : f32
    %broadcast_in_dim3A_1189 = vector.broadcast %jit3A_1187 : f32 to vector<128x128xf32>
    %broadcast_in_dim3A_1190 = vector.broadcast %jit3A_1188 : f32 to vector<128x128xf32>
    %select_n3A_1191 = arith.select %or3A_1186, %broadcast_in_dim3A_1189, %broadcast_in_dim3A_1190 : vector<128x128xi1>, vector<128x128xf32>
    %broadcast_in_dim3A_1192 = arith.constant 1.000000e+00 : f32
    %broadcast_in_dim3A_1193 = vector.broadcast %broadcast_in_dim3A_1192 : f32 to vector<1x128xf32>
    %dot_general3A_1194 = arith.constant dense<0.000000e+00> : vector<1x128xf32>
    %dot_general3A_1195 = tpu.matmul %broadcast_in_dim3A_1193, %select_n3A_1191, %dot_general3A_1194 {dimension_numbers = #tpu.dot_dimension_numbers<[1], [0], [0], [1], [0, 0, 1, 1], [], []>, transpose_lhs_hint = false} : vector<1x128xf32>, vector<128x128xf32>, vector<1x128xf32> -> vector<1x128xf32>
    %slice3A_1196 = vector.extract_strided_slice %reshape3A {offsets = [0, 0], sizes = [2688, 1], strides = [1, 1]} : vector<8192x1xf32> to vector<2688x1xf32>
    %ge3A_1197 = vector.broadcast %slice3A_1196 : vector<2688x1xf32> to vector<2688x128xf32>
    %ge3A_1198 = vector.broadcast %slice3A_1177 : vector<1x128xf32> to vector<2688x128xf32>
    %ge3A_1199 = arith.cmpf oge, %ge3A_1197, %ge3A_1198 : vector<2688x128xf32>
    %jit3A_1200 = arith.constant 1.000000e+00 : f32
    %jit3A_1201 = arith.constant 0.000000e+00 : f32
    %broadcast_in_dim3A_1202 = vector.broadcast %jit3A_1200 : f32 to vector<2688x128xf32>
    %broadcast_in_dim3A_1203 = vector.broadcast %jit3A_1201 : f32 to vector<2688x128xf32>
    %select_n3A_1204 = arith.select %ge3A_1199, %broadcast_in_dim3A_1202, %broadcast_in_dim3A_1203 : vector<2688x128xi1>, vector<2688x128xf32>
    %broadcast_in_dim3A_1205 = arith.constant 1.000000e+00 : f32
    %broadcast_in_dim3A_1206 = vector.broadcast %broadcast_in_dim3A_1205 : f32 to vector<1x2688xf32>
    %dot_general3A_1207 = arith.constant dense<0.000000e+00> : vector<1x128xf32>
    %dot_general3A_1208 = tpu.matmul %broadcast_in_dim3A_1206, %select_n3A_1204, %dot_general3A_1207 {dimension_numbers = #tpu.dot_dimension_numbers<[1], [0], [0], [1], [0, 0, 1, 1], [], []>, transpose_lhs_hint = false} : vector<1x2688xf32>, vector<2688x128xf32>, vector<1x128xf32> -> vector<1x128xf32>
    %add3A_1209 = arith.addf %dot_general3A_1195, %dot_general3A_1208 : vector<1x128xf32>
    %slice3A_1210 = vector.extract_strided_slice %reshape3A {offsets = [2816, 0], sizes = [5376, 1], strides = [1, 1]} : vector<8192x1xf32> to vector<5376x1xf32>
    %gt3A_1211 = vector.broadcast %slice3A_1210 : vector<5376x1xf32> to vector<5376x128xf32>
    %gt3A_1212 = vector.broadcast %slice3A_1177 : vector<1x128xf32> to vector<5376x128xf32>
    %gt3A_1213 = arith.cmpf ogt, %gt3A_1211, %gt3A_1212 : vector<5376x128xf32>
    %jit3A_1214 = arith.constant 1.000000e+00 : f32
    %jit3A_1215 = arith.constant 0.000000e+00 : f32
    %broadcast_in_dim3A_1216 = vector.broadcast %jit3A_1214 : f32 to vector<5376x128xf32>
    %broadcast_in_dim3A_1217 = vector.broadcast %jit3A_1215 : f32 to vector<5376x128xf32>
    %select_n3A_1218 = arith.select %gt3A_1213, %broadcast_in_dim3A_1216, %broadcast_in_dim3A_1217 : vector<5376x128xi1>, vector<5376x128xf32>
    %broadcast_in_dim3A_1219 = arith.constant 1.000000e+00 : f32
    %broadcast_in_dim3A_1220 = vector.broadcast %broadcast_in_dim3A_1219 : f32 to vector<1x5376xf32>
    %dot_general3A_1221 = arith.constant dense<0.000000e+00> : vector<1x128xf32>
    %dot_general3A_1222 = tpu.matmul %broadcast_in_dim3A_1220, %select_n3A_1218, %dot_general3A_1221 {dimension_numbers = #tpu.dot_dimension_numbers<[1], [0], [0], [1], [0, 0, 1, 1], [], []>, transpose_lhs_hint = false} : vector<1x5376xf32>, vector<5376x128xf32>, vector<1x128xf32> -> vector<1x128xf32>
    %add3A_1223 = arith.addf %add3A_1209, %dot_general3A_1222 : vector<1x128xf32>
    %convert_element_type3A_1224 = arith.fptosi %add3A_1223 : vector<1x128xf32> to vector<1x128xi32>
    %swap3A_1225 = arith.constant 0 : index
    %swap3A_1226 = arith.constant 0 : index
    %swap3A_1227 = arith.constant 2688 : index
    %swap3A_1228 = vector.load %arg3[%swap3A_1225, %swap3A_1226, %swap3A_1227] : memref<1x1x8192xi32, #tpu.memory_space<vmem>>, vector<1x1x128xi32>
    %swap3A_1229 = vector.shape_cast %swap3A_1228 : vector<1x1x128xi32> to vector<1x128xi32>
    %swap3A_1230 = vector.shape_cast %convert_element_type3A_1224 : vector<1x128xi32> to vector<1x1x128xi32>
    tpu.vector_store %arg3[%swap3A_1225, %swap3A_1226, %swap3A_1227], %swap3A_1230 {strides = array<i32>} : memref<1x1x8192xi32, #tpu.memory_space<vmem>>, vector<1x1x128xi32>,
    %slice3A_1231 = vector.extract_strided_slice %concatenate3A_60 {offsets = [0, 2816], sizes = [1, 128], strides = [1, 1]} : vector<1x8192xf32> to vector<1x128xf32>
    %slice3A_1232 = vector.extract_strided_slice %reshape3A {offsets = [2816, 0], sizes = [128, 1], strides = [1, 1]} : vector<8192x1xf32> to vector<128x1xf32>
    %gt3A_1233 = vector.broadcast %slice3A_1232 : vector<128x1xf32> to vector<128x128xf32>
    %gt3A_1234 = vector.broadcast %slice3A_1231 : vector<1x128xf32> to vector<128x128xf32>
    %gt3A_1235 = arith.cmpf ogt, %gt3A_1233, %gt3A_1234 : vector<128x128xf32>
    %eq3A_1236 = vector.broadcast %slice3A_1232 : vector<128x1xf32> to vector<128x128xf32>
    %eq3A_1237 = vector.broadcast %slice3A_1231 : vector<1x128xf32> to vector<128x128xf32>
    %eq3A_1238 = arith.cmpf oeq, %eq3A_1236, %eq3A_1237 : vector<128x128xf32>
    %and3A_1239 = arith.andi %eq3A_1238, %lt3A : vector<128x128xi1>
    %or3A_1240 = arith.ori %gt3A_1235, %and3A_1239 : vector<128x128xi1>
    %jit3A_1241 = arith.constant 1.000000e+00 : f32
    %jit3A_1242 = arith.constant 0.000000e+00 : f32
    %broadcast_in_dim3A_1243 = vector.broadcast %jit3A_1241 : f32 to vector<128x128xf32>
    %broadcast_in_dim3A_1244 = vector.broadcast %jit3A_1242 : f32 to vector<128x128xf32>
    %select_n3A_1245 = arith.select %or3A_1240, %broadcast_in_dim3A_1243, %broadcast_in_dim3A_1244 : vector<128x128xi1>, vector<128x128xf32>
    %broadcast_in_dim3A_1246 = arith.constant 1.000000e+00 : f32
    %broadcast_in_dim3A_1247 = vector.broadcast %broadcast_in_dim3A_1246 : f32 to vector<1x128xf32>
    %dot_general3A_1248 = arith.constant dense<0.000000e+00> : vector<1x128xf32>
    %dot_general3A_1249 = tpu.matmul %broadcast_in_dim3A_1247, %select_n3A_1245, %dot_general3A_1248 {dimension_numbers = #tpu.dot_dimension_numbers<[1], [0], [0], [1], [0, 0, 1, 1], [], []>, transpose_lhs_hint = false} : vector<1x128xf32>, vector<128x128xf32>, vector<1x128xf32> -> vector<1x128xf32>
    %slice3A_1250 = vector.extract_strided_slice %reshape3A {offsets = [0, 0], sizes = [2816, 1], strides = [1, 1]} : vector<8192x1xf32> to vector<2816x1xf32>
    %ge3A_1251 = vector.broadcast %slice3A_1250 : vector<2816x1xf32> to vector<2816x128xf32>
    %ge3A_1252 = vector.broadcast %slice3A_1231 : vector<1x128xf32> to vector<2816x128xf32>
    %ge3A_1253 = arith.cmpf oge, %ge3A_1251, %ge3A_1252 : vector<2816x128xf32>
    %jit3A_1254 = arith.constant 1.000000e+00 : f32
    %jit3A_1255 = arith.constant 0.000000e+00 : f32
    %broadcast_in_dim3A_1256 = vector.broadcast %jit3A_1254 : f32 to vector<2816x128xf32>
    %broadcast_in_dim3A_1257 = vector.broadcast %jit3A_1255 : f32 to vector<2816x128xf32>
    %select_n3A_1258 = arith.select %ge3A_1253, %broadcast_in_dim3A_1256, %broadcast_in_dim3A_1257 : vector<2816x128xi1>, vector<2816x128xf32>
    %broadcast_in_dim3A_1259 = arith.constant 1.000000e+00 : f32
    %broadcast_in_dim3A_1260 = vector.broadcast %broadcast_in_dim3A_1259 : f32 to vector<1x2816xf32>
    %dot_general3A_1261 = arith.constant dense<0.000000e+00> : vector<1x128xf32>
    %dot_general3A_1262 = tpu.matmul %broadcast_in_dim3A_1260, %select_n3A_1258, %dot_general3A_1261 {dimension_numbers = #tpu.dot_dimension_numbers<[1], [0], [0], [1], [0, 0, 1, 1], [], []>, transpose_lhs_hint = false} : vector<1x2816xf32>, vector<2816x128xf32>, vector<1x128xf32> -> vector<1x128xf32>
    %add3A_1263 = arith.addf %dot_general3A_1249, %dot_general3A_1262 : vector<1x128xf32>
    %slice3A_1264 = vector.extract_strided_slice %reshape3A {offsets = [2944, 0], sizes = [5248, 1], strides = [1, 1]} : vector<8192x1xf32> to vector<5248x1xf32>
    %gt3A_1265 = vector.broadcast %slice3A_1264 : vector<5248x1xf32> to vector<5248x128xf32>
    %gt3A_1266 = vector.broadcast %slice3A_1231 : vector<1x128xf32> to vector<5248x128xf32>
    %gt3A_1267 = arith.cmpf ogt, %gt3A_1265, %gt3A_1266 : vector<5248x128xf32>
    %jit3A_1268 = arith.constant 1.000000e+00 : f32
    %jit3A_1269 = arith.constant 0.000000e+00 : f32
    %broadcast_in_dim3A_1270 = vector.broadcast %jit3A_1268 : f32 to vector<5248x128xf32>
    %broadcast_in_dim3A_1271 = vector.broadcast %jit3A_1269 : f32 to vector<5248x128xf32>
    %select_n3A_1272 = arith.select %gt3A_1267, %broadcast_in_dim3A_1270, %broadcast_in_dim3A_1271 : vector<5248x128xi1>, vector<5248x128xf32>
    %broadcast_in_dim3A_1273 = arith.constant 1.000000e+00 : f32
    %broadcast_in_dim3A_1274 = vector.broadcast %broadcast_in_dim3A_1273 : f32 to vector<1x5248xf32>
    %dot_general3A_1275 = arith.constant dense<0.000000e+00> : vector<1x128xf32>
    %dot_general3A_1276 = tpu.matmul %broadcast_in_dim3A_1274, %select_n3A_1272, %dot_general3A_1275 {dimension_numbers = #tpu.dot_dimension_numbers<[1], [0], [0], [1], [0, 0, 1, 1], [], []>, transpose_lhs_hint = false} : vector<1x5248xf32>, vector<5248x128xf32>, vector<1x128xf32> -> vector<1x128xf32>
    %add3A_1277 = arith.addf %add3A_1263, %dot_general3A_1276 : vector<1x128xf32>
    %convert_element_type3A_1278 = arith.fptosi %add3A_1277 : vector<1x128xf32> to vector<1x128xi32>
    %swap3A_1279 = arith.constant 0 : index
    %swap3A_1280 = arith.constant 0 : index
    %swap3A_1281 = arith.constant 2816 : index
    %swap3A_1282 = vector.load %arg3[%swap3A_1279, %swap3A_1280, %swap3A_1281] : memref<1x1x8192xi32, #tpu.memory_space<vmem>>, vector<1x1x128xi32>
    %swap3A_1283 = vector.shape_cast %swap3A_1282 : vector<1x1x128xi32> to vector<1x128xi32>
    %swap3A_1284 = vector.shape_cast %convert_element_type3A_1278 : vector<1x128xi32> to vector<1x1x128xi32>
    tpu.vector_store %arg3[%swap3A_1279, %swap3A_1280, %swap3A_1281], %swap3A_1284 {strides = array<i32>} : memref<1x1x8192xi32, #tpu.memory_space<vmem>>, vector<1x1x128xi32>,
    %slice3A_1285 = vector.extract_strided_slice %concatenate3A_60 {offsets = [0, 2944], sizes = [1, 128], strides = [1, 1]} : vector<1x8192xf32> to vector<1x128xf32>
    %slice3A_1286 = vector.extract_strided_slice %reshape3A {offsets = [2944, 0], sizes = [128, 1], strides = [1, 1]} : vector<8192x1xf32> to vector<128x1xf32>
    %gt3A_1287 = vector.broadcast %slice3A_1286 : vector<128x1xf32> to vector<128x128xf32>
    %gt3A_1288 = vector.broadcast %slice3A_1285 : vector<1x128xf32> to vector<128x128xf32>
    %gt3A_1289 = arith.cmpf ogt, %gt3A_1287, %gt3A_1288 : vector<128x128xf32>
    %eq3A_1290 = vector.broadcast %slice3A_1286 : vector<128x1xf32> to vector<128x128xf32>
    %eq3A_1291 = vector.broadcast %slice3A_1285 : vector<1x128xf32> to vector<128x128xf32>
    %eq3A_1292 = arith.cmpf oeq, %eq3A_1290, %eq3A_1291 : vector<128x128xf32>
    %and3A_1293 = arith.andi %eq3A_1292, %lt3A : vector<128x128xi1>
    %or3A_1294 = arith.ori %gt3A_1289, %and3A_1293 : vector<128x128xi1>
    %jit3A_1295 = arith.constant 1.000000e+00 : f32
    %jit3A_1296 = arith.constant 0.000000e+00 : f32
    %broadcast_in_dim3A_1297 = vector.broadcast %jit3A_1295 : f32 to vector<128x128xf32>
    %broadcast_in_dim3A_1298 = vector.broadcast %jit3A_1296 : f32 to vector<128x128xf32>
    %select_n3A_1299 = arith.select %or3A_1294, %broadcast_in_dim3A_1297, %broadcast_in_dim3A_1298 : vector<128x128xi1>, vector<128x128xf32>
    %broadcast_in_dim3A_1300 = arith.constant 1.000000e+00 : f32
    %broadcast_in_dim3A_1301 = vector.broadcast %broadcast_in_dim3A_1300 : f32 to vector<1x128xf32>
    %dot_general3A_1302 = arith.constant dense<0.000000e+00> : vector<1x128xf32>
    %dot_general3A_1303 = tpu.matmul %broadcast_in_dim3A_1301, %select_n3A_1299, %dot_general3A_1302 {dimension_numbers = #tpu.dot_dimension_numbers<[1], [0], [0], [1], [0, 0, 1, 1], [], []>, transpose_lhs_hint = false} : vector<1x128xf32>, vector<128x128xf32>, vector<1x128xf32> -> vector<1x128xf32>
    %slice3A_1304 = vector.extract_strided_slice %reshape3A {offsets = [0, 0], sizes = [2944, 1], strides = [1, 1]} : vector<8192x1xf32> to vector<2944x1xf32>
    %ge3A_1305 = vector.broadcast %slice3A_1304 : vector<2944x1xf32> to vector<2944x128xf32>
    %ge3A_1306 = vector.broadcast %slice3A_1285 : vector<1x128xf32> to vector<2944x128xf32>
    %ge3A_1307 = arith.cmpf oge, %ge3A_1305, %ge3A_1306 : vector<2944x128xf32>
    %jit3A_1308 = arith.constant 1.000000e+00 : f32
    %jit3A_1309 = arith.constant 0.000000e+00 : f32
    %broadcast_in_dim3A_1310 = vector.broadcast %jit3A_1308 : f32 to vector<2944x128xf32>
    %broadcast_in_dim3A_1311 = vector.broadcast %jit3A_1309 : f32 to vector<2944x128xf32>
    %select_n3A_1312 = arith.select %ge3A_1307, %broadcast_in_dim3A_1310, %broadcast_in_dim3A_1311 : vector<2944x128xi1>, vector<2944x128xf32>
    %broadcast_in_dim3A_1313 = arith.constant 1.000000e+00 : f32
    %broadcast_in_dim3A_1314 = vector.broadcast %broadcast_in_dim3A_1313 : f32 to vector<1x2944xf32>
    %dot_general3A_1315 = arith.constant dense<0.000000e+00> : vector<1x128xf32>
    %dot_general3A_1316 = tpu.matmul %broadcast_in_dim3A_1314, %select_n3A_1312, %dot_general3A_1315 {dimension_numbers = #tpu.dot_dimension_numbers<[1], [0], [0], [1], [0, 0, 1, 1], [], []>, transpose_lhs_hint = false} : vector<1x2944xf32>, vector<2944x128xf32>, vector<1x128xf32> -> vector<1x128xf32>
    %add3A_1317 = arith.addf %dot_general3A_1303, %dot_general3A_1316 : vector<1x128xf32>
    %slice3A_1318 = vector.extract_strided_slice %reshape3A {offsets = [3072, 0], sizes = [5120, 1], strides = [1, 1]} : vector<8192x1xf32> to vector<5120x1xf32>
    %gt3A_1319 = vector.broadcast %slice3A_1318 : vector<5120x1xf32> to vector<5120x128xf32>
    %gt3A_1320 = vector.broadcast %slice3A_1285 : vector<1x128xf32> to vector<5120x128xf32>
    %gt3A_1321 = arith.cmpf ogt, %gt3A_1319, %gt3A_1320 : vector<5120x128xf32>
    %jit3A_1322 = arith.constant 1.000000e+00 : f32
    %jit3A_1323 = arith.constant 0.000000e+00 : f32
    %broadcast_in_dim3A_1324 = vector.broadcast %jit3A_1322 : f32 to vector<5120x128xf32>
    %broadcast_in_dim3A_1325 = vector.broadcast %jit3A_1323 : f32 to vector<5120x128xf32>
    %select_n3A_1326 = arith.select %gt3A_1321, %broadcast_in_dim3A_1324, %broadcast_in_dim3A_1325 : vector<5120x128xi1>, vector<5120x128xf32>
    %broadcast_in_dim3A_1327 = arith.constant 1.000000e+00 : f32
    %broadcast_in_dim3A_1328 = vector.broadcast %broadcast_in_dim3A_1327 : f32 to vector<1x5120xf32>
    %dot_general3A_1329 = arith.constant dense<0.000000e+00> : vector<1x128xf32>
    %dot_general3A_1330 = tpu.matmul %broadcast_in_dim3A_1328, %select_n3A_1326, %dot_general3A_1329 {dimension_numbers = #tpu.dot_dimension_numbers<[1], [0], [0], [1], [0, 0, 1, 1], [], []>, transpose_lhs_hint = false} : vector<1x5120xf32>, vector<5120x128xf32>, vector<1x128xf32> -> vector<1x128xf32>
    %add3A_1331 = arith.addf %add3A_1317, %dot_general3A_1330 : vector<1x128xf32>
    %convert_element_type3A_1332 = arith.fptosi %add3A_1331 : vector<1x128xf32> to vector<1x128xi32>
    %swap3A_1333 = arith.constant 0 : index
    %swap3A_1334 = arith.constant 0 : index
    %swap3A_1335 = arith.constant 2944 : index
    %swap3A_1336 = vector.load %arg3[%swap3A_1333, %swap3A_1334, %swap3A_1335] : memref<1x1x8192xi32, #tpu.memory_space<vmem>>, vector<1x1x128xi32>
    %swap3A_1337 = vector.shape_cast %swap3A_1336 : vector<1x1x128xi32> to vector<1x128xi32>
    %swap3A_1338 = vector.shape_cast %convert_element_type3A_1332 : vector<1x128xi32> to vector<1x1x128xi32>
    tpu.vector_store %arg3[%swap3A_1333, %swap3A_1334, %swap3A_1335], %swap3A_1338 {strides = array<i32>} : memref<1x1x8192xi32, #tpu.memory_space<vmem>>, vector<1x1x128xi32>,
    %slice3A_1339 = vector.extract_strided_slice %concatenate3A_60 {offsets = [0, 3072], sizes = [1, 128], strides = [1, 1]} : vector<1x8192xf32> to vector<1x128xf32>
    %slice3A_1340 = vector.extract_strided_slice %reshape3A {offsets = [3072, 0], sizes = [128, 1], strides = [1, 1]} : vector<8192x1xf32> to vector<128x1xf32>
    %gt3A_1341 = vector.broadcast %slice3A_1340 : vector<128x1xf32> to vector<128x128xf32>
    %gt3A_1342 = vector.broadcast %slice3A_1339 : vector<1x128xf32> to vector<128x128xf32>
    %gt3A_1343 = arith.cmpf ogt, %gt3A_1341, %gt3A_1342 : vector<128x128xf32>
    %eq3A_1344 = vector.broadcast %slice3A_1340 : vector<128x1xf32> to vector<128x128xf32>
    %eq3A_1345 = vector.broadcast %slice3A_1339 : vector<1x128xf32> to vector<128x128xf32>
    %eq3A_1346 = arith.cmpf oeq, %eq3A_1344, %eq3A_1345 : vector<128x128xf32>
    %and3A_1347 = arith.andi %eq3A_1346, %lt3A : vector<128x128xi1>
    %or3A_1348 = arith.ori %gt3A_1343, %and3A_1347 : vector<128x128xi1>
    %jit3A_1349 = arith.constant 1.000000e+00 : f32
    %jit3A_1350 = arith.constant 0.000000e+00 : f32
    %broadcast_in_dim3A_1351 = vector.broadcast %jit3A_1349 : f32 to vector<128x128xf32>
    %broadcast_in_dim3A_1352 = vector.broadcast %jit3A_1350 : f32 to vector<128x128xf32>
    %select_n3A_1353 = arith.select %or3A_1348, %broadcast_in_dim3A_1351, %broadcast_in_dim3A_1352 : vector<128x128xi1>, vector<128x128xf32>
    %broadcast_in_dim3A_1354 = arith.constant 1.000000e+00 : f32
    %broadcast_in_dim3A_1355 = vector.broadcast %broadcast_in_dim3A_1354 : f32 to vector<1x128xf32>
    %dot_general3A_1356 = arith.constant dense<0.000000e+00> : vector<1x128xf32>
    %dot_general3A_1357 = tpu.matmul %broadcast_in_dim3A_1355, %select_n3A_1353, %dot_general3A_1356 {dimension_numbers = #tpu.dot_dimension_numbers<[1], [0], [0], [1], [0, 0, 1, 1], [], []>, transpose_lhs_hint = false} : vector<1x128xf32>, vector<128x128xf32>, vector<1x128xf32> -> vector<1x128xf32>
    %slice3A_1358 = vector.extract_strided_slice %reshape3A {offsets = [0, 0], sizes = [3072, 1], strides = [1, 1]} : vector<8192x1xf32> to vector<3072x1xf32>
    %ge3A_1359 = vector.broadcast %slice3A_1358 : vector<3072x1xf32> to vector<3072x128xf32>
    %ge3A_1360 = vector.broadcast %slice3A_1339 : vector<1x128xf32> to vector<3072x128xf32>
    %ge3A_1361 = arith.cmpf oge, %ge3A_1359, %ge3A_1360 : vector<3072x128xf32>
    %jit3A_1362 = arith.constant 1.000000e+00 : f32
    %jit3A_1363 = arith.constant 0.000000e+00 : f32
    %broadcast_in_dim3A_1364 = vector.broadcast %jit3A_1362 : f32 to vector<3072x128xf32>
    %broadcast_in_dim3A_1365 = vector.broadcast %jit3A_1363 : f32 to vector<3072x128xf32>
    %select_n3A_1366 = arith.select %ge3A_1361, %broadcast_in_dim3A_1364, %broadcast_in_dim3A_1365 : vector<3072x128xi1>, vector<3072x128xf32>
    %broadcast_in_dim3A_1367 = arith.constant 1.000000e+00 : f32
    %broadcast_in_dim3A_1368 = vector.broadcast %broadcast_in_dim3A_1367 : f32 to vector<1x3072xf32>
    %dot_general3A_1369 = arith.constant dense<0.000000e+00> : vector<1x128xf32>
    %dot_general3A_1370 = tpu.matmul %broadcast_in_dim3A_1368, %select_n3A_1366, %dot_general3A_1369 {dimension_numbers = #tpu.dot_dimension_numbers<[1], [0], [0], [1], [0, 0, 1, 1], [], []>, transpose_lhs_hint = false} : vector<1x3072xf32>, vector<3072x128xf32>, vector<1x128xf32> -> vector<1x128xf32>
    %add3A_1371 = arith.addf %dot_general3A_1357, %dot_general3A_1370 : vector<1x128xf32>
    %slice3A_1372 = vector.extract_strided_slice %reshape3A {offsets = [3200, 0], sizes = [4992, 1], strides = [1, 1]} : vector<8192x1xf32> to vector<4992x1xf32>
    %gt3A_1373 = vector.broadcast %slice3A_1372 : vector<4992x1xf32> to vector<4992x128xf32>
    %gt3A_1374 = vector.broadcast %slice3A_1339 : vector<1x128xf32> to vector<4992x128xf32>
    %gt3A_1375 = arith.cmpf ogt, %gt3A_1373, %gt3A_1374 : vector<4992x128xf32>
    %jit3A_1376 = arith.constant 1.000000e+00 : f32
    %jit3A_1377 = arith.constant 0.000000e+00 : f32
    %broadcast_in_dim3A_1378 = vector.broadcast %jit3A_1376 : f32 to vector<4992x128xf32>
    %broadcast_in_dim3A_1379 = vector.broadcast %jit3A_1377 : f32 to vector<4992x128xf32>
    %select_n3A_1380 = arith.select %gt3A_1375, %broadcast_in_dim3A_1378, %broadcast_in_dim3A_1379 : vector<4992x128xi1>, vector<4992x128xf32>
    %broadcast_in_dim3A_1381 = arith.constant 1.000000e+00 : f32
    %broadcast_in_dim3A_1382 = vector.broadcast %broadcast_in_dim3A_1381 : f32 to vector<1x4992xf32>
    %dot_general3A_1383 = arith.constant dense<0.000000e+00> : vector<1x128xf32>
    %dot_general3A_1384 = tpu.matmul %broadcast_in_dim3A_1382, %select_n3A_1380, %dot_general3A_1383 {dimension_numbers = #tpu.dot_dimension_numbers<[1], [0], [0], [1], [0, 0, 1, 1], [], []>, transpose_lhs_hint = false} : vector<1x4992xf32>, vector<4992x128xf32>, vector<1x128xf32> -> vector<1x128xf32>
    %add3A_1385 = arith.addf %add3A_1371, %dot_general3A_1384 : vector<1x128xf32>
    %convert_element_type3A_1386 = arith.fptosi %add3A_1385 : vector<1x128xf32> to vector<1x128xi32>
    %swap3A_1387 = arith.constant 0 : index
    %swap3A_1388 = arith.constant 0 : index
    %swap3A_1389 = arith.constant 3072 : index
    %swap3A_1390 = vector.load %arg3[%swap3A_1387, %swap3A_1388, %swap3A_1389] : memref<1x1x8192xi32, #tpu.memory_space<vmem>>, vector<1x1x128xi32>
    %swap3A_1391 = vector.shape_cast %swap3A_1390 : vector<1x1x128xi32> to vector<1x128xi32>
    %swap3A_1392 = vector.shape_cast %convert_element_type3A_1386 : vector<1x128xi32> to vector<1x1x128xi32>
    tpu.vector_store %arg3[%swap3A_1387, %swap3A_1388, %swap3A_1389], %swap3A_1392 {strides = array<i32>} : memref<1x1x8192xi32, #tpu.memory_space<vmem>>, vector<1x1x128xi32>,
    %slice3A_1393 = vector.extract_strided_slice %concatenate3A_60 {offsets = [0, 3200], sizes = [1, 128], strides = [1, 1]} : vector<1x8192xf32> to vector<1x128xf32>
    %slice3A_1394 = vector.extract_strided_slice %reshape3A {offsets = [3200, 0], sizes = [128, 1], strides = [1, 1]} : vector<8192x1xf32> to vector<128x1xf32>
    %gt3A_1395 = vector.broadcast %slice3A_1394 : vector<128x1xf32> to vector<128x128xf32>
    %gt3A_1396 = vector.broadcast %slice3A_1393 : vector<1x128xf32> to vector<128x128xf32>
    %gt3A_1397 = arith.cmpf ogt, %gt3A_1395, %gt3A_1396 : vector<128x128xf32>
    %eq3A_1398 = vector.broadcast %slice3A_1394 : vector<128x1xf32> to vector<128x128xf32>
    %eq3A_1399 = vector.broadcast %slice3A_1393 : vector<1x128xf32> to vector<128x128xf32>
    %eq3A_1400 = arith.cmpf oeq, %eq3A_1398, %eq3A_1399 : vector<128x128xf32>
    %and3A_1401 = arith.andi %eq3A_1400, %lt3A : vector<128x128xi1>
    %or3A_1402 = arith.ori %gt3A_1397, %and3A_1401 : vector<128x128xi1>
    %jit3A_1403 = arith.constant 1.000000e+00 : f32
    %jit3A_1404 = arith.constant 0.000000e+00 : f32
    %broadcast_in_dim3A_1405 = vector.broadcast %jit3A_1403 : f32 to vector<128x128xf32>
    %broadcast_in_dim3A_1406 = vector.broadcast %jit3A_1404 : f32 to vector<128x128xf32>
    %select_n3A_1407 = arith.select %or3A_1402, %broadcast_in_dim3A_1405, %broadcast_in_dim3A_1406 : vector<128x128xi1>, vector<128x128xf32>
    %broadcast_in_dim3A_1408 = arith.constant 1.000000e+00 : f32
    %broadcast_in_dim3A_1409 = vector.broadcast %broadcast_in_dim3A_1408 : f32 to vector<1x128xf32>
    %dot_general3A_1410 = arith.constant dense<0.000000e+00> : vector<1x128xf32>
    %dot_general3A_1411 = tpu.matmul %broadcast_in_dim3A_1409, %select_n3A_1407, %dot_general3A_1410 {dimension_numbers = #tpu.dot_dimension_numbers<[1], [0], [0], [1], [0, 0, 1, 1], [], []>, transpose_lhs_hint = false} : vector<1x128xf32>, vector<128x128xf32>, vector<1x128xf32> -> vector<1x128xf32>
    %slice3A_1412 = vector.extract_strided_slice %reshape3A {offsets = [0, 0], sizes = [3200, 1], strides = [1, 1]} : vector<8192x1xf32> to vector<3200x1xf32>
    %ge3A_1413 = vector.broadcast %slice3A_1412 : vector<3200x1xf32> to vector<3200x128xf32>
    %ge3A_1414 = vector.broadcast %slice3A_1393 : vector<1x128xf32> to vector<3200x128xf32>
    %ge3A_1415 = arith.cmpf oge, %ge3A_1413, %ge3A_1414 : vector<3200x128xf32>
    %jit3A_1416 = arith.constant 1.000000e+00 : f32
    %jit3A_1417 = arith.constant 0.000000e+00 : f32
    %broadcast_in_dim3A_1418 = vector.broadcast %jit3A_1416 : f32 to vector<3200x128xf32>
    %broadcast_in_dim3A_1419 = vector.broadcast %jit3A_1417 : f32 to vector<3200x128xf32>
    %select_n3A_1420 = arith.select %ge3A_1415, %broadcast_in_dim3A_1418, %broadcast_in_dim3A_1419 : vector<3200x128xi1>, vector<3200x128xf32>
    %broadcast_in_dim3A_1421 = arith.constant 1.000000e+00 : f32
    %broadcast_in_dim3A_1422 = vector.broadcast %broadcast_in_dim3A_1421 : f32 to vector<1x3200xf32>
    %dot_general3A_1423 = arith.constant dense<0.000000e+00> : vector<1x128xf32>
    %dot_general3A_1424 = tpu.matmul %broadcast_in_dim3A_1422, %select_n3A_1420, %dot_general3A_1423 {dimension_numbers = #tpu.dot_dimension_numbers<[1], [0], [0], [1], [0, 0, 1, 1], [], []>, transpose_lhs_hint = false} : vector<1x3200xf32>, vector<3200x128xf32>, vector<1x128xf32> -> vector<1x128xf32>
    %add3A_1425 = arith.addf %dot_general3A_1411, %dot_general3A_1424 : vector<1x128xf32>
    %slice3A_1426 = vector.extract_strided_slice %reshape3A {offsets = [3328, 0], sizes = [4864, 1], strides = [1, 1]} : vector<8192x1xf32> to vector<4864x1xf32>
    %gt3A_1427 = vector.broadcast %slice3A_1426 : vector<4864x1xf32> to vector<4864x128xf32>
    %gt3A_1428 = vector.broadcast %slice3A_1393 : vector<1x128xf32> to vector<4864x128xf32>
    %gt3A_1429 = arith.cmpf ogt, %gt3A_1427, %gt3A_1428 : vector<4864x128xf32>
    %jit3A_1430 = arith.constant 1.000000e+00 : f32
    %jit3A_1431 = arith.constant 0.000000e+00 : f32
    %broadcast_in_dim3A_1432 = vector.broadcast %jit3A_1430 : f32 to vector<4864x128xf32>
    %broadcast_in_dim3A_1433 = vector.broadcast %jit3A_1431 : f32 to vector<4864x128xf32>
    %select_n3A_1434 = arith.select %gt3A_1429, %broadcast_in_dim3A_1432, %broadcast_in_dim3A_1433 : vector<4864x128xi1>, vector<4864x128xf32>
    %broadcast_in_dim3A_1435 = arith.constant 1.000000e+00 : f32
    %broadcast_in_dim3A_1436 = vector.broadcast %broadcast_in_dim3A_1435 : f32 to vector<1x4864xf32>
    %dot_general3A_1437 = arith.constant dense<0.000000e+00> : vector<1x128xf32>
    %dot_general3A_1438 = tpu.matmul %broadcast_in_dim3A_1436, %select_n3A_1434, %dot_general3A_1437 {dimension_numbers = #tpu.dot_dimension_numbers<[1], [0], [0], [1], [0, 0, 1, 1], [], []>, transpose_lhs_hint = false} : vector<1x4864xf32>, vector<4864x128xf32>, vector<1x128xf32> -> vector<1x128xf32>
    %add3A_1439 = arith.addf %add3A_1425, %dot_general3A_1438 : vector<1x128xf32>
    %convert_element_type3A_1440 = arith.fptosi %add3A_1439 : vector<1x128xf32> to vector<1x128xi32>
    %swap3A_1441 = arith.constant 0 : index
    %swap3A_1442 = arith.constant 0 : index
    %swap3A_1443 = arith.constant 3200 : index
    %swap3A_1444 = vector.load %arg3[%swap3A_1441, %swap3A_1442, %swap3A_1443] : memref<1x1x8192xi32, #tpu.memory_space<vmem>>, vector<1x1x128xi32>
    %swap3A_1445 = vector.shape_cast %swap3A_1444 : vector<1x1x128xi32> to vector<1x128xi32>
    %swap3A_1446 = vector.shape_cast %convert_element_type3A_1440 : vector<1x128xi32> to vector<1x1x128xi32>
    tpu.vector_store %arg3[%swap3A_1441, %swap3A_1442, %swap3A_1443], %swap3A_1446 {strides = array<i32>} : memref<1x1x8192xi32, #tpu.memory_space<vmem>>, vector<1x1x128xi32>,
    %slice3A_1447 = vector.extract_strided_slice %concatenate3A_60 {offsets = [0, 3328], sizes = [1, 128], strides = [1, 1]} : vector<1x8192xf32> to vector<1x128xf32>
    %slice3A_1448 = vector.extract_strided_slice %reshape3A {offsets = [3328, 0], sizes = [128, 1], strides = [1, 1]} : vector<8192x1xf32> to vector<128x1xf32>
    %gt3A_1449 = vector.broadcast %slice3A_1448 : vector<128x1xf32> to vector<128x128xf32>
    %gt3A_1450 = vector.broadcast %slice3A_1447 : vector<1x128xf32> to vector<128x128xf32>
    %gt3A_1451 = arith.cmpf ogt, %gt3A_1449, %gt3A_1450 : vector<128x128xf32>
    %eq3A_1452 = vector.broadcast %slice3A_1448 : vector<128x1xf32> to vector<128x128xf32>
    %eq3A_1453 = vector.broadcast %slice3A_1447 : vector<1x128xf32> to vector<128x128xf32>
    %eq3A_1454 = arith.cmpf oeq, %eq3A_1452, %eq3A_1453 : vector<128x128xf32>
    %and3A_1455 = arith.andi %eq3A_1454, %lt3A : vector<128x128xi1>
    %or3A_1456 = arith.ori %gt3A_1451, %and3A_1455 : vector<128x128xi1>
    %jit3A_1457 = arith.constant 1.000000e+00 : f32
    %jit3A_1458 = arith.constant 0.000000e+00 : f32
    %broadcast_in_dim3A_1459 = vector.broadcast %jit3A_1457 : f32 to vector<128x128xf32>
    %broadcast_in_dim3A_1460 = vector.broadcast %jit3A_1458 : f32 to vector<128x128xf32>
    %select_n3A_1461 = arith.select %or3A_1456, %broadcast_in_dim3A_1459, %broadcast_in_dim3A_1460 : vector<128x128xi1>, vector<128x128xf32>
    %broadcast_in_dim3A_1462 = arith.constant 1.000000e+00 : f32
    %broadcast_in_dim3A_1463 = vector.broadcast %broadcast_in_dim3A_1462 : f32 to vector<1x128xf32>
    %dot_general3A_1464 = arith.constant dense<0.000000e+00> : vector<1x128xf32>
    %dot_general3A_1465 = tpu.matmul %broadcast_in_dim3A_1463, %select_n3A_1461, %dot_general3A_1464 {dimension_numbers = #tpu.dot_dimension_numbers<[1], [0], [0], [1], [0, 0, 1, 1], [], []>, transpose_lhs_hint = false} : vector<1x128xf32>, vector<128x128xf32>, vector<1x128xf32> -> vector<1x128xf32>
    %slice3A_1466 = vector.extract_strided_slice %reshape3A {offsets = [0, 0], sizes = [3328, 1], strides = [1, 1]} : vector<8192x1xf32> to vector<3328x1xf32>
    %ge3A_1467 = vector.broadcast %slice3A_1466 : vector<3328x1xf32> to vector<3328x128xf32>
    %ge3A_1468 = vector.broadcast %slice3A_1447 : vector<1x128xf32> to vector<3328x128xf32>
    %ge3A_1469 = arith.cmpf oge, %ge3A_1467, %ge3A_1468 : vector<3328x128xf32>
    %jit3A_1470 = arith.constant 1.000000e+00 : f32
    %jit3A_1471 = arith.constant 0.000000e+00 : f32
    %broadcast_in_dim3A_1472 = vector.broadcast %jit3A_1470 : f32 to vector<3328x128xf32>
    %broadcast_in_dim3A_1473 = vector.broadcast %jit3A_1471 : f32 to vector<3328x128xf32>
    %select_n3A_1474 = arith.select %ge3A_1469, %broadcast_in_dim3A_1472, %broadcast_in_dim3A_1473 : vector<3328x128xi1>, vector<3328x128xf32>
    %broadcast_in_dim3A_1475 = arith.constant 1.000000e+00 : f32
    %broadcast_in_dim3A_1476 = vector.broadcast %broadcast_in_dim3A_1475 : f32 to vector<1x3328xf32>
    %dot_general3A_1477 = arith.constant dense<0.000000e+00> : vector<1x128xf32>
    %dot_general3A_1478 = tpu.matmul %broadcast_in_dim3A_1476, %select_n3A_1474, %dot_general3A_1477 {dimension_numbers = #tpu.dot_dimension_numbers<[1], [0], [0], [1], [0, 0, 1, 1], [], []>, transpose_lhs_hint = false} : vector<1x3328xf32>, vector<3328x128xf32>, vector<1x128xf32> -> vector<1x128xf32>
    %add3A_1479 = arith.addf %dot_general3A_1465, %dot_general3A_1478 : vector<1x128xf32>
    %slice3A_1480 = vector.extract_strided_slice %reshape3A {offsets = [3456, 0], sizes = [4736, 1], strides = [1, 1]} : vector<8192x1xf32> to vector<4736x1xf32>
    %gt3A_1481 = vector.broadcast %slice3A_1480 : vector<4736x1xf32> to vector<4736x128xf32>
    %gt3A_1482 = vector.broadcast %slice3A_1447 : vector<1x128xf32> to vector<4736x128xf32>
    %gt3A_1483 = arith.cmpf ogt, %gt3A_1481, %gt3A_1482 : vector<4736x128xf32>
    %jit3A_1484 = arith.constant 1.000000e+00 : f32
    %jit3A_1485 = arith.constant 0.000000e+00 : f32
    %broadcast_in_dim3A_1486 = vector.broadcast %jit3A_1484 : f32 to vector<4736x128xf32>
    %broadcast_in_dim3A_1487 = vector.broadcast %jit3A_1485 : f32 to vector<4736x128xf32>
    %select_n3A_1488 = arith.select %gt3A_1483, %broadcast_in_dim3A_1486, %broadcast_in_dim3A_1487 : vector<4736x128xi1>, vector<4736x128xf32>
    %broadcast_in_dim3A_1489 = arith.constant 1.000000e+00 : f32
    %broadcast_in_dim3A_1490 = vector.broadcast %broadcast_in_dim3A_1489 : f32 to vector<1x4736xf32>
    %dot_general3A_1491 = arith.constant dense<0.000000e+00> : vector<1x128xf32>
    %dot_general3A_1492 = tpu.matmul %broadcast_in_dim3A_1490, %select_n3A_1488, %dot_general3A_1491 {dimension_numbers = #tpu.dot_dimension_numbers<[1], [0], [0], [1], [0, 0, 1, 1], [], []>, transpose_lhs_hint = false} : vector<1x4736xf32>, vector<4736x128xf32>, vector<1x128xf32> -> vector<1x128xf32>
    %add3A_1493 = arith.addf %add3A_1479, %dot_general3A_1492 : vector<1x128xf32>
    %convert_element_type3A_1494 = arith.fptosi %add3A_1493 : vector<1x128xf32> to vector<1x128xi32>
    %swap3A_1495 = arith.constant 0 : index
    %swap3A_1496 = arith.constant 0 : index
    %swap3A_1497 = arith.constant 3328 : index
    %swap3A_1498 = vector.load %arg3[%swap3A_1495, %swap3A_1496, %swap3A_1497] : memref<1x1x8192xi32, #tpu.memory_space<vmem>>, vector<1x1x128xi32>
    %swap3A_1499 = vector.shape_cast %swap3A_1498 : vector<1x1x128xi32> to vector<1x128xi32>
    %swap3A_1500 = vector.shape_cast %convert_element_type3A_1494 : vector<1x128xi32> to vector<1x1x128xi32>
    tpu.vector_store %arg3[%swap3A_1495, %swap3A_1496, %swap3A_1497], %swap3A_1500 {strides = array<i32>} : memref<1x1x8192xi32, #tpu.memory_space<vmem>>, vector<1x1x128xi32>,
    %slice3A_1501 = vector.extract_strided_slice %concatenate3A_60 {offsets = [0, 3456], sizes = [1, 128], strides = [1, 1]} : vector<1x8192xf32> to vector<1x128xf32>
    %slice3A_1502 = vector.extract_strided_slice %reshape3A {offsets = [3456, 0], sizes = [128, 1], strides = [1, 1]} : vector<8192x1xf32> to vector<128x1xf32>
    %gt3A_1503 = vector.broadcast %slice3A_1502 : vector<128x1xf32> to vector<128x128xf32>
    %gt3A_1504 = vector.broadcast %slice3A_1501 : vector<1x128xf32> to vector<128x128xf32>
    %gt3A_1505 = arith.cmpf ogt, %gt3A_1503, %gt3A_1504 : vector<128x128xf32>
    %eq3A_1506 = vector.broadcast %slice3A_1502 : vector<128x1xf32> to vector<128x128xf32>
    %eq3A_1507 = vector.broadcast %slice3A_1501 : vector<1x128xf32> to vector<128x128xf32>
    %eq3A_1508 = arith.cmpf oeq, %eq3A_1506, %eq3A_1507 : vector<128x128xf32>
    %and3A_1509 = arith.andi %eq3A_1508, %lt3A : vector<128x128xi1>
    %or3A_1510 = arith.ori %gt3A_1505, %and3A_1509 : vector<128x128xi1>
    %jit3A_1511 = arith.constant 1.000000e+00 : f32
    %jit3A_1512 = arith.constant 0.000000e+00 : f32
    %broadcast_in_dim3A_1513 = vector.broadcast %jit3A_1511 : f32 to vector<128x128xf32>
    %broadcast_in_dim3A_1514 = vector.broadcast %jit3A_1512 : f32 to vector<128x128xf32>
    %select_n3A_1515 = arith.select %or3A_1510, %broadcast_in_dim3A_1513, %broadcast_in_dim3A_1514 : vector<128x128xi1>, vector<128x128xf32>
    %broadcast_in_dim3A_1516 = arith.constant 1.000000e+00 : f32
    %broadcast_in_dim3A_1517 = vector.broadcast %broadcast_in_dim3A_1516 : f32 to vector<1x128xf32>
    %dot_general3A_1518 = arith.constant dense<0.000000e+00> : vector<1x128xf32>
    %dot_general3A_1519 = tpu.matmul %broadcast_in_dim3A_1517, %select_n3A_1515, %dot_general3A_1518 {dimension_numbers = #tpu.dot_dimension_numbers<[1], [0], [0], [1], [0, 0, 1, 1], [], []>, transpose_lhs_hint = false} : vector<1x128xf32>, vector<128x128xf32>, vector<1x128xf32> -> vector<1x128xf32>
    %slice3A_1520 = vector.extract_strided_slice %reshape3A {offsets = [0, 0], sizes = [3456, 1], strides = [1, 1]} : vector<8192x1xf32> to vector<3456x1xf32>
    %ge3A_1521 = vector.broadcast %slice3A_1520 : vector<3456x1xf32> to vector<3456x128xf32>
    %ge3A_1522 = vector.broadcast %slice3A_1501 : vector<1x128xf32> to vector<3456x128xf32>
    %ge3A_1523 = arith.cmpf oge, %ge3A_1521, %ge3A_1522 : vector<3456x128xf32>
    %jit3A_1524 = arith.constant 1.000000e+00 : f32
    %jit3A_1525 = arith.constant 0.000000e+00 : f32
    %broadcast_in_dim3A_1526 = vector.broadcast %jit3A_1524 : f32 to vector<3456x128xf32>
    %broadcast_in_dim3A_1527 = vector.broadcast %jit3A_1525 : f32 to vector<3456x128xf32>
    %select_n3A_1528 = arith.select %ge3A_1523, %broadcast_in_dim3A_1526, %broadcast_in_dim3A_1527 : vector<3456x128xi1>, vector<3456x128xf32>
    %broadcast_in_dim3A_1529 = arith.constant 1.000000e+00 : f32
    %broadcast_in_dim3A_1530 = vector.broadcast %broadcast_in_dim3A_1529 : f32 to vector<1x3456xf32>
    %dot_general3A_1531 = arith.constant dense<0.000000e+00> : vector<1x128xf32>
    %dot_general3A_1532 = tpu.matmul %broadcast_in_dim3A_1530, %select_n3A_1528, %dot_general3A_1531 {dimension_numbers = #tpu.dot_dimension_numbers<[1], [0], [0], [1], [0, 0, 1, 1], [], []>, transpose_lhs_hint = false} : vector<1x3456xf32>, vector<3456x128xf32>, vector<1x128xf32> -> vector<1x128xf32>
    %add3A_1533 = arith.addf %dot_general3A_1519, %dot_general3A_1532 : vector<1x128xf32>
    %slice3A_1534 = vector.extract_strided_slice %reshape3A {offsets = [3584, 0], sizes = [4608, 1], strides = [1, 1]} : vector<8192x1xf32> to vector<4608x1xf32>
    %gt3A_1535 = vector.broadcast %slice3A_1534 : vector<4608x1xf32> to vector<4608x128xf32>
    %gt3A_1536 = vector.broadcast %slice3A_1501 : vector<1x128xf32> to vector<4608x128xf32>
    %gt3A_1537 = arith.cmpf ogt, %gt3A_1535, %gt3A_1536 : vector<4608x128xf32>
    %jit3A_1538 = arith.constant 1.000000e+00 : f32
    %jit3A_1539 = arith.constant 0.000000e+00 : f32
    %broadcast_in_dim3A_1540 = vector.broadcast %jit3A_1538 : f32 to vector<4608x128xf32>
    %broadcast_in_dim3A_1541 = vector.broadcast %jit3A_1539 : f32 to vector<4608x128xf32>
    %select_n3A_1542 = arith.select %gt3A_1537, %broadcast_in_dim3A_1540, %broadcast_in_dim3A_1541 : vector<4608x128xi1>, vector<4608x128xf32>
    %broadcast_in_dim3A_1543 = arith.constant 1.000000e+00 : f32
    %broadcast_in_dim3A_1544 = vector.broadcast %broadcast_in_dim3A_1543 : f32 to vector<1x4608xf32>
    %dot_general3A_1545 = arith.constant dense<0.000000e+00> : vector<1x128xf32>
    %dot_general3A_1546 = tpu.matmul %broadcast_in_dim3A_1544, %select_n3A_1542, %dot_general3A_1545 {dimension_numbers = #tpu.dot_dimension_numbers<[1], [0], [0], [1], [0, 0, 1, 1], [], []>, transpose_lhs_hint = false} : vector<1x4608xf32>, vector<4608x128xf32>, vector<1x128xf32> -> vector<1x128xf32>
    %add3A_1547 = arith.addf %add3A_1533, %dot_general3A_1546 : vector<1x128xf32>
    %convert_element_type3A_1548 = arith.fptosi %add3A_1547 : vector<1x128xf32> to vector<1x128xi32>
    %swap3A_1549 = arith.constant 0 : index
    %swap3A_1550 = arith.constant 0 : index
    %swap3A_1551 = arith.constant 3456 : index
    %swap3A_1552 = vector.load %arg3[%swap3A_1549, %swap3A_1550, %swap3A_1551] : memref<1x1x8192xi32, #tpu.memory_space<vmem>>, vector<1x1x128xi32>
    %swap3A_1553 = vector.shape_cast %swap3A_1552 : vector<1x1x128xi32> to vector<1x128xi32>
    %swap3A_1554 = vector.shape_cast %convert_element_type3A_1548 : vector<1x128xi32> to vector<1x1x128xi32>
    tpu.vector_store %arg3[%swap3A_1549, %swap3A_1550, %swap3A_1551], %swap3A_1554 {strides = array<i32>} : memref<1x1x8192xi32, #tpu.memory_space<vmem>>, vector<1x1x128xi32>,
    %slice3A_1555 = vector.extract_strided_slice %concatenate3A_60 {offsets = [0, 3584], sizes = [1, 128], strides = [1, 1]} : vector<1x8192xf32> to vector<1x128xf32>
    %slice3A_1556 = vector.extract_strided_slice %reshape3A {offsets = [3584, 0], sizes = [128, 1], strides = [1, 1]} : vector<8192x1xf32> to vector<128x1xf32>
    %gt3A_1557 = vector.broadcast %slice3A_1556 : vector<128x1xf32> to vector<128x128xf32>
    %gt3A_1558 = vector.broadcast %slice3A_1555 : vector<1x128xf32> to vector<128x128xf32>
    %gt3A_1559 = arith.cmpf ogt, %gt3A_1557, %gt3A_1558 : vector<128x128xf32>
    %eq3A_1560 = vector.broadcast %slice3A_1556 : vector<128x1xf32> to vector<128x128xf32>
    %eq3A_1561 = vector.broadcast %slice3A_1555 : vector<1x128xf32> to vector<128x128xf32>
    %eq3A_1562 = arith.cmpf oeq, %eq3A_1560, %eq3A_1561 : vector<128x128xf32>
    %and3A_1563 = arith.andi %eq3A_1562, %lt3A : vector<128x128xi1>
    %or3A_1564 = arith.ori %gt3A_1559, %and3A_1563 : vector<128x128xi1>
    %jit3A_1565 = arith.constant 1.000000e+00 : f32
    %jit3A_1566 = arith.constant 0.000000e+00 : f32
    %broadcast_in_dim3A_1567 = vector.broadcast %jit3A_1565 : f32 to vector<128x128xf32>
    %broadcast_in_dim3A_1568 = vector.broadcast %jit3A_1566 : f32 to vector<128x128xf32>
    %select_n3A_1569 = arith.select %or3A_1564, %broadcast_in_dim3A_1567, %broadcast_in_dim3A_1568 : vector<128x128xi1>, vector<128x128xf32>
    %broadcast_in_dim3A_1570 = arith.constant 1.000000e+00 : f32
    %broadcast_in_dim3A_1571 = vector.broadcast %broadcast_in_dim3A_1570 : f32 to vector<1x128xf32>
    %dot_general3A_1572 = arith.constant dense<0.000000e+00> : vector<1x128xf32>
    %dot_general3A_1573 = tpu.matmul %broadcast_in_dim3A_1571, %select_n3A_1569, %dot_general3A_1572 {dimension_numbers = #tpu.dot_dimension_numbers<[1], [0], [0], [1], [0, 0, 1, 1], [], []>, transpose_lhs_hint = false} : vector<1x128xf32>, vector<128x128xf32>, vector<1x128xf32> -> vector<1x128xf32>
    %slice3A_1574 = vector.extract_strided_slice %reshape3A {offsets = [0, 0], sizes = [3584, 1], strides = [1, 1]} : vector<8192x1xf32> to vector<3584x1xf32>
    %ge3A_1575 = vector.broadcast %slice3A_1574 : vector<3584x1xf32> to vector<3584x128xf32>
    %ge3A_1576 = vector.broadcast %slice3A_1555 : vector<1x128xf32> to vector<3584x128xf32>
    %ge3A_1577 = arith.cmpf oge, %ge3A_1575, %ge3A_1576 : vector<3584x128xf32>
    %jit3A_1578 = arith.constant 1.000000e+00 : f32
    %jit3A_1579 = arith.constant 0.000000e+00 : f32
    %broadcast_in_dim3A_1580 = vector.broadcast %jit3A_1578 : f32 to vector<3584x128xf32>
    %broadcast_in_dim3A_1581 = vector.broadcast %jit3A_1579 : f32 to vector<3584x128xf32>
    %select_n3A_1582 = arith.select %ge3A_1577, %broadcast_in_dim3A_1580, %broadcast_in_dim3A_1581 : vector<3584x128xi1>, vector<3584x128xf32>
    %broadcast_in_dim3A_1583 = arith.constant 1.000000e+00 : f32
    %broadcast_in_dim3A_1584 = vector.broadcast %broadcast_in_dim3A_1583 : f32 to vector<1x3584xf32>
    %dot_general3A_1585 = arith.constant dense<0.000000e+00> : vector<1x128xf32>
    %dot_general3A_1586 = tpu.matmul %broadcast_in_dim3A_1584, %select_n3A_1582, %dot_general3A_1585 {dimension_numbers = #tpu.dot_dimension_numbers<[1], [0], [0], [1], [0, 0, 1, 1], [], []>, transpose_lhs_hint = false} : vector<1x3584xf32>, vector<3584x128xf32>, vector<1x128xf32> -> vector<1x128xf32>
    %add3A_1587 = arith.addf %dot_general3A_1573, %dot_general3A_1586 : vector<1x128xf32>
    %slice3A_1588 = vector.extract_strided_slice %reshape3A {offsets = [3712, 0], sizes = [4480, 1], strides = [1, 1]} : vector<8192x1xf32> to vector<4480x1xf32>
    %gt3A_1589 = vector.broadcast %slice3A_1588 : vector<4480x1xf32> to vector<4480x128xf32>
    %gt3A_1590 = vector.broadcast %slice3A_1555 : vector<1x128xf32> to vector<4480x128xf32>
    %gt3A_1591 = arith.cmpf ogt, %gt3A_1589, %gt3A_1590 : vector<4480x128xf32>
    %jit3A_1592 = arith.constant 1.000000e+00 : f32
    %jit3A_1593 = arith.constant 0.000000e+00 : f32
    %broadcast_in_dim3A_1594 = vector.broadcast %jit3A_1592 : f32 to vector<4480x128xf32>
    %broadcast_in_dim3A_1595 = vector.broadcast %jit3A_1593 : f32 to vector<4480x128xf32>
    %select_n3A_1596 = arith.select %gt3A_1591, %broadcast_in_dim3A_1594, %broadcast_in_dim3A_1595 : vector<4480x128xi1>, vector<4480x128xf32>
    %broadcast_in_dim3A_1597 = arith.constant 1.000000e+00 : f32
    %broadcast_in_dim3A_1598 = vector.broadcast %broadcast_in_dim3A_1597 : f32 to vector<1x4480xf32>
    %dot_general3A_1599 = arith.constant dense<0.000000e+00> : vector<1x128xf32>
    %dot_general3A_1600 = tpu.matmul %broadcast_in_dim3A_1598, %select_n3A_1596, %dot_general3A_1599 {dimension_numbers = #tpu.dot_dimension_numbers<[1], [0], [0], [1], [0, 0, 1, 1], [], []>, transpose_lhs_hint = false} : vector<1x4480xf32>, vector<4480x128xf32>, vector<1x128xf32> -> vector<1x128xf32>
    %add3A_1601 = arith.addf %add3A_1587, %dot_general3A_1600 : vector<1x128xf32>
    %convert_element_type3A_1602 = arith.fptosi %add3A_1601 : vector<1x128xf32> to vector<1x128xi32>
    %swap3A_1603 = arith.constant 0 : index
    %swap3A_1604 = arith.constant 0 : index
    %swap3A_1605 = arith.constant 3584 : index
    %swap3A_1606 = vector.load %arg3[%swap3A_1603, %swap3A_1604, %swap3A_1605] : memref<1x1x8192xi32, #tpu.memory_space<vmem>>, vector<1x1x128xi32>
    %swap3A_1607 = vector.shape_cast %swap3A_1606 : vector<1x1x128xi32> to vector<1x128xi32>
    %swap3A_1608 = vector.shape_cast %convert_element_type3A_1602 : vector<1x128xi32> to vector<1x1x128xi32>
    tpu.vector_store %arg3[%swap3A_1603, %swap3A_1604, %swap3A_1605], %swap3A_1608 {strides = array<i32>} : memref<1x1x8192xi32, #tpu.memory_space<vmem>>, vector<1x1x128xi32>,
    %slice3A_1609 = vector.extract_strided_slice %concatenate3A_60 {offsets = [0, 3712], sizes = [1, 128], strides = [1, 1]} : vector<1x8192xf32> to vector<1x128xf32>
    %slice3A_1610 = vector.extract_strided_slice %reshape3A {offsets = [3712, 0], sizes = [128, 1], strides = [1, 1]} : vector<8192x1xf32> to vector<128x1xf32>
    %gt3A_1611 = vector.broadcast %slice3A_1610 : vector<128x1xf32> to vector<128x128xf32>
    %gt3A_1612 = vector.broadcast %slice3A_1609 : vector<1x128xf32> to vector<128x128xf32>
    %gt3A_1613 = arith.cmpf ogt, %gt3A_1611, %gt3A_1612 : vector<128x128xf32>
    %eq3A_1614 = vector.broadcast %slice3A_1610 : vector<128x1xf32> to vector<128x128xf32>
    %eq3A_1615 = vector.broadcast %slice3A_1609 : vector<1x128xf32> to vector<128x128xf32>
    %eq3A_1616 = arith.cmpf oeq, %eq3A_1614, %eq3A_1615 : vector<128x128xf32>
    %and3A_1617 = arith.andi %eq3A_1616, %lt3A : vector<128x128xi1>
    %or3A_1618 = arith.ori %gt3A_1613, %and3A_1617 : vector<128x128xi1>
    %jit3A_1619 = arith.constant 1.000000e+00 : f32
    %jit3A_1620 = arith.constant 0.000000e+00 : f32
    %broadcast_in_dim3A_1621 = vector.broadcast %jit3A_1619 : f32 to vector<128x128xf32>
    %broadcast_in_dim3A_1622 = vector.broadcast %jit3A_1620 : f32 to vector<128x128xf32>
    %select_n3A_1623 = arith.select %or3A_1618, %broadcast_in_dim3A_1621, %broadcast_in_dim3A_1622 : vector<128x128xi1>, vector<128x128xf32>
    %broadcast_in_dim3A_1624 = arith.constant 1.000000e+00 : f32
    %broadcast_in_dim3A_1625 = vector.broadcast %broadcast_in_dim3A_1624 : f32 to vector<1x128xf32>
    %dot_general3A_1626 = arith.constant dense<0.000000e+00> : vector<1x128xf32>
    %dot_general3A_1627 = tpu.matmul %broadcast_in_dim3A_1625, %select_n3A_1623, %dot_general3A_1626 {dimension_numbers = #tpu.dot_dimension_numbers<[1], [0], [0], [1], [0, 0, 1, 1], [], []>, transpose_lhs_hint = false} : vector<1x128xf32>, vector<128x128xf32>, vector<1x128xf32> -> vector<1x128xf32>
    %slice3A_1628 = vector.extract_strided_slice %reshape3A {offsets = [0, 0], sizes = [3712, 1], strides = [1, 1]} : vector<8192x1xf32> to vector<3712x1xf32>
    %ge3A_1629 = vector.broadcast %slice3A_1628 : vector<3712x1xf32> to vector<3712x128xf32>
    %ge3A_1630 = vector.broadcast %slice3A_1609 : vector<1x128xf32> to vector<3712x128xf32>
    %ge3A_1631 = arith.cmpf oge, %ge3A_1629, %ge3A_1630 : vector<3712x128xf32>
    %jit3A_1632 = arith.constant 1.000000e+00 : f32
    %jit3A_1633 = arith.constant 0.000000e+00 : f32
    %broadcast_in_dim3A_1634 = vector.broadcast %jit3A_1632 : f32 to vector<3712x128xf32>
    %broadcast_in_dim3A_1635 = vector.broadcast %jit3A_1633 : f32 to vector<3712x128xf32>
    %select_n3A_1636 = arith.select %ge3A_1631, %broadcast_in_dim3A_1634, %broadcast_in_dim3A_1635 : vector<3712x128xi1>, vector<3712x128xf32>
    %broadcast_in_dim3A_1637 = arith.constant 1.000000e+00 : f32
    %broadcast_in_dim3A_1638 = vector.broadcast %broadcast_in_dim3A_1637 : f32 to vector<1x3712xf32>
    %dot_general3A_1639 = arith.constant dense<0.000000e+00> : vector<1x128xf32>
    %dot_general3A_1640 = tpu.matmul %broadcast_in_dim3A_1638, %select_n3A_1636, %dot_general3A_1639 {dimension_numbers = #tpu.dot_dimension_numbers<[1], [0], [0], [1], [0, 0, 1, 1], [], []>, transpose_lhs_hint = false} : vector<1x3712xf32>, vector<3712x128xf32>, vector<1x128xf32> -> vector<1x128xf32>
    %add3A_1641 = arith.addf %dot_general3A_1627, %dot_general3A_1640 : vector<1x128xf32>
    %slice3A_1642 = vector.extract_strided_slice %reshape3A {offsets = [3840, 0], sizes = [4352, 1], strides = [1, 1]} : vector<8192x1xf32> to vector<4352x1xf32>
    %gt3A_1643 = vector.broadcast %slice3A_1642 : vector<4352x1xf32> to vector<4352x128xf32>
    %gt3A_1644 = vector.broadcast %slice3A_1609 : vector<1x128xf32> to vector<4352x128xf32>
    %gt3A_1645 = arith.cmpf ogt, %gt3A_1643, %gt3A_1644 : vector<4352x128xf32>
    %jit3A_1646 = arith.constant 1.000000e+00 : f32
    %jit3A_1647 = arith.constant 0.000000e+00 : f32
    %broadcast_in_dim3A_1648 = vector.broadcast %jit3A_1646 : f32 to vector<4352x128xf32>
    %broadcast_in_dim3A_1649 = vector.broadcast %jit3A_1647 : f32 to vector<4352x128xf32>
    %select_n3A_1650 = arith.select %gt3A_1645, %broadcast_in_dim3A_1648, %broadcast_in_dim3A_1649 : vector<4352x128xi1>, vector<4352x128xf32>
    %broadcast_in_dim3A_1651 = arith.constant 1.000000e+00 : f32
    %broadcast_in_dim3A_1652 = vector.broadcast %broadcast_in_dim3A_1651 : f32 to vector<1x4352xf32>
    %dot_general3A_1653 = arith.constant dense<0.000000e+00> : vector<1x128xf32>
    %dot_general3A_1654 = tpu.matmul %broadcast_in_dim3A_1652, %select_n3A_1650, %dot_general3A_1653 {dimension_numbers = #tpu.dot_dimension_numbers<[1], [0], [0], [1], [0, 0, 1, 1], [], []>, transpose_lhs_hint = false} : vector<1x4352xf32>, vector<4352x128xf32>, vector<1x128xf32> -> vector<1x128xf32>
    %add3A_1655 = arith.addf %add3A_1641, %dot_general3A_1654 : vector<1x128xf32>
    %convert_element_type3A_1656 = arith.fptosi %add3A_1655 : vector<1x128xf32> to vector<1x128xi32>
    %swap3A_1657 = arith.constant 0 : index
    %swap3A_1658 = arith.constant 0 : index
    %swap3A_1659 = arith.constant 3712 : index
    %swap3A_1660 = vector.load %arg3[%swap3A_1657, %swap3A_1658, %swap3A_1659] : memref<1x1x8192xi32, #tpu.memory_space<vmem>>, vector<1x1x128xi32>
    %swap3A_1661 = vector.shape_cast %swap3A_1660 : vector<1x1x128xi32> to vector<1x128xi32>
    %swap3A_1662 = vector.shape_cast %convert_element_type3A_1656 : vector<1x128xi32> to vector<1x1x128xi32>
    tpu.vector_store %arg3[%swap3A_1657, %swap3A_1658, %swap3A_1659], %swap3A_1662 {strides = array<i32>} : memref<1x1x8192xi32, #tpu.memory_space<vmem>>, vector<1x1x128xi32>,
    %slice3A_1663 = vector.extract_strided_slice %concatenate3A_60 {offsets = [0, 3840], sizes = [1, 128], strides = [1, 1]} : vector<1x8192xf32> to vector<1x128xf32>
    %slice3A_1664 = vector.extract_strided_slice %reshape3A {offsets = [3840, 0], sizes = [128, 1], strides = [1, 1]} : vector<8192x1xf32> to vector<128x1xf32>
    %gt3A_1665 = vector.broadcast %slice3A_1664 : vector<128x1xf32> to vector<128x128xf32>
    %gt3A_1666 = vector.broadcast %slice3A_1663 : vector<1x128xf32> to vector<128x128xf32>
    %gt3A_1667 = arith.cmpf ogt, %gt3A_1665, %gt3A_1666 : vector<128x128xf32>
    %eq3A_1668 = vector.broadcast %slice3A_1664 : vector<128x1xf32> to vector<128x128xf32>
    %eq3A_1669 = vector.broadcast %slice3A_1663 : vector<1x128xf32> to vector<128x128xf32>
    %eq3A_1670 = arith.cmpf oeq, %eq3A_1668, %eq3A_1669 : vector<128x128xf32>
    %and3A_1671 = arith.andi %eq3A_1670, %lt3A : vector<128x128xi1>
    %or3A_1672 = arith.ori %gt3A_1667, %and3A_1671 : vector<128x128xi1>
    %jit3A_1673 = arith.constant 1.000000e+00 : f32
    %jit3A_1674 = arith.constant 0.000000e+00 : f32
    %broadcast_in_dim3A_1675 = vector.broadcast %jit3A_1673 : f32 to vector<128x128xf32>
    %broadcast_in_dim3A_1676 = vector.broadcast %jit3A_1674 : f32 to vector<128x128xf32>
    %select_n3A_1677 = arith.select %or3A_1672, %broadcast_in_dim3A_1675, %broadcast_in_dim3A_1676 : vector<128x128xi1>, vector<128x128xf32>
    %broadcast_in_dim3A_1678 = arith.constant 1.000000e+00 : f32
    %broadcast_in_dim3A_1679 = vector.broadcast %broadcast_in_dim3A_1678 : f32 to vector<1x128xf32>
    %dot_general3A_1680 = arith.constant dense<0.000000e+00> : vector<1x128xf32>
    %dot_general3A_1681 = tpu.matmul %broadcast_in_dim3A_1679, %select_n3A_1677, %dot_general3A_1680 {dimension_numbers = #tpu.dot_dimension_numbers<[1], [0], [0], [1], [0, 0, 1, 1], [], []>, transpose_lhs_hint = false} : vector<1x128xf32>, vector<128x128xf32>, vector<1x128xf32> -> vector<1x128xf32>
    %slice3A_1682 = vector.extract_strided_slice %reshape3A {offsets = [0, 0], sizes = [3840, 1], strides = [1, 1]} : vector<8192x1xf32> to vector<3840x1xf32>
    %ge3A_1683 = vector.broadcast %slice3A_1682 : vector<3840x1xf32> to vector<3840x128xf32>
    %ge3A_1684 = vector.broadcast %slice3A_1663 : vector<1x128xf32> to vector<3840x128xf32>
    %ge3A_1685 = arith.cmpf oge, %ge3A_1683, %ge3A_1684 : vector<3840x128xf32>
    %jit3A_1686 = arith.constant 1.000000e+00 : f32
    %jit3A_1687 = arith.constant 0.000000e+00 : f32
    %broadcast_in_dim3A_1688 = vector.broadcast %jit3A_1686 : f32 to vector<3840x128xf32>
    %broadcast_in_dim3A_1689 = vector.broadcast %jit3A_1687 : f32 to vector<3840x128xf32>
    %select_n3A_1690 = arith.select %ge3A_1685, %broadcast_in_dim3A_1688, %broadcast_in_dim3A_1689 : vector<3840x128xi1>, vector<3840x128xf32>
    %broadcast_in_dim3A_1691 = arith.constant 1.000000e+00 : f32
    %broadcast_in_dim3A_1692 = vector.broadcast %broadcast_in_dim3A_1691 : f32 to vector<1x3840xf32>
    %dot_general3A_1693 = arith.constant dense<0.000000e+00> : vector<1x128xf32>
    %dot_general3A_1694 = tpu.matmul %broadcast_in_dim3A_1692, %select_n3A_1690, %dot_general3A_1693 {dimension_numbers = #tpu.dot_dimension_numbers<[1], [0], [0], [1], [0, 0, 1, 1], [], []>, transpose_lhs_hint = false} : vector<1x3840xf32>, vector<3840x128xf32>, vector<1x128xf32> -> vector<1x128xf32>
    %add3A_1695 = arith.addf %dot_general3A_1681, %dot_general3A_1694 : vector<1x128xf32>
    %slice3A_1696 = vector.extract_strided_slice %reshape3A {offsets = [3968, 0], sizes = [4224, 1], strides = [1, 1]} : vector<8192x1xf32> to vector<4224x1xf32>
    %gt3A_1697 = vector.broadcast %slice3A_1696 : vector<4224x1xf32> to vector<4224x128xf32>
    %gt3A_1698 = vector.broadcast %slice3A_1663 : vector<1x128xf32> to vector<4224x128xf32>
    %gt3A_1699 = arith.cmpf ogt, %gt3A_1697, %gt3A_1698 : vector<4224x128xf32>
    %jit3A_1700 = arith.constant 1.000000e+00 : f32
    %jit3A_1701 = arith.constant 0.000000e+00 : f32
    %broadcast_in_dim3A_1702 = vector.broadcast %jit3A_1700 : f32 to vector<4224x128xf32>
    %broadcast_in_dim3A_1703 = vector.broadcast %jit3A_1701 : f32 to vector<4224x128xf32>
    %select_n3A_1704 = arith.select %gt3A_1699, %broadcast_in_dim3A_1702, %broadcast_in_dim3A_1703 : vector<4224x128xi1>, vector<4224x128xf32>
    %broadcast_in_dim3A_1705 = arith.constant 1.000000e+00 : f32
    %broadcast_in_dim3A_1706 = vector.broadcast %broadcast_in_dim3A_1705 : f32 to vector<1x4224xf32>
    %dot_general3A_1707 = arith.constant dense<0.000000e+00> : vector<1x128xf32>
    %dot_general3A_1708 = tpu.matmul %broadcast_in_dim3A_1706, %select_n3A_1704, %dot_general3A_1707 {dimension_numbers = #tpu.dot_dimension_numbers<[1], [0], [0], [1], [0, 0, 1, 1], [], []>, transpose_lhs_hint = false} : vector<1x4224xf32>, vector<4224x128xf32>, vector<1x128xf32> -> vector<1x128xf32>
    %add3A_1709 = arith.addf %add3A_1695, %dot_general3A_1708 : vector<1x128xf32>
    %convert_element_type3A_1710 = arith.fptosi %add3A_1709 : vector<1x128xf32> to vector<1x128xi32>
    %swap3A_1711 = arith.constant 0 : index
    %swap3A_1712 = arith.constant 0 : index
    %swap3A_1713 = arith.constant 3840 : index
    %swap3A_1714 = vector.load %arg3[%swap3A_1711, %swap3A_1712, %swap3A_1713] : memref<1x1x8192xi32, #tpu.memory_space<vmem>>, vector<1x1x128xi32>
    %swap3A_1715 = vector.shape_cast %swap3A_1714 : vector<1x1x128xi32> to vector<1x128xi32>
    %swap3A_1716 = vector.shape_cast %convert_element_type3A_1710 : vector<1x128xi32> to vector<1x1x128xi32>
    tpu.vector_store %arg3[%swap3A_1711, %swap3A_1712, %swap3A_1713], %swap3A_1716 {strides = array<i32>} : memref<1x1x8192xi32, #tpu.memory_space<vmem>>, vector<1x1x128xi32>,
    %slice3A_1717 = vector.extract_strided_slice %concatenate3A_60 {offsets = [0, 3968], sizes = [1, 128], strides = [1, 1]} : vector<1x8192xf32> to vector<1x128xf32>
    %slice3A_1718 = vector.extract_strided_slice %reshape3A {offsets = [3968, 0], sizes = [128, 1], strides = [1, 1]} : vector<8192x1xf32> to vector<128x1xf32>
    %gt3A_1719 = vector.broadcast %slice3A_1718 : vector<128x1xf32> to vector<128x128xf32>
    %gt3A_1720 = vector.broadcast %slice3A_1717 : vector<1x128xf32> to vector<128x128xf32>
    %gt3A_1721 = arith.cmpf ogt, %gt3A_1719, %gt3A_1720 : vector<128x128xf32>
    %eq3A_1722 = vector.broadcast %slice3A_1718 : vector<128x1xf32> to vector<128x128xf32>
    %eq3A_1723 = vector.broadcast %slice3A_1717 : vector<1x128xf32> to vector<128x128xf32>
    %eq3A_1724 = arith.cmpf oeq, %eq3A_1722, %eq3A_1723 : vector<128x128xf32>
    %and3A_1725 = arith.andi %eq3A_1724, %lt3A : vector<128x128xi1>
    %or3A_1726 = arith.ori %gt3A_1721, %and3A_1725 : vector<128x128xi1>
    %jit3A_1727 = arith.constant 1.000000e+00 : f32
    %jit3A_1728 = arith.constant 0.000000e+00 : f32
    %broadcast_in_dim3A_1729 = vector.broadcast %jit3A_1727 : f32 to vector<128x128xf32>
    %broadcast_in_dim3A_1730 = vector.broadcast %jit3A_1728 : f32 to vector<128x128xf32>
    %select_n3A_1731 = arith.select %or3A_1726, %broadcast_in_dim3A_1729, %broadcast_in_dim3A_1730 : vector<128x128xi1>, vector<128x128xf32>
    %broadcast_in_dim3A_1732 = arith.constant 1.000000e+00 : f32
    %broadcast_in_dim3A_1733 = vector.broadcast %broadcast_in_dim3A_1732 : f32 to vector<1x128xf32>
    %dot_general3A_1734 = arith.constant dense<0.000000e+00> : vector<1x128xf32>
    %dot_general3A_1735 = tpu.matmul %broadcast_in_dim3A_1733, %select_n3A_1731, %dot_general3A_1734 {dimension_numbers = #tpu.dot_dimension_numbers<[1], [0], [0], [1], [0, 0, 1, 1], [], []>, transpose_lhs_hint = false} : vector<1x128xf32>, vector<128x128xf32>, vector<1x128xf32> -> vector<1x128xf32>
    %slice3A_1736 = vector.extract_strided_slice %reshape3A {offsets = [0, 0], sizes = [3968, 1], strides = [1, 1]} : vector<8192x1xf32> to vector<3968x1xf32>
    %ge3A_1737 = vector.broadcast %slice3A_1736 : vector<3968x1xf32> to vector<3968x128xf32>
    %ge3A_1738 = vector.broadcast %slice3A_1717 : vector<1x128xf32> to vector<3968x128xf32>
    %ge3A_1739 = arith.cmpf oge, %ge3A_1737, %ge3A_1738 : vector<3968x128xf32>
    %jit3A_1740 = arith.constant 1.000000e+00 : f32
    %jit3A_1741 = arith.constant 0.000000e+00 : f32
    %broadcast_in_dim3A_1742 = vector.broadcast %jit3A_1740 : f32 to vector<3968x128xf32>
    %broadcast_in_dim3A_1743 = vector.broadcast %jit3A_1741 : f32 to vector<3968x128xf32>
    %select_n3A_1744 = arith.select %ge3A_1739, %broadcast_in_dim3A_1742, %broadcast_in_dim3A_1743 : vector<3968x128xi1>, vector<3968x128xf32>
    %broadcast_in_dim3A_1745 = arith.constant 1.000000e+00 : f32
    %broadcast_in_dim3A_1746 = vector.broadcast %broadcast_in_dim3A_1745 : f32 to vector<1x3968xf32>
    %dot_general3A_1747 = arith.constant dense<0.000000e+00> : vector<1x128xf32>
    %dot_general3A_1748 = tpu.matmul %broadcast_in_dim3A_1746, %select_n3A_1744, %dot_general3A_1747 {dimension_numbers = #tpu.dot_dimension_numbers<[1], [0], [0], [1], [0, 0, 1, 1], [], []>, transpose_lhs_hint = false} : vector<1x3968xf32>, vector<3968x128xf32>, vector<1x128xf32> -> vector<1x128xf32>
    %add3A_1749 = arith.addf %dot_general3A_1735, %dot_general3A_1748 : vector<1x128xf32>
    %slice3A_1750 = vector.extract_strided_slice %reshape3A {offsets = [4096, 0], sizes = [4096, 1], strides = [1, 1]} : vector<8192x1xf32> to vector<4096x1xf32>
    %gt3A_1751 = vector.broadcast %slice3A_1750 : vector<4096x1xf32> to vector<4096x128xf32>
    %gt3A_1752 = vector.broadcast %slice3A_1717 : vector<1x128xf32> to vector<4096x128xf32>
    %gt3A_1753 = arith.cmpf ogt, %gt3A_1751, %gt3A_1752 : vector<4096x128xf32>
    %jit3A_1754 = arith.constant 1.000000e+00 : f32
    %jit3A_1755 = arith.constant 0.000000e+00 : f32
    %broadcast_in_dim3A_1756 = vector.broadcast %jit3A_1754 : f32 to vector<4096x128xf32>
    %broadcast_in_dim3A_1757 = vector.broadcast %jit3A_1755 : f32 to vector<4096x128xf32>
    %select_n3A_1758 = arith.select %gt3A_1753, %broadcast_in_dim3A_1756, %broadcast_in_dim3A_1757 : vector<4096x128xi1>, vector<4096x128xf32>
    %broadcast_in_dim3A_1759 = arith.constant 1.000000e+00 : f32
    %broadcast_in_dim3A_1760 = vector.broadcast %broadcast_in_dim3A_1759 : f32 to vector<1x4096xf32>
    %dot_general3A_1761 = arith.constant dense<0.000000e+00> : vector<1x128xf32>
    %dot_general3A_1762 = tpu.matmul %broadcast_in_dim3A_1760, %select_n3A_1758, %dot_general3A_1761 {dimension_numbers = #tpu.dot_dimension_numbers<[1], [0], [0], [1], [0, 0, 1, 1], [], []>, transpose_lhs_hint = false} : vector<1x4096xf32>, vector<4096x128xf32>, vector<1x128xf32> -> vector<1x128xf32>
    %add3A_1763 = arith.addf %add3A_1749, %dot_general3A_1762 : vector<1x128xf32>
    %convert_element_type3A_1764 = arith.fptosi %add3A_1763 : vector<1x128xf32> to vector<1x128xi32>
    %swap3A_1765 = arith.constant 0 : index
    %swap3A_1766 = arith.constant 0 : index
    %swap3A_1767 = arith.constant 3968 : index
    %swap3A_1768 = vector.load %arg3[%swap3A_1765, %swap3A_1766, %swap3A_1767] : memref<1x1x8192xi32, #tpu.memory_space<vmem>>, vector<1x1x128xi32>
    %swap3A_1769 = vector.shape_cast %swap3A_1768 : vector<1x1x128xi32> to vector<1x128xi32>
    %swap3A_1770 = vector.shape_cast %convert_element_type3A_1764 : vector<1x128xi32> to vector<1x1x128xi32>
    tpu.vector_store %arg3[%swap3A_1765, %swap3A_1766, %swap3A_1767], %swap3A_1770 {strides = array<i32>} : memref<1x1x8192xi32, #tpu.memory_space<vmem>>, vector<1x1x128xi32>,
    %slice3A_1771 = vector.extract_strided_slice %concatenate3A_60 {offsets = [0, 4096], sizes = [1, 128], strides = [1, 1]} : vector<1x8192xf32> to vector<1x128xf32>
    %slice3A_1772 = vector.extract_strided_slice %reshape3A {offsets = [4096, 0], sizes = [128, 1], strides = [1, 1]} : vector<8192x1xf32> to vector<128x1xf32>
    %gt3A_1773 = vector.broadcast %slice3A_1772 : vector<128x1xf32> to vector<128x128xf32>
    %gt3A_1774 = vector.broadcast %slice3A_1771 : vector<1x128xf32> to vector<128x128xf32>
    %gt3A_1775 = arith.cmpf ogt, %gt3A_1773, %gt3A_1774 : vector<128x128xf32>
    %eq3A_1776 = vector.broadcast %slice3A_1772 : vector<128x1xf32> to vector<128x128xf32>
    %eq3A_1777 = vector.broadcast %slice3A_1771 : vector<1x128xf32> to vector<128x128xf32>
    %eq3A_1778 = arith.cmpf oeq, %eq3A_1776, %eq3A_1777 : vector<128x128xf32>
    %and3A_1779 = arith.andi %eq3A_1778, %lt3A : vector<128x128xi1>
    %or3A_1780 = arith.ori %gt3A_1775, %and3A_1779 : vector<128x128xi1>
    %jit3A_1781 = arith.constant 1.000000e+00 : f32
    %jit3A_1782 = arith.constant 0.000000e+00 : f32
    %broadcast_in_dim3A_1783 = vector.broadcast %jit3A_1781 : f32 to vector<128x128xf32>
    %broadcast_in_dim3A_1784 = vector.broadcast %jit3A_1782 : f32 to vector<128x128xf32>
    %select_n3A_1785 = arith.select %or3A_1780, %broadcast_in_dim3A_1783, %broadcast_in_dim3A_1784 : vector<128x128xi1>, vector<128x128xf32>
    %broadcast_in_dim3A_1786 = arith.constant 1.000000e+00 : f32
    %broadcast_in_dim3A_1787 = vector.broadcast %broadcast_in_dim3A_1786 : f32 to vector<1x128xf32>
    %dot_general3A_1788 = arith.constant dense<0.000000e+00> : vector<1x128xf32>
    %dot_general3A_1789 = tpu.matmul %broadcast_in_dim3A_1787, %select_n3A_1785, %dot_general3A_1788 {dimension_numbers = #tpu.dot_dimension_numbers<[1], [0], [0], [1], [0, 0, 1, 1], [], []>, transpose_lhs_hint = false} : vector<1x128xf32>, vector<128x128xf32>, vector<1x128xf32> -> vector<1x128xf32>
    %slice3A_1790 = vector.extract_strided_slice %reshape3A {offsets = [0, 0], sizes = [4096, 1], strides = [1, 1]} : vector<8192x1xf32> to vector<4096x1xf32>
    %ge3A_1791 = vector.broadcast %slice3A_1790 : vector<4096x1xf32> to vector<4096x128xf32>
    %ge3A_1792 = vector.broadcast %slice3A_1771 : vector<1x128xf32> to vector<4096x128xf32>
    %ge3A_1793 = arith.cmpf oge, %ge3A_1791, %ge3A_1792 : vector<4096x128xf32>
    %jit3A_1794 = arith.constant 1.000000e+00 : f32
    %jit3A_1795 = arith.constant 0.000000e+00 : f32
    %broadcast_in_dim3A_1796 = vector.broadcast %jit3A_1794 : f32 to vector<4096x128xf32>
    %broadcast_in_dim3A_1797 = vector.broadcast %jit3A_1795 : f32 to vector<4096x128xf32>
    %select_n3A_1798 = arith.select %ge3A_1793, %broadcast_in_dim3A_1796, %broadcast_in_dim3A_1797 : vector<4096x128xi1>, vector<4096x128xf32>
    %broadcast_in_dim3A_1799 = arith.constant 1.000000e+00 : f32
    %broadcast_in_dim3A_1800 = vector.broadcast %broadcast_in_dim3A_1799 : f32 to vector<1x4096xf32>
    %dot_general3A_1801 = arith.constant dense<0.000000e+00> : vector<1x128xf32>
    %dot_general3A_1802 = tpu.matmul %broadcast_in_dim3A_1800, %select_n3A_1798, %dot_general3A_1801 {dimension_numbers = #tpu.dot_dimension_numbers<[1], [0], [0], [1], [0, 0, 1, 1], [], []>, transpose_lhs_hint = false} : vector<1x4096xf32>, vector<4096x128xf32>, vector<1x128xf32> -> vector<1x128xf32>
    %add3A_1803 = arith.addf %dot_general3A_1789, %dot_general3A_1802 : vector<1x128xf32>
    %slice3A_1804 = vector.extract_strided_slice %reshape3A {offsets = [4224, 0], sizes = [3968, 1], strides = [1, 1]} : vector<8192x1xf32> to vector<3968x1xf32>
    %gt3A_1805 = vector.broadcast %slice3A_1804 : vector<3968x1xf32> to vector<3968x128xf32>
    %gt3A_1806 = vector.broadcast %slice3A_1771 : vector<1x128xf32> to vector<3968x128xf32>
    %gt3A_1807 = arith.cmpf ogt, %gt3A_1805, %gt3A_1806 : vector<3968x128xf32>
    %jit3A_1808 = arith.constant 1.000000e+00 : f32
    %jit3A_1809 = arith.constant 0.000000e+00 : f32
    %broadcast_in_dim3A_1810 = vector.broadcast %jit3A_1808 : f32 to vector<3968x128xf32>
    %broadcast_in_dim3A_1811 = vector.broadcast %jit3A_1809 : f32 to vector<3968x128xf32>
    %select_n3A_1812 = arith.select %gt3A_1807, %broadcast_in_dim3A_1810, %broadcast_in_dim3A_1811 : vector<3968x128xi1>, vector<3968x128xf32>
    %broadcast_in_dim3A_1813 = arith.constant 1.000000e+00 : f32
    %broadcast_in_dim3A_1814 = vector.broadcast %broadcast_in_dim3A_1813 : f32 to vector<1x3968xf32>
    %dot_general3A_1815 = arith.constant dense<0.000000e+00> : vector<1x128xf32>
    %dot_general3A_1816 = tpu.matmul %broadcast_in_dim3A_1814, %select_n3A_1812, %dot_general3A_1815 {dimension_numbers = #tpu.dot_dimension_numbers<[1], [0], [0], [1], [0, 0, 1, 1], [], []>, transpose_lhs_hint = false} : vector<1x3968xf32>, vector<3968x128xf32>, vector<1x128xf32> -> vector<1x128xf32>
    %add3A_1817 = arith.addf %add3A_1803, %dot_general3A_1816 : vector<1x128xf32>
    %convert_element_type3A_1818 = arith.fptosi %add3A_1817 : vector<1x128xf32> to vector<1x128xi32>
    %swap3A_1819 = arith.constant 0 : index
    %swap3A_1820 = arith.constant 0 : index
    %swap3A_1821 = arith.constant 4096 : index
    %swap3A_1822 = vector.load %arg3[%swap3A_1819, %swap3A_1820, %swap3A_1821] : memref<1x1x8192xi32, #tpu.memory_space<vmem>>, vector<1x1x128xi32>
    %swap3A_1823 = vector.shape_cast %swap3A_1822 : vector<1x1x128xi32> to vector<1x128xi32>
    %swap3A_1824 = vector.shape_cast %convert_element_type3A_1818 : vector<1x128xi32> to vector<1x1x128xi32>
    tpu.vector_store %arg3[%swap3A_1819, %swap3A_1820, %swap3A_1821], %swap3A_1824 {strides = array<i32>} : memref<1x1x8192xi32, #tpu.memory_space<vmem>>, vector<1x1x128xi32>,
    %slice3A_1825 = vector.extract_strided_slice %concatenate3A_60 {offsets = [0, 4224], sizes = [1, 128], strides = [1, 1]} : vector<1x8192xf32> to vector<1x128xf32>
    %slice3A_1826 = vector.extract_strided_slice %reshape3A {offsets = [4224, 0], sizes = [128, 1], strides = [1, 1]} : vector<8192x1xf32> to vector<128x1xf32>
    %gt3A_1827 = vector.broadcast %slice3A_1826 : vector<128x1xf32> to vector<128x128xf32>
    %gt3A_1828 = vector.broadcast %slice3A_1825 : vector<1x128xf32> to vector<128x128xf32>
    %gt3A_1829 = arith.cmpf ogt, %gt3A_1827, %gt3A_1828 : vector<128x128xf32>
    %eq3A_1830 = vector.broadcast %slice3A_1826 : vector<128x1xf32> to vector<128x128xf32>
    %eq3A_1831 = vector.broadcast %slice3A_1825 : vector<1x128xf32> to vector<128x128xf32>
    %eq3A_1832 = arith.cmpf oeq, %eq3A_1830, %eq3A_1831 : vector<128x128xf32>
    %and3A_1833 = arith.andi %eq3A_1832, %lt3A : vector<128x128xi1>
    %or3A_1834 = arith.ori %gt3A_1829, %and3A_1833 : vector<128x128xi1>
    %jit3A_1835 = arith.constant 1.000000e+00 : f32
    %jit3A_1836 = arith.constant 0.000000e+00 : f32
    %broadcast_in_dim3A_1837 = vector.broadcast %jit3A_1835 : f32 to vector<128x128xf32>
    %broadcast_in_dim3A_1838 = vector.broadcast %jit3A_1836 : f32 to vector<128x128xf32>
    %select_n3A_1839 = arith.select %or3A_1834, %broadcast_in_dim3A_1837, %broadcast_in_dim3A_1838 : vector<128x128xi1>, vector<128x128xf32>
    %broadcast_in_dim3A_1840 = arith.constant 1.000000e+00 : f32
    %broadcast_in_dim3A_1841 = vector.broadcast %broadcast_in_dim3A_1840 : f32 to vector<1x128xf32>
    %dot_general3A_1842 = arith.constant dense<0.000000e+00> : vector<1x128xf32>
    %dot_general3A_1843 = tpu.matmul %broadcast_in_dim3A_1841, %select_n3A_1839, %dot_general3A_1842 {dimension_numbers = #tpu.dot_dimension_numbers<[1], [0], [0], [1], [0, 0, 1, 1], [], []>, transpose_lhs_hint = false} : vector<1x128xf32>, vector<128x128xf32>, vector<1x128xf32> -> vector<1x128xf32>
    %slice3A_1844 = vector.extract_strided_slice %reshape3A {offsets = [0, 0], sizes = [4224, 1], strides = [1, 1]} : vector<8192x1xf32> to vector<4224x1xf32>
    %ge3A_1845 = vector.broadcast %slice3A_1844 : vector<4224x1xf32> to vector<4224x128xf32>
    %ge3A_1846 = vector.broadcast %slice3A_1825 : vector<1x128xf32> to vector<4224x128xf32>
    %ge3A_1847 = arith.cmpf oge, %ge3A_1845, %ge3A_1846 : vector<4224x128xf32>
    %jit3A_1848 = arith.constant 1.000000e+00 : f32
    %jit3A_1849 = arith.constant 0.000000e+00 : f32
    %broadcast_in_dim3A_1850 = vector.broadcast %jit3A_1848 : f32 to vector<4224x128xf32>
    %broadcast_in_dim3A_1851 = vector.broadcast %jit3A_1849 : f32 to vector<4224x128xf32>
    %select_n3A_1852 = arith.select %ge3A_1847, %broadcast_in_dim3A_1850, %broadcast_in_dim3A_1851 : vector<4224x128xi1>, vector<4224x128xf32>
    %broadcast_in_dim3A_1853 = arith.constant 1.000000e+00 : f32
    %broadcast_in_dim3A_1854 = vector.broadcast %broadcast_in_dim3A_1853 : f32 to vector<1x4224xf32>
    %dot_general3A_1855 = arith.constant dense<0.000000e+00> : vector<1x128xf32>
    %dot_general3A_1856 = tpu.matmul %broadcast_in_dim3A_1854, %select_n3A_1852, %dot_general3A_1855 {dimension_numbers = #tpu.dot_dimension_numbers<[1], [0], [0], [1], [0, 0, 1, 1], [], []>, transpose_lhs_hint = false} : vector<1x4224xf32>, vector<4224x128xf32>, vector<1x128xf32> -> vector<1x128xf32>
    %add3A_1857 = arith.addf %dot_general3A_1843, %dot_general3A_1856 : vector<1x128xf32>
    %slice3A_1858 = vector.extract_strided_slice %reshape3A {offsets = [4352, 0], sizes = [3840, 1], strides = [1, 1]} : vector<8192x1xf32> to vector<3840x1xf32>
    %gt3A_1859 = vector.broadcast %slice3A_1858 : vector<3840x1xf32> to vector<3840x128xf32>
    %gt3A_1860 = vector.broadcast %slice3A_1825 : vector<1x128xf32> to vector<3840x128xf32>
    %gt3A_1861 = arith.cmpf ogt, %gt3A_1859, %gt3A_1860 : vector<3840x128xf32>
    %jit3A_1862 = arith.constant 1.000000e+00 : f32
    %jit3A_1863 = arith.constant 0.000000e+00 : f32
    %broadcast_in_dim3A_1864 = vector.broadcast %jit3A_1862 : f32 to vector<3840x128xf32>
    %broadcast_in_dim3A_1865 = vector.broadcast %jit3A_1863 : f32 to vector<3840x128xf32>
    %select_n3A_1866 = arith.select %gt3A_1861, %broadcast_in_dim3A_1864, %broadcast_in_dim3A_1865 : vector<3840x128xi1>, vector<3840x128xf32>
    %broadcast_in_dim3A_1867 = arith.constant 1.000000e+00 : f32
    %broadcast_in_dim3A_1868 = vector.broadcast %broadcast_in_dim3A_1867 : f32 to vector<1x3840xf32>
    %dot_general3A_1869 = arith.constant dense<0.000000e+00> : vector<1x128xf32>
    %dot_general3A_1870 = tpu.matmul %broadcast_in_dim3A_1868, %select_n3A_1866, %dot_general3A_1869 {dimension_numbers = #tpu.dot_dimension_numbers<[1], [0], [0], [1], [0, 0, 1, 1], [], []>, transpose_lhs_hint = false} : vector<1x3840xf32>, vector<3840x128xf32>, vector<1x128xf32> -> vector<1x128xf32>
    %add3A_1871 = arith.addf %add3A_1857, %dot_general3A_1870 : vector<1x128xf32>
    %convert_element_type3A_1872 = arith.fptosi %add3A_1871 : vector<1x128xf32> to vector<1x128xi32>
    %swap3A_1873 = arith.constant 0 : index
    %swap3A_1874 = arith.constant 0 : index
    %swap3A_1875 = arith.constant 4224 : index
    %swap3A_1876 = vector.load %arg3[%swap3A_1873, %swap3A_1874, %swap3A_1875] : memref<1x1x8192xi32, #tpu.memory_space<vmem>>, vector<1x1x128xi32>
    %swap3A_1877 = vector.shape_cast %swap3A_1876 : vector<1x1x128xi32> to vector<1x128xi32>
    %swap3A_1878 = vector.shape_cast %convert_element_type3A_1872 : vector<1x128xi32> to vector<1x1x128xi32>
    tpu.vector_store %arg3[%swap3A_1873, %swap3A_1874, %swap3A_1875], %swap3A_1878 {strides = array<i32>} : memref<1x1x8192xi32, #tpu.memory_space<vmem>>, vector<1x1x128xi32>,
    %slice3A_1879 = vector.extract_strided_slice %concatenate3A_60 {offsets = [0, 4352], sizes = [1, 128], strides = [1, 1]} : vector<1x8192xf32> to vector<1x128xf32>
    %slice3A_1880 = vector.extract_strided_slice %reshape3A {offsets = [4352, 0], sizes = [128, 1], strides = [1, 1]} : vector<8192x1xf32> to vector<128x1xf32>
    %gt3A_1881 = vector.broadcast %slice3A_1880 : vector<128x1xf32> to vector<128x128xf32>
    %gt3A_1882 = vector.broadcast %slice3A_1879 : vector<1x128xf32> to vector<128x128xf32>
    %gt3A_1883 = arith.cmpf ogt, %gt3A_1881, %gt3A_1882 : vector<128x128xf32>
    %eq3A_1884 = vector.broadcast %slice3A_1880 : vector<128x1xf32> to vector<128x128xf32>
    %eq3A_1885 = vector.broadcast %slice3A_1879 : vector<1x128xf32> to vector<128x128xf32>
    %eq3A_1886 = arith.cmpf oeq, %eq3A_1884, %eq3A_1885 : vector<128x128xf32>
    %and3A_1887 = arith.andi %eq3A_1886, %lt3A : vector<128x128xi1>
    %or3A_1888 = arith.ori %gt3A_1883, %and3A_1887 : vector<128x128xi1>
    %jit3A_1889 = arith.constant 1.000000e+00 : f32
    %jit3A_1890 = arith.constant 0.000000e+00 : f32
    %broadcast_in_dim3A_1891 = vector.broadcast %jit3A_1889 : f32 to vector<128x128xf32>
    %broadcast_in_dim3A_1892 = vector.broadcast %jit3A_1890 : f32 to vector<128x128xf32>
    %select_n3A_1893 = arith.select %or3A_1888, %broadcast_in_dim3A_1891, %broadcast_in_dim3A_1892 : vector<128x128xi1>, vector<128x128xf32>
    %broadcast_in_dim3A_1894 = arith.constant 1.000000e+00 : f32
    %broadcast_in_dim3A_1895 = vector.broadcast %broadcast_in_dim3A_1894 : f32 to vector<1x128xf32>
    %dot_general3A_1896 = arith.constant dense<0.000000e+00> : vector<1x128xf32>
    %dot_general3A_1897 = tpu.matmul %broadcast_in_dim3A_1895, %select_n3A_1893, %dot_general3A_1896 {dimension_numbers = #tpu.dot_dimension_numbers<[1], [0], [0], [1], [0, 0, 1, 1], [], []>, transpose_lhs_hint = false} : vector<1x128xf32>, vector<128x128xf32>, vector<1x128xf32> -> vector<1x128xf32>
    %slice3A_1898 = vector.extract_strided_slice %reshape3A {offsets = [0, 0], sizes = [4352, 1], strides = [1, 1]} : vector<8192x1xf32> to vector<4352x1xf32>
    %ge3A_1899 = vector.broadcast %slice3A_1898 : vector<4352x1xf32> to vector<4352x128xf32>
    %ge3A_1900 = vector.broadcast %slice3A_1879 : vector<1x128xf32> to vector<4352x128xf32>
    %ge3A_1901 = arith.cmpf oge, %ge3A_1899, %ge3A_1900 : vector<4352x128xf32>
    %jit3A_1902 = arith.constant 1.000000e+00 : f32
    %jit3A_1903 = arith.constant 0.000000e+00 : f32
    %broadcast_in_dim3A_1904 = vector.broadcast %jit3A_1902 : f32 to vector<4352x128xf32>
    %broadcast_in_dim3A_1905 = vector.broadcast %jit3A_1903 : f32 to vector<4352x128xf32>
    %select_n3A_1906 = arith.select %ge3A_1901, %broadcast_in_dim3A_1904, %broadcast_in_dim3A_1905 : vector<4352x128xi1>, vector<4352x128xf32>
    %broadcast_in_dim3A_1907 = arith.constant 1.000000e+00 : f32
    %broadcast_in_dim3A_1908 = vector.broadcast %broadcast_in_dim3A_1907 : f32 to vector<1x4352xf32>
    %dot_general3A_1909 = arith.constant dense<0.000000e+00> : vector<1x128xf32>
    %dot_general3A_1910 = tpu.matmul %broadcast_in_dim3A_1908, %select_n3A_1906, %dot_general3A_1909 {dimension_numbers = #tpu.dot_dimension_numbers<[1], [0], [0], [1], [0, 0, 1, 1], [], []>, transpose_lhs_hint = false} : vector<1x4352xf32>, vector<4352x128xf32>, vector<1x128xf32> -> vector<1x128xf32>
    %add3A_1911 = arith.addf %dot_general3A_1897, %dot_general3A_1910 : vector<1x128xf32>
    %slice3A_1912 = vector.extract_strided_slice %reshape3A {offsets = [4480, 0], sizes = [3712, 1], strides = [1, 1]} : vector<8192x1xf32> to vector<3712x1xf32>
    %gt3A_1913 = vector.broadcast %slice3A_1912 : vector<3712x1xf32> to vector<3712x128xf32>
    %gt3A_1914 = vector.broadcast %slice3A_1879 : vector<1x128xf32> to vector<3712x128xf32>
    %gt3A_1915 = arith.cmpf ogt, %gt3A_1913, %gt3A_1914 : vector<3712x128xf32>
    %jit3A_1916 = arith.constant 1.000000e+00 : f32
    %jit3A_1917 = arith.constant 0.000000e+00 : f32
    %broadcast_in_dim3A_1918 = vector.broadcast %jit3A_1916 : f32 to vector<3712x128xf32>
    %broadcast_in_dim3A_1919 = vector.broadcast %jit3A_1917 : f32 to vector<3712x128xf32>
    %select_n3A_1920 = arith.select %gt3A_1915, %broadcast_in_dim3A_1918, %broadcast_in_dim3A_1919 : vector<3712x128xi1>, vector<3712x128xf32>
    %broadcast_in_dim3A_1921 = arith.constant 1.000000e+00 : f32
    %broadcast_in_dim3A_1922 = vector.broadcast %broadcast_in_dim3A_1921 : f32 to vector<1x3712xf32>
    %dot_general3A_1923 = arith.constant dense<0.000000e+00> : vector<1x128xf32>
    %dot_general3A_1924 = tpu.matmul %broadcast_in_dim3A_1922, %select_n3A_1920, %dot_general3A_1923 {dimension_numbers = #tpu.dot_dimension_numbers<[1], [0], [0], [1], [0, 0, 1, 1], [], []>, transpose_lhs_hint = false} : vector<1x3712xf32>, vector<3712x128xf32>, vector<1x128xf32> -> vector<1x128xf32>
    %add3A_1925 = arith.addf %add3A_1911, %dot_general3A_1924 : vector<1x128xf32>
    %convert_element_type3A_1926 = arith.fptosi %add3A_1925 : vector<1x128xf32> to vector<1x128xi32>
    %swap3A_1927 = arith.constant 0 : index
    %swap3A_1928 = arith.constant 0 : index
    %swap3A_1929 = arith.constant 4352 : index
    %swap3A_1930 = vector.load %arg3[%swap3A_1927, %swap3A_1928, %swap3A_1929] : memref<1x1x8192xi32, #tpu.memory_space<vmem>>, vector<1x1x128xi32>
    %swap3A_1931 = vector.shape_cast %swap3A_1930 : vector<1x1x128xi32> to vector<1x128xi32>
    %swap3A_1932 = vector.shape_cast %convert_element_type3A_1926 : vector<1x128xi32> to vector<1x1x128xi32>
    tpu.vector_store %arg3[%swap3A_1927, %swap3A_1928, %swap3A_1929], %swap3A_1932 {strides = array<i32>} : memref<1x1x8192xi32, #tpu.memory_space<vmem>>, vector<1x1x128xi32>,
    %slice3A_1933 = vector.extract_strided_slice %concatenate3A_60 {offsets = [0, 4480], sizes = [1, 128], strides = [1, 1]} : vector<1x8192xf32> to vector<1x128xf32>
    %slice3A_1934 = vector.extract_strided_slice %reshape3A {offsets = [4480, 0], sizes = [128, 1], strides = [1, 1]} : vector<8192x1xf32> to vector<128x1xf32>
    %gt3A_1935 = vector.broadcast %slice3A_1934 : vector<128x1xf32> to vector<128x128xf32>
    %gt3A_1936 = vector.broadcast %slice3A_1933 : vector<1x128xf32> to vector<128x128xf32>
    %gt3A_1937 = arith.cmpf ogt, %gt3A_1935, %gt3A_1936 : vector<128x128xf32>
    %eq3A_1938 = vector.broadcast %slice3A_1934 : vector<128x1xf32> to vector<128x128xf32>
    %eq3A_1939 = vector.broadcast %slice3A_1933 : vector<1x128xf32> to vector<128x128xf32>
    %eq3A_1940 = arith.cmpf oeq, %eq3A_1938, %eq3A_1939 : vector<128x128xf32>
    %and3A_1941 = arith.andi %eq3A_1940, %lt3A : vector<128x128xi1>
    %or3A_1942 = arith.ori %gt3A_1937, %and3A_1941 : vector<128x128xi1>
    %jit3A_1943 = arith.constant 1.000000e+00 : f32
    %jit3A_1944 = arith.constant 0.000000e+00 : f32
    %broadcast_in_dim3A_1945 = vector.broadcast %jit3A_1943 : f32 to vector<128x128xf32>
    %broadcast_in_dim3A_1946 = vector.broadcast %jit3A_1944 : f32 to vector<128x128xf32>
    %select_n3A_1947 = arith.select %or3A_1942, %broadcast_in_dim3A_1945, %broadcast_in_dim3A_1946 : vector<128x128xi1>, vector<128x128xf32>
    %broadcast_in_dim3A_1948 = arith.constant 1.000000e+00 : f32
    %broadcast_in_dim3A_1949 = vector.broadcast %broadcast_in_dim3A_1948 : f32 to vector<1x128xf32>
    %dot_general3A_1950 = arith.constant dense<0.000000e+00> : vector<1x128xf32>
    %dot_general3A_1951 = tpu.matmul %broadcast_in_dim3A_1949, %select_n3A_1947, %dot_general3A_1950 {dimension_numbers = #tpu.dot_dimension_numbers<[1], [0], [0], [1], [0, 0, 1, 1], [], []>, transpose_lhs_hint = false} : vector<1x128xf32>, vector<128x128xf32>, vector<1x128xf32> -> vector<1x128xf32>
    %slice3A_1952 = vector.extract_strided_slice %reshape3A {offsets = [0, 0], sizes = [4480, 1], strides = [1, 1]} : vector<8192x1xf32> to vector<4480x1xf32>
    %ge3A_1953 = vector.broadcast %slice3A_1952 : vector<4480x1xf32> to vector<4480x128xf32>
    %ge3A_1954 = vector.broadcast %slice3A_1933 : vector<1x128xf32> to vector<4480x128xf32>
    %ge3A_1955 = arith.cmpf oge, %ge3A_1953, %ge3A_1954 : vector<4480x128xf32>
    %jit3A_1956 = arith.constant 1.000000e+00 : f32
    %jit3A_1957 = arith.constant 0.000000e+00 : f32
    %broadcast_in_dim3A_1958 = vector.broadcast %jit3A_1956 : f32 to vector<4480x128xf32>
    %broadcast_in_dim3A_1959 = vector.broadcast %jit3A_1957 : f32 to vector<4480x128xf32>
    %select_n3A_1960 = arith.select %ge3A_1955, %broadcast_in_dim3A_1958, %broadcast_in_dim3A_1959 : vector<4480x128xi1>, vector<4480x128xf32>
    %broadcast_in_dim3A_1961 = arith.constant 1.000000e+00 : f32
    %broadcast_in_dim3A_1962 = vector.broadcast %broadcast_in_dim3A_1961 : f32 to vector<1x4480xf32>
    %dot_general3A_1963 = arith.constant dense<0.000000e+00> : vector<1x128xf32>
    %dot_general3A_1964 = tpu.matmul %broadcast_in_dim3A_1962, %select_n3A_1960, %dot_general3A_1963 {dimension_numbers = #tpu.dot_dimension_numbers<[1], [0], [0], [1], [0, 0, 1, 1], [], []>, transpose_lhs_hint = false} : vector<1x4480xf32>, vector<4480x128xf32>, vector<1x128xf32> -> vector<1x128xf32>
    %add3A_1965 = arith.addf %dot_general3A_1951, %dot_general3A_1964 : vector<1x128xf32>
    %slice3A_1966 = vector.extract_strided_slice %reshape3A {offsets = [4608, 0], sizes = [3584, 1], strides = [1, 1]} : vector<8192x1xf32> to vector<3584x1xf32>
    %gt3A_1967 = vector.broadcast %slice3A_1966 : vector<3584x1xf32> to vector<3584x128xf32>
    %gt3A_1968 = vector.broadcast %slice3A_1933 : vector<1x128xf32> to vector<3584x128xf32>
    %gt3A_1969 = arith.cmpf ogt, %gt3A_1967, %gt3A_1968 : vector<3584x128xf32>
    %jit3A_1970 = arith.constant 1.000000e+00 : f32
    %jit3A_1971 = arith.constant 0.000000e+00 : f32
    %broadcast_in_dim3A_1972 = vector.broadcast %jit3A_1970 : f32 to vector<3584x128xf32>
    %broadcast_in_dim3A_1973 = vector.broadcast %jit3A_1971 : f32 to vector<3584x128xf32>
    %select_n3A_1974 = arith.select %gt3A_1969, %broadcast_in_dim3A_1972, %broadcast_in_dim3A_1973 : vector<3584x128xi1>, vector<3584x128xf32>
    %broadcast_in_dim3A_1975 = arith.constant 1.000000e+00 : f32
    %broadcast_in_dim3A_1976 = vector.broadcast %broadcast_in_dim3A_1975 : f32 to vector<1x3584xf32>
    %dot_general3A_1977 = arith.constant dense<0.000000e+00> : vector<1x128xf32>
    %dot_general3A_1978 = tpu.matmul %broadcast_in_dim3A_1976, %select_n3A_1974, %dot_general3A_1977 {dimension_numbers = #tpu.dot_dimension_numbers<[1], [0], [0], [1], [0, 0, 1, 1], [], []>, transpose_lhs_hint = false} : vector<1x3584xf32>, vector<3584x128xf32>, vector<1x128xf32> -> vector<1x128xf32>
    %add3A_1979 = arith.addf %add3A_1965, %dot_general3A_1978 : vector<1x128xf32>
    %convert_element_type3A_1980 = arith.fptosi %add3A_1979 : vector<1x128xf32> to vector<1x128xi32>
    %swap3A_1981 = arith.constant 0 : index
    %swap3A_1982 = arith.constant 0 : index
    %swap3A_1983 = arith.constant 4480 : index
    %swap3A_1984 = vector.load %arg3[%swap3A_1981, %swap3A_1982, %swap3A_1983] : memref<1x1x8192xi32, #tpu.memory_space<vmem>>, vector<1x1x128xi32>
    %swap3A_1985 = vector.shape_cast %swap3A_1984 : vector<1x1x128xi32> to vector<1x128xi32>
    %swap3A_1986 = vector.shape_cast %convert_element_type3A_1980 : vector<1x128xi32> to vector<1x1x128xi32>
    tpu.vector_store %arg3[%swap3A_1981, %swap3A_1982, %swap3A_1983], %swap3A_1986 {strides = array<i32>} : memref<1x1x8192xi32, #tpu.memory_space<vmem>>, vector<1x1x128xi32>,
    %slice3A_1987 = vector.extract_strided_slice %concatenate3A_60 {offsets = [0, 4608], sizes = [1, 128], strides = [1, 1]} : vector<1x8192xf32> to vector<1x128xf32>
    %slice3A_1988 = vector.extract_strided_slice %reshape3A {offsets = [4608, 0], sizes = [128, 1], strides = [1, 1]} : vector<8192x1xf32> to vector<128x1xf32>
    %gt3A_1989 = vector.broadcast %slice3A_1988 : vector<128x1xf32> to vector<128x128xf32>
    %gt3A_1990 = vector.broadcast %slice3A_1987 : vector<1x128xf32> to vector<128x128xf32>
    %gt3A_1991 = arith.cmpf ogt, %gt3A_1989, %gt3A_1990 : vector<128x128xf32>
    %eq3A_1992 = vector.broadcast %slice3A_1988 : vector<128x1xf32> to vector<128x128xf32>
    %eq3A_1993 = vector.broadcast %slice3A_1987 : vector<1x128xf32> to vector<128x128xf32>
    %eq3A_1994 = arith.cmpf oeq, %eq3A_1992, %eq3A_1993 : vector<128x128xf32>
    %and3A_1995 = arith.andi %eq3A_1994, %lt3A : vector<128x128xi1>
    %or3A_1996 = arith.ori %gt3A_1991, %and3A_1995 : vector<128x128xi1>
    %jit3A_1997 = arith.constant 1.000000e+00 : f32
    %jit3A_1998 = arith.constant 0.000000e+00 : f32
    %broadcast_in_dim3A_1999 = vector.broadcast %jit3A_1997 : f32 to vector<128x128xf32>
    %broadcast_in_dim3A_2000 = vector.broadcast %jit3A_1998 : f32 to vector<128x128xf32>
    %select_n3A_2001 = arith.select %or3A_1996, %broadcast_in_dim3A_1999, %broadcast_in_dim3A_2000 : vector<128x128xi1>, vector<128x128xf32>
    %broadcast_in_dim3A_2002 = arith.constant 1.000000e+00 : f32
    %broadcast_in_dim3A_2003 = vector.broadcast %broadcast_in_dim3A_2002 : f32 to vector<1x128xf32>
    %dot_general3A_2004 = arith.constant dense<0.000000e+00> : vector<1x128xf32>
    %dot_general3A_2005 = tpu.matmul %broadcast_in_dim3A_2003, %select_n3A_2001, %dot_general3A_2004 {dimension_numbers = #tpu.dot_dimension_numbers<[1], [0], [0], [1], [0, 0, 1, 1], [], []>, transpose_lhs_hint = false} : vector<1x128xf32>, vector<128x128xf32>, vector<1x128xf32> -> vector<1x128xf32>
    %slice3A_2006 = vector.extract_strided_slice %reshape3A {offsets = [0, 0], sizes = [4608, 1], strides = [1, 1]} : vector<8192x1xf32> to vector<4608x1xf32>
    %ge3A_2007 = vector.broadcast %slice3A_2006 : vector<4608x1xf32> to vector<4608x128xf32>
    %ge3A_2008 = vector.broadcast %slice3A_1987 : vector<1x128xf32> to vector<4608x128xf32>
    %ge3A_2009 = arith.cmpf oge, %ge3A_2007, %ge3A_2008 : vector<4608x128xf32>
    %jit3A_2010 = arith.constant 1.000000e+00 : f32
    %jit3A_2011 = arith.constant 0.000000e+00 : f32
    %broadcast_in_dim3A_2012 = vector.broadcast %jit3A_2010 : f32 to vector<4608x128xf32>
    %broadcast_in_dim3A_2013 = vector.broadcast %jit3A_2011 : f32 to vector<4608x128xf32>
    %select_n3A_2014 = arith.select %ge3A_2009, %broadcast_in_dim3A_2012, %broadcast_in_dim3A_2013 : vector<4608x128xi1>, vector<4608x128xf32>
    %broadcast_in_dim3A_2015 = arith.constant 1.000000e+00 : f32
    %broadcast_in_dim3A_2016 = vector.broadcast %broadcast_in_dim3A_2015 : f32 to vector<1x4608xf32>
    %dot_general3A_2017 = arith.constant dense<0.000000e+00> : vector<1x128xf32>
    %dot_general3A_2018 = tpu.matmul %broadcast_in_dim3A_2016, %select_n3A_2014, %dot_general3A_2017 {dimension_numbers = #tpu.dot_dimension_numbers<[1], [0], [0], [1], [0, 0, 1, 1], [], []>, transpose_lhs_hint = false} : vector<1x4608xf32>, vector<4608x128xf32>, vector<1x128xf32> -> vector<1x128xf32>
    %add3A_2019 = arith.addf %dot_general3A_2005, %dot_general3A_2018 : vector<1x128xf32>
    %slice3A_2020 = vector.extract_strided_slice %reshape3A {offsets = [4736, 0], sizes = [3456, 1], strides = [1, 1]} : vector<8192x1xf32> to vector<3456x1xf32>
    %gt3A_2021 = vector.broadcast %slice3A_2020 : vector<3456x1xf32> to vector<3456x128xf32>
    %gt3A_2022 = vector.broadcast %slice3A_1987 : vector<1x128xf32> to vector<3456x128xf32>
    %gt3A_2023 = arith.cmpf ogt, %gt3A_2021, %gt3A_2022 : vector<3456x128xf32>
    %jit3A_2024 = arith.constant 1.000000e+00 : f32
    %jit3A_2025 = arith.constant 0.000000e+00 : f32
    %broadcast_in_dim3A_2026 = vector.broadcast %jit3A_2024 : f32 to vector<3456x128xf32>
    %broadcast_in_dim3A_2027 = vector.broadcast %jit3A_2025 : f32 to vector<3456x128xf32>
    %select_n3A_2028 = arith.select %gt3A_2023, %broadcast_in_dim3A_2026, %broadcast_in_dim3A_2027 : vector<3456x128xi1>, vector<3456x128xf32>
    %broadcast_in_dim3A_2029 = arith.constant 1.000000e+00 : f32
    %broadcast_in_dim3A_2030 = vector.broadcast %broadcast_in_dim3A_2029 : f32 to vector<1x3456xf32>
    %dot_general3A_2031 = arith.constant dense<0.000000e+00> : vector<1x128xf32>
    %dot_general3A_2032 = tpu.matmul %broadcast_in_dim3A_2030, %select_n3A_2028, %dot_general3A_2031 {dimension_numbers = #tpu.dot_dimension_numbers<[1], [0], [0], [1], [0, 0, 1, 1], [], []>, transpose_lhs_hint = false} : vector<1x3456xf32>, vector<3456x128xf32>, vector<1x128xf32> -> vector<1x128xf32>
    %add3A_2033 = arith.addf %add3A_2019, %dot_general3A_2032 : vector<1x128xf32>
    %convert_element_type3A_2034 = arith.fptosi %add3A_2033 : vector<1x128xf32> to vector<1x128xi32>
    %swap3A_2035 = arith.constant 0 : index
    %swap3A_2036 = arith.constant 0 : index
    %swap3A_2037 = arith.constant 4608 : index
    %swap3A_2038 = vector.load %arg3[%swap3A_2035, %swap3A_2036, %swap3A_2037] : memref<1x1x8192xi32, #tpu.memory_space<vmem>>, vector<1x1x128xi32>
    %swap3A_2039 = vector.shape_cast %swap3A_2038 : vector<1x1x128xi32> to vector<1x128xi32>
    %swap3A_2040 = vector.shape_cast %convert_element_type3A_2034 : vector<1x128xi32> to vector<1x1x128xi32>
    tpu.vector_store %arg3[%swap3A_2035, %swap3A_2036, %swap3A_2037], %swap3A_2040 {strides = array<i32>} : memref<1x1x8192xi32, #tpu.memory_space<vmem>>, vector<1x1x128xi32>,
    %slice3A_2041 = vector.extract_strided_slice %concatenate3A_60 {offsets = [0, 4736], sizes = [1, 128], strides = [1, 1]} : vector<1x8192xf32> to vector<1x128xf32>
    %slice3A_2042 = vector.extract_strided_slice %reshape3A {offsets = [4736, 0], sizes = [128, 1], strides = [1, 1]} : vector<8192x1xf32> to vector<128x1xf32>
    %gt3A_2043 = vector.broadcast %slice3A_2042 : vector<128x1xf32> to vector<128x128xf32>
    %gt3A_2044 = vector.broadcast %slice3A_2041 : vector<1x128xf32> to vector<128x128xf32>
    %gt3A_2045 = arith.cmpf ogt, %gt3A_2043, %gt3A_2044 : vector<128x128xf32>
    %eq3A_2046 = vector.broadcast %slice3A_2042 : vector<128x1xf32> to vector<128x128xf32>
    %eq3A_2047 = vector.broadcast %slice3A_2041 : vector<1x128xf32> to vector<128x128xf32>
    %eq3A_2048 = arith.cmpf oeq, %eq3A_2046, %eq3A_2047 : vector<128x128xf32>
    %and3A_2049 = arith.andi %eq3A_2048, %lt3A : vector<128x128xi1>
    %or3A_2050 = arith.ori %gt3A_2045, %and3A_2049 : vector<128x128xi1>
    %jit3A_2051 = arith.constant 1.000000e+00 : f32
    %jit3A_2052 = arith.constant 0.000000e+00 : f32
    %broadcast_in_dim3A_2053 = vector.broadcast %jit3A_2051 : f32 to vector<128x128xf32>
    %broadcast_in_dim3A_2054 = vector.broadcast %jit3A_2052 : f32 to vector<128x128xf32>
    %select_n3A_2055 = arith.select %or3A_2050, %broadcast_in_dim3A_2053, %broadcast_in_dim3A_2054 : vector<128x128xi1>, vector<128x128xf32>
    %broadcast_in_dim3A_2056 = arith.constant 1.000000e+00 : f32
    %broadcast_in_dim3A_2057 = vector.broadcast %broadcast_in_dim3A_2056 : f32 to vector<1x128xf32>
    %dot_general3A_2058 = arith.constant dense<0.000000e+00> : vector<1x128xf32>
    %dot_general3A_2059 = tpu.matmul %broadcast_in_dim3A_2057, %select_n3A_2055, %dot_general3A_2058 {dimension_numbers = #tpu.dot_dimension_numbers<[1], [0], [0], [1], [0, 0, 1, 1], [], []>, transpose_lhs_hint = false} : vector<1x128xf32>, vector<128x128xf32>, vector<1x128xf32> -> vector<1x128xf32>
    %slice3A_2060 = vector.extract_strided_slice %reshape3A {offsets = [0, 0], sizes = [4736, 1], strides = [1, 1]} : vector<8192x1xf32> to vector<4736x1xf32>
    %ge3A_2061 = vector.broadcast %slice3A_2060 : vector<4736x1xf32> to vector<4736x128xf32>
    %ge3A_2062 = vector.broadcast %slice3A_2041 : vector<1x128xf32> to vector<4736x128xf32>
    %ge3A_2063 = arith.cmpf oge, %ge3A_2061, %ge3A_2062 : vector<4736x128xf32>
    %jit3A_2064 = arith.constant 1.000000e+00 : f32
    %jit3A_2065 = arith.constant 0.000000e+00 : f32
    %broadcast_in_dim3A_2066 = vector.broadcast %jit3A_2064 : f32 to vector<4736x128xf32>
    %broadcast_in_dim3A_2067 = vector.broadcast %jit3A_2065 : f32 to vector<4736x128xf32>
    %select_n3A_2068 = arith.select %ge3A_2063, %broadcast_in_dim3A_2066, %broadcast_in_dim3A_2067 : vector<4736x128xi1>, vector<4736x128xf32>
    %broadcast_in_dim3A_2069 = arith.constant 1.000000e+00 : f32
    %broadcast_in_dim3A_2070 = vector.broadcast %broadcast_in_dim3A_2069 : f32 to vector<1x4736xf32>
    %dot_general3A_2071 = arith.constant dense<0.000000e+00> : vector<1x128xf32>
    %dot_general3A_2072 = tpu.matmul %broadcast_in_dim3A_2070, %select_n3A_2068, %dot_general3A_2071 {dimension_numbers = #tpu.dot_dimension_numbers<[1], [0], [0], [1], [0, 0, 1, 1], [], []>, transpose_lhs_hint = false} : vector<1x4736xf32>, vector<4736x128xf32>, vector<1x128xf32> -> vector<1x128xf32>
    %add3A_2073 = arith.addf %dot_general3A_2059, %dot_general3A_2072 : vector<1x128xf32>
    %slice3A_2074 = vector.extract_strided_slice %reshape3A {offsets = [4864, 0], sizes = [3328, 1], strides = [1, 1]} : vector<8192x1xf32> to vector<3328x1xf32>
    %gt3A_2075 = vector.broadcast %slice3A_2074 : vector<3328x1xf32> to vector<3328x128xf32>
    %gt3A_2076 = vector.broadcast %slice3A_2041 : vector<1x128xf32> to vector<3328x128xf32>
    %gt3A_2077 = arith.cmpf ogt, %gt3A_2075, %gt3A_2076 : vector<3328x128xf32>
    %jit3A_2078 = arith.constant 1.000000e+00 : f32
    %jit3A_2079 = arith.constant 0.000000e+00 : f32
    %broadcast_in_dim3A_2080 = vector.broadcast %jit3A_2078 : f32 to vector<3328x128xf32>
    %broadcast_in_dim3A_2081 = vector.broadcast %jit3A_2079 : f32 to vector<3328x128xf32>
    %select_n3A_2082 = arith.select %gt3A_2077, %broadcast_in_dim3A_2080, %broadcast_in_dim3A_2081 : vector<3328x128xi1>, vector<3328x128xf32>
    %broadcast_in_dim3A_2083 = arith.constant 1.000000e+00 : f32
    %broadcast_in_dim3A_2084 = vector.broadcast %broadcast_in_dim3A_2083 : f32 to vector<1x3328xf32>
    %dot_general3A_2085 = arith.constant dense<0.000000e+00> : vector<1x128xf32>
    %dot_general3A_2086 = tpu.matmul %broadcast_in_dim3A_2084, %select_n3A_2082, %dot_general3A_2085 {dimension_numbers = #tpu.dot_dimension_numbers<[1], [0], [0], [1], [0, 0, 1, 1], [], []>, transpose_lhs_hint = false} : vector<1x3328xf32>, vector<3328x128xf32>, vector<1x128xf32> -> vector<1x128xf32>
    %add3A_2087 = arith.addf %add3A_2073, %dot_general3A_2086 : vector<1x128xf32>
    %convert_element_type3A_2088 = arith.fptosi %add3A_2087 : vector<1x128xf32> to vector<1x128xi32>
    %swap3A_2089 = arith.constant 0 : index
    %swap3A_2090 = arith.constant 0 : index
    %swap3A_2091 = arith.constant 4736 : index
    %swap3A_2092 = vector.load %arg3[%swap3A_2089, %swap3A_2090, %swap3A_2091] : memref<1x1x8192xi32, #tpu.memory_space<vmem>>, vector<1x1x128xi32>
    %swap3A_2093 = vector.shape_cast %swap3A_2092 : vector<1x1x128xi32> to vector<1x128xi32>
    %swap3A_2094 = vector.shape_cast %convert_element_type3A_2088 : vector<1x128xi32> to vector<1x1x128xi32>
    tpu.vector_store %arg3[%swap3A_2089, %swap3A_2090, %swap3A_2091], %swap3A_2094 {strides = array<i32>} : memref<1x1x8192xi32, #tpu.memory_space<vmem>>, vector<1x1x128xi32>,
    %slice3A_2095 = vector.extract_strided_slice %concatenate3A_60 {offsets = [0, 4864], sizes = [1, 128], strides = [1, 1]} : vector<1x8192xf32> to vector<1x128xf32>
    %slice3A_2096 = vector.extract_strided_slice %reshape3A {offsets = [4864, 0], sizes = [128, 1], strides = [1, 1]} : vector<8192x1xf32> to vector<128x1xf32>
    %gt3A_2097 = vector.broadcast %slice3A_2096 : vector<128x1xf32> to vector<128x128xf32>
    %gt3A_2098 = vector.broadcast %slice3A_2095 : vector<1x128xf32> to vector<128x128xf32>
    %gt3A_2099 = arith.cmpf ogt, %gt3A_2097, %gt3A_2098 : vector<128x128xf32>
    %eq3A_2100 = vector.broadcast %slice3A_2096 : vector<128x1xf32> to vector<128x128xf32>
    %eq3A_2101 = vector.broadcast %slice3A_2095 : vector<1x128xf32> to vector<128x128xf32>
    %eq3A_2102 = arith.cmpf oeq, %eq3A_2100, %eq3A_2101 : vector<128x128xf32>
    %and3A_2103 = arith.andi %eq3A_2102, %lt3A : vector<128x128xi1>
    %or3A_2104 = arith.ori %gt3A_2099, %and3A_2103 : vector<128x128xi1>
    %jit3A_2105 = arith.constant 1.000000e+00 : f32
    %jit3A_2106 = arith.constant 0.000000e+00 : f32
    %broadcast_in_dim3A_2107 = vector.broadcast %jit3A_2105 : f32 to vector<128x128xf32>
    %broadcast_in_dim3A_2108 = vector.broadcast %jit3A_2106 : f32 to vector<128x128xf32>
    %select_n3A_2109 = arith.select %or3A_2104, %broadcast_in_dim3A_2107, %broadcast_in_dim3A_2108 : vector<128x128xi1>, vector<128x128xf32>
    %broadcast_in_dim3A_2110 = arith.constant 1.000000e+00 : f32
    %broadcast_in_dim3A_2111 = vector.broadcast %broadcast_in_dim3A_2110 : f32 to vector<1x128xf32>
    %dot_general3A_2112 = arith.constant dense<0.000000e+00> : vector<1x128xf32>
    %dot_general3A_2113 = tpu.matmul %broadcast_in_dim3A_2111, %select_n3A_2109, %dot_general3A_2112 {dimension_numbers = #tpu.dot_dimension_numbers<[1], [0], [0], [1], [0, 0, 1, 1], [], []>, transpose_lhs_hint = false} : vector<1x128xf32>, vector<128x128xf32>, vector<1x128xf32> -> vector<1x128xf32>
    %slice3A_2114 = vector.extract_strided_slice %reshape3A {offsets = [0, 0], sizes = [4864, 1], strides = [1, 1]} : vector<8192x1xf32> to vector<4864x1xf32>
    %ge3A_2115 = vector.broadcast %slice3A_2114 : vector<4864x1xf32> to vector<4864x128xf32>
    %ge3A_2116 = vector.broadcast %slice3A_2095 : vector<1x128xf32> to vector<4864x128xf32>
    %ge3A_2117 = arith.cmpf oge, %ge3A_2115, %ge3A_2116 : vector<4864x128xf32>
    %jit3A_2118 = arith.constant 1.000000e+00 : f32
    %jit3A_2119 = arith.constant 0.000000e+00 : f32
    %broadcast_in_dim3A_2120 = vector.broadcast %jit3A_2118 : f32 to vector<4864x128xf32>
    %broadcast_in_dim3A_2121 = vector.broadcast %jit3A_2119 : f32 to vector<4864x128xf32>
    %select_n3A_2122 = arith.select %ge3A_2117, %broadcast_in_dim3A_2120, %broadcast_in_dim3A_2121 : vector<4864x128xi1>, vector<4864x128xf32>
    %broadcast_in_dim3A_2123 = arith.constant 1.000000e+00 : f32
    %broadcast_in_dim3A_2124 = vector.broadcast %broadcast_in_dim3A_2123 : f32 to vector<1x4864xf32>
    %dot_general3A_2125 = arith.constant dense<0.000000e+00> : vector<1x128xf32>
    %dot_general3A_2126 = tpu.matmul %broadcast_in_dim3A_2124, %select_n3A_2122, %dot_general3A_2125 {dimension_numbers = #tpu.dot_dimension_numbers<[1], [0], [0], [1], [0, 0, 1, 1], [], []>, transpose_lhs_hint = false} : vector<1x4864xf32>, vector<4864x128xf32>, vector<1x128xf32> -> vector<1x128xf32>
    %add3A_2127 = arith.addf %dot_general3A_2113, %dot_general3A_2126 : vector<1x128xf32>
    %slice3A_2128 = vector.extract_strided_slice %reshape3A {offsets = [4992, 0], sizes = [3200, 1], strides = [1, 1]} : vector<8192x1xf32> to vector<3200x1xf32>
    %gt3A_2129 = vector.broadcast %slice3A_2128 : vector<3200x1xf32> to vector<3200x128xf32>
    %gt3A_2130 = vector.broadcast %slice3A_2095 : vector<1x128xf32> to vector<3200x128xf32>
    %gt3A_2131 = arith.cmpf ogt, %gt3A_2129, %gt3A_2130 : vector<3200x128xf32>
    %jit3A_2132 = arith.constant 1.000000e+00 : f32
    %jit3A_2133 = arith.constant 0.000000e+00 : f32
    %broadcast_in_dim3A_2134 = vector.broadcast %jit3A_2132 : f32 to vector<3200x128xf32>
    %broadcast_in_dim3A_2135 = vector.broadcast %jit3A_2133 : f32 to vector<3200x128xf32>
    %select_n3A_2136 = arith.select %gt3A_2131, %broadcast_in_dim3A_2134, %broadcast_in_dim3A_2135 : vector<3200x128xi1>, vector<3200x128xf32>
    %broadcast_in_dim3A_2137 = arith.constant 1.000000e+00 : f32
    %broadcast_in_dim3A_2138 = vector.broadcast %broadcast_in_dim3A_2137 : f32 to vector<1x3200xf32>
    %dot_general3A_2139 = arith.constant dense<0.000000e+00> : vector<1x128xf32>
    %dot_general3A_2140 = tpu.matmul %broadcast_in_dim3A_2138, %select_n3A_2136, %dot_general3A_2139 {dimension_numbers = #tpu.dot_dimension_numbers<[1], [0], [0], [1], [0, 0, 1, 1], [], []>, transpose_lhs_hint = false} : vector<1x3200xf32>, vector<3200x128xf32>, vector<1x128xf32> -> vector<1x128xf32>
    %add3A_2141 = arith.addf %add3A_2127, %dot_general3A_2140 : vector<1x128xf32>
    %convert_element_type3A_2142 = arith.fptosi %add3A_2141 : vector<1x128xf32> to vector<1x128xi32>
    %swap3A_2143 = arith.constant 0 : index
    %swap3A_2144 = arith.constant 0 : index
    %swap3A_2145 = arith.constant 4864 : index
    %swap3A_2146 = vector.load %arg3[%swap3A_2143, %swap3A_2144, %swap3A_2145] : memref<1x1x8192xi32, #tpu.memory_space<vmem>>, vector<1x1x128xi32>
    %swap3A_2147 = vector.shape_cast %swap3A_2146 : vector<1x1x128xi32> to vector<1x128xi32>
    %swap3A_2148 = vector.shape_cast %convert_element_type3A_2142 : vector<1x128xi32> to vector<1x1x128xi32>
    tpu.vector_store %arg3[%swap3A_2143, %swap3A_2144, %swap3A_2145], %swap3A_2148 {strides = array<i32>} : memref<1x1x8192xi32, #tpu.memory_space<vmem>>, vector<1x1x128xi32>,
    %slice3A_2149 = vector.extract_strided_slice %concatenate3A_60 {offsets = [0, 4992], sizes = [1, 128], strides = [1, 1]} : vector<1x8192xf32> to vector<1x128xf32>
    %slice3A_2150 = vector.extract_strided_slice %reshape3A {offsets = [4992, 0], sizes = [128, 1], strides = [1, 1]} : vector<8192x1xf32> to vector<128x1xf32>
    %gt3A_2151 = vector.broadcast %slice3A_2150 : vector<128x1xf32> to vector<128x128xf32>
    %gt3A_2152 = vector.broadcast %slice3A_2149 : vector<1x128xf32> to vector<128x128xf32>
    %gt3A_2153 = arith.cmpf ogt, %gt3A_2151, %gt3A_2152 : vector<128x128xf32>
    %eq3A_2154 = vector.broadcast %slice3A_2150 : vector<128x1xf32> to vector<128x128xf32>
    %eq3A_2155 = vector.broadcast %slice3A_2149 : vector<1x128xf32> to vector<128x128xf32>
    %eq3A_2156 = arith.cmpf oeq, %eq3A_2154, %eq3A_2155 : vector<128x128xf32>
    %and3A_2157 = arith.andi %eq3A_2156, %lt3A : vector<128x128xi1>
    %or3A_2158 = arith.ori %gt3A_2153, %and3A_2157 : vector<128x128xi1>
    %jit3A_2159 = arith.constant 1.000000e+00 : f32
    %jit3A_2160 = arith.constant 0.000000e+00 : f32
    %broadcast_in_dim3A_2161 = vector.broadcast %jit3A_2159 : f32 to vector<128x128xf32>
    %broadcast_in_dim3A_2162 = vector.broadcast %jit3A_2160 : f32 to vector<128x128xf32>
    %select_n3A_2163 = arith.select %or3A_2158, %broadcast_in_dim3A_2161, %broadcast_in_dim3A_2162 : vector<128x128xi1>, vector<128x128xf32>
    %broadcast_in_dim3A_2164 = arith.constant 1.000000e+00 : f32
    %broadcast_in_dim3A_2165 = vector.broadcast %broadcast_in_dim3A_2164 : f32 to vector<1x128xf32>
    %dot_general3A_2166 = arith.constant dense<0.000000e+00> : vector<1x128xf32>
    %dot_general3A_2167 = tpu.matmul %broadcast_in_dim3A_2165, %select_n3A_2163, %dot_general3A_2166 {dimension_numbers = #tpu.dot_dimension_numbers<[1], [0], [0], [1], [0, 0, 1, 1], [], []>, transpose_lhs_hint = false} : vector<1x128xf32>, vector<128x128xf32>, vector<1x128xf32> -> vector<1x128xf32>
    %slice3A_2168 = vector.extract_strided_slice %reshape3A {offsets = [0, 0], sizes = [4992, 1], strides = [1, 1]} : vector<8192x1xf32> to vector<4992x1xf32>
    %ge3A_2169 = vector.broadcast %slice3A_2168 : vector<4992x1xf32> to vector<4992x128xf32>
    %ge3A_2170 = vector.broadcast %slice3A_2149 : vector<1x128xf32> to vector<4992x128xf32>
    %ge3A_2171 = arith.cmpf oge, %ge3A_2169, %ge3A_2170 : vector<4992x128xf32>
    %jit3A_2172 = arith.constant 1.000000e+00 : f32
    %jit3A_2173 = arith.constant 0.000000e+00 : f32
    %broadcast_in_dim3A_2174 = vector.broadcast %jit3A_2172 : f32 to vector<4992x128xf32>
    %broadcast_in_dim3A_2175 = vector.broadcast %jit3A_2173 : f32 to vector<4992x128xf32>
    %select_n3A_2176 = arith.select %ge3A_2171, %broadcast_in_dim3A_2174, %broadcast_in_dim3A_2175 : vector<4992x128xi1>, vector<4992x128xf32>
    %broadcast_in_dim3A_2177 = arith.constant 1.000000e+00 : f32
    %broadcast_in_dim3A_2178 = vector.broadcast %broadcast_in_dim3A_2177 : f32 to vector<1x4992xf32>
    %dot_general3A_2179 = arith.constant dense<0.000000e+00> : vector<1x128xf32>
    %dot_general3A_2180 = tpu.matmul %broadcast_in_dim3A_2178, %select_n3A_2176, %dot_general3A_2179 {dimension_numbers = #tpu.dot_dimension_numbers<[1], [0], [0], [1], [0, 0, 1, 1], [], []>, transpose_lhs_hint = false} : vector<1x4992xf32>, vector<4992x128xf32>, vector<1x128xf32> -> vector<1x128xf32>
    %add3A_2181 = arith.addf %dot_general3A_2167, %dot_general3A_2180 : vector<1x128xf32>
    %slice3A_2182 = vector.extract_strided_slice %reshape3A {offsets = [5120, 0], sizes = [3072, 1], strides = [1, 1]} : vector<8192x1xf32> to vector<3072x1xf32>
    %gt3A_2183 = vector.broadcast %slice3A_2182 : vector<3072x1xf32> to vector<3072x128xf32>
    %gt3A_2184 = vector.broadcast %slice3A_2149 : vector<1x128xf32> to vector<3072x128xf32>
    %gt3A_2185 = arith.cmpf ogt, %gt3A_2183, %gt3A_2184 : vector<3072x128xf32>
    %jit3A_2186 = arith.constant 1.000000e+00 : f32
    %jit3A_2187 = arith.constant 0.000000e+00 : f32
    %broadcast_in_dim3A_2188 = vector.broadcast %jit3A_2186 : f32 to vector<3072x128xf32>
    %broadcast_in_dim3A_2189 = vector.broadcast %jit3A_2187 : f32 to vector<3072x128xf32>
    %select_n3A_2190 = arith.select %gt3A_2185, %broadcast_in_dim3A_2188, %broadcast_in_dim3A_2189 : vector<3072x128xi1>, vector<3072x128xf32>
    %broadcast_in_dim3A_2191 = arith.constant 1.000000e+00 : f32
    %broadcast_in_dim3A_2192 = vector.broadcast %broadcast_in_dim3A_2191 : f32 to vector<1x3072xf32>
    %dot_general3A_2193 = arith.constant dense<0.000000e+00> : vector<1x128xf32>
    %dot_general3A_2194 = tpu.matmul %broadcast_in_dim3A_2192, %select_n3A_2190, %dot_general3A_2193 {dimension_numbers = #tpu.dot_dimension_numbers<[1], [0], [0], [1], [0, 0, 1, 1], [], []>, transpose_lhs_hint = false} : vector<1x3072xf32>, vector<3072x128xf32>, vector<1x128xf32> -> vector<1x128xf32>
    %add3A_2195 = arith.addf %add3A_2181, %dot_general3A_2194 : vector<1x128xf32>
    %convert_element_type3A_2196 = arith.fptosi %add3A_2195 : vector<1x128xf32> to vector<1x128xi32>
    %swap3A_2197 = arith.constant 0 : index
    %swap3A_2198 = arith.constant 0 : index
    %swap3A_2199 = arith.constant 4992 : index
    %swap3A_2200 = vector.load %arg3[%swap3A_2197, %swap3A_2198, %swap3A_2199] : memref<1x1x8192xi32, #tpu.memory_space<vmem>>, vector<1x1x128xi32>
    %swap3A_2201 = vector.shape_cast %swap3A_2200 : vector<1x1x128xi32> to vector<1x128xi32>
    %swap3A_2202 = vector.shape_cast %convert_element_type3A_2196 : vector<1x128xi32> to vector<1x1x128xi32>
    tpu.vector_store %arg3[%swap3A_2197, %swap3A_2198, %swap3A_2199], %swap3A_2202 {strides = array<i32>} : memref<1x1x8192xi32, #tpu.memory_space<vmem>>, vector<1x1x128xi32>,
    %slice3A_2203 = vector.extract_strided_slice %concatenate3A_60 {offsets = [0, 5120], sizes = [1, 128], strides = [1, 1]} : vector<1x8192xf32> to vector<1x128xf32>
    %slice3A_2204 = vector.extract_strided_slice %reshape3A {offsets = [5120, 0], sizes = [128, 1], strides = [1, 1]} : vector<8192x1xf32> to vector<128x1xf32>
    %gt3A_2205 = vector.broadcast %slice3A_2204 : vector<128x1xf32> to vector<128x128xf32>
    %gt3A_2206 = vector.broadcast %slice3A_2203 : vector<1x128xf32> to vector<128x128xf32>
    %gt3A_2207 = arith.cmpf ogt, %gt3A_2205, %gt3A_2206 : vector<128x128xf32>
    %eq3A_2208 = vector.broadcast %slice3A_2204 : vector<128x1xf32> to vector<128x128xf32>
    %eq3A_2209 = vector.broadcast %slice3A_2203 : vector<1x128xf32> to vector<128x128xf32>
    %eq3A_2210 = arith.cmpf oeq, %eq3A_2208, %eq3A_2209 : vector<128x128xf32>
    %and3A_2211 = arith.andi %eq3A_2210, %lt3A : vector<128x128xi1>
    %or3A_2212 = arith.ori %gt3A_2207, %and3A_2211 : vector<128x128xi1>
    %jit3A_2213 = arith.constant 1.000000e+00 : f32
    %jit3A_2214 = arith.constant 0.000000e+00 : f32
    %broadcast_in_dim3A_2215 = vector.broadcast %jit3A_2213 : f32 to vector<128x128xf32>
    %broadcast_in_dim3A_2216 = vector.broadcast %jit3A_2214 : f32 to vector<128x128xf32>
    %select_n3A_2217 = arith.select %or3A_2212, %broadcast_in_dim3A_2215, %broadcast_in_dim3A_2216 : vector<128x128xi1>, vector<128x128xf32>
    %broadcast_in_dim3A_2218 = arith.constant 1.000000e+00 : f32
    %broadcast_in_dim3A_2219 = vector.broadcast %broadcast_in_dim3A_2218 : f32 to vector<1x128xf32>
    %dot_general3A_2220 = arith.constant dense<0.000000e+00> : vector<1x128xf32>
    %dot_general3A_2221 = tpu.matmul %broadcast_in_dim3A_2219, %select_n3A_2217, %dot_general3A_2220 {dimension_numbers = #tpu.dot_dimension_numbers<[1], [0], [0], [1], [0, 0, 1, 1], [], []>, transpose_lhs_hint = false} : vector<1x128xf32>, vector<128x128xf32>, vector<1x128xf32> -> vector<1x128xf32>
    %slice3A_2222 = vector.extract_strided_slice %reshape3A {offsets = [0, 0], sizes = [5120, 1], strides = [1, 1]} : vector<8192x1xf32> to vector<5120x1xf32>
    %ge3A_2223 = vector.broadcast %slice3A_2222 : vector<5120x1xf32> to vector<5120x128xf32>
    %ge3A_2224 = vector.broadcast %slice3A_2203 : vector<1x128xf32> to vector<5120x128xf32>
    %ge3A_2225 = arith.cmpf oge, %ge3A_2223, %ge3A_2224 : vector<5120x128xf32>
    %jit3A_2226 = arith.constant 1.000000e+00 : f32
    %jit3A_2227 = arith.constant 0.000000e+00 : f32
    %broadcast_in_dim3A_2228 = vector.broadcast %jit3A_2226 : f32 to vector<5120x128xf32>
    %broadcast_in_dim3A_2229 = vector.broadcast %jit3A_2227 : f32 to vector<5120x128xf32>
    %select_n3A_2230 = arith.select %ge3A_2225, %broadcast_in_dim3A_2228, %broadcast_in_dim3A_2229 : vector<5120x128xi1>, vector<5120x128xf32>
    %broadcast_in_dim3A_2231 = arith.constant 1.000000e+00 : f32
    %broadcast_in_dim3A_2232 = vector.broadcast %broadcast_in_dim3A_2231 : f32 to vector<1x5120xf32>
    %dot_general3A_2233 = arith.constant dense<0.000000e+00> : vector<1x128xf32>
    %dot_general3A_2234 = tpu.matmul %broadcast_in_dim3A_2232, %select_n3A_2230, %dot_general3A_2233 {dimension_numbers = #tpu.dot_dimension_numbers<[1], [0], [0], [1], [0, 0, 1, 1], [], []>, transpose_lhs_hint = false} : vector<1x5120xf32>, vector<5120x128xf32>, vector<1x128xf32> -> vector<1x128xf32>
    %add3A_2235 = arith.addf %dot_general3A_2221, %dot_general3A_2234 : vector<1x128xf32>
    %slice3A_2236 = vector.extract_strided_slice %reshape3A {offsets = [5248, 0], sizes = [2944, 1], strides = [1, 1]} : vector<8192x1xf32> to vector<2944x1xf32>
    %gt3A_2237 = vector.broadcast %slice3A_2236 : vector<2944x1xf32> to vector<2944x128xf32>
    %gt3A_2238 = vector.broadcast %slice3A_2203 : vector<1x128xf32> to vector<2944x128xf32>
    %gt3A_2239 = arith.cmpf ogt, %gt3A_2237, %gt3A_2238 : vector<2944x128xf32>
    %jit3A_2240 = arith.constant 1.000000e+00 : f32
    %jit3A_2241 = arith.constant 0.000000e+00 : f32
    %broadcast_in_dim3A_2242 = vector.broadcast %jit3A_2240 : f32 to vector<2944x128xf32>
    %broadcast_in_dim3A_2243 = vector.broadcast %jit3A_2241 : f32 to vector<2944x128xf32>
    %select_n3A_2244 = arith.select %gt3A_2239, %broadcast_in_dim3A_2242, %broadcast_in_dim3A_2243 : vector<2944x128xi1>, vector<2944x128xf32>
    %broadcast_in_dim3A_2245 = arith.constant 1.000000e+00 : f32
    %broadcast_in_dim3A_2246 = vector.broadcast %broadcast_in_dim3A_2245 : f32 to vector<1x2944xf32>
    %dot_general3A_2247 = arith.constant dense<0.000000e+00> : vector<1x128xf32>
    %dot_general3A_2248 = tpu.matmul %broadcast_in_dim3A_2246, %select_n3A_2244, %dot_general3A_2247 {dimension_numbers = #tpu.dot_dimension_numbers<[1], [0], [0], [1], [0, 0, 1, 1], [], []>, transpose_lhs_hint = false} : vector<1x2944xf32>, vector<2944x128xf32>, vector<1x128xf32> -> vector<1x128xf32>
    %add3A_2249 = arith.addf %add3A_2235, %dot_general3A_2248 : vector<1x128xf32>
    %convert_element_type3A_2250 = arith.fptosi %add3A_2249 : vector<1x128xf32> to vector<1x128xi32>
    %swap3A_2251 = arith.constant 0 : index
    %swap3A_2252 = arith.constant 0 : index
    %swap3A_2253 = arith.constant 5120 : index
    %swap3A_2254 = vector.load %arg3[%swap3A_2251, %swap3A_2252, %swap3A_2253] : memref<1x1x8192xi32, #tpu.memory_space<vmem>>, vector<1x1x128xi32>
    %swap3A_2255 = vector.shape_cast %swap3A_2254 : vector<1x1x128xi32> to vector<1x128xi32>
    %swap3A_2256 = vector.shape_cast %convert_element_type3A_2250 : vector<1x128xi32> to vector<1x1x128xi32>
    tpu.vector_store %arg3[%swap3A_2251, %swap3A_2252, %swap3A_2253], %swap3A_2256 {strides = array<i32>} : memref<1x1x8192xi32, #tpu.memory_space<vmem>>, vector<1x1x128xi32>,
    %slice3A_2257 = vector.extract_strided_slice %concatenate3A_60 {offsets = [0, 5248], sizes = [1, 128], strides = [1, 1]} : vector<1x8192xf32> to vector<1x128xf32>
    %slice3A_2258 = vector.extract_strided_slice %reshape3A {offsets = [5248, 0], sizes = [128, 1], strides = [1, 1]} : vector<8192x1xf32> to vector<128x1xf32>
    %gt3A_2259 = vector.broadcast %slice3A_2258 : vector<128x1xf32> to vector<128x128xf32>
    %gt3A_2260 = vector.broadcast %slice3A_2257 : vector<1x128xf32> to vector<128x128xf32>
    %gt3A_2261 = arith.cmpf ogt, %gt3A_2259, %gt3A_2260 : vector<128x128xf32>
    %eq3A_2262 = vector.broadcast %slice3A_2258 : vector<128x1xf32> to vector<128x128xf32>
    %eq3A_2263 = vector.broadcast %slice3A_2257 : vector<1x128xf32> to vector<128x128xf32>
    %eq3A_2264 = arith.cmpf oeq, %eq3A_2262, %eq3A_2263 : vector<128x128xf32>
    %and3A_2265 = arith.andi %eq3A_2264, %lt3A : vector<128x128xi1>
    %or3A_2266 = arith.ori %gt3A_2261, %and3A_2265 : vector<128x128xi1>
    %jit3A_2267 = arith.constant 1.000000e+00 : f32
    %jit3A_2268 = arith.constant 0.000000e+00 : f32
    %broadcast_in_dim3A_2269 = vector.broadcast %jit3A_2267 : f32 to vector<128x128xf32>
    %broadcast_in_dim3A_2270 = vector.broadcast %jit3A_2268 : f32 to vector<128x128xf32>
    %select_n3A_2271 = arith.select %or3A_2266, %broadcast_in_dim3A_2269, %broadcast_in_dim3A_2270 : vector<128x128xi1>, vector<128x128xf32>
    %broadcast_in_dim3A_2272 = arith.constant 1.000000e+00 : f32
    %broadcast_in_dim3A_2273 = vector.broadcast %broadcast_in_dim3A_2272 : f32 to vector<1x128xf32>
    %dot_general3A_2274 = arith.constant dense<0.000000e+00> : vector<1x128xf32>
    %dot_general3A_2275 = tpu.matmul %broadcast_in_dim3A_2273, %select_n3A_2271, %dot_general3A_2274 {dimension_numbers = #tpu.dot_dimension_numbers<[1], [0], [0], [1], [0, 0, 1, 1], [], []>, transpose_lhs_hint = false} : vector<1x128xf32>, vector<128x128xf32>, vector<1x128xf32> -> vector<1x128xf32>
    %slice3A_2276 = vector.extract_strided_slice %reshape3A {offsets = [0, 0], sizes = [5248, 1], strides = [1, 1]} : vector<8192x1xf32> to vector<5248x1xf32>
    %ge3A_2277 = vector.broadcast %slice3A_2276 : vector<5248x1xf32> to vector<5248x128xf32>
    %ge3A_2278 = vector.broadcast %slice3A_2257 : vector<1x128xf32> to vector<5248x128xf32>
    %ge3A_2279 = arith.cmpf oge, %ge3A_2277, %ge3A_2278 : vector<5248x128xf32>
    %jit3A_2280 = arith.constant 1.000000e+00 : f32
    %jit3A_2281 = arith.constant 0.000000e+00 : f32
    %broadcast_in_dim3A_2282 = vector.broadcast %jit3A_2280 : f32 to vector<5248x128xf32>
    %broadcast_in_dim3A_2283 = vector.broadcast %jit3A_2281 : f32 to vector<5248x128xf32>
    %select_n3A_2284 = arith.select %ge3A_2279, %broadcast_in_dim3A_2282, %broadcast_in_dim3A_2283 : vector<5248x128xi1>, vector<5248x128xf32>
    %broadcast_in_dim3A_2285 = arith.constant 1.000000e+00 : f32
    %broadcast_in_dim3A_2286 = vector.broadcast %broadcast_in_dim3A_2285 : f32 to vector<1x5248xf32>
    %dot_general3A_2287 = arith.constant dense<0.000000e+00> : vector<1x128xf32>
    %dot_general3A_2288 = tpu.matmul %broadcast_in_dim3A_2286, %select_n3A_2284, %dot_general3A_2287 {dimension_numbers = #tpu.dot_dimension_numbers<[1], [0], [0], [1], [0, 0, 1, 1], [], []>, transpose_lhs_hint = false} : vector<1x5248xf32>, vector<5248x128xf32>, vector<1x128xf32> -> vector<1x128xf32>
    %add3A_2289 = arith.addf %dot_general3A_2275, %dot_general3A_2288 : vector<1x128xf32>
    %slice3A_2290 = vector.extract_strided_slice %reshape3A {offsets = [5376, 0], sizes = [2816, 1], strides = [1, 1]} : vector<8192x1xf32> to vector<2816x1xf32>
    %gt3A_2291 = vector.broadcast %slice3A_2290 : vector<2816x1xf32> to vector<2816x128xf32>
    %gt3A_2292 = vector.broadcast %slice3A_2257 : vector<1x128xf32> to vector<2816x128xf32>
    %gt3A_2293 = arith.cmpf ogt, %gt3A_2291, %gt3A_2292 : vector<2816x128xf32>
    %jit3A_2294 = arith.constant 1.000000e+00 : f32
    %jit3A_2295 = arith.constant 0.000000e+00 : f32
    %broadcast_in_dim3A_2296 = vector.broadcast %jit3A_2294 : f32 to vector<2816x128xf32>
    %broadcast_in_dim3A_2297 = vector.broadcast %jit3A_2295 : f32 to vector<2816x128xf32>
    %select_n3A_2298 = arith.select %gt3A_2293, %broadcast_in_dim3A_2296, %broadcast_in_dim3A_2297 : vector<2816x128xi1>, vector<2816x128xf32>
    %broadcast_in_dim3A_2299 = arith.constant 1.000000e+00 : f32
    %broadcast_in_dim3A_2300 = vector.broadcast %broadcast_in_dim3A_2299 : f32 to vector<1x2816xf32>
    %dot_general3A_2301 = arith.constant dense<0.000000e+00> : vector<1x128xf32>
    %dot_general3A_2302 = tpu.matmul %broadcast_in_dim3A_2300, %select_n3A_2298, %dot_general3A_2301 {dimension_numbers = #tpu.dot_dimension_numbers<[1], [0], [0], [1], [0, 0, 1, 1], [], []>, transpose_lhs_hint = false} : vector<1x2816xf32>, vector<2816x128xf32>, vector<1x128xf32> -> vector<1x128xf32>
    %add3A_2303 = arith.addf %add3A_2289, %dot_general3A_2302 : vector<1x128xf32>
    %convert_element_type3A_2304 = arith.fptosi %add3A_2303 : vector<1x128xf32> to vector<1x128xi32>
    %swap3A_2305 = arith.constant 0 : index
    %swap3A_2306 = arith.constant 0 : index
    %swap3A_2307 = arith.constant 5248 : index
    %swap3A_2308 = vector.load %arg3[%swap3A_2305, %swap3A_2306, %swap3A_2307] : memref<1x1x8192xi32, #tpu.memory_space<vmem>>, vector<1x1x128xi32>
    %swap3A_2309 = vector.shape_cast %swap3A_2308 : vector<1x1x128xi32> to vector<1x128xi32>
    %swap3A_2310 = vector.shape_cast %convert_element_type3A_2304 : vector<1x128xi32> to vector<1x1x128xi32>
    tpu.vector_store %arg3[%swap3A_2305, %swap3A_2306, %swap3A_2307], %swap3A_2310 {strides = array<i32>} : memref<1x1x8192xi32, #tpu.memory_space<vmem>>, vector<1x1x128xi32>,
    %slice3A_2311 = vector.extract_strided_slice %concatenate3A_60 {offsets = [0, 5376], sizes = [1, 128], strides = [1, 1]} : vector<1x8192xf32> to vector<1x128xf32>
    %slice3A_2312 = vector.extract_strided_slice %reshape3A {offsets = [5376, 0], sizes = [128, 1], strides = [1, 1]} : vector<8192x1xf32> to vector<128x1xf32>
    %gt3A_2313 = vector.broadcast %slice3A_2312 : vector<128x1xf32> to vector<128x128xf32>
    %gt3A_2314 = vector.broadcast %slice3A_2311 : vector<1x128xf32> to vector<128x128xf32>
    %gt3A_2315 = arith.cmpf ogt, %gt3A_2313, %gt3A_2314 : vector<128x128xf32>
    %eq3A_2316 = vector.broadcast %slice3A_2312 : vector<128x1xf32> to vector<128x128xf32>
    %eq3A_2317 = vector.broadcast %slice3A_2311 : vector<1x128xf32> to vector<128x128xf32>
    %eq3A_2318 = arith.cmpf oeq, %eq3A_2316, %eq3A_2317 : vector<128x128xf32>
    %and3A_2319 = arith.andi %eq3A_2318, %lt3A : vector<128x128xi1>
    %or3A_2320 = arith.ori %gt3A_2315, %and3A_2319 : vector<128x128xi1>
    %jit3A_2321 = arith.constant 1.000000e+00 : f32
    %jit3A_2322 = arith.constant 0.000000e+00 : f32
    %broadcast_in_dim3A_2323 = vector.broadcast %jit3A_2321 : f32 to vector<128x128xf32>
    %broadcast_in_dim3A_2324 = vector.broadcast %jit3A_2322 : f32 to vector<128x128xf32>
    %select_n3A_2325 = arith.select %or3A_2320, %broadcast_in_dim3A_2323, %broadcast_in_dim3A_2324 : vector<128x128xi1>, vector<128x128xf32>
    %broadcast_in_dim3A_2326 = arith.constant 1.000000e+00 : f32
    %broadcast_in_dim3A_2327 = vector.broadcast %broadcast_in_dim3A_2326 : f32 to vector<1x128xf32>
    %dot_general3A_2328 = arith.constant dense<0.000000e+00> : vector<1x128xf32>
    %dot_general3A_2329 = tpu.matmul %broadcast_in_dim3A_2327, %select_n3A_2325, %dot_general3A_2328 {dimension_numbers = #tpu.dot_dimension_numbers<[1], [0], [0], [1], [0, 0, 1, 1], [], []>, transpose_lhs_hint = false} : vector<1x128xf32>, vector<128x128xf32>, vector<1x128xf32> -> vector<1x128xf32>
    %slice3A_2330 = vector.extract_strided_slice %reshape3A {offsets = [0, 0], sizes = [5376, 1], strides = [1, 1]} : vector<8192x1xf32> to vector<5376x1xf32>
    %ge3A_2331 = vector.broadcast %slice3A_2330 : vector<5376x1xf32> to vector<5376x128xf32>
    %ge3A_2332 = vector.broadcast %slice3A_2311 : vector<1x128xf32> to vector<5376x128xf32>
    %ge3A_2333 = arith.cmpf oge, %ge3A_2331, %ge3A_2332 : vector<5376x128xf32>
    %jit3A_2334 = arith.constant 1.000000e+00 : f32
    %jit3A_2335 = arith.constant 0.000000e+00 : f32
    %broadcast_in_dim3A_2336 = vector.broadcast %jit3A_2334 : f32 to vector<5376x128xf32>
    %broadcast_in_dim3A_2337 = vector.broadcast %jit3A_2335 : f32 to vector<5376x128xf32>
    %select_n3A_2338 = arith.select %ge3A_2333, %broadcast_in_dim3A_2336, %broadcast_in_dim3A_2337 : vector<5376x128xi1>, vector<5376x128xf32>
    %broadcast_in_dim3A_2339 = arith.constant 1.000000e+00 : f32
    %broadcast_in_dim3A_2340 = vector.broadcast %broadcast_in_dim3A_2339 : f32 to vector<1x5376xf32>
    %dot_general3A_2341 = arith.constant dense<0.000000e+00> : vector<1x128xf32>
    %dot_general3A_2342 = tpu.matmul %broadcast_in_dim3A_2340, %select_n3A_2338, %dot_general3A_2341 {dimension_numbers = #tpu.dot_dimension_numbers<[1], [0], [0], [1], [0, 0, 1, 1], [], []>, transpose_lhs_hint = false} : vector<1x5376xf32>, vector<5376x128xf32>, vector<1x128xf32> -> vector<1x128xf32>
    %add3A_2343 = arith.addf %dot_general3A_2329, %dot_general3A_2342 : vector<1x128xf32>
    %slice3A_2344 = vector.extract_strided_slice %reshape3A {offsets = [5504, 0], sizes = [2688, 1], strides = [1, 1]} : vector<8192x1xf32> to vector<2688x1xf32>
    %gt3A_2345 = vector.broadcast %slice3A_2344 : vector<2688x1xf32> to vector<2688x128xf32>
    %gt3A_2346 = vector.broadcast %slice3A_2311 : vector<1x128xf32> to vector<2688x128xf32>
    %gt3A_2347 = arith.cmpf ogt, %gt3A_2345, %gt3A_2346 : vector<2688x128xf32>
    %jit3A_2348 = arith.constant 1.000000e+00 : f32
    %jit3A_2349 = arith.constant 0.000000e+00 : f32
    %broadcast_in_dim3A_2350 = vector.broadcast %jit3A_2348 : f32 to vector<2688x128xf32>
    %broadcast_in_dim3A_2351 = vector.broadcast %jit3A_2349 : f32 to vector<2688x128xf32>
    %select_n3A_2352 = arith.select %gt3A_2347, %broadcast_in_dim3A_2350, %broadcast_in_dim3A_2351 : vector<2688x128xi1>, vector<2688x128xf32>
    %broadcast_in_dim3A_2353 = arith.constant 1.000000e+00 : f32
    %broadcast_in_dim3A_2354 = vector.broadcast %broadcast_in_dim3A_2353 : f32 to vector<1x2688xf32>
    %dot_general3A_2355 = arith.constant dense<0.000000e+00> : vector<1x128xf32>
    %dot_general3A_2356 = tpu.matmul %broadcast_in_dim3A_2354, %select_n3A_2352, %dot_general3A_2355 {dimension_numbers = #tpu.dot_dimension_numbers<[1], [0], [0], [1], [0, 0, 1, 1], [], []>, transpose_lhs_hint = false} : vector<1x2688xf32>, vector<2688x128xf32>, vector<1x128xf32> -> vector<1x128xf32>
    %add3A_2357 = arith.addf %add3A_2343, %dot_general3A_2356 : vector<1x128xf32>
    %convert_element_type3A_2358 = arith.fptosi %add3A_2357 : vector<1x128xf32> to vector<1x128xi32>
    %swap3A_2359 = arith.constant 0 : index
    %swap3A_2360 = arith.constant 0 : index
    %swap3A_2361 = arith.constant 5376 : index
    %swap3A_2362 = vector.load %arg3[%swap3A_2359, %swap3A_2360, %swap3A_2361] : memref<1x1x8192xi32, #tpu.memory_space<vmem>>, vector<1x1x128xi32>
    %swap3A_2363 = vector.shape_cast %swap3A_2362 : vector<1x1x128xi32> to vector<1x128xi32>
    %swap3A_2364 = vector.shape_cast %convert_element_type3A_2358 : vector<1x128xi32> to vector<1x1x128xi32>
    tpu.vector_store %arg3[%swap3A_2359, %swap3A_2360, %swap3A_2361], %swap3A_2364 {strides = array<i32>} : memref<1x1x8192xi32, #tpu.memory_space<vmem>>, vector<1x1x128xi32>,
    %slice3A_2365 = vector.extract_strided_slice %concatenate3A_60 {offsets = [0, 5504], sizes = [1, 128], strides = [1, 1]} : vector<1x8192xf32> to vector<1x128xf32>
    %slice3A_2366 = vector.extract_strided_slice %reshape3A {offsets = [5504, 0], sizes = [128, 1], strides = [1, 1]} : vector<8192x1xf32> to vector<128x1xf32>
    %gt3A_2367 = vector.broadcast %slice3A_2366 : vector<128x1xf32> to vector<128x128xf32>
    %gt3A_2368 = vector.broadcast %slice3A_2365 : vector<1x128xf32> to vector<128x128xf32>
    %gt3A_2369 = arith.cmpf ogt, %gt3A_2367, %gt3A_2368 : vector<128x128xf32>
    %eq3A_2370 = vector.broadcast %slice3A_2366 : vector<128x1xf32> to vector<128x128xf32>
    %eq3A_2371 = vector.broadcast %slice3A_2365 : vector<1x128xf32> to vector<128x128xf32>
    %eq3A_2372 = arith.cmpf oeq, %eq3A_2370, %eq3A_2371 : vector<128x128xf32>
    %and3A_2373 = arith.andi %eq3A_2372, %lt3A : vector<128x128xi1>
    %or3A_2374 = arith.ori %gt3A_2369, %and3A_2373 : vector<128x128xi1>
    %jit3A_2375 = arith.constant 1.000000e+00 : f32
    %jit3A_2376 = arith.constant 0.000000e+00 : f32
    %broadcast_in_dim3A_2377 = vector.broadcast %jit3A_2375 : f32 to vector<128x128xf32>
    %broadcast_in_dim3A_2378 = vector.broadcast %jit3A_2376 : f32 to vector<128x128xf32>
    %select_n3A_2379 = arith.select %or3A_2374, %broadcast_in_dim3A_2377, %broadcast_in_dim3A_2378 : vector<128x128xi1>, vector<128x128xf32>
    %broadcast_in_dim3A_2380 = arith.constant 1.000000e+00 : f32
    %broadcast_in_dim3A_2381 = vector.broadcast %broadcast_in_dim3A_2380 : f32 to vector<1x128xf32>
    %dot_general3A_2382 = arith.constant dense<0.000000e+00> : vector<1x128xf32>
    %dot_general3A_2383 = tpu.matmul %broadcast_in_dim3A_2381, %select_n3A_2379, %dot_general3A_2382 {dimension_numbers = #tpu.dot_dimension_numbers<[1], [0], [0], [1], [0, 0, 1, 1], [], []>, transpose_lhs_hint = false} : vector<1x128xf32>, vector<128x128xf32>, vector<1x128xf32> -> vector<1x128xf32>
    %slice3A_2384 = vector.extract_strided_slice %reshape3A {offsets = [0, 0], sizes = [5504, 1], strides = [1, 1]} : vector<8192x1xf32> to vector<5504x1xf32>
    %ge3A_2385 = vector.broadcast %slice3A_2384 : vector<5504x1xf32> to vector<5504x128xf32>
    %ge3A_2386 = vector.broadcast %slice3A_2365 : vector<1x128xf32> to vector<5504x128xf32>
    %ge3A_2387 = arith.cmpf oge, %ge3A_2385, %ge3A_2386 : vector<5504x128xf32>
    %jit3A_2388 = arith.constant 1.000000e+00 : f32
    %jit3A_2389 = arith.constant 0.000000e+00 : f32
    %broadcast_in_dim3A_2390 = vector.broadcast %jit3A_2388 : f32 to vector<5504x128xf32>
    %broadcast_in_dim3A_2391 = vector.broadcast %jit3A_2389 : f32 to vector<5504x128xf32>
    %select_n3A_2392 = arith.select %ge3A_2387, %broadcast_in_dim3A_2390, %broadcast_in_dim3A_2391 : vector<5504x128xi1>, vector<5504x128xf32>
    %broadcast_in_dim3A_2393 = arith.constant 1.000000e+00 : f32
    %broadcast_in_dim3A_2394 = vector.broadcast %broadcast_in_dim3A_2393 : f32 to vector<1x5504xf32>
    %dot_general3A_2395 = arith.constant dense<0.000000e+00> : vector<1x128xf32>
    %dot_general3A_2396 = tpu.matmul %broadcast_in_dim3A_2394, %select_n3A_2392, %dot_general3A_2395 {dimension_numbers = #tpu.dot_dimension_numbers<[1], [0], [0], [1], [0, 0, 1, 1], [], []>, transpose_lhs_hint = false} : vector<1x5504xf32>, vector<5504x128xf32>, vector<1x128xf32> -> vector<1x128xf32>
    %add3A_2397 = arith.addf %dot_general3A_2383, %dot_general3A_2396 : vector<1x128xf32>
    %slice3A_2398 = vector.extract_strided_slice %reshape3A {offsets = [5632, 0], sizes = [2560, 1], strides = [1, 1]} : vector<8192x1xf32> to vector<2560x1xf32>
    %gt3A_2399 = vector.broadcast %slice3A_2398 : vector<2560x1xf32> to vector<2560x128xf32>
    %gt3A_2400 = vector.broadcast %slice3A_2365 : vector<1x128xf32> to vector<2560x128xf32>
    %gt3A_2401 = arith.cmpf ogt, %gt3A_2399, %gt3A_2400 : vector<2560x128xf32>
    %jit3A_2402 = arith.constant 1.000000e+00 : f32
    %jit3A_2403 = arith.constant 0.000000e+00 : f32
    %broadcast_in_dim3A_2404 = vector.broadcast %jit3A_2402 : f32 to vector<2560x128xf32>
    %broadcast_in_dim3A_2405 = vector.broadcast %jit3A_2403 : f32 to vector<2560x128xf32>
    %select_n3A_2406 = arith.select %gt3A_2401, %broadcast_in_dim3A_2404, %broadcast_in_dim3A_2405 : vector<2560x128xi1>, vector<2560x128xf32>
    %broadcast_in_dim3A_2407 = arith.constant 1.000000e+00 : f32
    %broadcast_in_dim3A_2408 = vector.broadcast %broadcast_in_dim3A_2407 : f32 to vector<1x2560xf32>
    %dot_general3A_2409 = arith.constant dense<0.000000e+00> : vector<1x128xf32>
    %dot_general3A_2410 = tpu.matmul %broadcast_in_dim3A_2408, %select_n3A_2406, %dot_general3A_2409 {dimension_numbers = #tpu.dot_dimension_numbers<[1], [0], [0], [1], [0, 0, 1, 1], [], []>, transpose_lhs_hint = false} : vector<1x2560xf32>, vector<2560x128xf32>, vector<1x128xf32> -> vector<1x128xf32>
    %add3A_2411 = arith.addf %add3A_2397, %dot_general3A_2410 : vector<1x128xf32>
    %convert_element_type3A_2412 = arith.fptosi %add3A_2411 : vector<1x128xf32> to vector<1x128xi32>
    %swap3A_2413 = arith.constant 0 : index
    %swap3A_2414 = arith.constant 0 : index
    %swap3A_2415 = arith.constant 5504 : index
    %swap3A_2416 = vector.load %arg3[%swap3A_2413, %swap3A_2414, %swap3A_2415] : memref<1x1x8192xi32, #tpu.memory_space<vmem>>, vector<1x1x128xi32>
    %swap3A_2417 = vector.shape_cast %swap3A_2416 : vector<1x1x128xi32> to vector<1x128xi32>
    %swap3A_2418 = vector.shape_cast %convert_element_type3A_2412 : vector<1x128xi32> to vector<1x1x128xi32>
    tpu.vector_store %arg3[%swap3A_2413, %swap3A_2414, %swap3A_2415], %swap3A_2418 {strides = array<i32>} : memref<1x1x8192xi32, #tpu.memory_space<vmem>>, vector<1x1x128xi32>,
    %slice3A_2419 = vector.extract_strided_slice %concatenate3A_60 {offsets = [0, 5632], sizes = [1, 128], strides = [1, 1]} : vector<1x8192xf32> to vector<1x128xf32>
    %slice3A_2420 = vector.extract_strided_slice %reshape3A {offsets = [5632, 0], sizes = [128, 1], strides = [1, 1]} : vector<8192x1xf32> to vector<128x1xf32>
    %gt3A_2421 = vector.broadcast %slice3A_2420 : vector<128x1xf32> to vector<128x128xf32>
    %gt3A_2422 = vector.broadcast %slice3A_2419 : vector<1x128xf32> to vector<128x128xf32>
    %gt3A_2423 = arith.cmpf ogt, %gt3A_2421, %gt3A_2422 : vector<128x128xf32>
    %eq3A_2424 = vector.broadcast %slice3A_2420 : vector<128x1xf32> to vector<128x128xf32>
    %eq3A_2425 = vector.broadcast %slice3A_2419 : vector<1x128xf32> to vector<128x128xf32>
    %eq3A_2426 = arith.cmpf oeq, %eq3A_2424, %eq3A_2425 : vector<128x128xf32>
    %and3A_2427 = arith.andi %eq3A_2426, %lt3A : vector<128x128xi1>
    %or3A_2428 = arith.ori %gt3A_2423, %and3A_2427 : vector<128x128xi1>
    %jit3A_2429 = arith.constant 1.000000e+00 : f32
    %jit3A_2430 = arith.constant 0.000000e+00 : f32
    %broadcast_in_dim3A_2431 = vector.broadcast %jit3A_2429 : f32 to vector<128x128xf32>
    %broadcast_in_dim3A_2432 = vector.broadcast %jit3A_2430 : f32 to vector<128x128xf32>
    %select_n3A_2433 = arith.select %or3A_2428, %broadcast_in_dim3A_2431, %broadcast_in_dim3A_2432 : vector<128x128xi1>, vector<128x128xf32>
    %broadcast_in_dim3A_2434 = arith.constant 1.000000e+00 : f32
    %broadcast_in_dim3A_2435 = vector.broadcast %broadcast_in_dim3A_2434 : f32 to vector<1x128xf32>
    %dot_general3A_2436 = arith.constant dense<0.000000e+00> : vector<1x128xf32>
    %dot_general3A_2437 = tpu.matmul %broadcast_in_dim3A_2435, %select_n3A_2433, %dot_general3A_2436 {dimension_numbers = #tpu.dot_dimension_numbers<[1], [0], [0], [1], [0, 0, 1, 1], [], []>, transpose_lhs_hint = false} : vector<1x128xf32>, vector<128x128xf32>, vector<1x128xf32> -> vector<1x128xf32>
    %slice3A_2438 = vector.extract_strided_slice %reshape3A {offsets = [0, 0], sizes = [5632, 1], strides = [1, 1]} : vector<8192x1xf32> to vector<5632x1xf32>
    %ge3A_2439 = vector.broadcast %slice3A_2438 : vector<5632x1xf32> to vector<5632x128xf32>
    %ge3A_2440 = vector.broadcast %slice3A_2419 : vector<1x128xf32> to vector<5632x128xf32>
    %ge3A_2441 = arith.cmpf oge, %ge3A_2439, %ge3A_2440 : vector<5632x128xf32>
    %jit3A_2442 = arith.constant 1.000000e+00 : f32
    %jit3A_2443 = arith.constant 0.000000e+00 : f32
    %broadcast_in_dim3A_2444 = vector.broadcast %jit3A_2442 : f32 to vector<5632x128xf32>
    %broadcast_in_dim3A_2445 = vector.broadcast %jit3A_2443 : f32 to vector<5632x128xf32>
    %select_n3A_2446 = arith.select %ge3A_2441, %broadcast_in_dim3A_2444, %broadcast_in_dim3A_2445 : vector<5632x128xi1>, vector<5632x128xf32>
    %broadcast_in_dim3A_2447 = arith.constant 1.000000e+00 : f32
    %broadcast_in_dim3A_2448 = vector.broadcast %broadcast_in_dim3A_2447 : f32 to vector<1x5632xf32>
    %dot_general3A_2449 = arith.constant dense<0.000000e+00> : vector<1x128xf32>
    %dot_general3A_2450 = tpu.matmul %broadcast_in_dim3A_2448, %select_n3A_2446, %dot_general3A_2449 {dimension_numbers = #tpu.dot_dimension_numbers<[1], [0], [0], [1], [0, 0, 1, 1], [], []>, transpose_lhs_hint = false} : vector<1x5632xf32>, vector<5632x128xf32>, vector<1x128xf32> -> vector<1x128xf32>
    %add3A_2451 = arith.addf %dot_general3A_2437, %dot_general3A_2450 : vector<1x128xf32>
    %slice3A_2452 = vector.extract_strided_slice %reshape3A {offsets = [5760, 0], sizes = [2432, 1], strides = [1, 1]} : vector<8192x1xf32> to vector<2432x1xf32>
    %gt3A_2453 = vector.broadcast %slice3A_2452 : vector<2432x1xf32> to vector<2432x128xf32>
    %gt3A_2454 = vector.broadcast %slice3A_2419 : vector<1x128xf32> to vector<2432x128xf32>
    %gt3A_2455 = arith.cmpf ogt, %gt3A_2453, %gt3A_2454 : vector<2432x128xf32>
    %jit3A_2456 = arith.constant 1.000000e+00 : f32
    %jit3A_2457 = arith.constant 0.000000e+00 : f32
    %broadcast_in_dim3A_2458 = vector.broadcast %jit3A_2456 : f32 to vector<2432x128xf32>
    %broadcast_in_dim3A_2459 = vector.broadcast %jit3A_2457 : f32 to vector<2432x128xf32>
    %select_n3A_2460 = arith.select %gt3A_2455, %broadcast_in_dim3A_2458, %broadcast_in_dim3A_2459 : vector<2432x128xi1>, vector<2432x128xf32>
    %broadcast_in_dim3A_2461 = arith.constant 1.000000e+00 : f32
    %broadcast_in_dim3A_2462 = vector.broadcast %broadcast_in_dim3A_2461 : f32 to vector<1x2432xf32>
    %dot_general3A_2463 = arith.constant dense<0.000000e+00> : vector<1x128xf32>
    %dot_general3A_2464 = tpu.matmul %broadcast_in_dim3A_2462, %select_n3A_2460, %dot_general3A_2463 {dimension_numbers = #tpu.dot_dimension_numbers<[1], [0], [0], [1], [0, 0, 1, 1], [], []>, transpose_lhs_hint = false} : vector<1x2432xf32>, vector<2432x128xf32>, vector<1x128xf32> -> vector<1x128xf32>
    %add3A_2465 = arith.addf %add3A_2451, %dot_general3A_2464 : vector<1x128xf32>
    %convert_element_type3A_2466 = arith.fptosi %add3A_2465 : vector<1x128xf32> to vector<1x128xi32>
    %swap3A_2467 = arith.constant 0 : index
    %swap3A_2468 = arith.constant 0 : index
    %swap3A_2469 = arith.constant 5632 : index
    %swap3A_2470 = vector.load %arg3[%swap3A_2467, %swap3A_2468, %swap3A_2469] : memref<1x1x8192xi32, #tpu.memory_space<vmem>>, vector<1x1x128xi32>
    %swap3A_2471 = vector.shape_cast %swap3A_2470 : vector<1x1x128xi32> to vector<1x128xi32>
    %swap3A_2472 = vector.shape_cast %convert_element_type3A_2466 : vector<1x128xi32> to vector<1x1x128xi32>
    tpu.vector_store %arg3[%swap3A_2467, %swap3A_2468, %swap3A_2469], %swap3A_2472 {strides = array<i32>} : memref<1x1x8192xi32, #tpu.memory_space<vmem>>, vector<1x1x128xi32>,
    %slice3A_2473 = vector.extract_strided_slice %concatenate3A_60 {offsets = [0, 5760], sizes = [1, 128], strides = [1, 1]} : vector<1x8192xf32> to vector<1x128xf32>
    %slice3A_2474 = vector.extract_strided_slice %reshape3A {offsets = [5760, 0], sizes = [128, 1], strides = [1, 1]} : vector<8192x1xf32> to vector<128x1xf32>
    %gt3A_2475 = vector.broadcast %slice3A_2474 : vector<128x1xf32> to vector<128x128xf32>
    %gt3A_2476 = vector.broadcast %slice3A_2473 : vector<1x128xf32> to vector<128x128xf32>
    %gt3A_2477 = arith.cmpf ogt, %gt3A_2475, %gt3A_2476 : vector<128x128xf32>
    %eq3A_2478 = vector.broadcast %slice3A_2474 : vector<128x1xf32> to vector<128x128xf32>
    %eq3A_2479 = vector.broadcast %slice3A_2473 : vector<1x128xf32> to vector<128x128xf32>
    %eq3A_2480 = arith.cmpf oeq, %eq3A_2478, %eq3A_2479 : vector<128x128xf32>
    %and3A_2481 = arith.andi %eq3A_2480, %lt3A : vector<128x128xi1>
    %or3A_2482 = arith.ori %gt3A_2477, %and3A_2481 : vector<128x128xi1>
    %jit3A_2483 = arith.constant 1.000000e+00 : f32
    %jit3A_2484 = arith.constant 0.000000e+00 : f32
    %broadcast_in_dim3A_2485 = vector.broadcast %jit3A_2483 : f32 to vector<128x128xf32>
    %broadcast_in_dim3A_2486 = vector.broadcast %jit3A_2484 : f32 to vector<128x128xf32>
    %select_n3A_2487 = arith.select %or3A_2482, %broadcast_in_dim3A_2485, %broadcast_in_dim3A_2486 : vector<128x128xi1>, vector<128x128xf32>
    %broadcast_in_dim3A_2488 = arith.constant 1.000000e+00 : f32
    %broadcast_in_dim3A_2489 = vector.broadcast %broadcast_in_dim3A_2488 : f32 to vector<1x128xf32>
    %dot_general3A_2490 = arith.constant dense<0.000000e+00> : vector<1x128xf32>
    %dot_general3A_2491 = tpu.matmul %broadcast_in_dim3A_2489, %select_n3A_2487, %dot_general3A_2490 {dimension_numbers = #tpu.dot_dimension_numbers<[1], [0], [0], [1], [0, 0, 1, 1], [], []>, transpose_lhs_hint = false} : vector<1x128xf32>, vector<128x128xf32>, vector<1x128xf32> -> vector<1x128xf32>
    %slice3A_2492 = vector.extract_strided_slice %reshape3A {offsets = [0, 0], sizes = [5760, 1], strides = [1, 1]} : vector<8192x1xf32> to vector<5760x1xf32>
    %ge3A_2493 = vector.broadcast %slice3A_2492 : vector<5760x1xf32> to vector<5760x128xf32>
    %ge3A_2494 = vector.broadcast %slice3A_2473 : vector<1x128xf32> to vector<5760x128xf32>
    %ge3A_2495 = arith.cmpf oge, %ge3A_2493, %ge3A_2494 : vector<5760x128xf32>
    %jit3A_2496 = arith.constant 1.000000e+00 : f32
    %jit3A_2497 = arith.constant 0.000000e+00 : f32
    %broadcast_in_dim3A_2498 = vector.broadcast %jit3A_2496 : f32 to vector<5760x128xf32>
    %broadcast_in_dim3A_2499 = vector.broadcast %jit3A_2497 : f32 to vector<5760x128xf32>
    %select_n3A_2500 = arith.select %ge3A_2495, %broadcast_in_dim3A_2498, %broadcast_in_dim3A_2499 : vector<5760x128xi1>, vector<5760x128xf32>
    %broadcast_in_dim3A_2501 = arith.constant 1.000000e+00 : f32
    %broadcast_in_dim3A_2502 = vector.broadcast %broadcast_in_dim3A_2501 : f32 to vector<1x5760xf32>
    %dot_general3A_2503 = arith.constant dense<0.000000e+00> : vector<1x128xf32>
    %dot_general3A_2504 = tpu.matmul %broadcast_in_dim3A_2502, %select_n3A_2500, %dot_general3A_2503 {dimension_numbers = #tpu.dot_dimension_numbers<[1], [0], [0], [1], [0, 0, 1, 1], [], []>, transpose_lhs_hint = false} : vector<1x5760xf32>, vector<5760x128xf32>, vector<1x128xf32> -> vector<1x128xf32>
    %add3A_2505 = arith.addf %dot_general3A_2491, %dot_general3A_2504 : vector<1x128xf32>
    %slice3A_2506 = vector.extract_strided_slice %reshape3A {offsets = [5888, 0], sizes = [2304, 1], strides = [1, 1]} : vector<8192x1xf32> to vector<2304x1xf32>
    %gt3A_2507 = vector.broadcast %slice3A_2506 : vector<2304x1xf32> to vector<2304x128xf32>
    %gt3A_2508 = vector.broadcast %slice3A_2473 : vector<1x128xf32> to vector<2304x128xf32>
    %gt3A_2509 = arith.cmpf ogt, %gt3A_2507, %gt3A_2508 : vector<2304x128xf32>
    %jit3A_2510 = arith.constant 1.000000e+00 : f32
    %jit3A_2511 = arith.constant 0.000000e+00 : f32
    %broadcast_in_dim3A_2512 = vector.broadcast %jit3A_2510 : f32 to vector<2304x128xf32>
    %broadcast_in_dim3A_2513 = vector.broadcast %jit3A_2511 : f32 to vector<2304x128xf32>
    %select_n3A_2514 = arith.select %gt3A_2509, %broadcast_in_dim3A_2512, %broadcast_in_dim3A_2513 : vector<2304x128xi1>, vector<2304x128xf32>
    %broadcast_in_dim3A_2515 = arith.constant 1.000000e+00 : f32
    %broadcast_in_dim3A_2516 = vector.broadcast %broadcast_in_dim3A_2515 : f32 to vector<1x2304xf32>
    %dot_general3A_2517 = arith.constant dense<0.000000e+00> : vector<1x128xf32>
    %dot_general3A_2518 = tpu.matmul %broadcast_in_dim3A_2516, %select_n3A_2514, %dot_general3A_2517 {dimension_numbers = #tpu.dot_dimension_numbers<[1], [0], [0], [1], [0, 0, 1, 1], [], []>, transpose_lhs_hint = false} : vector<1x2304xf32>, vector<2304x128xf32>, vector<1x128xf32> -> vector<1x128xf32>
    %add3A_2519 = arith.addf %add3A_2505, %dot_general3A_2518 : vector<1x128xf32>
    %convert_element_type3A_2520 = arith.fptosi %add3A_2519 : vector<1x128xf32> to vector<1x128xi32>
    %swap3A_2521 = arith.constant 0 : index
    %swap3A_2522 = arith.constant 0 : index
    %swap3A_2523 = arith.constant 5760 : index
    %swap3A_2524 = vector.load %arg3[%swap3A_2521, %swap3A_2522, %swap3A_2523] : memref<1x1x8192xi32, #tpu.memory_space<vmem>>, vector<1x1x128xi32>
    %swap3A_2525 = vector.shape_cast %swap3A_2524 : vector<1x1x128xi32> to vector<1x128xi32>
    %swap3A_2526 = vector.shape_cast %convert_element_type3A_2520 : vector<1x128xi32> to vector<1x1x128xi32>
    tpu.vector_store %arg3[%swap3A_2521, %swap3A_2522, %swap3A_2523], %swap3A_2526 {strides = array<i32>} : memref<1x1x8192xi32, #tpu.memory_space<vmem>>, vector<1x1x128xi32>,
    %slice3A_2527 = vector.extract_strided_slice %concatenate3A_60 {offsets = [0, 5888], sizes = [1, 128], strides = [1, 1]} : vector<1x8192xf32> to vector<1x128xf32>
    %slice3A_2528 = vector.extract_strided_slice %reshape3A {offsets = [5888, 0], sizes = [128, 1], strides = [1, 1]} : vector<8192x1xf32> to vector<128x1xf32>
    %gt3A_2529 = vector.broadcast %slice3A_2528 : vector<128x1xf32> to vector<128x128xf32>
    %gt3A_2530 = vector.broadcast %slice3A_2527 : vector<1x128xf32> to vector<128x128xf32>
    %gt3A_2531 = arith.cmpf ogt, %gt3A_2529, %gt3A_2530 : vector<128x128xf32>
    %eq3A_2532 = vector.broadcast %slice3A_2528 : vector<128x1xf32> to vector<128x128xf32>
    %eq3A_2533 = vector.broadcast %slice3A_2527 : vector<1x128xf32> to vector<128x128xf32>
    %eq3A_2534 = arith.cmpf oeq, %eq3A_2532, %eq3A_2533 : vector<128x128xf32>
    %and3A_2535 = arith.andi %eq3A_2534, %lt3A : vector<128x128xi1>
    %or3A_2536 = arith.ori %gt3A_2531, %and3A_2535 : vector<128x128xi1>
    %jit3A_2537 = arith.constant 1.000000e+00 : f32
    %jit3A_2538 = arith.constant 0.000000e+00 : f32
    %broadcast_in_dim3A_2539 = vector.broadcast %jit3A_2537 : f32 to vector<128x128xf32>
    %broadcast_in_dim3A_2540 = vector.broadcast %jit3A_2538 : f32 to vector<128x128xf32>
    %select_n3A_2541 = arith.select %or3A_2536, %broadcast_in_dim3A_2539, %broadcast_in_dim3A_2540 : vector<128x128xi1>, vector<128x128xf32>
    %broadcast_in_dim3A_2542 = arith.constant 1.000000e+00 : f32
    %broadcast_in_dim3A_2543 = vector.broadcast %broadcast_in_dim3A_2542 : f32 to vector<1x128xf32>
    %dot_general3A_2544 = arith.constant dense<0.000000e+00> : vector<1x128xf32>
    %dot_general3A_2545 = tpu.matmul %broadcast_in_dim3A_2543, %select_n3A_2541, %dot_general3A_2544 {dimension_numbers = #tpu.dot_dimension_numbers<[1], [0], [0], [1], [0, 0, 1, 1], [], []>, transpose_lhs_hint = false} : vector<1x128xf32>, vector<128x128xf32>, vector<1x128xf32> -> vector<1x128xf32>
    %slice3A_2546 = vector.extract_strided_slice %reshape3A {offsets = [0, 0], sizes = [5888, 1], strides = [1, 1]} : vector<8192x1xf32> to vector<5888x1xf32>
    %ge3A_2547 = vector.broadcast %slice3A_2546 : vector<5888x1xf32> to vector<5888x128xf32>
    %ge3A_2548 = vector.broadcast %slice3A_2527 : vector<1x128xf32> to vector<5888x128xf32>
    %ge3A_2549 = arith.cmpf oge, %ge3A_2547, %ge3A_2548 : vector<5888x128xf32>
    %jit3A_2550 = arith.constant 1.000000e+00 : f32
    %jit3A_2551 = arith.constant 0.000000e+00 : f32
    %broadcast_in_dim3A_2552 = vector.broadcast %jit3A_2550 : f32 to vector<5888x128xf32>
    %broadcast_in_dim3A_2553 = vector.broadcast %jit3A_2551 : f32 to vector<5888x128xf32>
    %select_n3A_2554 = arith.select %ge3A_2549, %broadcast_in_dim3A_2552, %broadcast_in_dim3A_2553 : vector<5888x128xi1>, vector<5888x128xf32>
    %broadcast_in_dim3A_2555 = arith.constant 1.000000e+00 : f32
    %broadcast_in_dim3A_2556 = vector.broadcast %broadcast_in_dim3A_2555 : f32 to vector<1x5888xf32>
    %dot_general3A_2557 = arith.constant dense<0.000000e+00> : vector<1x128xf32>
    %dot_general3A_2558 = tpu.matmul %broadcast_in_dim3A_2556, %select_n3A_2554, %dot_general3A_2557 {dimension_numbers = #tpu.dot_dimension_numbers<[1], [0], [0], [1], [0, 0, 1, 1], [], []>, transpose_lhs_hint = false} : vector<1x5888xf32>, vector<5888x128xf32>, vector<1x128xf32> -> vector<1x128xf32>
    %add3A_2559 = arith.addf %dot_general3A_2545, %dot_general3A_2558 : vector<1x128xf32>
    %slice3A_2560 = vector.extract_strided_slice %reshape3A {offsets = [6016, 0], sizes = [2176, 1], strides = [1, 1]} : vector<8192x1xf32> to vector<2176x1xf32>
    %gt3A_2561 = vector.broadcast %slice3A_2560 : vector<2176x1xf32> to vector<2176x128xf32>
    %gt3A_2562 = vector.broadcast %slice3A_2527 : vector<1x128xf32> to vector<2176x128xf32>
    %gt3A_2563 = arith.cmpf ogt, %gt3A_2561, %gt3A_2562 : vector<2176x128xf32>
    %jit3A_2564 = arith.constant 1.000000e+00 : f32
    %jit3A_2565 = arith.constant 0.000000e+00 : f32
    %broadcast_in_dim3A_2566 = vector.broadcast %jit3A_2564 : f32 to vector<2176x128xf32>
    %broadcast_in_dim3A_2567 = vector.broadcast %jit3A_2565 : f32 to vector<2176x128xf32>
    %select_n3A_2568 = arith.select %gt3A_2563, %broadcast_in_dim3A_2566, %broadcast_in_dim3A_2567 : vector<2176x128xi1>, vector<2176x128xf32>
    %broadcast_in_dim3A_2569 = arith.constant 1.000000e+00 : f32
    %broadcast_in_dim3A_2570 = vector.broadcast %broadcast_in_dim3A_2569 : f32 to vector<1x2176xf32>
    %dot_general3A_2571 = arith.constant dense<0.000000e+00> : vector<1x128xf32>
    %dot_general3A_2572 = tpu.matmul %broadcast_in_dim3A_2570, %select_n3A_2568, %dot_general3A_2571 {dimension_numbers = #tpu.dot_dimension_numbers<[1], [0], [0], [1], [0, 0, 1, 1], [], []>, transpose_lhs_hint = false} : vector<1x2176xf32>, vector<2176x128xf32>, vector<1x128xf32> -> vector<1x128xf32>
    %add3A_2573 = arith.addf %add3A_2559, %dot_general3A_2572 : vector<1x128xf32>
    %convert_element_type3A_2574 = arith.fptosi %add3A_2573 : vector<1x128xf32> to vector<1x128xi32>
    %swap3A_2575 = arith.constant 0 : index
    %swap3A_2576 = arith.constant 0 : index
    %swap3A_2577 = arith.constant 5888 : index
    %swap3A_2578 = vector.load %arg3[%swap3A_2575, %swap3A_2576, %swap3A_2577] : memref<1x1x8192xi32, #tpu.memory_space<vmem>>, vector<1x1x128xi32>
    %swap3A_2579 = vector.shape_cast %swap3A_2578 : vector<1x1x128xi32> to vector<1x128xi32>
    %swap3A_2580 = vector.shape_cast %convert_element_type3A_2574 : vector<1x128xi32> to vector<1x1x128xi32>
    tpu.vector_store %arg3[%swap3A_2575, %swap3A_2576, %swap3A_2577], %swap3A_2580 {strides = array<i32>} : memref<1x1x8192xi32, #tpu.memory_space<vmem>>, vector<1x1x128xi32>,
    %slice3A_2581 = vector.extract_strided_slice %concatenate3A_60 {offsets = [0, 6016], sizes = [1, 128], strides = [1, 1]} : vector<1x8192xf32> to vector<1x128xf32>
    %slice3A_2582 = vector.extract_strided_slice %reshape3A {offsets = [6016, 0], sizes = [128, 1], strides = [1, 1]} : vector<8192x1xf32> to vector<128x1xf32>
    %gt3A_2583 = vector.broadcast %slice3A_2582 : vector<128x1xf32> to vector<128x128xf32>
    %gt3A_2584 = vector.broadcast %slice3A_2581 : vector<1x128xf32> to vector<128x128xf32>
    %gt3A_2585 = arith.cmpf ogt, %gt3A_2583, %gt3A_2584 : vector<128x128xf32>
    %eq3A_2586 = vector.broadcast %slice3A_2582 : vector<128x1xf32> to vector<128x128xf32>
    %eq3A_2587 = vector.broadcast %slice3A_2581 : vector<1x128xf32> to vector<128x128xf32>
    %eq3A_2588 = arith.cmpf oeq, %eq3A_2586, %eq3A_2587 : vector<128x128xf32>
    %and3A_2589 = arith.andi %eq3A_2588, %lt3A : vector<128x128xi1>
    %or3A_2590 = arith.ori %gt3A_2585, %and3A_2589 : vector<128x128xi1>
    %jit3A_2591 = arith.constant 1.000000e+00 : f32
    %jit3A_2592 = arith.constant 0.000000e+00 : f32
    %broadcast_in_dim3A_2593 = vector.broadcast %jit3A_2591 : f32 to vector<128x128xf32>
    %broadcast_in_dim3A_2594 = vector.broadcast %jit3A_2592 : f32 to vector<128x128xf32>
    %select_n3A_2595 = arith.select %or3A_2590, %broadcast_in_dim3A_2593, %broadcast_in_dim3A_2594 : vector<128x128xi1>, vector<128x128xf32>
    %broadcast_in_dim3A_2596 = arith.constant 1.000000e+00 : f32
    %broadcast_in_dim3A_2597 = vector.broadcast %broadcast_in_dim3A_2596 : f32 to vector<1x128xf32>
    %dot_general3A_2598 = arith.constant dense<0.000000e+00> : vector<1x128xf32>
    %dot_general3A_2599 = tpu.matmul %broadcast_in_dim3A_2597, %select_n3A_2595, %dot_general3A_2598 {dimension_numbers = #tpu.dot_dimension_numbers<[1], [0], [0], [1], [0, 0, 1, 1], [], []>, transpose_lhs_hint = false} : vector<1x128xf32>, vector<128x128xf32>, vector<1x128xf32> -> vector<1x128xf32>
    %slice3A_2600 = vector.extract_strided_slice %reshape3A {offsets = [0, 0], sizes = [6016, 1], strides = [1, 1]} : vector<8192x1xf32> to vector<6016x1xf32>
    %ge3A_2601 = vector.broadcast %slice3A_2600 : vector<6016x1xf32> to vector<6016x128xf32>
    %ge3A_2602 = vector.broadcast %slice3A_2581 : vector<1x128xf32> to vector<6016x128xf32>
    %ge3A_2603 = arith.cmpf oge, %ge3A_2601, %ge3A_2602 : vector<6016x128xf32>
    %jit3A_2604 = arith.constant 1.000000e+00 : f32
    %jit3A_2605 = arith.constant 0.000000e+00 : f32
    %broadcast_in_dim3A_2606 = vector.broadcast %jit3A_2604 : f32 to vector<6016x128xf32>
    %broadcast_in_dim3A_2607 = vector.broadcast %jit3A_2605 : f32 to vector<6016x128xf32>
    %select_n3A_2608 = arith.select %ge3A_2603, %broadcast_in_dim3A_2606, %broadcast_in_dim3A_2607 : vector<6016x128xi1>, vector<6016x128xf32>
    %broadcast_in_dim3A_2609 = arith.constant 1.000000e+00 : f32
    %broadcast_in_dim3A_2610 = vector.broadcast %broadcast_in_dim3A_2609 : f32 to vector<1x6016xf32>
    %dot_general3A_2611 = arith.constant dense<0.000000e+00> : vector<1x128xf32>
    %dot_general3A_2612 = tpu.matmul %broadcast_in_dim3A_2610, %select_n3A_2608, %dot_general3A_2611 {dimension_numbers = #tpu.dot_dimension_numbers<[1], [0], [0], [1], [0, 0, 1, 1], [], []>, transpose_lhs_hint = false} : vector<1x6016xf32>, vector<6016x128xf32>, vector<1x128xf32> -> vector<1x128xf32>
    %add3A_2613 = arith.addf %dot_general3A_2599, %dot_general3A_2612 : vector<1x128xf32>
    %slice3A_2614 = vector.extract_strided_slice %reshape3A {offsets = [6144, 0], sizes = [2048, 1], strides = [1, 1]} : vector<8192x1xf32> to vector<2048x1xf32>
    %gt3A_2615 = vector.broadcast %slice3A_2614 : vector<2048x1xf32> to vector<2048x128xf32>
    %gt3A_2616 = vector.broadcast %slice3A_2581 : vector<1x128xf32> to vector<2048x128xf32>
    %gt3A_2617 = arith.cmpf ogt, %gt3A_2615, %gt3A_2616 : vector<2048x128xf32>
    %jit3A_2618 = arith.constant 1.000000e+00 : f32
    %jit3A_2619 = arith.constant 0.000000e+00 : f32
    %broadcast_in_dim3A_2620 = vector.broadcast %jit3A_2618 : f32 to vector<2048x128xf32>
    %broadcast_in_dim3A_2621 = vector.broadcast %jit3A_2619 : f32 to vector<2048x128xf32>
    %select_n3A_2622 = arith.select %gt3A_2617, %broadcast_in_dim3A_2620, %broadcast_in_dim3A_2621 : vector<2048x128xi1>, vector<2048x128xf32>
    %broadcast_in_dim3A_2623 = arith.constant 1.000000e+00 : f32
    %broadcast_in_dim3A_2624 = vector.broadcast %broadcast_in_dim3A_2623 : f32 to vector<1x2048xf32>
    %dot_general3A_2625 = arith.constant dense<0.000000e+00> : vector<1x128xf32>
    %dot_general3A_2626 = tpu.matmul %broadcast_in_dim3A_2624, %select_n3A_2622, %dot_general3A_2625 {dimension_numbers = #tpu.dot_dimension_numbers<[1], [0], [0], [1], [0, 0, 1, 1], [], []>, transpose_lhs_hint = false} : vector<1x2048xf32>, vector<2048x128xf32>, vector<1x128xf32> -> vector<1x128xf32>
    %add3A_2627 = arith.addf %add3A_2613, %dot_general3A_2626 : vector<1x128xf32>
    %convert_element_type3A_2628 = arith.fptosi %add3A_2627 : vector<1x128xf32> to vector<1x128xi32>
    %swap3A_2629 = arith.constant 0 : index
    %swap3A_2630 = arith.constant 0 : index
    %swap3A_2631 = arith.constant 6016 : index
    %swap3A_2632 = vector.load %arg3[%swap3A_2629, %swap3A_2630, %swap3A_2631] : memref<1x1x8192xi32, #tpu.memory_space<vmem>>, vector<1x1x128xi32>
    %swap3A_2633 = vector.shape_cast %swap3A_2632 : vector<1x1x128xi32> to vector<1x128xi32>
    %swap3A_2634 = vector.shape_cast %convert_element_type3A_2628 : vector<1x128xi32> to vector<1x1x128xi32>
    tpu.vector_store %arg3[%swap3A_2629, %swap3A_2630, %swap3A_2631], %swap3A_2634 {strides = array<i32>} : memref<1x1x8192xi32, #tpu.memory_space<vmem>>, vector<1x1x128xi32>,
    %slice3A_2635 = vector.extract_strided_slice %concatenate3A_60 {offsets = [0, 6144], sizes = [1, 128], strides = [1, 1]} : vector<1x8192xf32> to vector<1x128xf32>
    %slice3A_2636 = vector.extract_strided_slice %reshape3A {offsets = [6144, 0], sizes = [128, 1], strides = [1, 1]} : vector<8192x1xf32> to vector<128x1xf32>
    %gt3A_2637 = vector.broadcast %slice3A_2636 : vector<128x1xf32> to vector<128x128xf32>
    %gt3A_2638 = vector.broadcast %slice3A_2635 : vector<1x128xf32> to vector<128x128xf32>
    %gt3A_2639 = arith.cmpf ogt, %gt3A_2637, %gt3A_2638 : vector<128x128xf32>
    %eq3A_2640 = vector.broadcast %slice3A_2636 : vector<128x1xf32> to vector<128x128xf32>
    %eq3A_2641 = vector.broadcast %slice3A_2635 : vector<1x128xf32> to vector<128x128xf32>
    %eq3A_2642 = arith.cmpf oeq, %eq3A_2640, %eq3A_2641 : vector<128x128xf32>
    %and3A_2643 = arith.andi %eq3A_2642, %lt3A : vector<128x128xi1>
    %or3A_2644 = arith.ori %gt3A_2639, %and3A_2643 : vector<128x128xi1>
    %jit3A_2645 = arith.constant 1.000000e+00 : f32
    %jit3A_2646 = arith.constant 0.000000e+00 : f32
    %broadcast_in_dim3A_2647 = vector.broadcast %jit3A_2645 : f32 to vector<128x128xf32>
    %broadcast_in_dim3A_2648 = vector.broadcast %jit3A_2646 : f32 to vector<128x128xf32>
    %select_n3A_2649 = arith.select %or3A_2644, %broadcast_in_dim3A_2647, %broadcast_in_dim3A_2648 : vector<128x128xi1>, vector<128x128xf32>
    %broadcast_in_dim3A_2650 = arith.constant 1.000000e+00 : f32
    %broadcast_in_dim3A_2651 = vector.broadcast %broadcast_in_dim3A_2650 : f32 to vector<1x128xf32>
    %dot_general3A_2652 = arith.constant dense<0.000000e+00> : vector<1x128xf32>
    %dot_general3A_2653 = tpu.matmul %broadcast_in_dim3A_2651, %select_n3A_2649, %dot_general3A_2652 {dimension_numbers = #tpu.dot_dimension_numbers<[1], [0], [0], [1], [0, 0, 1, 1], [], []>, transpose_lhs_hint = false} : vector<1x128xf32>, vector<128x128xf32>, vector<1x128xf32> -> vector<1x128xf32>
    %slice3A_2654 = vector.extract_strided_slice %reshape3A {offsets = [0, 0], sizes = [6144, 1], strides = [1, 1]} : vector<8192x1xf32> to vector<6144x1xf32>
    %ge3A_2655 = vector.broadcast %slice3A_2654 : vector<6144x1xf32> to vector<6144x128xf32>
    %ge3A_2656 = vector.broadcast %slice3A_2635 : vector<1x128xf32> to vector<6144x128xf32>
    %ge3A_2657 = arith.cmpf oge, %ge3A_2655, %ge3A_2656 : vector<6144x128xf32>
    %jit3A_2658 = arith.constant 1.000000e+00 : f32
    %jit3A_2659 = arith.constant 0.000000e+00 : f32
    %broadcast_in_dim3A_2660 = vector.broadcast %jit3A_2658 : f32 to vector<6144x128xf32>
    %broadcast_in_dim3A_2661 = vector.broadcast %jit3A_2659 : f32 to vector<6144x128xf32>
    %select_n3A_2662 = arith.select %ge3A_2657, %broadcast_in_dim3A_2660, %broadcast_in_dim3A_2661 : vector<6144x128xi1>, vector<6144x128xf32>
    %broadcast_in_dim3A_2663 = arith.constant 1.000000e+00 : f32
    %broadcast_in_dim3A_2664 = vector.broadcast %broadcast_in_dim3A_2663 : f32 to vector<1x6144xf32>
    %dot_general3A_2665 = arith.constant dense<0.000000e+00> : vector<1x128xf32>
    %dot_general3A_2666 = tpu.matmul %broadcast_in_dim3A_2664, %select_n3A_2662, %dot_general3A_2665 {dimension_numbers = #tpu.dot_dimension_numbers<[1], [0], [0], [1], [0, 0, 1, 1], [], []>, transpose_lhs_hint = false} : vector<1x6144xf32>, vector<6144x128xf32>, vector<1x128xf32> -> vector<1x128xf32>
    %add3A_2667 = arith.addf %dot_general3A_2653, %dot_general3A_2666 : vector<1x128xf32>
    %slice3A_2668 = vector.extract_strided_slice %reshape3A {offsets = [6272, 0], sizes = [1920, 1], strides = [1, 1]} : vector<8192x1xf32> to vector<1920x1xf32>
    %gt3A_2669 = vector.broadcast %slice3A_2668 : vector<1920x1xf32> to vector<1920x128xf32>
    %gt3A_2670 = vector.broadcast %slice3A_2635 : vector<1x128xf32> to vector<1920x128xf32>
    %gt3A_2671 = arith.cmpf ogt, %gt3A_2669, %gt3A_2670 : vector<1920x128xf32>
    %jit3A_2672 = arith.constant 1.000000e+00 : f32
    %jit3A_2673 = arith.constant 0.000000e+00 : f32
    %broadcast_in_dim3A_2674 = vector.broadcast %jit3A_2672 : f32 to vector<1920x128xf32>
    %broadcast_in_dim3A_2675 = vector.broadcast %jit3A_2673 : f32 to vector<1920x128xf32>
    %select_n3A_2676 = arith.select %gt3A_2671, %broadcast_in_dim3A_2674, %broadcast_in_dim3A_2675 : vector<1920x128xi1>, vector<1920x128xf32>
    %broadcast_in_dim3A_2677 = arith.constant 1.000000e+00 : f32
    %broadcast_in_dim3A_2678 = vector.broadcast %broadcast_in_dim3A_2677 : f32 to vector<1x1920xf32>
    %dot_general3A_2679 = arith.constant dense<0.000000e+00> : vector<1x128xf32>
    %dot_general3A_2680 = tpu.matmul %broadcast_in_dim3A_2678, %select_n3A_2676, %dot_general3A_2679 {dimension_numbers = #tpu.dot_dimension_numbers<[1], [0], [0], [1], [0, 0, 1, 1], [], []>, transpose_lhs_hint = false} : vector<1x1920xf32>, vector<1920x128xf32>, vector<1x128xf32> -> vector<1x128xf32>
    %add3A_2681 = arith.addf %add3A_2667, %dot_general3A_2680 : vector<1x128xf32>
    %convert_element_type3A_2682 = arith.fptosi %add3A_2681 : vector<1x128xf32> to vector<1x128xi32>
    %swap3A_2683 = arith.constant 0 : index
    %swap3A_2684 = arith.constant 0 : index
    %swap3A_2685 = arith.constant 6144 : index
    %swap3A_2686 = vector.load %arg3[%swap3A_2683, %swap3A_2684, %swap3A_2685] : memref<1x1x8192xi32, #tpu.memory_space<vmem>>, vector<1x1x128xi32>
    %swap3A_2687 = vector.shape_cast %swap3A_2686 : vector<1x1x128xi32> to vector<1x128xi32>
    %swap3A_2688 = vector.shape_cast %convert_element_type3A_2682 : vector<1x128xi32> to vector<1x1x128xi32>
    tpu.vector_store %arg3[%swap3A_2683, %swap3A_2684, %swap3A_2685], %swap3A_2688 {strides = array<i32>} : memref<1x1x8192xi32, #tpu.memory_space<vmem>>, vector<1x1x128xi32>,
    %slice3A_2689 = vector.extract_strided_slice %concatenate3A_60 {offsets = [0, 6272], sizes = [1, 128], strides = [1, 1]} : vector<1x8192xf32> to vector<1x128xf32>
    %slice3A_2690 = vector.extract_strided_slice %reshape3A {offsets = [6272, 0], sizes = [128, 1], strides = [1, 1]} : vector<8192x1xf32> to vector<128x1xf32>
    %gt3A_2691 = vector.broadcast %slice3A_2690 : vector<128x1xf32> to vector<128x128xf32>
    %gt3A_2692 = vector.broadcast %slice3A_2689 : vector<1x128xf32> to vector<128x128xf32>
    %gt3A_2693 = arith.cmpf ogt, %gt3A_2691, %gt3A_2692 : vector<128x128xf32>
    %eq3A_2694 = vector.broadcast %slice3A_2690 : vector<128x1xf32> to vector<128x128xf32>
    %eq3A_2695 = vector.broadcast %slice3A_2689 : vector<1x128xf32> to vector<128x128xf32>
    %eq3A_2696 = arith.cmpf oeq, %eq3A_2694, %eq3A_2695 : vector<128x128xf32>
    %and3A_2697 = arith.andi %eq3A_2696, %lt3A : vector<128x128xi1>
    %or3A_2698 = arith.ori %gt3A_2693, %and3A_2697 : vector<128x128xi1>
    %jit3A_2699 = arith.constant 1.000000e+00 : f32
    %jit3A_2700 = arith.constant 0.000000e+00 : f32
    %broadcast_in_dim3A_2701 = vector.broadcast %jit3A_2699 : f32 to vector<128x128xf32>
    %broadcast_in_dim3A_2702 = vector.broadcast %jit3A_2700 : f32 to vector<128x128xf32>
    %select_n3A_2703 = arith.select %or3A_2698, %broadcast_in_dim3A_2701, %broadcast_in_dim3A_2702 : vector<128x128xi1>, vector<128x128xf32>
    %broadcast_in_dim3A_2704 = arith.constant 1.000000e+00 : f32
    %broadcast_in_dim3A_2705 = vector.broadcast %broadcast_in_dim3A_2704 : f32 to vector<1x128xf32>
    %dot_general3A_2706 = arith.constant dense<0.000000e+00> : vector<1x128xf32>
    %dot_general3A_2707 = tpu.matmul %broadcast_in_dim3A_2705, %select_n3A_2703, %dot_general3A_2706 {dimension_numbers = #tpu.dot_dimension_numbers<[1], [0], [0], [1], [0, 0, 1, 1], [], []>, transpose_lhs_hint = false} : vector<1x128xf32>, vector<128x128xf32>, vector<1x128xf32> -> vector<1x128xf32>
    %slice3A_2708 = vector.extract_strided_slice %reshape3A {offsets = [0, 0], sizes = [6272, 1], strides = [1, 1]} : vector<8192x1xf32> to vector<6272x1xf32>
    %ge3A_2709 = vector.broadcast %slice3A_2708 : vector<6272x1xf32> to vector<6272x128xf32>
    %ge3A_2710 = vector.broadcast %slice3A_2689 : vector<1x128xf32> to vector<6272x128xf32>
    %ge3A_2711 = arith.cmpf oge, %ge3A_2709, %ge3A_2710 : vector<6272x128xf32>
    %jit3A_2712 = arith.constant 1.000000e+00 : f32
    %jit3A_2713 = arith.constant 0.000000e+00 : f32
    %broadcast_in_dim3A_2714 = vector.broadcast %jit3A_2712 : f32 to vector<6272x128xf32>
    %broadcast_in_dim3A_2715 = vector.broadcast %jit3A_2713 : f32 to vector<6272x128xf32>
    %select_n3A_2716 = arith.select %ge3A_2711, %broadcast_in_dim3A_2714, %broadcast_in_dim3A_2715 : vector<6272x128xi1>, vector<6272x128xf32>
    %broadcast_in_dim3A_2717 = arith.constant 1.000000e+00 : f32
    %broadcast_in_dim3A_2718 = vector.broadcast %broadcast_in_dim3A_2717 : f32 to vector<1x6272xf32>
    %dot_general3A_2719 = arith.constant dense<0.000000e+00> : vector<1x128xf32>
    %dot_general3A_2720 = tpu.matmul %broadcast_in_dim3A_2718, %select_n3A_2716, %dot_general3A_2719 {dimension_numbers = #tpu.dot_dimension_numbers<[1], [0], [0], [1], [0, 0, 1, 1], [], []>, transpose_lhs_hint = false} : vector<1x6272xf32>, vector<6272x128xf32>, vector<1x128xf32> -> vector<1x128xf32>
    %add3A_2721 = arith.addf %dot_general3A_2707, %dot_general3A_2720 : vector<1x128xf32>
    %slice3A_2722 = vector.extract_strided_slice %reshape3A {offsets = [6400, 0], sizes = [1792, 1], strides = [1, 1]} : vector<8192x1xf32> to vector<1792x1xf32>
    %gt3A_2723 = vector.broadcast %slice3A_2722 : vector<1792x1xf32> to vector<1792x128xf32>
    %gt3A_2724 = vector.broadcast %slice3A_2689 : vector<1x128xf32> to vector<1792x128xf32>
    %gt3A_2725 = arith.cmpf ogt, %gt3A_2723, %gt3A_2724 : vector<1792x128xf32>
    %jit3A_2726 = arith.constant 1.000000e+00 : f32
    %jit3A_2727 = arith.constant 0.000000e+00 : f32
    %broadcast_in_dim3A_2728 = vector.broadcast %jit3A_2726 : f32 to vector<1792x128xf32>
    %broadcast_in_dim3A_2729 = vector.broadcast %jit3A_2727 : f32 to vector<1792x128xf32>
    %select_n3A_2730 = arith.select %gt3A_2725, %broadcast_in_dim3A_2728, %broadcast_in_dim3A_2729 : vector<1792x128xi1>, vector<1792x128xf32>
    %broadcast_in_dim3A_2731 = arith.constant 1.000000e+00 : f32
    %broadcast_in_dim3A_2732 = vector.broadcast %broadcast_in_dim3A_2731 : f32 to vector<1x1792xf32>
    %dot_general3A_2733 = arith.constant dense<0.000000e+00> : vector<1x128xf32>
    %dot_general3A_2734 = tpu.matmul %broadcast_in_dim3A_2732, %select_n3A_2730, %dot_general3A_2733 {dimension_numbers = #tpu.dot_dimension_numbers<[1], [0], [0], [1], [0, 0, 1, 1], [], []>, transpose_lhs_hint = false} : vector<1x1792xf32>, vector<1792x128xf32>, vector<1x128xf32> -> vector<1x128xf32>
    %add3A_2735 = arith.addf %add3A_2721, %dot_general3A_2734 : vector<1x128xf32>
    %convert_element_type3A_2736 = arith.fptosi %add3A_2735 : vector<1x128xf32> to vector<1x128xi32>
    %swap3A_2737 = arith.constant 0 : index
    %swap3A_2738 = arith.constant 0 : index
    %swap3A_2739 = arith.constant 6272 : index
    %swap3A_2740 = vector.load %arg3[%swap3A_2737, %swap3A_2738, %swap3A_2739] : memref<1x1x8192xi32, #tpu.memory_space<vmem>>, vector<1x1x128xi32>
    %swap3A_2741 = vector.shape_cast %swap3A_2740 : vector<1x1x128xi32> to vector<1x128xi32>
    %swap3A_2742 = vector.shape_cast %convert_element_type3A_2736 : vector<1x128xi32> to vector<1x1x128xi32>
    tpu.vector_store %arg3[%swap3A_2737, %swap3A_2738, %swap3A_2739], %swap3A_2742 {strides = array<i32>} : memref<1x1x8192xi32, #tpu.memory_space<vmem>>, vector<1x1x128xi32>,
    %slice3A_2743 = vector.extract_strided_slice %concatenate3A_60 {offsets = [0, 6400], sizes = [1, 128], strides = [1, 1]} : vector<1x8192xf32> to vector<1x128xf32>
    %slice3A_2744 = vector.extract_strided_slice %reshape3A {offsets = [6400, 0], sizes = [128, 1], strides = [1, 1]} : vector<8192x1xf32> to vector<128x1xf32>
    %gt3A_2745 = vector.broadcast %slice3A_2744 : vector<128x1xf32> to vector<128x128xf32>
    %gt3A_2746 = vector.broadcast %slice3A_2743 : vector<1x128xf32> to vector<128x128xf32>
    %gt3A_2747 = arith.cmpf ogt, %gt3A_2745, %gt3A_2746 : vector<128x128xf32>
    %eq3A_2748 = vector.broadcast %slice3A_2744 : vector<128x1xf32> to vector<128x128xf32>
    %eq3A_2749 = vector.broadcast %slice3A_2743 : vector<1x128xf32> to vector<128x128xf32>
    %eq3A_2750 = arith.cmpf oeq, %eq3A_2748, %eq3A_2749 : vector<128x128xf32>
    %and3A_2751 = arith.andi %eq3A_2750, %lt3A : vector<128x128xi1>
    %or3A_2752 = arith.ori %gt3A_2747, %and3A_2751 : vector<128x128xi1>
    %jit3A_2753 = arith.constant 1.000000e+00 : f32
    %jit3A_2754 = arith.constant 0.000000e+00 : f32
    %broadcast_in_dim3A_2755 = vector.broadcast %jit3A_2753 : f32 to vector<128x128xf32>
    %broadcast_in_dim3A_2756 = vector.broadcast %jit3A_2754 : f32 to vector<128x128xf32>
    %select_n3A_2757 = arith.select %or3A_2752, %broadcast_in_dim3A_2755, %broadcast_in_dim3A_2756 : vector<128x128xi1>, vector<128x128xf32>
    %broadcast_in_dim3A_2758 = arith.constant 1.000000e+00 : f32
    %broadcast_in_dim3A_2759 = vector.broadcast %broadcast_in_dim3A_2758 : f32 to vector<1x128xf32>
    %dot_general3A_2760 = arith.constant dense<0.000000e+00> : vector<1x128xf32>
    %dot_general3A_2761 = tpu.matmul %broadcast_in_dim3A_2759, %select_n3A_2757, %dot_general3A_2760 {dimension_numbers = #tpu.dot_dimension_numbers<[1], [0], [0], [1], [0, 0, 1, 1], [], []>, transpose_lhs_hint = false} : vector<1x128xf32>, vector<128x128xf32>, vector<1x128xf32> -> vector<1x128xf32>
    %slice3A_2762 = vector.extract_strided_slice %reshape3A {offsets = [0, 0], sizes = [6400, 1], strides = [1, 1]} : vector<8192x1xf32> to vector<6400x1xf32>
    %ge3A_2763 = vector.broadcast %slice3A_2762 : vector<6400x1xf32> to vector<6400x128xf32>
    %ge3A_2764 = vector.broadcast %slice3A_2743 : vector<1x128xf32> to vector<6400x128xf32>
    %ge3A_2765 = arith.cmpf oge, %ge3A_2763, %ge3A_2764 : vector<6400x128xf32>
    %jit3A_2766 = arith.constant 1.000000e+00 : f32
    %jit3A_2767 = arith.constant 0.000000e+00 : f32
    %broadcast_in_dim3A_2768 = vector.broadcast %jit3A_2766 : f32 to vector<6400x128xf32>
    %broadcast_in_dim3A_2769 = vector.broadcast %jit3A_2767 : f32 to vector<6400x128xf32>
    %select_n3A_2770 = arith.select %ge3A_2765, %broadcast_in_dim3A_2768, %broadcast_in_dim3A_2769 : vector<6400x128xi1>, vector<6400x128xf32>
    %broadcast_in_dim3A_2771 = arith.constant 1.000000e+00 : f32
    %broadcast_in_dim3A_2772 = vector.broadcast %broadcast_in_dim3A_2771 : f32 to vector<1x6400xf32>
    %dot_general3A_2773 = arith.constant dense<0.000000e+00> : vector<1x128xf32>
    %dot_general3A_2774 = tpu.matmul %broadcast_in_dim3A_2772, %select_n3A_2770, %dot_general3A_2773 {dimension_numbers = #tpu.dot_dimension_numbers<[1], [0], [0], [1], [0, 0, 1, 1], [], []>, transpose_lhs_hint = false} : vector<1x6400xf32>, vector<6400x128xf32>, vector<1x128xf32> -> vector<1x128xf32>
    %add3A_2775 = arith.addf %dot_general3A_2761, %dot_general3A_2774 : vector<1x128xf32>
    %slice3A_2776 = vector.extract_strided_slice %reshape3A {offsets = [6528, 0], sizes = [1664, 1], strides = [1, 1]} : vector<8192x1xf32> to vector<1664x1xf32>
    %gt3A_2777 = vector.broadcast %slice3A_2776 : vector<1664x1xf32> to vector<1664x128xf32>
    %gt3A_2778 = vector.broadcast %slice3A_2743 : vector<1x128xf32> to vector<1664x128xf32>
    %gt3A_2779 = arith.cmpf ogt, %gt3A_2777, %gt3A_2778 : vector<1664x128xf32>
    %jit3A_2780 = arith.constant 1.000000e+00 : f32
    %jit3A_2781 = arith.constant 0.000000e+00 : f32
    %broadcast_in_dim3A_2782 = vector.broadcast %jit3A_2780 : f32 to vector<1664x128xf32>
    %broadcast_in_dim3A_2783 = vector.broadcast %jit3A_2781 : f32 to vector<1664x128xf32>
    %select_n3A_2784 = arith.select %gt3A_2779, %broadcast_in_dim3A_2782, %broadcast_in_dim3A_2783 : vector<1664x128xi1>, vector<1664x128xf32>
    %broadcast_in_dim3A_2785 = arith.constant 1.000000e+00 : f32
    %broadcast_in_dim3A_2786 = vector.broadcast %broadcast_in_dim3A_2785 : f32 to vector<1x1664xf32>
    %dot_general3A_2787 = arith.constant dense<0.000000e+00> : vector<1x128xf32>
    %dot_general3A_2788 = tpu.matmul %broadcast_in_dim3A_2786, %select_n3A_2784, %dot_general3A_2787 {dimension_numbers = #tpu.dot_dimension_numbers<[1], [0], [0], [1], [0, 0, 1, 1], [], []>, transpose_lhs_hint = false} : vector<1x1664xf32>, vector<1664x128xf32>, vector<1x128xf32> -> vector<1x128xf32>
    %add3A_2789 = arith.addf %add3A_2775, %dot_general3A_2788 : vector<1x128xf32>
    %convert_element_type3A_2790 = arith.fptosi %add3A_2789 : vector<1x128xf32> to vector<1x128xi32>
    %swap3A_2791 = arith.constant 0 : index
    %swap3A_2792 = arith.constant 0 : index
    %swap3A_2793 = arith.constant 6400 : index
    %swap3A_2794 = vector.load %arg3[%swap3A_2791, %swap3A_2792, %swap3A_2793] : memref<1x1x8192xi32, #tpu.memory_space<vmem>>, vector<1x1x128xi32>
    %swap3A_2795 = vector.shape_cast %swap3A_2794 : vector<1x1x128xi32> to vector<1x128xi32>
    %swap3A_2796 = vector.shape_cast %convert_element_type3A_2790 : vector<1x128xi32> to vector<1x1x128xi32>
    tpu.vector_store %arg3[%swap3A_2791, %swap3A_2792, %swap3A_2793], %swap3A_2796 {strides = array<i32>} : memref<1x1x8192xi32, #tpu.memory_space<vmem>>, vector<1x1x128xi32>,
    %slice3A_2797 = vector.extract_strided_slice %concatenate3A_60 {offsets = [0, 6528], sizes = [1, 128], strides = [1, 1]} : vector<1x8192xf32> to vector<1x128xf32>
    %slice3A_2798 = vector.extract_strided_slice %reshape3A {offsets = [6528, 0], sizes = [128, 1], strides = [1, 1]} : vector<8192x1xf32> to vector<128x1xf32>
    %gt3A_2799 = vector.broadcast %slice3A_2798 : vector<128x1xf32> to vector<128x128xf32>
    %gt3A_2800 = vector.broadcast %slice3A_2797 : vector<1x128xf32> to vector<128x128xf32>
    %gt3A_2801 = arith.cmpf ogt, %gt3A_2799, %gt3A_2800 : vector<128x128xf32>
    %eq3A_2802 = vector.broadcast %slice3A_2798 : vector<128x1xf32> to vector<128x128xf32>
    %eq3A_2803 = vector.broadcast %slice3A_2797 : vector<1x128xf32> to vector<128x128xf32>
    %eq3A_2804 = arith.cmpf oeq, %eq3A_2802, %eq3A_2803 : vector<128x128xf32>
    %and3A_2805 = arith.andi %eq3A_2804, %lt3A : vector<128x128xi1>
    %or3A_2806 = arith.ori %gt3A_2801, %and3A_2805 : vector<128x128xi1>
    %jit3A_2807 = arith.constant 1.000000e+00 : f32
    %jit3A_2808 = arith.constant 0.000000e+00 : f32
    %broadcast_in_dim3A_2809 = vector.broadcast %jit3A_2807 : f32 to vector<128x128xf32>
    %broadcast_in_dim3A_2810 = vector.broadcast %jit3A_2808 : f32 to vector<128x128xf32>
    %select_n3A_2811 = arith.select %or3A_2806, %broadcast_in_dim3A_2809, %broadcast_in_dim3A_2810 : vector<128x128xi1>, vector<128x128xf32>
    %broadcast_in_dim3A_2812 = arith.constant 1.000000e+00 : f32
    %broadcast_in_dim3A_2813 = vector.broadcast %broadcast_in_dim3A_2812 : f32 to vector<1x128xf32>
    %dot_general3A_2814 = arith.constant dense<0.000000e+00> : vector<1x128xf32>
    %dot_general3A_2815 = tpu.matmul %broadcast_in_dim3A_2813, %select_n3A_2811, %dot_general3A_2814 {dimension_numbers = #tpu.dot_dimension_numbers<[1], [0], [0], [1], [0, 0, 1, 1], [], []>, transpose_lhs_hint = false} : vector<1x128xf32>, vector<128x128xf32>, vector<1x128xf32> -> vector<1x128xf32>
    %slice3A_2816 = vector.extract_strided_slice %reshape3A {offsets = [0, 0], sizes = [6528, 1], strides = [1, 1]} : vector<8192x1xf32> to vector<6528x1xf32>
    %ge3A_2817 = vector.broadcast %slice3A_2816 : vector<6528x1xf32> to vector<6528x128xf32>
    %ge3A_2818 = vector.broadcast %slice3A_2797 : vector<1x128xf32> to vector<6528x128xf32>
    %ge3A_2819 = arith.cmpf oge, %ge3A_2817, %ge3A_2818 : vector<6528x128xf32>
    %jit3A_2820 = arith.constant 1.000000e+00 : f32
    %jit3A_2821 = arith.constant 0.000000e+00 : f32
    %broadcast_in_dim3A_2822 = vector.broadcast %jit3A_2820 : f32 to vector<6528x128xf32>
    %broadcast_in_dim3A_2823 = vector.broadcast %jit3A_2821 : f32 to vector<6528x128xf32>
    %select_n3A_2824 = arith.select %ge3A_2819, %broadcast_in_dim3A_2822, %broadcast_in_dim3A_2823 : vector<6528x128xi1>, vector<6528x128xf32>
    %broadcast_in_dim3A_2825 = arith.constant 1.000000e+00 : f32
    %broadcast_in_dim3A_2826 = vector.broadcast %broadcast_in_dim3A_2825 : f32 to vector<1x6528xf32>
    %dot_general3A_2827 = arith.constant dense<0.000000e+00> : vector<1x128xf32>
    %dot_general3A_2828 = tpu.matmul %broadcast_in_dim3A_2826, %select_n3A_2824, %dot_general3A_2827 {dimension_numbers = #tpu.dot_dimension_numbers<[1], [0], [0], [1], [0, 0, 1, 1], [], []>, transpose_lhs_hint = false} : vector<1x6528xf32>, vector<6528x128xf32>, vector<1x128xf32> -> vector<1x128xf32>
    %add3A_2829 = arith.addf %dot_general3A_2815, %dot_general3A_2828 : vector<1x128xf32>
    %slice3A_2830 = vector.extract_strided_slice %reshape3A {offsets = [6656, 0], sizes = [1536, 1], strides = [1, 1]} : vector<8192x1xf32> to vector<1536x1xf32>
    %gt3A_2831 = vector.broadcast %slice3A_2830 : vector<1536x1xf32> to vector<1536x128xf32>
    %gt3A_2832 = vector.broadcast %slice3A_2797 : vector<1x128xf32> to vector<1536x128xf32>
    %gt3A_2833 = arith.cmpf ogt, %gt3A_2831, %gt3A_2832 : vector<1536x128xf32>
    %jit3A_2834 = arith.constant 1.000000e+00 : f32
    %jit3A_2835 = arith.constant 0.000000e+00 : f32
    %broadcast_in_dim3A_2836 = vector.broadcast %jit3A_2834 : f32 to vector<1536x128xf32>
    %broadcast_in_dim3A_2837 = vector.broadcast %jit3A_2835 : f32 to vector<1536x128xf32>
    %select_n3A_2838 = arith.select %gt3A_2833, %broadcast_in_dim3A_2836, %broadcast_in_dim3A_2837 : vector<1536x128xi1>, vector<1536x128xf32>
    %broadcast_in_dim3A_2839 = arith.constant 1.000000e+00 : f32
    %broadcast_in_dim3A_2840 = vector.broadcast %broadcast_in_dim3A_2839 : f32 to vector<1x1536xf32>
    %dot_general3A_2841 = arith.constant dense<0.000000e+00> : vector<1x128xf32>
    %dot_general3A_2842 = tpu.matmul %broadcast_in_dim3A_2840, %select_n3A_2838, %dot_general3A_2841 {dimension_numbers = #tpu.dot_dimension_numbers<[1], [0], [0], [1], [0, 0, 1, 1], [], []>, transpose_lhs_hint = false} : vector<1x1536xf32>, vector<1536x128xf32>, vector<1x128xf32> -> vector<1x128xf32>
    %add3A_2843 = arith.addf %add3A_2829, %dot_general3A_2842 : vector<1x128xf32>
    %convert_element_type3A_2844 = arith.fptosi %add3A_2843 : vector<1x128xf32> to vector<1x128xi32>
    %swap3A_2845 = arith.constant 0 : index
    %swap3A_2846 = arith.constant 0 : index
    %swap3A_2847 = arith.constant 6528 : index
    %swap3A_2848 = vector.load %arg3[%swap3A_2845, %swap3A_2846, %swap3A_2847] : memref<1x1x8192xi32, #tpu.memory_space<vmem>>, vector<1x1x128xi32>
    %swap3A_2849 = vector.shape_cast %swap3A_2848 : vector<1x1x128xi32> to vector<1x128xi32>
    %swap3A_2850 = vector.shape_cast %convert_element_type3A_2844 : vector<1x128xi32> to vector<1x1x128xi32>
    tpu.vector_store %arg3[%swap3A_2845, %swap3A_2846, %swap3A_2847], %swap3A_2850 {strides = array<i32>} : memref<1x1x8192xi32, #tpu.memory_space<vmem>>, vector<1x1x128xi32>,
    %slice3A_2851 = vector.extract_strided_slice %concatenate3A_60 {offsets = [0, 6656], sizes = [1, 128], strides = [1, 1]} : vector<1x8192xf32> to vector<1x128xf32>
    %slice3A_2852 = vector.extract_strided_slice %reshape3A {offsets = [6656, 0], sizes = [128, 1], strides = [1, 1]} : vector<8192x1xf32> to vector<128x1xf32>
    %gt3A_2853 = vector.broadcast %slice3A_2852 : vector<128x1xf32> to vector<128x128xf32>
    %gt3A_2854 = vector.broadcast %slice3A_2851 : vector<1x128xf32> to vector<128x128xf32>
    %gt3A_2855 = arith.cmpf ogt, %gt3A_2853, %gt3A_2854 : vector<128x128xf32>
    %eq3A_2856 = vector.broadcast %slice3A_2852 : vector<128x1xf32> to vector<128x128xf32>
    %eq3A_2857 = vector.broadcast %slice3A_2851 : vector<1x128xf32> to vector<128x128xf32>
    %eq3A_2858 = arith.cmpf oeq, %eq3A_2856, %eq3A_2857 : vector<128x128xf32>
    %and3A_2859 = arith.andi %eq3A_2858, %lt3A : vector<128x128xi1>
    %or3A_2860 = arith.ori %gt3A_2855, %and3A_2859 : vector<128x128xi1>
    %jit3A_2861 = arith.constant 1.000000e+00 : f32
    %jit3A_2862 = arith.constant 0.000000e+00 : f32
    %broadcast_in_dim3A_2863 = vector.broadcast %jit3A_2861 : f32 to vector<128x128xf32>
    %broadcast_in_dim3A_2864 = vector.broadcast %jit3A_2862 : f32 to vector<128x128xf32>
    %select_n3A_2865 = arith.select %or3A_2860, %broadcast_in_dim3A_2863, %broadcast_in_dim3A_2864 : vector<128x128xi1>, vector<128x128xf32>
    %broadcast_in_dim3A_2866 = arith.constant 1.000000e+00 : f32
    %broadcast_in_dim3A_2867 = vector.broadcast %broadcast_in_dim3A_2866 : f32 to vector<1x128xf32>
    %dot_general3A_2868 = arith.constant dense<0.000000e+00> : vector<1x128xf32>
    %dot_general3A_2869 = tpu.matmul %broadcast_in_dim3A_2867, %select_n3A_2865, %dot_general3A_2868 {dimension_numbers = #tpu.dot_dimension_numbers<[1], [0], [0], [1], [0, 0, 1, 1], [], []>, transpose_lhs_hint = false} : vector<1x128xf32>, vector<128x128xf32>, vector<1x128xf32> -> vector<1x128xf32>
    %slice3A_2870 = vector.extract_strided_slice %reshape3A {offsets = [0, 0], sizes = [6656, 1], strides = [1, 1]} : vector<8192x1xf32> to vector<6656x1xf32>
    %ge3A_2871 = vector.broadcast %slice3A_2870 : vector<6656x1xf32> to vector<6656x128xf32>
    %ge3A_2872 = vector.broadcast %slice3A_2851 : vector<1x128xf32> to vector<6656x128xf32>
    %ge3A_2873 = arith.cmpf oge, %ge3A_2871, %ge3A_2872 : vector<6656x128xf32>
    %jit3A_2874 = arith.constant 1.000000e+00 : f32
    %jit3A_2875 = arith.constant 0.000000e+00 : f32
    %broadcast_in_dim3A_2876 = vector.broadcast %jit3A_2874 : f32 to vector<6656x128xf32>
    %broadcast_in_dim3A_2877 = vector.broadcast %jit3A_2875 : f32 to vector<6656x128xf32>
    %select_n3A_2878 = arith.select %ge3A_2873, %broadcast_in_dim3A_2876, %broadcast_in_dim3A_2877 : vector<6656x128xi1>, vector<6656x128xf32>
    %broadcast_in_dim3A_2879 = arith.constant 1.000000e+00 : f32
    %broadcast_in_dim3A_2880 = vector.broadcast %broadcast_in_dim3A_2879 : f32 to vector<1x6656xf32>
    %dot_general3A_2881 = arith.constant dense<0.000000e+00> : vector<1x128xf32>
    %dot_general3A_2882 = tpu.matmul %broadcast_in_dim3A_2880, %select_n3A_2878, %dot_general3A_2881 {dimension_numbers = #tpu.dot_dimension_numbers<[1], [0], [0], [1], [0, 0, 1, 1], [], []>, transpose_lhs_hint = false} : vector<1x6656xf32>, vector<6656x128xf32>, vector<1x128xf32> -> vector<1x128xf32>
    %add3A_2883 = arith.addf %dot_general3A_2869, %dot_general3A_2882 : vector<1x128xf32>
    %slice3A_2884 = vector.extract_strided_slice %reshape3A {offsets = [6784, 0], sizes = [1408, 1], strides = [1, 1]} : vector<8192x1xf32> to vector<1408x1xf32>
    %gt3A_2885 = vector.broadcast %slice3A_2884 : vector<1408x1xf32> to vector<1408x128xf32>
    %gt3A_2886 = vector.broadcast %slice3A_2851 : vector<1x128xf32> to vector<1408x128xf32>
    %gt3A_2887 = arith.cmpf ogt, %gt3A_2885, %gt3A_2886 : vector<1408x128xf32>
    %jit3A_2888 = arith.constant 1.000000e+00 : f32
    %jit3A_2889 = arith.constant 0.000000e+00 : f32
    %broadcast_in_dim3A_2890 = vector.broadcast %jit3A_2888 : f32 to vector<1408x128xf32>
    %broadcast_in_dim3A_2891 = vector.broadcast %jit3A_2889 : f32 to vector<1408x128xf32>
    %select_n3A_2892 = arith.select %gt3A_2887, %broadcast_in_dim3A_2890, %broadcast_in_dim3A_2891 : vector<1408x128xi1>, vector<1408x128xf32>
    %broadcast_in_dim3A_2893 = arith.constant 1.000000e+00 : f32
    %broadcast_in_dim3A_2894 = vector.broadcast %broadcast_in_dim3A_2893 : f32 to vector<1x1408xf32>
    %dot_general3A_2895 = arith.constant dense<0.000000e+00> : vector<1x128xf32>
    %dot_general3A_2896 = tpu.matmul %broadcast_in_dim3A_2894, %select_n3A_2892, %dot_general3A_2895 {dimension_numbers = #tpu.dot_dimension_numbers<[1], [0], [0], [1], [0, 0, 1, 1], [], []>, transpose_lhs_hint = false} : vector<1x1408xf32>, vector<1408x128xf32>, vector<1x128xf32> -> vector<1x128xf32>
    %add3A_2897 = arith.addf %add3A_2883, %dot_general3A_2896 : vector<1x128xf32>
    %convert_element_type3A_2898 = arith.fptosi %add3A_2897 : vector<1x128xf32> to vector<1x128xi32>
    %swap3A_2899 = arith.constant 0 : index
    %swap3A_2900 = arith.constant 0 : index
    %swap3A_2901 = arith.constant 6656 : index
    %swap3A_2902 = vector.load %arg3[%swap3A_2899, %swap3A_2900, %swap3A_2901] : memref<1x1x8192xi32, #tpu.memory_space<vmem>>, vector<1x1x128xi32>
    %swap3A_2903 = vector.shape_cast %swap3A_2902 : vector<1x1x128xi32> to vector<1x128xi32>
    %swap3A_2904 = vector.shape_cast %convert_element_type3A_2898 : vector<1x128xi32> to vector<1x1x128xi32>
    tpu.vector_store %arg3[%swap3A_2899, %swap3A_2900, %swap3A_2901], %swap3A_2904 {strides = array<i32>} : memref<1x1x8192xi32, #tpu.memory_space<vmem>>, vector<1x1x128xi32>,
    %slice3A_2905 = vector.extract_strided_slice %concatenate3A_60 {offsets = [0, 6784], sizes = [1, 128], strides = [1, 1]} : vector<1x8192xf32> to vector<1x128xf32>
    %slice3A_2906 = vector.extract_strided_slice %reshape3A {offsets = [6784, 0], sizes = [128, 1], strides = [1, 1]} : vector<8192x1xf32> to vector<128x1xf32>
    %gt3A_2907 = vector.broadcast %slice3A_2906 : vector<128x1xf32> to vector<128x128xf32>
    %gt3A_2908 = vector.broadcast %slice3A_2905 : vector<1x128xf32> to vector<128x128xf32>
    %gt3A_2909 = arith.cmpf ogt, %gt3A_2907, %gt3A_2908 : vector<128x128xf32>
    %eq3A_2910 = vector.broadcast %slice3A_2906 : vector<128x1xf32> to vector<128x128xf32>
    %eq3A_2911 = vector.broadcast %slice3A_2905 : vector<1x128xf32> to vector<128x128xf32>
    %eq3A_2912 = arith.cmpf oeq, %eq3A_2910, %eq3A_2911 : vector<128x128xf32>
    %and3A_2913 = arith.andi %eq3A_2912, %lt3A : vector<128x128xi1>
    %or3A_2914 = arith.ori %gt3A_2909, %and3A_2913 : vector<128x128xi1>
    %jit3A_2915 = arith.constant 1.000000e+00 : f32
    %jit3A_2916 = arith.constant 0.000000e+00 : f32
    %broadcast_in_dim3A_2917 = vector.broadcast %jit3A_2915 : f32 to vector<128x128xf32>
    %broadcast_in_dim3A_2918 = vector.broadcast %jit3A_2916 : f32 to vector<128x128xf32>
    %select_n3A_2919 = arith.select %or3A_2914, %broadcast_in_dim3A_2917, %broadcast_in_dim3A_2918 : vector<128x128xi1>, vector<128x128xf32>
    %broadcast_in_dim3A_2920 = arith.constant 1.000000e+00 : f32
    %broadcast_in_dim3A_2921 = vector.broadcast %broadcast_in_dim3A_2920 : f32 to vector<1x128xf32>
    %dot_general3A_2922 = arith.constant dense<0.000000e+00> : vector<1x128xf32>
    %dot_general3A_2923 = tpu.matmul %broadcast_in_dim3A_2921, %select_n3A_2919, %dot_general3A_2922 {dimension_numbers = #tpu.dot_dimension_numbers<[1], [0], [0], [1], [0, 0, 1, 1], [], []>, transpose_lhs_hint = false} : vector<1x128xf32>, vector<128x128xf32>, vector<1x128xf32> -> vector<1x128xf32>
    %slice3A_2924 = vector.extract_strided_slice %reshape3A {offsets = [0, 0], sizes = [6784, 1], strides = [1, 1]} : vector<8192x1xf32> to vector<6784x1xf32>
    %ge3A_2925 = vector.broadcast %slice3A_2924 : vector<6784x1xf32> to vector<6784x128xf32>
    %ge3A_2926 = vector.broadcast %slice3A_2905 : vector<1x128xf32> to vector<6784x128xf32>
    %ge3A_2927 = arith.cmpf oge, %ge3A_2925, %ge3A_2926 : vector<6784x128xf32>
    %jit3A_2928 = arith.constant 1.000000e+00 : f32
    %jit3A_2929 = arith.constant 0.000000e+00 : f32
    %broadcast_in_dim3A_2930 = vector.broadcast %jit3A_2928 : f32 to vector<6784x128xf32>
    %broadcast_in_dim3A_2931 = vector.broadcast %jit3A_2929 : f32 to vector<6784x128xf32>
    %select_n3A_2932 = arith.select %ge3A_2927, %broadcast_in_dim3A_2930, %broadcast_in_dim3A_2931 : vector<6784x128xi1>, vector<6784x128xf32>
    %broadcast_in_dim3A_2933 = arith.constant 1.000000e+00 : f32
    %broadcast_in_dim3A_2934 = vector.broadcast %broadcast_in_dim3A_2933 : f32 to vector<1x6784xf32>
    %dot_general3A_2935 = arith.constant dense<0.000000e+00> : vector<1x128xf32>
    %dot_general3A_2936 = tpu.matmul %broadcast_in_dim3A_2934, %select_n3A_2932, %dot_general3A_2935 {dimension_numbers = #tpu.dot_dimension_numbers<[1], [0], [0], [1], [0, 0, 1, 1], [], []>, transpose_lhs_hint = false} : vector<1x6784xf32>, vector<6784x128xf32>, vector<1x128xf32> -> vector<1x128xf32>
    %add3A_2937 = arith.addf %dot_general3A_2923, %dot_general3A_2936 : vector<1x128xf32>
    %slice3A_2938 = vector.extract_strided_slice %reshape3A {offsets = [6912, 0], sizes = [1280, 1], strides = [1, 1]} : vector<8192x1xf32> to vector<1280x1xf32>
    %gt3A_2939 = vector.broadcast %slice3A_2938 : vector<1280x1xf32> to vector<1280x128xf32>
    %gt3A_2940 = vector.broadcast %slice3A_2905 : vector<1x128xf32> to vector<1280x128xf32>
    %gt3A_2941 = arith.cmpf ogt, %gt3A_2939, %gt3A_2940 : vector<1280x128xf32>
    %jit3A_2942 = arith.constant 1.000000e+00 : f32
    %jit3A_2943 = arith.constant 0.000000e+00 : f32
    %broadcast_in_dim3A_2944 = vector.broadcast %jit3A_2942 : f32 to vector<1280x128xf32>
    %broadcast_in_dim3A_2945 = vector.broadcast %jit3A_2943 : f32 to vector<1280x128xf32>
    %select_n3A_2946 = arith.select %gt3A_2941, %broadcast_in_dim3A_2944, %broadcast_in_dim3A_2945 : vector<1280x128xi1>, vector<1280x128xf32>
    %broadcast_in_dim3A_2947 = arith.constant 1.000000e+00 : f32
    %broadcast_in_dim3A_2948 = vector.broadcast %broadcast_in_dim3A_2947 : f32 to vector<1x1280xf32>
    %dot_general3A_2949 = arith.constant dense<0.000000e+00> : vector<1x128xf32>
    %dot_general3A_2950 = tpu.matmul %broadcast_in_dim3A_2948, %select_n3A_2946, %dot_general3A_2949 {dimension_numbers = #tpu.dot_dimension_numbers<[1], [0], [0], [1], [0, 0, 1, 1], [], []>, transpose_lhs_hint = false} : vector<1x1280xf32>, vector<1280x128xf32>, vector<1x128xf32> -> vector<1x128xf32>
    %add3A_2951 = arith.addf %add3A_2937, %dot_general3A_2950 : vector<1x128xf32>
    %convert_element_type3A_2952 = arith.fptosi %add3A_2951 : vector<1x128xf32> to vector<1x128xi32>
    %swap3A_2953 = arith.constant 0 : index
    %swap3A_2954 = arith.constant 0 : index
    %swap3A_2955 = arith.constant 6784 : index
    %swap3A_2956 = vector.load %arg3[%swap3A_2953, %swap3A_2954, %swap3A_2955] : memref<1x1x8192xi32, #tpu.memory_space<vmem>>, vector<1x1x128xi32>
    %swap3A_2957 = vector.shape_cast %swap3A_2956 : vector<1x1x128xi32> to vector<1x128xi32>
    %swap3A_2958 = vector.shape_cast %convert_element_type3A_2952 : vector<1x128xi32> to vector<1x1x128xi32>
    tpu.vector_store %arg3[%swap3A_2953, %swap3A_2954, %swap3A_2955], %swap3A_2958 {strides = array<i32>} : memref<1x1x8192xi32, #tpu.memory_space<vmem>>, vector<1x1x128xi32>,
    %slice3A_2959 = vector.extract_strided_slice %concatenate3A_60 {offsets = [0, 6912], sizes = [1, 128], strides = [1, 1]} : vector<1x8192xf32> to vector<1x128xf32>
    %slice3A_2960 = vector.extract_strided_slice %reshape3A {offsets = [6912, 0], sizes = [128, 1], strides = [1, 1]} : vector<8192x1xf32> to vector<128x1xf32>
    %gt3A_2961 = vector.broadcast %slice3A_2960 : vector<128x1xf32> to vector<128x128xf32>
    %gt3A_2962 = vector.broadcast %slice3A_2959 : vector<1x128xf32> to vector<128x128xf32>
    %gt3A_2963 = arith.cmpf ogt, %gt3A_2961, %gt3A_2962 : vector<128x128xf32>
    %eq3A_2964 = vector.broadcast %slice3A_2960 : vector<128x1xf32> to vector<128x128xf32>
    %eq3A_2965 = vector.broadcast %slice3A_2959 : vector<1x128xf32> to vector<128x128xf32>
    %eq3A_2966 = arith.cmpf oeq, %eq3A_2964, %eq3A_2965 : vector<128x128xf32>
    %and3A_2967 = arith.andi %eq3A_2966, %lt3A : vector<128x128xi1>
    %or3A_2968 = arith.ori %gt3A_2963, %and3A_2967 : vector<128x128xi1>
    %jit3A_2969 = arith.constant 1.000000e+00 : f32
    %jit3A_2970 = arith.constant 0.000000e+00 : f32
    %broadcast_in_dim3A_2971 = vector.broadcast %jit3A_2969 : f32 to vector<128x128xf32>
    %broadcast_in_dim3A_2972 = vector.broadcast %jit3A_2970 : f32 to vector<128x128xf32>
    %select_n3A_2973 = arith.select %or3A_2968, %broadcast_in_dim3A_2971, %broadcast_in_dim3A_2972 : vector<128x128xi1>, vector<128x128xf32>
    %broadcast_in_dim3A_2974 = arith.constant 1.000000e+00 : f32
    %broadcast_in_dim3A_2975 = vector.broadcast %broadcast_in_dim3A_2974 : f32 to vector<1x128xf32>
    %dot_general3A_2976 = arith.constant dense<0.000000e+00> : vector<1x128xf32>
    %dot_general3A_2977 = tpu.matmul %broadcast_in_dim3A_2975, %select_n3A_2973, %dot_general3A_2976 {dimension_numbers = #tpu.dot_dimension_numbers<[1], [0], [0], [1], [0, 0, 1, 1], [], []>, transpose_lhs_hint = false} : vector<1x128xf32>, vector<128x128xf32>, vector<1x128xf32> -> vector<1x128xf32>
    %slice3A_2978 = vector.extract_strided_slice %reshape3A {offsets = [0, 0], sizes = [6912, 1], strides = [1, 1]} : vector<8192x1xf32> to vector<6912x1xf32>
    %ge3A_2979 = vector.broadcast %slice3A_2978 : vector<6912x1xf32> to vector<6912x128xf32>
    %ge3A_2980 = vector.broadcast %slice3A_2959 : vector<1x128xf32> to vector<6912x128xf32>
    %ge3A_2981 = arith.cmpf oge, %ge3A_2979, %ge3A_2980 : vector<6912x128xf32>
    %jit3A_2982 = arith.constant 1.000000e+00 : f32
    %jit3A_2983 = arith.constant 0.000000e+00 : f32
    %broadcast_in_dim3A_2984 = vector.broadcast %jit3A_2982 : f32 to vector<6912x128xf32>
    %broadcast_in_dim3A_2985 = vector.broadcast %jit3A_2983 : f32 to vector<6912x128xf32>
    %select_n3A_2986 = arith.select %ge3A_2981, %broadcast_in_dim3A_2984, %broadcast_in_dim3A_2985 : vector<6912x128xi1>, vector<6912x128xf32>
    %broadcast_in_dim3A_2987 = arith.constant 1.000000e+00 : f32
    %broadcast_in_dim3A_2988 = vector.broadcast %broadcast_in_dim3A_2987 : f32 to vector<1x6912xf32>
    %dot_general3A_2989 = arith.constant dense<0.000000e+00> : vector<1x128xf32>
    %dot_general3A_2990 = tpu.matmul %broadcast_in_dim3A_2988, %select_n3A_2986, %dot_general3A_2989 {dimension_numbers = #tpu.dot_dimension_numbers<[1], [0], [0], [1], [0, 0, 1, 1], [], []>, transpose_lhs_hint = false} : vector<1x6912xf32>, vector<6912x128xf32>, vector<1x128xf32> -> vector<1x128xf32>
    %add3A_2991 = arith.addf %dot_general3A_2977, %dot_general3A_2990 : vector<1x128xf32>
    %slice3A_2992 = vector.extract_strided_slice %reshape3A {offsets = [7040, 0], sizes = [1152, 1], strides = [1, 1]} : vector<8192x1xf32> to vector<1152x1xf32>
    %gt3A_2993 = vector.broadcast %slice3A_2992 : vector<1152x1xf32> to vector<1152x128xf32>
    %gt3A_2994 = vector.broadcast %slice3A_2959 : vector<1x128xf32> to vector<1152x128xf32>
    %gt3A_2995 = arith.cmpf ogt, %gt3A_2993, %gt3A_2994 : vector<1152x128xf32>
    %jit3A_2996 = arith.constant 1.000000e+00 : f32
    %jit3A_2997 = arith.constant 0.000000e+00 : f32
    %broadcast_in_dim3A_2998 = vector.broadcast %jit3A_2996 : f32 to vector<1152x128xf32>
    %broadcast_in_dim3A_2999 = vector.broadcast %jit3A_2997 : f32 to vector<1152x128xf32>
    %select_n3A_3000 = arith.select %gt3A_2995, %broadcast_in_dim3A_2998, %broadcast_in_dim3A_2999 : vector<1152x128xi1>, vector<1152x128xf32>
    %broadcast_in_dim3A_3001 = arith.constant 1.000000e+00 : f32
    %broadcast_in_dim3A_3002 = vector.broadcast %broadcast_in_dim3A_3001 : f32 to vector<1x1152xf32>
    %dot_general3A_3003 = arith.constant dense<0.000000e+00> : vector<1x128xf32>
    %dot_general3A_3004 = tpu.matmul %broadcast_in_dim3A_3002, %select_n3A_3000, %dot_general3A_3003 {dimension_numbers = #tpu.dot_dimension_numbers<[1], [0], [0], [1], [0, 0, 1, 1], [], []>, transpose_lhs_hint = false} : vector<1x1152xf32>, vector<1152x128xf32>, vector<1x128xf32> -> vector<1x128xf32>
    %add3A_3005 = arith.addf %add3A_2991, %dot_general3A_3004 : vector<1x128xf32>
    %convert_element_type3A_3006 = arith.fptosi %add3A_3005 : vector<1x128xf32> to vector<1x128xi32>
    %swap3A_3007 = arith.constant 0 : index
    %swap3A_3008 = arith.constant 0 : index
    %swap3A_3009 = arith.constant 6912 : index
    %swap3A_3010 = vector.load %arg3[%swap3A_3007, %swap3A_3008, %swap3A_3009] : memref<1x1x8192xi32, #tpu.memory_space<vmem>>, vector<1x1x128xi32>
    %swap3A_3011 = vector.shape_cast %swap3A_3010 : vector<1x1x128xi32> to vector<1x128xi32>
    %swap3A_3012 = vector.shape_cast %convert_element_type3A_3006 : vector<1x128xi32> to vector<1x1x128xi32>
    tpu.vector_store %arg3[%swap3A_3007, %swap3A_3008, %swap3A_3009], %swap3A_3012 {strides = array<i32>} : memref<1x1x8192xi32, #tpu.memory_space<vmem>>, vector<1x1x128xi32>,
    %slice3A_3013 = vector.extract_strided_slice %concatenate3A_60 {offsets = [0, 7040], sizes = [1, 128], strides = [1, 1]} : vector<1x8192xf32> to vector<1x128xf32>
    %slice3A_3014 = vector.extract_strided_slice %reshape3A {offsets = [7040, 0], sizes = [128, 1], strides = [1, 1]} : vector<8192x1xf32> to vector<128x1xf32>
    %gt3A_3015 = vector.broadcast %slice3A_3014 : vector<128x1xf32> to vector<128x128xf32>
    %gt3A_3016 = vector.broadcast %slice3A_3013 : vector<1x128xf32> to vector<128x128xf32>
    %gt3A_3017 = arith.cmpf ogt, %gt3A_3015, %gt3A_3016 : vector<128x128xf32>
    %eq3A_3018 = vector.broadcast %slice3A_3014 : vector<128x1xf32> to vector<128x128xf32>
    %eq3A_3019 = vector.broadcast %slice3A_3013 : vector<1x128xf32> to vector<128x128xf32>
    %eq3A_3020 = arith.cmpf oeq, %eq3A_3018, %eq3A_3019 : vector<128x128xf32>
    %and3A_3021 = arith.andi %eq3A_3020, %lt3A : vector<128x128xi1>
    %or3A_3022 = arith.ori %gt3A_3017, %and3A_3021 : vector<128x128xi1>
    %jit3A_3023 = arith.constant 1.000000e+00 : f32
    %jit3A_3024 = arith.constant 0.000000e+00 : f32
    %broadcast_in_dim3A_3025 = vector.broadcast %jit3A_3023 : f32 to vector<128x128xf32>
    %broadcast_in_dim3A_3026 = vector.broadcast %jit3A_3024 : f32 to vector<128x128xf32>
    %select_n3A_3027 = arith.select %or3A_3022, %broadcast_in_dim3A_3025, %broadcast_in_dim3A_3026 : vector<128x128xi1>, vector<128x128xf32>
    %broadcast_in_dim3A_3028 = arith.constant 1.000000e+00 : f32
    %broadcast_in_dim3A_3029 = vector.broadcast %broadcast_in_dim3A_3028 : f32 to vector<1x128xf32>
    %dot_general3A_3030 = arith.constant dense<0.000000e+00> : vector<1x128xf32>
    %dot_general3A_3031 = tpu.matmul %broadcast_in_dim3A_3029, %select_n3A_3027, %dot_general3A_3030 {dimension_numbers = #tpu.dot_dimension_numbers<[1], [0], [0], [1], [0, 0, 1, 1], [], []>, transpose_lhs_hint = false} : vector<1x128xf32>, vector<128x128xf32>, vector<1x128xf32> -> vector<1x128xf32>
    %slice3A_3032 = vector.extract_strided_slice %reshape3A {offsets = [0, 0], sizes = [7040, 1], strides = [1, 1]} : vector<8192x1xf32> to vector<7040x1xf32>
    %ge3A_3033 = vector.broadcast %slice3A_3032 : vector<7040x1xf32> to vector<7040x128xf32>
    %ge3A_3034 = vector.broadcast %slice3A_3013 : vector<1x128xf32> to vector<7040x128xf32>
    %ge3A_3035 = arith.cmpf oge, %ge3A_3033, %ge3A_3034 : vector<7040x128xf32>
    %jit3A_3036 = arith.constant 1.000000e+00 : f32
    %jit3A_3037 = arith.constant 0.000000e+00 : f32
    %broadcast_in_dim3A_3038 = vector.broadcast %jit3A_3036 : f32 to vector<7040x128xf32>
    %broadcast_in_dim3A_3039 = vector.broadcast %jit3A_3037 : f32 to vector<7040x128xf32>
    %select_n3A_3040 = arith.select %ge3A_3035, %broadcast_in_dim3A_3038, %broadcast_in_dim3A_3039 : vector<7040x128xi1>, vector<7040x128xf32>
    %broadcast_in_dim3A_3041 = arith.constant 1.000000e+00 : f32
    %broadcast_in_dim3A_3042 = vector.broadcast %broadcast_in_dim3A_3041 : f32 to vector<1x7040xf32>
    %dot_general3A_3043 = arith.constant dense<0.000000e+00> : vector<1x128xf32>
    %dot_general3A_3044 = tpu.matmul %broadcast_in_dim3A_3042, %select_n3A_3040, %dot_general3A_3043 {dimension_numbers = #tpu.dot_dimension_numbers<[1], [0], [0], [1], [0, 0, 1, 1], [], []>, transpose_lhs_hint = false} : vector<1x7040xf32>, vector<7040x128xf32>, vector<1x128xf32> -> vector<1x128xf32>
    %add3A_3045 = arith.addf %dot_general3A_3031, %dot_general3A_3044 : vector<1x128xf32>
    %slice3A_3046 = vector.extract_strided_slice %reshape3A {offsets = [7168, 0], sizes = [1024, 1], strides = [1, 1]} : vector<8192x1xf32> to vector<1024x1xf32>
    %gt3A_3047 = vector.broadcast %slice3A_3046 : vector<1024x1xf32> to vector<1024x128xf32>
    %gt3A_3048 = vector.broadcast %slice3A_3013 : vector<1x128xf32> to vector<1024x128xf32>
    %gt3A_3049 = arith.cmpf ogt, %gt3A_3047, %gt3A_3048 : vector<1024x128xf32>
    %jit3A_3050 = arith.constant 1.000000e+00 : f32
    %jit3A_3051 = arith.constant 0.000000e+00 : f32
    %broadcast_in_dim3A_3052 = vector.broadcast %jit3A_3050 : f32 to vector<1024x128xf32>
    %broadcast_in_dim3A_3053 = vector.broadcast %jit3A_3051 : f32 to vector<1024x128xf32>
    %select_n3A_3054 = arith.select %gt3A_3049, %broadcast_in_dim3A_3052, %broadcast_in_dim3A_3053 : vector<1024x128xi1>, vector<1024x128xf32>
    %broadcast_in_dim3A_3055 = arith.constant 1.000000e+00 : f32
    %broadcast_in_dim3A_3056 = vector.broadcast %broadcast_in_dim3A_3055 : f32 to vector<1x1024xf32>
    %dot_general3A_3057 = arith.constant dense<0.000000e+00> : vector<1x128xf32>
    %dot_general3A_3058 = tpu.matmul %broadcast_in_dim3A_3056, %select_n3A_3054, %dot_general3A_3057 {dimension_numbers = #tpu.dot_dimension_numbers<[1], [0], [0], [1], [0, 0, 1, 1], [], []>, transpose_lhs_hint = false} : vector<1x1024xf32>, vector<1024x128xf32>, vector<1x128xf32> -> vector<1x128xf32>
    %add3A_3059 = arith.addf %add3A_3045, %dot_general3A_3058 : vector<1x128xf32>
    %convert_element_type3A_3060 = arith.fptosi %add3A_3059 : vector<1x128xf32> to vector<1x128xi32>
    %swap3A_3061 = arith.constant 0 : index
    %swap3A_3062 = arith.constant 0 : index
    %swap3A_3063 = arith.constant 7040 : index
    %swap3A_3064 = vector.load %arg3[%swap3A_3061, %swap3A_3062, %swap3A_3063] : memref<1x1x8192xi32, #tpu.memory_space<vmem>>, vector<1x1x128xi32>
    %swap3A_3065 = vector.shape_cast %swap3A_3064 : vector<1x1x128xi32> to vector<1x128xi32>
    %swap3A_3066 = vector.shape_cast %convert_element_type3A_3060 : vector<1x128xi32> to vector<1x1x128xi32>
    tpu.vector_store %arg3[%swap3A_3061, %swap3A_3062, %swap3A_3063], %swap3A_3066 {strides = array<i32>} : memref<1x1x8192xi32, #tpu.memory_space<vmem>>, vector<1x1x128xi32>,
    %slice3A_3067 = vector.extract_strided_slice %concatenate3A_60 {offsets = [0, 7168], sizes = [1, 128], strides = [1, 1]} : vector<1x8192xf32> to vector<1x128xf32>
    %slice3A_3068 = vector.extract_strided_slice %reshape3A {offsets = [7168, 0], sizes = [128, 1], strides = [1, 1]} : vector<8192x1xf32> to vector<128x1xf32>
    %gt3A_3069 = vector.broadcast %slice3A_3068 : vector<128x1xf32> to vector<128x128xf32>
    %gt3A_3070 = vector.broadcast %slice3A_3067 : vector<1x128xf32> to vector<128x128xf32>
    %gt3A_3071 = arith.cmpf ogt, %gt3A_3069, %gt3A_3070 : vector<128x128xf32>
    %eq3A_3072 = vector.broadcast %slice3A_3068 : vector<128x1xf32> to vector<128x128xf32>
    %eq3A_3073 = vector.broadcast %slice3A_3067 : vector<1x128xf32> to vector<128x128xf32>
    %eq3A_3074 = arith.cmpf oeq, %eq3A_3072, %eq3A_3073 : vector<128x128xf32>
    %and3A_3075 = arith.andi %eq3A_3074, %lt3A : vector<128x128xi1>
    %or3A_3076 = arith.ori %gt3A_3071, %and3A_3075 : vector<128x128xi1>
    %jit3A_3077 = arith.constant 1.000000e+00 : f32
    %jit3A_3078 = arith.constant 0.000000e+00 : f32
    %broadcast_in_dim3A_3079 = vector.broadcast %jit3A_3077 : f32 to vector<128x128xf32>
    %broadcast_in_dim3A_3080 = vector.broadcast %jit3A_3078 : f32 to vector<128x128xf32>
    %select_n3A_3081 = arith.select %or3A_3076, %broadcast_in_dim3A_3079, %broadcast_in_dim3A_3080 : vector<128x128xi1>, vector<128x128xf32>
    %broadcast_in_dim3A_3082 = arith.constant 1.000000e+00 : f32
    %broadcast_in_dim3A_3083 = vector.broadcast %broadcast_in_dim3A_3082 : f32 to vector<1x128xf32>
    %dot_general3A_3084 = arith.constant dense<0.000000e+00> : vector<1x128xf32>
    %dot_general3A_3085 = tpu.matmul %broadcast_in_dim3A_3083, %select_n3A_3081, %dot_general3A_3084 {dimension_numbers = #tpu.dot_dimension_numbers<[1], [0], [0], [1], [0, 0, 1, 1], [], []>, transpose_lhs_hint = false} : vector<1x128xf32>, vector<128x128xf32>, vector<1x128xf32> -> vector<1x128xf32>
    %slice3A_3086 = vector.extract_strided_slice %reshape3A {offsets = [0, 0], sizes = [7168, 1], strides = [1, 1]} : vector<8192x1xf32> to vector<7168x1xf32>
    %ge3A_3087 = vector.broadcast %slice3A_3086 : vector<7168x1xf32> to vector<7168x128xf32>
    %ge3A_3088 = vector.broadcast %slice3A_3067 : vector<1x128xf32> to vector<7168x128xf32>
    %ge3A_3089 = arith.cmpf oge, %ge3A_3087, %ge3A_3088 : vector<7168x128xf32>
    %jit3A_3090 = arith.constant 1.000000e+00 : f32
    %jit3A_3091 = arith.constant 0.000000e+00 : f32
    %broadcast_in_dim3A_3092 = vector.broadcast %jit3A_3090 : f32 to vector<7168x128xf32>
    %broadcast_in_dim3A_3093 = vector.broadcast %jit3A_3091 : f32 to vector<7168x128xf32>
    %select_n3A_3094 = arith.select %ge3A_3089, %broadcast_in_dim3A_3092, %broadcast_in_dim3A_3093 : vector<7168x128xi1>, vector<7168x128xf32>
    %broadcast_in_dim3A_3095 = arith.constant 1.000000e+00 : f32
    %broadcast_in_dim3A_3096 = vector.broadcast %broadcast_in_dim3A_3095 : f32 to vector<1x7168xf32>
    %dot_general3A_3097 = arith.constant dense<0.000000e+00> : vector<1x128xf32>
    %dot_general3A_3098 = tpu.matmul %broadcast_in_dim3A_3096, %select_n3A_3094, %dot_general3A_3097 {dimension_numbers = #tpu.dot_dimension_numbers<[1], [0], [0], [1], [0, 0, 1, 1], [], []>, transpose_lhs_hint = false} : vector<1x7168xf32>, vector<7168x128xf32>, vector<1x128xf32> -> vector<1x128xf32>
    %add3A_3099 = arith.addf %dot_general3A_3085, %dot_general3A_3098 : vector<1x128xf32>
    %slice3A_3100 = vector.extract_strided_slice %reshape3A {offsets = [7296, 0], sizes = [896, 1], strides = [1, 1]} : vector<8192x1xf32> to vector<896x1xf32>
    %gt3A_3101 = vector.broadcast %slice3A_3100 : vector<896x1xf32> to vector<896x128xf32>
    %gt3A_3102 = vector.broadcast %slice3A_3067 : vector<1x128xf32> to vector<896x128xf32>
    %gt3A_3103 = arith.cmpf ogt, %gt3A_3101, %gt3A_3102 : vector<896x128xf32>
    %jit3A_3104 = arith.constant 1.000000e+00 : f32
    %jit3A_3105 = arith.constant 0.000000e+00 : f32
    %broadcast_in_dim3A_3106 = vector.broadcast %jit3A_3104 : f32 to vector<896x128xf32>
    %broadcast_in_dim3A_3107 = vector.broadcast %jit3A_3105 : f32 to vector<896x128xf32>
    %select_n3A_3108 = arith.select %gt3A_3103, %broadcast_in_dim3A_3106, %broadcast_in_dim3A_3107 : vector<896x128xi1>, vector<896x128xf32>
    %broadcast_in_dim3A_3109 = arith.constant 1.000000e+00 : f32
    %broadcast_in_dim3A_3110 = vector.broadcast %broadcast_in_dim3A_3109 : f32 to vector<1x896xf32>
    %dot_general3A_3111 = arith.constant dense<0.000000e+00> : vector<1x128xf32>
    %dot_general3A_3112 = tpu.matmul %broadcast_in_dim3A_3110, %select_n3A_3108, %dot_general3A_3111 {dimension_numbers = #tpu.dot_dimension_numbers<[1], [0], [0], [1], [0, 0, 1, 1], [], []>, transpose_lhs_hint = false} : vector<1x896xf32>, vector<896x128xf32>, vector<1x128xf32> -> vector<1x128xf32>
    %add3A_3113 = arith.addf %add3A_3099, %dot_general3A_3112 : vector<1x128xf32>
    %convert_element_type3A_3114 = arith.fptosi %add3A_3113 : vector<1x128xf32> to vector<1x128xi32>
    %swap3A_3115 = arith.constant 0 : index
    %swap3A_3116 = arith.constant 0 : index
    %swap3A_3117 = arith.constant 7168 : index
    %swap3A_3118 = vector.load %arg3[%swap3A_3115, %swap3A_3116, %swap3A_3117] : memref<1x1x8192xi32, #tpu.memory_space<vmem>>, vector<1x1x128xi32>
    %swap3A_3119 = vector.shape_cast %swap3A_3118 : vector<1x1x128xi32> to vector<1x128xi32>
    %swap3A_3120 = vector.shape_cast %convert_element_type3A_3114 : vector<1x128xi32> to vector<1x1x128xi32>
    tpu.vector_store %arg3[%swap3A_3115, %swap3A_3116, %swap3A_3117], %swap3A_3120 {strides = array<i32>} : memref<1x1x8192xi32, #tpu.memory_space<vmem>>, vector<1x1x128xi32>,
    %slice3A_3121 = vector.extract_strided_slice %concatenate3A_60 {offsets = [0, 7296], sizes = [1, 128], strides = [1, 1]} : vector<1x8192xf32> to vector<1x128xf32>
    %slice3A_3122 = vector.extract_strided_slice %reshape3A {offsets = [7296, 0], sizes = [128, 1], strides = [1, 1]} : vector<8192x1xf32> to vector<128x1xf32>
    %gt3A_3123 = vector.broadcast %slice3A_3122 : vector<128x1xf32> to vector<128x128xf32>
    %gt3A_3124 = vector.broadcast %slice3A_3121 : vector<1x128xf32> to vector<128x128xf32>
    %gt3A_3125 = arith.cmpf ogt, %gt3A_3123, %gt3A_3124 : vector<128x128xf32>
    %eq3A_3126 = vector.broadcast %slice3A_3122 : vector<128x1xf32> to vector<128x128xf32>
    %eq3A_3127 = vector.broadcast %slice3A_3121 : vector<1x128xf32> to vector<128x128xf32>
    %eq3A_3128 = arith.cmpf oeq, %eq3A_3126, %eq3A_3127 : vector<128x128xf32>
    %and3A_3129 = arith.andi %eq3A_3128, %lt3A : vector<128x128xi1>
    %or3A_3130 = arith.ori %gt3A_3125, %and3A_3129 : vector<128x128xi1>
    %jit3A_3131 = arith.constant 1.000000e+00 : f32
    %jit3A_3132 = arith.constant 0.000000e+00 : f32
    %broadcast_in_dim3A_3133 = vector.broadcast %jit3A_3131 : f32 to vector<128x128xf32>
    %broadcast_in_dim3A_3134 = vector.broadcast %jit3A_3132 : f32 to vector<128x128xf32>
    %select_n3A_3135 = arith.select %or3A_3130, %broadcast_in_dim3A_3133, %broadcast_in_dim3A_3134 : vector<128x128xi1>, vector<128x128xf32>
    %broadcast_in_dim3A_3136 = arith.constant 1.000000e+00 : f32
    %broadcast_in_dim3A_3137 = vector.broadcast %broadcast_in_dim3A_3136 : f32 to vector<1x128xf32>
    %dot_general3A_3138 = arith.constant dense<0.000000e+00> : vector<1x128xf32>
    %dot_general3A_3139 = tpu.matmul %broadcast_in_dim3A_3137, %select_n3A_3135, %dot_general3A_3138 {dimension_numbers = #tpu.dot_dimension_numbers<[1], [0], [0], [1], [0, 0, 1, 1], [], []>, transpose_lhs_hint = false} : vector<1x128xf32>, vector<128x128xf32>, vector<1x128xf32> -> vector<1x128xf32>
    %slice3A_3140 = vector.extract_strided_slice %reshape3A {offsets = [0, 0], sizes = [7296, 1], strides = [1, 1]} : vector<8192x1xf32> to vector<7296x1xf32>
    %ge3A_3141 = vector.broadcast %slice3A_3140 : vector<7296x1xf32> to vector<7296x128xf32>
    %ge3A_3142 = vector.broadcast %slice3A_3121 : vector<1x128xf32> to vector<7296x128xf32>
    %ge3A_3143 = arith.cmpf oge, %ge3A_3141, %ge3A_3142 : vector<7296x128xf32>
    %jit3A_3144 = arith.constant 1.000000e+00 : f32
    %jit3A_3145 = arith.constant 0.000000e+00 : f32
    %broadcast_in_dim3A_3146 = vector.broadcast %jit3A_3144 : f32 to vector<7296x128xf32>
    %broadcast_in_dim3A_3147 = vector.broadcast %jit3A_3145 : f32 to vector<7296x128xf32>
    %select_n3A_3148 = arith.select %ge3A_3143, %broadcast_in_dim3A_3146, %broadcast_in_dim3A_3147 : vector<7296x128xi1>, vector<7296x128xf32>
    %broadcast_in_dim3A_3149 = arith.constant 1.000000e+00 : f32
    %broadcast_in_dim3A_3150 = vector.broadcast %broadcast_in_dim3A_3149 : f32 to vector<1x7296xf32>
    %dot_general3A_3151 = arith.constant dense<0.000000e+00> : vector<1x128xf32>
    %dot_general3A_3152 = tpu.matmul %broadcast_in_dim3A_3150, %select_n3A_3148, %dot_general3A_3151 {dimension_numbers = #tpu.dot_dimension_numbers<[1], [0], [0], [1], [0, 0, 1, 1], [], []>, transpose_lhs_hint = false} : vector<1x7296xf32>, vector<7296x128xf32>, vector<1x128xf32> -> vector<1x128xf32>
    %add3A_3153 = arith.addf %dot_general3A_3139, %dot_general3A_3152 : vector<1x128xf32>
    %slice3A_3154 = vector.extract_strided_slice %reshape3A {offsets = [7424, 0], sizes = [768, 1], strides = [1, 1]} : vector<8192x1xf32> to vector<768x1xf32>
    %gt3A_3155 = vector.broadcast %slice3A_3154 : vector<768x1xf32> to vector<768x128xf32>
    %gt3A_3156 = vector.broadcast %slice3A_3121 : vector<1x128xf32> to vector<768x128xf32>
    %gt3A_3157 = arith.cmpf ogt, %gt3A_3155, %gt3A_3156 : vector<768x128xf32>
    %jit3A_3158 = arith.constant 1.000000e+00 : f32
    %jit3A_3159 = arith.constant 0.000000e+00 : f32
    %broadcast_in_dim3A_3160 = vector.broadcast %jit3A_3158 : f32 to vector<768x128xf32>
    %broadcast_in_dim3A_3161 = vector.broadcast %jit3A_3159 : f32 to vector<768x128xf32>
    %select_n3A_3162 = arith.select %gt3A_3157, %broadcast_in_dim3A_3160, %broadcast_in_dim3A_3161 : vector<768x128xi1>, vector<768x128xf32>
    %broadcast_in_dim3A_3163 = arith.constant 1.000000e+00 : f32
    %broadcast_in_dim3A_3164 = vector.broadcast %broadcast_in_dim3A_3163 : f32 to vector<1x768xf32>
    %dot_general3A_3165 = arith.constant dense<0.000000e+00> : vector<1x128xf32>
    %dot_general3A_3166 = tpu.matmul %broadcast_in_dim3A_3164, %select_n3A_3162, %dot_general3A_3165 {dimension_numbers = #tpu.dot_dimension_numbers<[1], [0], [0], [1], [0, 0, 1, 1], [], []>, transpose_lhs_hint = false} : vector<1x768xf32>, vector<768x128xf32>, vector<1x128xf32> -> vector<1x128xf32>
    %add3A_3167 = arith.addf %add3A_3153, %dot_general3A_3166 : vector<1x128xf32>
    %convert_element_type3A_3168 = arith.fptosi %add3A_3167 : vector<1x128xf32> to vector<1x128xi32>
    %swap3A_3169 = arith.constant 0 : index
    %swap3A_3170 = arith.constant 0 : index
    %swap3A_3171 = arith.constant 7296 : index
    %swap3A_3172 = vector.load %arg3[%swap3A_3169, %swap3A_3170, %swap3A_3171] : memref<1x1x8192xi32, #tpu.memory_space<vmem>>, vector<1x1x128xi32>
    %swap3A_3173 = vector.shape_cast %swap3A_3172 : vector<1x1x128xi32> to vector<1x128xi32>
    %swap3A_3174 = vector.shape_cast %convert_element_type3A_3168 : vector<1x128xi32> to vector<1x1x128xi32>
    tpu.vector_store %arg3[%swap3A_3169, %swap3A_3170, %swap3A_3171], %swap3A_3174 {strides = array<i32>} : memref<1x1x8192xi32, #tpu.memory_space<vmem>>, vector<1x1x128xi32>,
    %slice3A_3175 = vector.extract_strided_slice %concatenate3A_60 {offsets = [0, 7424], sizes = [1, 128], strides = [1, 1]} : vector<1x8192xf32> to vector<1x128xf32>
    %slice3A_3176 = vector.extract_strided_slice %reshape3A {offsets = [7424, 0], sizes = [128, 1], strides = [1, 1]} : vector<8192x1xf32> to vector<128x1xf32>
    %gt3A_3177 = vector.broadcast %slice3A_3176 : vector<128x1xf32> to vector<128x128xf32>
    %gt3A_3178 = vector.broadcast %slice3A_3175 : vector<1x128xf32> to vector<128x128xf32>
    %gt3A_3179 = arith.cmpf ogt, %gt3A_3177, %gt3A_3178 : vector<128x128xf32>
    %eq3A_3180 = vector.broadcast %slice3A_3176 : vector<128x1xf32> to vector<128x128xf32>
    %eq3A_3181 = vector.broadcast %slice3A_3175 : vector<1x128xf32> to vector<128x128xf32>
    %eq3A_3182 = arith.cmpf oeq, %eq3A_3180, %eq3A_3181 : vector<128x128xf32>
    %and3A_3183 = arith.andi %eq3A_3182, %lt3A : vector<128x128xi1>
    %or3A_3184 = arith.ori %gt3A_3179, %and3A_3183 : vector<128x128xi1>
    %jit3A_3185 = arith.constant 1.000000e+00 : f32
    %jit3A_3186 = arith.constant 0.000000e+00 : f32
    %broadcast_in_dim3A_3187 = vector.broadcast %jit3A_3185 : f32 to vector<128x128xf32>
    %broadcast_in_dim3A_3188 = vector.broadcast %jit3A_3186 : f32 to vector<128x128xf32>
    %select_n3A_3189 = arith.select %or3A_3184, %broadcast_in_dim3A_3187, %broadcast_in_dim3A_3188 : vector<128x128xi1>, vector<128x128xf32>
    %broadcast_in_dim3A_3190 = arith.constant 1.000000e+00 : f32
    %broadcast_in_dim3A_3191 = vector.broadcast %broadcast_in_dim3A_3190 : f32 to vector<1x128xf32>
    %dot_general3A_3192 = arith.constant dense<0.000000e+00> : vector<1x128xf32>
    %dot_general3A_3193 = tpu.matmul %broadcast_in_dim3A_3191, %select_n3A_3189, %dot_general3A_3192 {dimension_numbers = #tpu.dot_dimension_numbers<[1], [0], [0], [1], [0, 0, 1, 1], [], []>, transpose_lhs_hint = false} : vector<1x128xf32>, vector<128x128xf32>, vector<1x128xf32> -> vector<1x128xf32>
    %slice3A_3194 = vector.extract_strided_slice %reshape3A {offsets = [0, 0], sizes = [7424, 1], strides = [1, 1]} : vector<8192x1xf32> to vector<7424x1xf32>
    %ge3A_3195 = vector.broadcast %slice3A_3194 : vector<7424x1xf32> to vector<7424x128xf32>
    %ge3A_3196 = vector.broadcast %slice3A_3175 : vector<1x128xf32> to vector<7424x128xf32>
    %ge3A_3197 = arith.cmpf oge, %ge3A_3195, %ge3A_3196 : vector<7424x128xf32>
    %jit3A_3198 = arith.constant 1.000000e+00 : f32
    %jit3A_3199 = arith.constant 0.000000e+00 : f32
    %broadcast_in_dim3A_3200 = vector.broadcast %jit3A_3198 : f32 to vector<7424x128xf32>
    %broadcast_in_dim3A_3201 = vector.broadcast %jit3A_3199 : f32 to vector<7424x128xf32>
    %select_n3A_3202 = arith.select %ge3A_3197, %broadcast_in_dim3A_3200, %broadcast_in_dim3A_3201 : vector<7424x128xi1>, vector<7424x128xf32>
    %broadcast_in_dim3A_3203 = arith.constant 1.000000e+00 : f32
    %broadcast_in_dim3A_3204 = vector.broadcast %broadcast_in_dim3A_3203 : f32 to vector<1x7424xf32>
    %dot_general3A_3205 = arith.constant dense<0.000000e+00> : vector<1x128xf32>
    %dot_general3A_3206 = tpu.matmul %broadcast_in_dim3A_3204, %select_n3A_3202, %dot_general3A_3205 {dimension_numbers = #tpu.dot_dimension_numbers<[1], [0], [0], [1], [0, 0, 1, 1], [], []>, transpose_lhs_hint = false} : vector<1x7424xf32>, vector<7424x128xf32>, vector<1x128xf32> -> vector<1x128xf32>
    %add3A_3207 = arith.addf %dot_general3A_3193, %dot_general3A_3206 : vector<1x128xf32>
    %slice3A_3208 = vector.extract_strided_slice %reshape3A {offsets = [7552, 0], sizes = [640, 1], strides = [1, 1]} : vector<8192x1xf32> to vector<640x1xf32>
    %gt3A_3209 = vector.broadcast %slice3A_3208 : vector<640x1xf32> to vector<640x128xf32>
    %gt3A_3210 = vector.broadcast %slice3A_3175 : vector<1x128xf32> to vector<640x128xf32>
    %gt3A_3211 = arith.cmpf ogt, %gt3A_3209, %gt3A_3210 : vector<640x128xf32>
    %jit3A_3212 = arith.constant 1.000000e+00 : f32
    %jit3A_3213 = arith.constant 0.000000e+00 : f32
    %broadcast_in_dim3A_3214 = vector.broadcast %jit3A_3212 : f32 to vector<640x128xf32>
    %broadcast_in_dim3A_3215 = vector.broadcast %jit3A_3213 : f32 to vector<640x128xf32>
    %select_n3A_3216 = arith.select %gt3A_3211, %broadcast_in_dim3A_3214, %broadcast_in_dim3A_3215 : vector<640x128xi1>, vector<640x128xf32>
    %broadcast_in_dim3A_3217 = arith.constant 1.000000e+00 : f32
    %broadcast_in_dim3A_3218 = vector.broadcast %broadcast_in_dim3A_3217 : f32 to vector<1x640xf32>
    %dot_general3A_3219 = arith.constant dense<0.000000e+00> : vector<1x128xf32>
    %dot_general3A_3220 = tpu.matmul %broadcast_in_dim3A_3218, %select_n3A_3216, %dot_general3A_3219 {dimension_numbers = #tpu.dot_dimension_numbers<[1], [0], [0], [1], [0, 0, 1, 1], [], []>, transpose_lhs_hint = false} : vector<1x640xf32>, vector<640x128xf32>, vector<1x128xf32> -> vector<1x128xf32>
    %add3A_3221 = arith.addf %add3A_3207, %dot_general3A_3220 : vector<1x128xf32>
    %convert_element_type3A_3222 = arith.fptosi %add3A_3221 : vector<1x128xf32> to vector<1x128xi32>
    %swap3A_3223 = arith.constant 0 : index
    %swap3A_3224 = arith.constant 0 : index
    %swap3A_3225 = arith.constant 7424 : index
    %swap3A_3226 = vector.load %arg3[%swap3A_3223, %swap3A_3224, %swap3A_3225] : memref<1x1x8192xi32, #tpu.memory_space<vmem>>, vector<1x1x128xi32>
    %swap3A_3227 = vector.shape_cast %swap3A_3226 : vector<1x1x128xi32> to vector<1x128xi32>
    %swap3A_3228 = vector.shape_cast %convert_element_type3A_3222 : vector<1x128xi32> to vector<1x1x128xi32>
    tpu.vector_store %arg3[%swap3A_3223, %swap3A_3224, %swap3A_3225], %swap3A_3228 {strides = array<i32>} : memref<1x1x8192xi32, #tpu.memory_space<vmem>>, vector<1x1x128xi32>,
    %slice3A_3229 = vector.extract_strided_slice %concatenate3A_60 {offsets = [0, 7552], sizes = [1, 128], strides = [1, 1]} : vector<1x8192xf32> to vector<1x128xf32>
    %slice3A_3230 = vector.extract_strided_slice %reshape3A {offsets = [7552, 0], sizes = [128, 1], strides = [1, 1]} : vector<8192x1xf32> to vector<128x1xf32>
    %gt3A_3231 = vector.broadcast %slice3A_3230 : vector<128x1xf32> to vector<128x128xf32>
    %gt3A_3232 = vector.broadcast %slice3A_3229 : vector<1x128xf32> to vector<128x128xf32>
    %gt3A_3233 = arith.cmpf ogt, %gt3A_3231, %gt3A_3232 : vector<128x128xf32>
    %eq3A_3234 = vector.broadcast %slice3A_3230 : vector<128x1xf32> to vector<128x128xf32>
    %eq3A_3235 = vector.broadcast %slice3A_3229 : vector<1x128xf32> to vector<128x128xf32>
    %eq3A_3236 = arith.cmpf oeq, %eq3A_3234, %eq3A_3235 : vector<128x128xf32>
    %and3A_3237 = arith.andi %eq3A_3236, %lt3A : vector<128x128xi1>
    %or3A_3238 = arith.ori %gt3A_3233, %and3A_3237 : vector<128x128xi1>
    %jit3A_3239 = arith.constant 1.000000e+00 : f32
    %jit3A_3240 = arith.constant 0.000000e+00 : f32
    %broadcast_in_dim3A_3241 = vector.broadcast %jit3A_3239 : f32 to vector<128x128xf32>
    %broadcast_in_dim3A_3242 = vector.broadcast %jit3A_3240 : f32 to vector<128x128xf32>
    %select_n3A_3243 = arith.select %or3A_3238, %broadcast_in_dim3A_3241, %broadcast_in_dim3A_3242 : vector<128x128xi1>, vector<128x128xf32>
    %broadcast_in_dim3A_3244 = arith.constant 1.000000e+00 : f32
    %broadcast_in_dim3A_3245 = vector.broadcast %broadcast_in_dim3A_3244 : f32 to vector<1x128xf32>
    %dot_general3A_3246 = arith.constant dense<0.000000e+00> : vector<1x128xf32>
    %dot_general3A_3247 = tpu.matmul %broadcast_in_dim3A_3245, %select_n3A_3243, %dot_general3A_3246 {dimension_numbers = #tpu.dot_dimension_numbers<[1], [0], [0], [1], [0, 0, 1, 1], [], []>, transpose_lhs_hint = false} : vector<1x128xf32>, vector<128x128xf32>, vector<1x128xf32> -> vector<1x128xf32>
    %slice3A_3248 = vector.extract_strided_slice %reshape3A {offsets = [0, 0], sizes = [7552, 1], strides = [1, 1]} : vector<8192x1xf32> to vector<7552x1xf32>
    %ge3A_3249 = vector.broadcast %slice3A_3248 : vector<7552x1xf32> to vector<7552x128xf32>
    %ge3A_3250 = vector.broadcast %slice3A_3229 : vector<1x128xf32> to vector<7552x128xf32>
    %ge3A_3251 = arith.cmpf oge, %ge3A_3249, %ge3A_3250 : vector<7552x128xf32>
    %jit3A_3252 = arith.constant 1.000000e+00 : f32
    %jit3A_3253 = arith.constant 0.000000e+00 : f32
    %broadcast_in_dim3A_3254 = vector.broadcast %jit3A_3252 : f32 to vector<7552x128xf32>
    %broadcast_in_dim3A_3255 = vector.broadcast %jit3A_3253 : f32 to vector<7552x128xf32>
    %select_n3A_3256 = arith.select %ge3A_3251, %broadcast_in_dim3A_3254, %broadcast_in_dim3A_3255 : vector<7552x128xi1>, vector<7552x128xf32>
    %broadcast_in_dim3A_3257 = arith.constant 1.000000e+00 : f32
    %broadcast_in_dim3A_3258 = vector.broadcast %broadcast_in_dim3A_3257 : f32 to vector<1x7552xf32>
    %dot_general3A_3259 = arith.constant dense<0.000000e+00> : vector<1x128xf32>
    %dot_general3A_3260 = tpu.matmul %broadcast_in_dim3A_3258, %select_n3A_3256, %dot_general3A_3259 {dimension_numbers = #tpu.dot_dimension_numbers<[1], [0], [0], [1], [0, 0, 1, 1], [], []>, transpose_lhs_hint = false} : vector<1x7552xf32>, vector<7552x128xf32>, vector<1x128xf32> -> vector<1x128xf32>
    %add3A_3261 = arith.addf %dot_general3A_3247, %dot_general3A_3260 : vector<1x128xf32>
    %slice3A_3262 = vector.extract_strided_slice %reshape3A {offsets = [7680, 0], sizes = [512, 1], strides = [1, 1]} : vector<8192x1xf32> to vector<512x1xf32>
    %gt3A_3263 = vector.broadcast %slice3A_3262 : vector<512x1xf32> to vector<512x128xf32>
    %gt3A_3264 = vector.broadcast %slice3A_3229 : vector<1x128xf32> to vector<512x128xf32>
    %gt3A_3265 = arith.cmpf ogt, %gt3A_3263, %gt3A_3264 : vector<512x128xf32>
    %jit3A_3266 = arith.constant 1.000000e+00 : f32
    %jit3A_3267 = arith.constant 0.000000e+00 : f32
    %broadcast_in_dim3A_3268 = vector.broadcast %jit3A_3266 : f32 to vector<512x128xf32>
    %broadcast_in_dim3A_3269 = vector.broadcast %jit3A_3267 : f32 to vector<512x128xf32>
    %select_n3A_3270 = arith.select %gt3A_3265, %broadcast_in_dim3A_3268, %broadcast_in_dim3A_3269 : vector<512x128xi1>, vector<512x128xf32>
    %broadcast_in_dim3A_3271 = arith.constant 1.000000e+00 : f32
    %broadcast_in_dim3A_3272 = vector.broadcast %broadcast_in_dim3A_3271 : f32 to vector<1x512xf32>
    %dot_general3A_3273 = arith.constant dense<0.000000e+00> : vector<1x128xf32>
    %dot_general3A_3274 = tpu.matmul %broadcast_in_dim3A_3272, %select_n3A_3270, %dot_general3A_3273 {dimension_numbers = #tpu.dot_dimension_numbers<[1], [0], [0], [1], [0, 0, 1, 1], [], []>, transpose_lhs_hint = false} : vector<1x512xf32>, vector<512x128xf32>, vector<1x128xf32> -> vector<1x128xf32>
    %add3A_3275 = arith.addf %add3A_3261, %dot_general3A_3274 : vector<1x128xf32>
    %convert_element_type3A_3276 = arith.fptosi %add3A_3275 : vector<1x128xf32> to vector<1x128xi32>
    %swap3A_3277 = arith.constant 0 : index
    %swap3A_3278 = arith.constant 0 : index
    %swap3A_3279 = arith.constant 7552 : index
    %swap3A_3280 = vector.load %arg3[%swap3A_3277, %swap3A_3278, %swap3A_3279] : memref<1x1x8192xi32, #tpu.memory_space<vmem>>, vector<1x1x128xi32>
    %swap3A_3281 = vector.shape_cast %swap3A_3280 : vector<1x1x128xi32> to vector<1x128xi32>
    %swap3A_3282 = vector.shape_cast %convert_element_type3A_3276 : vector<1x128xi32> to vector<1x1x128xi32>
    tpu.vector_store %arg3[%swap3A_3277, %swap3A_3278, %swap3A_3279], %swap3A_3282 {strides = array<i32>} : memref<1x1x8192xi32, #tpu.memory_space<vmem>>, vector<1x1x128xi32>,
    %slice3A_3283 = vector.extract_strided_slice %concatenate3A_60 {offsets = [0, 7680], sizes = [1, 128], strides = [1, 1]} : vector<1x8192xf32> to vector<1x128xf32>
    %slice3A_3284 = vector.extract_strided_slice %reshape3A {offsets = [7680, 0], sizes = [128, 1], strides = [1, 1]} : vector<8192x1xf32> to vector<128x1xf32>
    %gt3A_3285 = vector.broadcast %slice3A_3284 : vector<128x1xf32> to vector<128x128xf32>
    %gt3A_3286 = vector.broadcast %slice3A_3283 : vector<1x128xf32> to vector<128x128xf32>
    %gt3A_3287 = arith.cmpf ogt, %gt3A_3285, %gt3A_3286 : vector<128x128xf32>
    %eq3A_3288 = vector.broadcast %slice3A_3284 : vector<128x1xf32> to vector<128x128xf32>
    %eq3A_3289 = vector.broadcast %slice3A_3283 : vector<1x128xf32> to vector<128x128xf32>
    %eq3A_3290 = arith.cmpf oeq, %eq3A_3288, %eq3A_3289 : vector<128x128xf32>
    %and3A_3291 = arith.andi %eq3A_3290, %lt3A : vector<128x128xi1>
    %or3A_3292 = arith.ori %gt3A_3287, %and3A_3291 : vector<128x128xi1>
    %jit3A_3293 = arith.constant 1.000000e+00 : f32
    %jit3A_3294 = arith.constant 0.000000e+00 : f32
    %broadcast_in_dim3A_3295 = vector.broadcast %jit3A_3293 : f32 to vector<128x128xf32>
    %broadcast_in_dim3A_3296 = vector.broadcast %jit3A_3294 : f32 to vector<128x128xf32>
    %select_n3A_3297 = arith.select %or3A_3292, %broadcast_in_dim3A_3295, %broadcast_in_dim3A_3296 : vector<128x128xi1>, vector<128x128xf32>
    %broadcast_in_dim3A_3298 = arith.constant 1.000000e+00 : f32
    %broadcast_in_dim3A_3299 = vector.broadcast %broadcast_in_dim3A_3298 : f32 to vector<1x128xf32>
    %dot_general3A_3300 = arith.constant dense<0.000000e+00> : vector<1x128xf32>
    %dot_general3A_3301 = tpu.matmul %broadcast_in_dim3A_3299, %select_n3A_3297, %dot_general3A_3300 {dimension_numbers = #tpu.dot_dimension_numbers<[1], [0], [0], [1], [0, 0, 1, 1], [], []>, transpose_lhs_hint = false} : vector<1x128xf32>, vector<128x128xf32>, vector<1x128xf32> -> vector<1x128xf32>
    %slice3A_3302 = vector.extract_strided_slice %reshape3A {offsets = [0, 0], sizes = [7680, 1], strides = [1, 1]} : vector<8192x1xf32> to vector<7680x1xf32>
    %ge3A_3303 = vector.broadcast %slice3A_3302 : vector<7680x1xf32> to vector<7680x128xf32>
    %ge3A_3304 = vector.broadcast %slice3A_3283 : vector<1x128xf32> to vector<7680x128xf32>
    %ge3A_3305 = arith.cmpf oge, %ge3A_3303, %ge3A_3304 : vector<7680x128xf32>
    %jit3A_3306 = arith.constant 1.000000e+00 : f32
    %jit3A_3307 = arith.constant 0.000000e+00 : f32
    %broadcast_in_dim3A_3308 = vector.broadcast %jit3A_3306 : f32 to vector<7680x128xf32>
    %broadcast_in_dim3A_3309 = vector.broadcast %jit3A_3307 : f32 to vector<7680x128xf32>
    %select_n3A_3310 = arith.select %ge3A_3305, %broadcast_in_dim3A_3308, %broadcast_in_dim3A_3309 : vector<7680x128xi1>, vector<7680x128xf32>
    %broadcast_in_dim3A_3311 = arith.constant 1.000000e+00 : f32
    %broadcast_in_dim3A_3312 = vector.broadcast %broadcast_in_dim3A_3311 : f32 to vector<1x7680xf32>
    %dot_general3A_3313 = arith.constant dense<0.000000e+00> : vector<1x128xf32>
    %dot_general3A_3314 = tpu.matmul %broadcast_in_dim3A_3312, %select_n3A_3310, %dot_general3A_3313 {dimension_numbers = #tpu.dot_dimension_numbers<[1], [0], [0], [1], [0, 0, 1, 1], [], []>, transpose_lhs_hint = false} : vector<1x7680xf32>, vector<7680x128xf32>, vector<1x128xf32> -> vector<1x128xf32>
    %add3A_3315 = arith.addf %dot_general3A_3301, %dot_general3A_3314 : vector<1x128xf32>
    %slice3A_3316 = vector.extract_strided_slice %reshape3A {offsets = [7808, 0], sizes = [384, 1], strides = [1, 1]} : vector<8192x1xf32> to vector<384x1xf32>
    %gt3A_3317 = vector.broadcast %slice3A_3316 : vector<384x1xf32> to vector<384x128xf32>
    %gt3A_3318 = vector.broadcast %slice3A_3283 : vector<1x128xf32> to vector<384x128xf32>
    %gt3A_3319 = arith.cmpf ogt, %gt3A_3317, %gt3A_3318 : vector<384x128xf32>
    %jit3A_3320 = arith.constant 1.000000e+00 : f32
    %jit3A_3321 = arith.constant 0.000000e+00 : f32
    %broadcast_in_dim3A_3322 = vector.broadcast %jit3A_3320 : f32 to vector<384x128xf32>
    %broadcast_in_dim3A_3323 = vector.broadcast %jit3A_3321 : f32 to vector<384x128xf32>
    %select_n3A_3324 = arith.select %gt3A_3319, %broadcast_in_dim3A_3322, %broadcast_in_dim3A_3323 : vector<384x128xi1>, vector<384x128xf32>
    %broadcast_in_dim3A_3325 = arith.constant 1.000000e+00 : f32
    %broadcast_in_dim3A_3326 = vector.broadcast %broadcast_in_dim3A_3325 : f32 to vector<1x384xf32>
    %dot_general3A_3327 = arith.constant dense<0.000000e+00> : vector<1x128xf32>
    %dot_general3A_3328 = tpu.matmul %broadcast_in_dim3A_3326, %select_n3A_3324, %dot_general3A_3327 {dimension_numbers = #tpu.dot_dimension_numbers<[1], [0], [0], [1], [0, 0, 1, 1], [], []>, transpose_lhs_hint = false} : vector<1x384xf32>, vector<384x128xf32>, vector<1x128xf32> -> vector<1x128xf32>
    %add3A_3329 = arith.addf %add3A_3315, %dot_general3A_3328 : vector<1x128xf32>
    %convert_element_type3A_3330 = arith.fptosi %add3A_3329 : vector<1x128xf32> to vector<1x128xi32>
    %swap3A_3331 = arith.constant 0 : index
    %swap3A_3332 = arith.constant 0 : index
    %swap3A_3333 = arith.constant 7680 : index
    %swap3A_3334 = vector.load %arg3[%swap3A_3331, %swap3A_3332, %swap3A_3333] : memref<1x1x8192xi32, #tpu.memory_space<vmem>>, vector<1x1x128xi32>
    %swap3A_3335 = vector.shape_cast %swap3A_3334 : vector<1x1x128xi32> to vector<1x128xi32>
    %swap3A_3336 = vector.shape_cast %convert_element_type3A_3330 : vector<1x128xi32> to vector<1x1x128xi32>
    tpu.vector_store %arg3[%swap3A_3331, %swap3A_3332, %swap3A_3333], %swap3A_3336 {strides = array<i32>} : memref<1x1x8192xi32, #tpu.memory_space<vmem>>, vector<1x1x128xi32>,
    %slice3A_3337 = vector.extract_strided_slice %concatenate3A_60 {offsets = [0, 7808], sizes = [1, 128], strides = [1, 1]} : vector<1x8192xf32> to vector<1x128xf32>
    %slice3A_3338 = vector.extract_strided_slice %reshape3A {offsets = [7808, 0], sizes = [128, 1], strides = [1, 1]} : vector<8192x1xf32> to vector<128x1xf32>
    %gt3A_3339 = vector.broadcast %slice3A_3338 : vector<128x1xf32> to vector<128x128xf32>
    %gt3A_3340 = vector.broadcast %slice3A_3337 : vector<1x128xf32> to vector<128x128xf32>
    %gt3A_3341 = arith.cmpf ogt, %gt3A_3339, %gt3A_3340 : vector<128x128xf32>
    %eq3A_3342 = vector.broadcast %slice3A_3338 : vector<128x1xf32> to vector<128x128xf32>
    %eq3A_3343 = vector.broadcast %slice3A_3337 : vector<1x128xf32> to vector<128x128xf32>
    %eq3A_3344 = arith.cmpf oeq, %eq3A_3342, %eq3A_3343 : vector<128x128xf32>
    %and3A_3345 = arith.andi %eq3A_3344, %lt3A : vector<128x128xi1>
    %or3A_3346 = arith.ori %gt3A_3341, %and3A_3345 : vector<128x128xi1>
    %jit3A_3347 = arith.constant 1.000000e+00 : f32
    %jit3A_3348 = arith.constant 0.000000e+00 : f32
    %broadcast_in_dim3A_3349 = vector.broadcast %jit3A_3347 : f32 to vector<128x128xf32>
    %broadcast_in_dim3A_3350 = vector.broadcast %jit3A_3348 : f32 to vector<128x128xf32>
    %select_n3A_3351 = arith.select %or3A_3346, %broadcast_in_dim3A_3349, %broadcast_in_dim3A_3350 : vector<128x128xi1>, vector<128x128xf32>
    %broadcast_in_dim3A_3352 = arith.constant 1.000000e+00 : f32
    %broadcast_in_dim3A_3353 = vector.broadcast %broadcast_in_dim3A_3352 : f32 to vector<1x128xf32>
    %dot_general3A_3354 = arith.constant dense<0.000000e+00> : vector<1x128xf32>
    %dot_general3A_3355 = tpu.matmul %broadcast_in_dim3A_3353, %select_n3A_3351, %dot_general3A_3354 {dimension_numbers = #tpu.dot_dimension_numbers<[1], [0], [0], [1], [0, 0, 1, 1], [], []>, transpose_lhs_hint = false} : vector<1x128xf32>, vector<128x128xf32>, vector<1x128xf32> -> vector<1x128xf32>
    %slice3A_3356 = vector.extract_strided_slice %reshape3A {offsets = [0, 0], sizes = [7808, 1], strides = [1, 1]} : vector<8192x1xf32> to vector<7808x1xf32>
    %ge3A_3357 = vector.broadcast %slice3A_3356 : vector<7808x1xf32> to vector<7808x128xf32>
    %ge3A_3358 = vector.broadcast %slice3A_3337 : vector<1x128xf32> to vector<7808x128xf32>
    %ge3A_3359 = arith.cmpf oge, %ge3A_3357, %ge3A_3358 : vector<7808x128xf32>
    %jit3A_3360 = arith.constant 1.000000e+00 : f32
    %jit3A_3361 = arith.constant 0.000000e+00 : f32
    %broadcast_in_dim3A_3362 = vector.broadcast %jit3A_3360 : f32 to vector<7808x128xf32>
    %broadcast_in_dim3A_3363 = vector.broadcast %jit3A_3361 : f32 to vector<7808x128xf32>
    %select_n3A_3364 = arith.select %ge3A_3359, %broadcast_in_dim3A_3362, %broadcast_in_dim3A_3363 : vector<7808x128xi1>, vector<7808x128xf32>
    %broadcast_in_dim3A_3365 = arith.constant 1.000000e+00 : f32
    %broadcast_in_dim3A_3366 = vector.broadcast %broadcast_in_dim3A_3365 : f32 to vector<1x7808xf32>
    %dot_general3A_3367 = arith.constant dense<0.000000e+00> : vector<1x128xf32>
    %dot_general3A_3368 = tpu.matmul %broadcast_in_dim3A_3366, %select_n3A_3364, %dot_general3A_3367 {dimension_numbers = #tpu.dot_dimension_numbers<[1], [0], [0], [1], [0, 0, 1, 1], [], []>, transpose_lhs_hint = false} : vector<1x7808xf32>, vector<7808x128xf32>, vector<1x128xf32> -> vector<1x128xf32>
    %add3A_3369 = arith.addf %dot_general3A_3355, %dot_general3A_3368 : vector<1x128xf32>
    %slice3A_3370 = vector.extract_strided_slice %reshape3A {offsets = [7936, 0], sizes = [256, 1], strides = [1, 1]} : vector<8192x1xf32> to vector<256x1xf32>
    %gt3A_3371 = vector.broadcast %slice3A_3370 : vector<256x1xf32> to vector<256x128xf32>
    %gt3A_3372 = vector.broadcast %slice3A_3337 : vector<1x128xf32> to vector<256x128xf32>
    %gt3A_3373 = arith.cmpf ogt, %gt3A_3371, %gt3A_3372 : vector<256x128xf32>
    %jit3A_3374 = arith.constant 1.000000e+00 : f32
    %jit3A_3375 = arith.constant 0.000000e+00 : f32
    %broadcast_in_dim3A_3376 = vector.broadcast %jit3A_3374 : f32 to vector<256x128xf32>
    %broadcast_in_dim3A_3377 = vector.broadcast %jit3A_3375 : f32 to vector<256x128xf32>
    %select_n3A_3378 = arith.select %gt3A_3373, %broadcast_in_dim3A_3376, %broadcast_in_dim3A_3377 : vector<256x128xi1>, vector<256x128xf32>
    %broadcast_in_dim3A_3379 = arith.constant 1.000000e+00 : f32
    %broadcast_in_dim3A_3380 = vector.broadcast %broadcast_in_dim3A_3379 : f32 to vector<1x256xf32>
    %dot_general3A_3381 = arith.constant dense<0.000000e+00> : vector<1x128xf32>
    %dot_general3A_3382 = tpu.matmul %broadcast_in_dim3A_3380, %select_n3A_3378, %dot_general3A_3381 {dimension_numbers = #tpu.dot_dimension_numbers<[1], [0], [0], [1], [0, 0, 1, 1], [], []>, transpose_lhs_hint = false} : vector<1x256xf32>, vector<256x128xf32>, vector<1x128xf32> -> vector<1x128xf32>
    %add3A_3383 = arith.addf %add3A_3369, %dot_general3A_3382 : vector<1x128xf32>
    %convert_element_type3A_3384 = arith.fptosi %add3A_3383 : vector<1x128xf32> to vector<1x128xi32>
    %swap3A_3385 = arith.constant 0 : index
    %swap3A_3386 = arith.constant 0 : index
    %swap3A_3387 = arith.constant 7808 : index
    %swap3A_3388 = vector.load %arg3[%swap3A_3385, %swap3A_3386, %swap3A_3387] : memref<1x1x8192xi32, #tpu.memory_space<vmem>>, vector<1x1x128xi32>
    %swap3A_3389 = vector.shape_cast %swap3A_3388 : vector<1x1x128xi32> to vector<1x128xi32>
    %swap3A_3390 = vector.shape_cast %convert_element_type3A_3384 : vector<1x128xi32> to vector<1x1x128xi32>
    tpu.vector_store %arg3[%swap3A_3385, %swap3A_3386, %swap3A_3387], %swap3A_3390 {strides = array<i32>} : memref<1x1x8192xi32, #tpu.memory_space<vmem>>, vector<1x1x128xi32>,
    %slice3A_3391 = vector.extract_strided_slice %concatenate3A_60 {offsets = [0, 7936], sizes = [1, 128], strides = [1, 1]} : vector<1x8192xf32> to vector<1x128xf32>
    %slice3A_3392 = vector.extract_strided_slice %reshape3A {offsets = [7936, 0], sizes = [128, 1], strides = [1, 1]} : vector<8192x1xf32> to vector<128x1xf32>
    %gt3A_3393 = vector.broadcast %slice3A_3392 : vector<128x1xf32> to vector<128x128xf32>
    %gt3A_3394 = vector.broadcast %slice3A_3391 : vector<1x128xf32> to vector<128x128xf32>
    %gt3A_3395 = arith.cmpf ogt, %gt3A_3393, %gt3A_3394 : vector<128x128xf32>
    %eq3A_3396 = vector.broadcast %slice3A_3392 : vector<128x1xf32> to vector<128x128xf32>
    %eq3A_3397 = vector.broadcast %slice3A_3391 : vector<1x128xf32> to vector<128x128xf32>
    %eq3A_3398 = arith.cmpf oeq, %eq3A_3396, %eq3A_3397 : vector<128x128xf32>
    %and3A_3399 = arith.andi %eq3A_3398, %lt3A : vector<128x128xi1>
    %or3A_3400 = arith.ori %gt3A_3395, %and3A_3399 : vector<128x128xi1>
    %jit3A_3401 = arith.constant 1.000000e+00 : f32
    %jit3A_3402 = arith.constant 0.000000e+00 : f32
    %broadcast_in_dim3A_3403 = vector.broadcast %jit3A_3401 : f32 to vector<128x128xf32>
    %broadcast_in_dim3A_3404 = vector.broadcast %jit3A_3402 : f32 to vector<128x128xf32>
    %select_n3A_3405 = arith.select %or3A_3400, %broadcast_in_dim3A_3403, %broadcast_in_dim3A_3404 : vector<128x128xi1>, vector<128x128xf32>
    %broadcast_in_dim3A_3406 = arith.constant 1.000000e+00 : f32
    %broadcast_in_dim3A_3407 = vector.broadcast %broadcast_in_dim3A_3406 : f32 to vector<1x128xf32>
    %dot_general3A_3408 = arith.constant dense<0.000000e+00> : vector<1x128xf32>
    %dot_general3A_3409 = tpu.matmul %broadcast_in_dim3A_3407, %select_n3A_3405, %dot_general3A_3408 {dimension_numbers = #tpu.dot_dimension_numbers<[1], [0], [0], [1], [0, 0, 1, 1], [], []>, transpose_lhs_hint = false} : vector<1x128xf32>, vector<128x128xf32>, vector<1x128xf32> -> vector<1x128xf32>
    %slice3A_3410 = vector.extract_strided_slice %reshape3A {offsets = [0, 0], sizes = [7936, 1], strides = [1, 1]} : vector<8192x1xf32> to vector<7936x1xf32>
    %ge3A_3411 = vector.broadcast %slice3A_3410 : vector<7936x1xf32> to vector<7936x128xf32>
    %ge3A_3412 = vector.broadcast %slice3A_3391 : vector<1x128xf32> to vector<7936x128xf32>
    %ge3A_3413 = arith.cmpf oge, %ge3A_3411, %ge3A_3412 : vector<7936x128xf32>
    %jit3A_3414 = arith.constant 1.000000e+00 : f32
    %jit3A_3415 = arith.constant 0.000000e+00 : f32
    %broadcast_in_dim3A_3416 = vector.broadcast %jit3A_3414 : f32 to vector<7936x128xf32>
    %broadcast_in_dim3A_3417 = vector.broadcast %jit3A_3415 : f32 to vector<7936x128xf32>
    %select_n3A_3418 = arith.select %ge3A_3413, %broadcast_in_dim3A_3416, %broadcast_in_dim3A_3417 : vector<7936x128xi1>, vector<7936x128xf32>
    %broadcast_in_dim3A_3419 = arith.constant 1.000000e+00 : f32
    %broadcast_in_dim3A_3420 = vector.broadcast %broadcast_in_dim3A_3419 : f32 to vector<1x7936xf32>
    %dot_general3A_3421 = arith.constant dense<0.000000e+00> : vector<1x128xf32>
    %dot_general3A_3422 = tpu.matmul %broadcast_in_dim3A_3420, %select_n3A_3418, %dot_general3A_3421 {dimension_numbers = #tpu.dot_dimension_numbers<[1], [0], [0], [1], [0, 0, 1, 1], [], []>, transpose_lhs_hint = false} : vector<1x7936xf32>, vector<7936x128xf32>, vector<1x128xf32> -> vector<1x128xf32>
    %add3A_3423 = arith.addf %dot_general3A_3409, %dot_general3A_3422 : vector<1x128xf32>
    %slice3A_3424 = vector.extract_strided_slice %reshape3A {offsets = [8064, 0], sizes = [128, 1], strides = [1, 1]} : vector<8192x1xf32> to vector<128x1xf32>
    %gt3A_3425 = vector.broadcast %slice3A_3424 : vector<128x1xf32> to vector<128x128xf32>
    %gt3A_3426 = vector.broadcast %slice3A_3391 : vector<1x128xf32> to vector<128x128xf32>
    %gt3A_3427 = arith.cmpf ogt, %gt3A_3425, %gt3A_3426 : vector<128x128xf32>
    %jit3A_3428 = arith.constant 1.000000e+00 : f32
    %jit3A_3429 = arith.constant 0.000000e+00 : f32
    %broadcast_in_dim3A_3430 = vector.broadcast %jit3A_3428 : f32 to vector<128x128xf32>
    %broadcast_in_dim3A_3431 = vector.broadcast %jit3A_3429 : f32 to vector<128x128xf32>
    %select_n3A_3432 = arith.select %gt3A_3427, %broadcast_in_dim3A_3430, %broadcast_in_dim3A_3431 : vector<128x128xi1>, vector<128x128xf32>
    %broadcast_in_dim3A_3433 = arith.constant 1.000000e+00 : f32
    %broadcast_in_dim3A_3434 = vector.broadcast %broadcast_in_dim3A_3433 : f32 to vector<1x128xf32>
    %dot_general3A_3435 = arith.constant dense<0.000000e+00> : vector<1x128xf32>
    %dot_general3A_3436 = tpu.matmul %broadcast_in_dim3A_3434, %select_n3A_3432, %dot_general3A_3435 {dimension_numbers = #tpu.dot_dimension_numbers<[1], [0], [0], [1], [0, 0, 1, 1], [], []>, transpose_lhs_hint = false} : vector<1x128xf32>, vector<128x128xf32>, vector<1x128xf32> -> vector<1x128xf32>
    %add3A_3437 = arith.addf %add3A_3423, %dot_general3A_3436 : vector<1x128xf32>
    %convert_element_type3A_3438 = arith.fptosi %add3A_3437 : vector<1x128xf32> to vector<1x128xi32>
    %swap3A_3439 = arith.constant 0 : index
    %swap3A_3440 = arith.constant 0 : index
    %swap3A_3441 = arith.constant 7936 : index
    %swap3A_3442 = vector.load %arg3[%swap3A_3439, %swap3A_3440, %swap3A_3441] : memref<1x1x8192xi32, #tpu.memory_space<vmem>>, vector<1x1x128xi32>
    %swap3A_3443 = vector.shape_cast %swap3A_3442 : vector<1x1x128xi32> to vector<1x128xi32>
    %swap3A_3444 = vector.shape_cast %convert_element_type3A_3438 : vector<1x128xi32> to vector<1x1x128xi32>
    tpu.vector_store %arg3[%swap3A_3439, %swap3A_3440, %swap3A_3441], %swap3A_3444 {strides = array<i32>} : memref<1x1x8192xi32, #tpu.memory_space<vmem>>, vector<1x1x128xi32>,
    %slice3A_3445 = vector.extract_strided_slice %concatenate3A_60 {offsets = [0, 8064], sizes = [1, 128], strides = [1, 1]} : vector<1x8192xf32> to vector<1x128xf32>
    %slice3A_3446 = vector.extract_strided_slice %reshape3A {offsets = [8064, 0], sizes = [128, 1], strides = [1, 1]} : vector<8192x1xf32> to vector<128x1xf32>
    %gt3A_3447 = vector.broadcast %slice3A_3446 : vector<128x1xf32> to vector<128x128xf32>
    %gt3A_3448 = vector.broadcast %slice3A_3445 : vector<1x128xf32> to vector<128x128xf32>
    %gt3A_3449 = arith.cmpf ogt, %gt3A_3447, %gt3A_3448 : vector<128x128xf32>
    %eq3A_3450 = vector.broadcast %slice3A_3446 : vector<128x1xf32> to vector<128x128xf32>
    %eq3A_3451 = vector.broadcast %slice3A_3445 : vector<1x128xf32> to vector<128x128xf32>
    %eq3A_3452 = arith.cmpf oeq, %eq3A_3450, %eq3A_3451 : vector<128x128xf32>
    %and3A_3453 = arith.andi %eq3A_3452, %lt3A : vector<128x128xi1>
    %or3A_3454 = arith.ori %gt3A_3449, %and3A_3453 : vector<128x128xi1>
    %jit3A_3455 = arith.constant 1.000000e+00 : f32
    %jit3A_3456 = arith.constant 0.000000e+00 : f32
    %broadcast_in_dim3A_3457 = vector.broadcast %jit3A_3455 : f32 to vector<128x128xf32>
    %broadcast_in_dim3A_3458 = vector.broadcast %jit3A_3456 : f32 to vector<128x128xf32>
    %select_n3A_3459 = arith.select %or3A_3454, %broadcast_in_dim3A_3457, %broadcast_in_dim3A_3458 : vector<128x128xi1>, vector<128x128xf32>
    %broadcast_in_dim3A_3460 = arith.constant 1.000000e+00 : f32
    %broadcast_in_dim3A_3461 = vector.broadcast %broadcast_in_dim3A_3460 : f32 to vector<1x128xf32>
    %dot_general3A_3462 = arith.constant dense<0.000000e+00> : vector<1x128xf32>
    %dot_general3A_3463 = tpu.matmul %broadcast_in_dim3A_3461, %select_n3A_3459, %dot_general3A_3462 {dimension_numbers = #tpu.dot_dimension_numbers<[1], [0], [0], [1], [0, 0, 1, 1], [], []>, transpose_lhs_hint = false} : vector<1x128xf32>, vector<128x128xf32>, vector<1x128xf32> -> vector<1x128xf32>
    %slice3A_3464 = vector.extract_strided_slice %reshape3A {offsets = [0, 0], sizes = [8064, 1], strides = [1, 1]} : vector<8192x1xf32> to vector<8064x1xf32>
    %ge3A_3465 = vector.broadcast %slice3A_3464 : vector<8064x1xf32> to vector<8064x128xf32>
    %ge3A_3466 = vector.broadcast %slice3A_3445 : vector<1x128xf32> to vector<8064x128xf32>
    %ge3A_3467 = arith.cmpf oge, %ge3A_3465, %ge3A_3466 : vector<8064x128xf32>
    %jit3A_3468 = arith.constant 1.000000e+00 : f32
    %jit3A_3469 = arith.constant 0.000000e+00 : f32
    %broadcast_in_dim3A_3470 = vector.broadcast %jit3A_3468 : f32 to vector<8064x128xf32>
    %broadcast_in_dim3A_3471 = vector.broadcast %jit3A_3469 : f32 to vector<8064x128xf32>
    %select_n3A_3472 = arith.select %ge3A_3467, %broadcast_in_dim3A_3470, %broadcast_in_dim3A_3471 : vector<8064x128xi1>, vector<8064x128xf32>
    %broadcast_in_dim3A_3473 = arith.constant 1.000000e+00 : f32
    %broadcast_in_dim3A_3474 = vector.broadcast %broadcast_in_dim3A_3473 : f32 to vector<1x8064xf32>
    %dot_general3A_3475 = arith.constant dense<0.000000e+00> : vector<1x128xf32>
    %dot_general3A_3476 = tpu.matmul %broadcast_in_dim3A_3474, %select_n3A_3472, %dot_general3A_3475 {dimension_numbers = #tpu.dot_dimension_numbers<[1], [0], [0], [1], [0, 0, 1, 1], [], []>, transpose_lhs_hint = false} : vector<1x8064xf32>, vector<8064x128xf32>, vector<1x128xf32> -> vector<1x128xf32>
    %add3A_3477 = arith.addf %dot_general3A_3463, %dot_general3A_3476 : vector<1x128xf32>
    %convert_element_type3A_3478 = arith.fptosi %add3A_3477 : vector<1x128xf32> to vector<1x128xi32>
    %swap3A_3479 = arith.constant 0 : index
    %swap3A_3480 = arith.constant 0 : index
    %swap3A_3481 = arith.constant 8064 : index
    %swap3A_3482 = vector.load %arg3[%swap3A_3479, %swap3A_3480, %swap3A_3481] : memref<1x1x8192xi32, #tpu.memory_space<vmem>>, vector<1x1x128xi32>
    %swap3A_3483 = vector.shape_cast %swap3A_3482 : vector<1x1x128xi32> to vector<1x128xi32>
    %swap3A_3484 = vector.shape_cast %convert_element_type3A_3478 : vector<1x128xi32> to vector<1x1x128xi32>
    tpu.vector_store %arg3[%swap3A_3479, %swap3A_3480, %swap3A_3481], %swap3A_3484 {strides = array<i32>} : memref<1x1x8192xi32, #tpu.memory_space<vmem>>, vector<1x1x128xi32>,
    return
  }
  func.func @transform_0(%arg0: i32) -> (i32, i32, i32) {
    %c0_i32 = arith.constant 0 : i32
    %c0_i32_0 = arith.constant 0 : i32
    %c0_i32_1 = arith.constant 0 : i32
    return %arg0, %c0_i32, %c0_i32_0 : i32, i32, i32
  }
  func.func @transform_1(%arg0: i32) -> (i32, i32, i32) {
    %c0_i32 = arith.constant 0 : i32
    %c0_i32_0 = arith.constant 0 : i32
    %c0_i32_1 = arith.constant 0 : i32
    return %arg0, %c0_i32, %c0_i32_0 : i32, i32, i32
  }
  func.func @transform_2(%arg0: i32) -> (i32, i32, i32) {
    %c0_i32 = arith.constant 0 : i32
    %c0_i32_0 = arith.constant 0 : i32
    %c0_i32_1 = arith.constant 0 : i32
    return %arg0, %c0_i32, %c0_i32_0 : i32, i32, i32
  }
}

</mosaic_0001>

<sc_bundles>
// kernel: kernel.4.cloned.1.call-start
scs
__scs_entry_jumppad:
0x0: {  	(pc) =	sbr.rel $0x88, $3  }
0x1: {  	(tag) =	ssettag $0x0;
	lr =	simm.s32 $0x1  }
0x2: {  	[smem:$0x3F9E] =	sst lr;
	_ =	strace $0xD0000000  }
0x3: {  	_ = 	snop  }
0x4: {  	_ = 	snop  }
0x5: {  	_ = 	snop  }
0x6: {  	_ = 	snop  }
0x7: {  	_ = 	snop  }
__scs_overlays_trampoline_lowered:
0x8: {  	[smem:$0x3FAD] =	sst s0  }
0x9: {  	[smem:$0x3FAE] =	sst s1  }
0xa: {  	[smem:$0x3FAF] =	sst s2  }
0xb: {  	[smem:$0x3FB0] =	sst s3  }
0xc: {  	[smem:$0x3FB1] =	sst s4  }
0xd: {  	[smem:$0x3FB2] =	sst s5  }
0xe: {  	[smem:$0x3FB3] =	sst s6  }
0xf: {  	[smem:$0x3FB4] =	sst s7  }
0x10: {  	[smem:$0x3FB5] =	sst s8  }
0x11: {  	[smem:$0x3FB6] =	sst s9;
	s0 =	simm.s32 @!p0 $0x0  }
0x12: {  	s1 =	sld [smem:$0x3F9C];
	s0 =	simm.s32 @p0 $0x1  }
0x13: {  	[smem:$0x3FB7] =	sst s0;
	s0 =	simm.s32 @!p1 $0x0  }
0x14: {  	s2 =	sld [smem:$0x3F9B];
	s0 =	simm.s32 @p1 $0x1  }
0x15: {  	[smem:$0x3FB8] =	sst s0;
	s0 =	simm.s32 @!p2 $0x0  }
0x16: {  	s3 =	sld [smem:$0x3FDB];
	s0 =	simm.s32 @p2 $0x1  }
0x17: {  	s4 =	simm.s32 $0x1BF5;
	[smem:$0x3FBA] =	sst s0  }
0x18: {  	s0 =	sld [smem:$0x3F9D];
	_ =	swait.ge [sflag:s4], $0x0  }
0x19: {  	s7 =	sld [smem:$0x3F9E]  }
0x1a: {  	s8 =	sadd.s32 $0xFFFFE003, lr  }
0x1b: {  	s9 =	sadd.s32 $0xFFFFFEF7, lr;
	s5 =	simm.s32 $0xFFFFFFFF;
	p2 =	slt.u32 s8, $0xFFFFF086  }
0x1c: {  	p1 =	slt.u32 s9, $0xF7A;
	s5 =	simm.s32 @!p2 $0x0  }
0x1d: {  	s5 =	simm.s32 @p1 $0x1;
	p0 =	seq.s32 s7, s2  }
0x1e: {  	s7 =	smul.u32 @!p0 $0xF7A, s2;
	p2 =	seq.s32 @!p0 s5, $0x0  }
0x1f: {  	s9 =	smul.u32 $0xF7A, s1;
	s8 =	simm.s32 @!p0 $0x1BF5;
	p2 =	por !p2, p0  }
0x20: {  	[sflag:s8] =	ssyncset.s32 @!p0 $0xFFFFF086;
	s6 =	sadd.s32 @!p0 s3, s7;
	s7 =	simm.s32 @!p0 $0x108  }
0x21: {  	s3 =	sadd.s32 s3, s9;
	s6 =	sadd.s32 @!p0 $0x88, s6;
	s7 =	simm.s32 @p2 $0x1082  }
0x22: {  	[simem:s7], [sflag:s8] =	dma.local @!p0 [hbm:s6], $0xF7A  }
0x23: {  	s9 =	sor.u32 $0xD0000000, s2;
	s6 =	simm.s32 $0x108;
	_ =	swait.ge @!p0 [sflag:s8], $0x0  }
0x24: {  	s3 =	sadd.s32 $0x88, s3;
	s6 =	simm.s32 @!p1 $0x1082;
	[sflag:s4] =	ssyncset.s32 $0xFFFFF086  }
0x25: {  	[simem:s6], [sflag:s4] =	dma.local [hbm:s3], $0xF7A  }
0x26: {  	[smem:$0x3F9E] =	sst s1;
	(tag) =	ssettag s2;
	_ =	strace s9  }
0x27: {  	s1 =	sld [smem:$0x3FAE]  }
0x28: {  	s2 =	sld [smem:$0x3FAF]  }
0x29: {  	s4 =	sld [smem:$0x3FB1]  }
0x2a: {  	p0 =	seq.s32 s5, $0x0;
	s5 =	sld [smem:$0x3FB2]  }
0x2b: {  	s6 =	sld [smem:$0x3FB3]  }
0x2c: {  	s7 =	sld [smem:$0x3FB4]  }
0x2d: {  	s3 =	simm.s32 $0x108;
	s8 =	sld [smem:$0x3FB5]  }
0x2e: {  	s3 =	simm.s32 @!p0 $0x1082;
	s9 =	sld [smem:$0x3FB6]  }
0x2f: {  	lr =	sadd.s32 s0, s3;
	s0 =	sld [smem:$0x3FAD]  }
0x30: {  	s3 =	sld [smem:$0x3FB0]  }
0x31: {  	[smem:$0x3FB9] =	sst s10  }
0x32: {  	s10 =	sld [smem:$0x3FB7];
	_ =	sdelay $0x3  }
0x33: {  	p0 =	seq.s32 s10, $0x1;
	s10 =	sld [smem:$0x3FB9];
	_ =	sdelay $0x3  }
0x34: {  	[smem:$0x3FB9] =	sst s10  }
0x35: {  	s10 =	sld [smem:$0x3FB8];
	_ =	sdelay $0x3  }
0x36: {  	p1 =	seq.s32 s10, $0x1;
	s10 =	sld [smem:$0x3FB9];
	_ =	sdelay $0x3  }
0x37: {  	[smem:$0x3FB9] =	sst s10  }
0x38: {  	s10 =	sld [smem:$0x3FBA]  }
0x39: {  	_ = 	snop;
	(pc) =	sbr.ind lr, $3  }
0x3a: {  	_ = 	snop  }
0x3b: {  	_ = 	snop  }
0x3c: {  	p2 =	seq.s32 s10, $0x1;
	s10 =	sld [smem:$0x3FB9]  }
0x3d: {  	_ =	shalt  }
0x3e: {  	_ =	shalt  }
0x3f: {  	_ =	shalt  }
0x40: {  	_ =	shalt  }
0x41: {  	_ =	shalt  }
0x42: {  	_ =	shalt  }
0x43: {  	_ =	shalt  }
0x44: {  	_ =	shalt  }
0x45: {  	_ =	shalt  }
0x46: {  	_ =	shalt  }
0x47: {  	_ =	shalt  }
0x48: {  	_ =	shalt  }
0x49: {  	_ =	shalt  }
0x4a: {  	_ =	shalt  }
0x4b: {  	_ =	shalt  }
0x4c: {  	_ =	shalt  }
0x4d: {  	_ =	shalt  }
0x4e: {  	_ =	shalt  }
0x4f: {  	_ =	shalt  }
0x50: {  	_ =	shalt  }
0x51: {  	_ =	shalt  }
0x52: {  	_ =	shalt  }
0x53: {  	_ =	shalt  }
0x54: {  	_ =	shalt  }
0x55: {  	_ =	shalt  }
0x56: {  	_ =	shalt  }
0x57: {  	_ =	shalt  }
0x58: {  	_ =	shalt  }
0x59: {  	_ =	shalt  }
0x5a: {  	_ =	shalt  }
0x5b: {  	_ =	shalt  }
0x5c: {  	_ =	shalt  }
0x5d: {  	_ =	shalt  }
0x5e: {  	_ =	shalt  }
0x5f: {  	_ =	shalt  }
0x60: {  	_ =	shalt  }
0x61: {  	_ =	shalt  }
0x62: {  	_ =	shalt  }
0x63: {  	_ =	shalt  }
0x64: {  	_ =	shalt  }
0x65: {  	_ =	shalt  }
0x66: {  	_ =	shalt  }
0x67: {  	_ =	shalt  }
0x68: {  	_ =	shalt  }
0x69: {  	_ =	shalt  }
0x6a: {  	_ =	shalt  }
0x6b: {  	_ =	shalt  }
0x6c: {  	_ =	shalt  }
0x6d: {  	_ =	shalt  }
0x6e: {  	_ =	shalt  }
0x6f: {  	_ =	shalt  }
0x70: {  	_ =	shalt  }
0x71: {  	_ =	shalt  }
0x72: {  	_ =	shalt  }
0x73: {  	_ =	shalt  }
0x74: {  	_ =	shalt  }
0x75: {  	_ =	shalt  }
0x76: {  	_ =	shalt  }
0x77: {  	_ =	shalt  }
0x78: {  	_ =	shalt  }
0x79: {  	_ =	shalt  }
0x7a: {  	_ =	shalt  }
0x7b: {  	_ =	shalt  }
0x7c: {  	_ =	shalt  }
0x7d: {  	_ =	shalt  }
0x7e: {  	_ =	shalt  }
0x7f: {  	_ =	shalt  }
0x80: {  	_ =	shalt  }
0x81: {  	_ =	shalt  }
0x82: {  	_ =	shalt  }
0x83: {  	_ =	shalt  }
0x84: {  	_ =	shalt  }
0x85: {  	_ =	shalt  }
0x86: {  	_ =	shalt  }
0x87: {  	_ =	shalt  }
.Lfunc_end0:
.L_simem_size_0:
called_computation_lowered:
.L_overlay_start_0:
0x88: {  	s2 =	sld [smem:$0x3FD9]  }
0x89: {  	s3 =	sld [smem:$0x3FFE];
	_ =	sdelay $0x1  }
0x8a: {  	s1 =	srdreg.scid  }
0x8b: {  	s0 =	sand.u32 $0x1, s1  }
0x8c: {  	s14 =	sshll.u32 s0, $0xA;
	s2 =	sadd.s32 s3, s2  }
0x8d: {  	s2 =	sadd.s32 s2, s14  }
0x8e: {  	[smem:$0x3FC5] =	sst s2  }
0x8f: {  	_ = 	snop  }
0x90: {  	s2 =	sld [smem:$0x3FD0];
	_ =	sdelay $0x1  }
0x91: {  	s15 =	sld [smem:$0x3FC8]  }
0x92: {  	s5 =	simm.s32 $0xA;
	s6 =	simm.s32 $0x10;
	s4 =	sld [smem:$0x3FC7]  }
0x93: {  	[smem:s6], [sflag:s5] =	dma.local [hbm:s2], $0x1  }
0x94: {  	_ =	swait.eq [sflag:s5], $0x1  }
0x95: {  	[sflag:s5] =	ssyncset.done $0x0  }
0x96: {  	s16 =	sld [smem:$0x10];
	[sflag:s5] =	ssyncadd.s32 $0xFFFFFFFF  }
0x97: {  	s17 =	sld [smem:$0x11];
	(tm) =	ssettm $0x1  }
0x98: {  	s18 =	sld [smem:$0x3FFB];
	_ =	sdelay $0x3  }
0x99: {  	_ =	strace s18  }
0x9a: {  	s6 =	sld [smem:$0x3FFC];
	_ =	sdelay $0x3  }
0x9b: {  	_ =	strace s6  }
0x9c: {  	s6 =	sld [smem:$0x3FFD];
	_ =	sdelay $0x3  }
0x9d: {  	_ =	strace s6  }
0x9e: {  	_ =	strace $0x8FFFFFFF  }
0x9f: {  	s19 =	sld [smem:$0x3FDB];
	_ =	sdelay $0x1  }
0xa0: {  	s7 =	simm.s32 $_scs_section_size  }
0xa1: {  	s8 =	simm.s32 $_size__tile_overlayer_lowered;
	s9 =	simm.s32 $_tile_overlayer_lowered  }
0xa2: {  	s22 =	simm.s32 $0x1BFF;
	s21 =	sshll.u32 s9, $0x1;
	s6 =	sadd.s32 s7, s19  }
0xa3: {  	s10 =	simm.s32 $0x0;
	s20 =	sshll.u32 s8, $0x1;
	s8 =	sadd.s32 s21, s6  }
0xa4: {  	[timem:s10], [sflag:s22] =	dma.local [hbm:s8], s20  }
0xa5: {  	_ =	swait.ge [sflag:s22], s20  }
0xa6: {  	s7 =	ssub.s32 $0x0, s20;
	[sflag:s22] =	ssyncset.done $0x0  }
0xa7: {  	[sflag:s22] =	ssyncadd.s32 s7;
	_ =	sdelay $0x1  }
0xa8: {  	s23 =	simm.s32 $0x1B8B  }
0xa9: {  	_ =	swait.ge [sflag:s23], $0x1  }
0xaa: {  	[sflag:s23] =	ssyncset.done $0x0  }
0xab: {  	s25 =	simm.s32 $0x1B8E;
	s24 =	sld [smem:$0x3FFE];
	[sflag:s23] =	ssyncadd.s32 $0xFFFFFFFF  }
0xac: {  	s26 =	simm.s32 $execute0_lowered;
	[smem:$0x3FD2] =	sst s25  }
0xad: {  	s8 =	sshll.u32 s26, $0x1;
	_ =	strace $0x80000046;
	[dreg:$0x1] =	wrdreg $0xFFFFFFFF  }
0xae: {  	s28 =	simm.s32 $_size_execute0_lowered;
	s6 =	sadd.s32 s6, s8;
	[dreg:$0x0] =	wrdreg $0x0  }
0xaf: {  	s8 =	sshll.u32 s28, $0x1;
	[dreg:$0x2] =	wrdreg s6  }
0xb0: {  	[dreg:$0x3] =	wrdreg s8  }
0xb1: {  	[dreg:$0x4] =	wrdreg $0xC0  }
0xb2: {  	_ =	task [dreg:s10], $0x5FFFF  }
0xb3: {  	[dreg:$0x1] =	wrdreg $0xFFFFFFFF  }
0xb4: {  	[dreg:$0x0] =	wrdreg $0x60  }
0xb5: {  	[dreg:$0x2] =	wrdreg s15  }
0xb6: {  	[dreg:$0x3] =	wrdreg s4  }
0xb7: {  	[dreg:$0x4] =	wrdreg s24  }
0xb8: {  	[dreg:$0x5] =	wrdreg s16  }
0xb9: {  	[dreg:$0x6] =	wrdreg s17  }
0xba: {  	[dreg:$0x7] =	wrdreg $0x9  }
0xbb: {  	_ =	task.clear_ibuf [dreg:s10], $0x8FFFF;
	_ =	strace $0x90000046  }
0xbc: {  	s29 =	simm.s32 $0x9;
	_ =	strace $0x80000048  }
0xbd: {  	_ =	swait.ge [sflag:s29], $0x1  }
0xbe: {  	[sflag:s29] =	ssyncadd.s32 $0xFFFFFFFF  }
0xbf: {  	_ =	strace $0x90000048  }
0xc0: {  	_ =	sfence  }
0xc1: {  	s30 =	sld [smem:$0x0];
	_ =	sdelay $0x2  }
0xc2: {  	s31 =	sshll.u32 s1, $0xD;
	s1 =	sshrl.u32 s1, $0x2  }
0xc3: {  	s3 =	sand.u32 $0x4000, s31;
	s1 =	sadd.s32 s1, s30  }
0xc4: {  	s0 =	sor.u32 s3, s0;
	s1 =	sshll.u32 s1, $0x11  }
0xc5: {  	s0 =	sor.u32 s1, s0  }
0xc6: {  	s0 =	sadd.s32 $0x8F2B, s0  }
0xc7: {  	[sflag:s0] =	ssyncadd.remote.s32 $0x1  }
0xc8: {  	_ =	sfence.sel $0xFFFF  }
0xc9: {  	[dreg:$0x0] =	wrdreg $0xFFFFFFFF;
	(pc) =	sbr.abs _section_cstart, $3  }
0xca: {  	[dreg:$0x1] =	wrdreg $0xFFFFFFFF  }
0xcb: {  	_ =	task.clear_ibuf [dreg:s10], $0x2FFFF;
	_ =	strace $0x9FFFFFFF  }
0xcc: {  	(tm) =	ssettm $0x7FFFFFFF  }
0xcd: {  	_ =	shalt  }
tec
execute0_lowered:
.L_overlay_start_1:
0x0: {  	(tag) =	ssettag $0x1  }
0x1: {  	s1 =	rddreg [dreg:$0x0]  }
0x2: {  	s2 =	rddreg [dreg:$0x1]  }
0x3: {  	s5 =	rddreg [dreg:$0x2]  }
0x4: {  	s3 =	srdreg.scid;
	s8 =	rddreg [dreg:$0x3]  }
0x5: {  	s0 =	stileid.u32;
	s9 =	rddreg [dreg:$0x4]  }
0x6: {  	s4 =	simm.s32 $0x0;
	s14 =	simm.s32 $0x3000;
	s15 =	simm.s32 $0x7000  }
0x7: {  	s16 =	simm.s32 $0xB000;
	s17 =	simm.s32 $0xF000;
	s18 =	simm.s32 $0x1  }
0x8: {  	s19 =	simm.s32 $0x2;
	s20 =	simm.s32 $0x3;
	s22 =	simm.s32 $0x5  }
0x9: {  	s23 =	simm.s32 $0x6;
	s7 =	sand.u32 $0x1, s3;
	s28 =	sshll.u32 s0, $0x1  }
0xa: {  	[smem:$0x7FF] =	sst s4;
	s30 =	sshll.u32 s0, $0xE;
	s31 =	sshll.u32 s0, $0x11  }
0xb: {  	s3 =	sor.u32 s7, s28;
	s11 =	ssub.s32 $0x2, s7;
	s12 =	sshll.u32 s7, $0xD  }
0xc: {  	s8 =	sadd.s32 s31, s8;
	s13 =	sshll.u32 s7, $0x10;
	s9 =	sadd.s32 s31, s9  }
0xd: {  	s6 =	sshll.u32 s3, $0xD;
	s3 =	sshll.u32 s3, $0x7;
	s29 =	sshrl.u32 s11, $0x1  }
0xe: {  	s7 =	sor.u32 s12, s30;
	s8 =	sadd.s32 s13, s8;
	s9 =	sadd.s32 s13, s9  }
0xf: {  	s12 =	simm.s32 $0x9;
	s13 =	simm.s32 $0x2000;
	s10 =	sor.u32 s3, s6  }
0x10: {  	s3 =	rddreg [dreg:$0x5];
	_ =	strace $0x80000047;
	s21 =	sor.u32 $0x1FC0, s6  }
0x11: {  	v0 =	vlaneseq.u32;
	s24 =	sor.u32 $0x1FD0, s6;
	s25 =	sor.u32 $0x1FE0, s6;
	s26 =	sor.u32 $0x1FF0, s6  }
0x12: {  	s10 =	sand.u32 $0x30380, s10;
	v1 =	vor.u32 s21, v0;
	s21 =	simm.s32 $0x4;
	v2 =	vor.u32 s24, v0;
	s24 =	simm.s32 $0x7  }
0x13: {  	v3 =	vor.u32 s25, v0;
	v4 =	vor.u32 s26, v0;
	s25 =	simm.s32 $0x8;
	s26 =	simm.s32 $0x0;
	s10 =	sshrl.u32 s10, $0x3  }
0x14: {  	s5 =	sadd.s32 s10, s5;
	s10 =	ssub.s32 s11, s29;
	s11 =	simm.s32 $0x400  }
0x15: {  	s5 =	sadd.s32 $0x800, s5;
	s6 =	smax.u32 s10, $0x1;
	s10 =	simm.s32 $0x80  }
.LBB2_1:
0x16: {  	[tilespmem:s4], [sflag:$0x9] =	stream.strided.gather [hbm4b:s5+s10], $0x2000, s11, s10, $0x38;
	[tilespmem:$0x13000] =	vst v63  }
0x17: {  	_ =	swait.ge [sflag:s12], $0x2000  }
0x18: {  	[sflag:s12] =	ssyncset.done $0x0  }
0x19: {  	s28 =	simm.s32 $0x0;
	[sflag:s12] =	ssyncadd.s32 $0xFFFFE000  }
0x1a: {  	v5 =	vld [tilespmem:s28+$0x0];
	_ =	sdelay $0x4  }
0x1b: {  	vm0 =	vlt.s32 v5, $0xFC0;
	_ =	sdelay $0x4  }
0x1c: {  	v6 =	vor.u32 s7, v0  }
0x1d: {  	s30 =	simm.s32 $0x10;
	s29 =	simm.s32 $0x80;
	s28 =	smov.u32 s7;
	[tilespmem:v5+s13+$0x0] =	vst.idx.msk vm0, v6  }
.LBB2_2:
0x1e: {  	p0 =	sne.s32 s29, $0x7EC0;
	v5 =	vld [tilespmem:s30+$0x0];
	_ =	sdelay $0x4  }
0x1f: {  	vm0 =	vlt.s32 v5, $0xFC0;
	_ =	sdelay $0x1  }
.Ltmp0:
0x20: {  	(pc) =	sbr.rel @p0 .LBB2_2-.Ltmp0, $4  }
0x21: {  	_ = 	snop  }
0x22: {  	s28 =	sadd.s32 $0x10, s28  }
0x23: {  	v6 =	vor.u32 s28, v0  }
0x24: {  	s30 =	sshra.s32 s29, $0x2;
	s29 =	sadd.s32 $0x40, s29;
	[tilespmem:v5+s13+$0x0] =	vst.idx.msk vm0, v6  }
0x25: {  	v5 =	vld [tilespmem:s30+$0x0];
	_ =	sdelay $0x4  }
0x26: {  	vm0 =	vlt.s32 v5, $0xFC0;
	_ =	sdelay $0x3  }
0x27: {  	s28 =	sadd.s32 $0x10, s28  }
0x28: {  	v6 =	vor.u32 s28, v0  }
0x29: {  	[tilespmem:v5+s13+$0x0] =	vst.idx.msk vm0, v6  }
0x2a: {  	[tilespmem:$0x2FC0] =	vst v1  }
0x2b: {  	[tilespmem:$0x2FD0] =	vst v2  }
0x2c: {  	[tilespmem:$0x2FE0] =	vst v3  }
0x2d: {  	s28 =	simm.s32 $0x2000;
	[tilespmem:$0x2FF0] =	vst v4  }
0x2e: {  	[tilespmem:s14], [sflag:$0x1] =	stream.indirect.gather [hbm4b:s1+s10], $0x80, s28, s10, $0xb8;
	[tilespmem:$0x13000] =	vst v63  }
0x2f: {  	_ = 	snop  }
0x30: {  	[tilespmem:s15], [sflag:$0x2] =	stream.indirect.gather [hbm4b:s2+s10], $0x80, s28, s10, $0xb8;
	[tilespmem:$0x13000] =	vst v63  }
0x31: {  	s29 =	simm.s32 $0x2080  }
0x32: {  	[tilespmem:s16], [sflag:$0x3] =	stream.indirect.gather [hbm4b:s1+s10], $0x80, s29, s10, $0xb8;
	[tilespmem:$0x13000] =	vst v63  }
0x33: {  	_ = 	snop  }
0x34: {  	[tilespmem:s17], [sflag:$0x4] =	stream.indirect.gather [hbm4b:s2+s10], $0x80, s29, s10, $0xb8;
	[tilespmem:$0x13000] =	vst v63  }
0x35: {  	_ =	swait.ge [sflag:s18], $0x4000  }
0x36: {  	[sflag:s18] =	ssyncset.done $0x0  }
0x37: {  	s29 =	sadd.s32 $0x0, s8;
	[sflag:s18] =	ssyncadd.s32 $0xFFFFC000  }
0x38: {  	[hbm4b:s29+s4] =	stream.linear.scatter [tilespmem:s14], [sflag:$0x5], $0x4000, $0x38;
	[tilespmem:$0x13000] =	vst v63  }
0x39: {  	_ =	swait.ge [sflag:s19], $0x4000  }
0x3a: {  	[sflag:s19] =	ssyncset.done $0x0  }
0x3b: {  	s31 =	sadd.s32 $0x0, s9;
	[sflag:s19] =	ssyncadd.s32 $0xFFFFC000  }
0x3c: {  	[hbm4b:s31+s4] =	stream.linear.scatter [tilespmem:s15], [sflag:$0x6], $0x4000, $0x38;
	[tilespmem:$0x13000] =	vst v63  }
0x3d: {  	_ =	swait.ge [sflag:s20], $0x4000  }
0x3e: {  	[sflag:s20] =	ssyncset.done $0x0  }
0x3f: {  	s29 =	sadd.s32 $0x800, s29;
	[sflag:s20] =	ssyncadd.s32 $0xFFFFC000  }
0x40: {  	[hbm4b:s29+s4] =	stream.linear.scatter [tilespmem:s16], [sflag:$0x7], $0x4000, $0x38;
	[tilespmem:$0x13000] =	vst v63  }
0x41: {  	_ =	swait.ge [sflag:s21], $0x4000  }
0x42: {  	[sflag:s21] =	ssyncset.done $0x0  }
0x43: {  	s29 =	sadd.s32 $0x800, s31;
	[sflag:s21] =	ssyncadd.s32 $0xFFFFC000  }
0x44: {  	[hbm4b:s29+s4] =	stream.linear.scatter [tilespmem:s17], [sflag:$0x8], $0x4000, $0x38;
	[tilespmem:$0x13000] =	vst v63  }
0x45: {  	_ =	swait.ge [sflag:s22], $0x4000  }
0x46: {  	[sflag:s22] =	ssyncset.done $0x0  }
0x47: {  	[sflag:s22] =	ssyncadd.s32 $0xFFFFC000  }
0x48: {  	_ =	swait.ge [sflag:s23], $0x4000  }
0x49: {  	[sflag:s23] =	ssyncset.done $0x0  }
0x4a: {  	[sflag:s23] =	ssyncadd.s32 $0xFFFFC000  }
0x4b: {  	_ =	swait.ge [sflag:s24], $0x4000  }
0x4c: {  	[sflag:s24] =	ssyncset.done $0x0  }
0x4d: {  	[sflag:s24] =	ssyncadd.s32 $0xFFFFC000  }
0x4e: {  	_ =	swait.ge [sflag:s25], $0x4000  }
0x4f: {  	s29 =	simm.s32 $0x1000;
	[sflag:s25] =	ssyncset.done $0x0  }
.LBB2_4:
0x50: {  	p0 =	sne.s32 s29, $0xF000;
	[sflag:s25] =	ssyncadd.s32 $0xFFFFC000;
	s28 =	sadd.s32 $0x100, s28  }
0x51: {  	[tilespmem:s14], [sflag:$0x1] =	stream.indirect.gather [hbm4b:s1+s10], $0x80, s28, s10, $0xb8;
	[tilespmem:$0x13000] =	vst v63  }
0x52: {  	s30 =	smov.u32 s29;
	s29 =	sadd.s32 $0x1000, s29  }
0x53: {  	[tilespmem:s15], [sflag:$0x2] =	stream.indirect.gather [hbm4b:s2+s10], $0x80, s28, s10, $0xb8;
	[tilespmem:$0x13000] =	vst v63  }
0x54: {  	s31 =	sadd.s32 $0x80, s28  }
0x55: {  	[tilespmem:s16], [sflag:$0x3] =	stream.indirect.gather [hbm4b:s1+s10], $0x80, s31, s10, $0xb8;
	[tilespmem:$0x13000] =	vst v63  }
0x56: {  	_ = 	snop  }
0x57: {  	[tilespmem:s17], [sflag:$0x4] =	stream.indirect.gather [hbm4b:s2+s10], $0x80, s31, s10, $0xb8;
	[tilespmem:$0x13000] =	vst v63  }
0x58: {  	_ =	swait.ge [sflag:s18], $0x4000  }
0x59: {  	[sflag:s18] =	ssyncset.done $0x0  }
0x5a: {  	s31 =	sadd.s32 s30, s8;
	[sflag:s18] =	ssyncadd.s32 $0xFFFFC000  }
0x5b: {  	[hbm4b:s31+s4] =	stream.linear.scatter [tilespmem:s14], [sflag:$0x5], $0x4000, $0x38;
	[tilespmem:$0x13000] =	vst v63  }
0x5c: {  	_ =	swait.ge [sflag:s19], $0x4000  }
0x5d: {  	[sflag:s19] =	ssyncset.done $0x0  }
0x5e: {  	s30 =	sadd.s32 s30, s9;
	[sflag:s19] =	ssyncadd.s32 $0xFFFFC000  }
0x5f: {  	[hbm4b:s30+s4] =	stream.linear.scatter [tilespmem:s15], [sflag:$0x6], $0x4000, $0x38;
	[tilespmem:$0x13000] =	vst v63  }
0x60: {  	_ =	swait.ge [sflag:s20], $0x4000  }
0x61: {  	[sflag:s20] =	ssyncset.done $0x0  }
0x62: {  	s31 =	sadd.s32 $0x800, s31;
	[sflag:s20] =	ssyncadd.s32 $0xFFFFC000  }
0x63: {  	[hbm4b:s31+s4] =	stream.linear.scatter [tilespmem:s16], [sflag:$0x7], $0x4000, $0x38;
	[tilespmem:$0x13000] =	vst v63  }
0x64: {  	_ =	swait.ge [sflag:s21], $0x4000  }
0x65: {  	[sflag:s21] =	ssyncset.done $0x0  }
0x66: {  	s30 =	sadd.s32 $0x800, s30;
	[sflag:s21] =	ssyncadd.s32 $0xFFFFC000  }
0x67: {  	[hbm4b:s30+s4] =	stream.linear.scatter [tilespmem:s17], [sflag:$0x8], $0x4000, $0x38;
	[tilespmem:$0x13000] =	vst v63  }
0x68: {  	_ =	swait.ge [sflag:s22], $0x4000  }
0x69: {  	[sflag:s22] =	ssyncset.done $0x0  }
0x6a: {  	[sflag:s22] =	ssyncadd.s32 $0xFFFFC000  }
0x6b: {  	_ =	swait.ge [sflag:s23], $0x4000  }
0x6c: {  	[sflag:s23] =	ssyncset.done $0x0  }
0x6d: {  	[sflag:s23] =	ssyncadd.s32 $0xFFFFC000  }
.Ltmp1:
0x6e: {  	_ =	swait.ge [sflag:s24], $0x4000;
	(pc) =	sbr.rel @p0 .LBB2_4-.Ltmp1, $4  }
0x6f: {  	[sflag:s24] =	ssyncset.done $0x0  }
0x70: {  	[sflag:s24] =	ssyncadd.s32 $0xFFFFC000  }
0x71: {  	_ =	swait.ge [sflag:s25], $0x4000  }
0x72: {  	[sflag:s25] =	ssyncset.done $0x0  }
0x73: {  	s26 =	sadd.s32 $0x1, s26  }
0x74: {  	p0 =	sne.s32 s26, s6  }
.Ltmp2:
0x75: {  	_ = 	snop;
	(pc) =	sbr.rel @p0 .LBB2_1-.Ltmp2, $2  }
0x76: {  	_ =	sdelay $0x2  }
0x77: {  	[sflag:s25] =	ssyncadd.s32 $0xFFFFC000  }
0x78: {  	_ =	sfence.sel $0x180000  }
0x79: {  	[bflag:$0x0] =	sbarrier.arrive $0xFFFF  }
0x7a: {  	p0 =	sne.s32 s0, $0x0;
	_ =	strace $0x90000047  }
0x7b: {  	s0 =	sadd.s32 @!p0 $0x100000, s3;
	[bflag:$0x2] =	sbarrier.arrive $0xFFFF  }
0x7c: {  	[sflag:s0] =	ssyncadd.tile.s32 @!p0 $0x1;
	_ =	shalt  }
.Lfunc_end2:
_tile_overlayer_lowered:
.L_overlay_start_2:
0x7d: {  	(tag) =	ssettag $0x2  }
0x7e: {  	s0 =	rddreg [dreg:$0x0];
	s2 =	stileid.u32  }
0x7f: {  	s1 =	rddreg [dreg:$0x1];
	p0 =	sne.s32 s2, $0x0  }
0x80: {  	s3 =	rddreg [dreg:$0x2];
	[bflag:$0x3] =	sbarrier.arrive $0xFFFF;
	s2 =	simm.s32 @!p0 $0x1C09  }
0x81: {  	[timem:s3], [sflag:s2] =	dma.local @!p0 [hbm:s0], s1  }
0x82: {  	s0 =	simm.s32 @!p0 $0x9  }
0x83: {  	_ =	swait.ge @!p0 [sflag:s0], s1  }
0x84: {  	s1 =	ssub.s32 @!p0 $0x0, s1;
	[sflag:s0] =	ssyncset.done @!p0 $0x0  }
0x85: {  	[sflag:s0] =	ssyncadd.s32 @!p0 s1  }
0x86: {  	[bflag:$0x3] =	sbarrier.arrive $0xFFFF  }
0x87: {  	_ =	shalt  }

</sc_bundles>
